<compile_context>
chip_gen: v7x
topology: tpu7x:2x2x1
jax: 0.10.2.dev20260603
libtpu: 0.0.44.dev20260713+nightly
codegen_flags: <defaults>
</compile_context>

<pallas_src>
import functools

import jax
import jax.numpy as jnp
from jax import lax
from jax.experimental import pallas as pl
from jax.experimental.pallas import tpu as pltpu
from jax.experimental.pallas import tpu_sc as plsc

_MARGIN_M = 1.0
_MARGIN_T = 1.0

_W = 2048
_SC_M = 24
_CW = 4096

_SC_NC = 2
_SC_NS = 16
_SC_NW = _SC_NC * _SC_NS
_NEG = -3.4e38


def _sc_extract_lab(labels_v, g, rr):
    lslice = labels_v[pl.ds((g // 2) * 16, 16)]
    lane = (g % 2) * 8 + rr
    return jnp.max(jnp.where(lax.iota(jnp.int32, 16) == lane,
                             lslice.astype(jnp.float32), -1.0)
                   ).astype(jnp.int32)


def _sc_process_chunk(buf, labels_v, t, mc, accs, fys):
    g = t // mc
    ch = t % mc
    first = ch == 0
    col0 = ch * _CW

    accs = [jnp.where(first, jnp.full((16,), _NEG, jnp.float32), a)
            for a in accs]
    fys = [jnp.where(first, _NEG, f) for f in fys]

    lanes16 = lax.iota(jnp.int32, 16)
    for rr in range(8):
        lab = _sc_extract_lab(labels_v, g, rr)
        in_c = jnp.logical_and(lab >= col0, lab < col0 + _CW)
        off = jnp.where(in_c, lab - col0, 0)
        sbase = (off // 16) * 16
        lane = off - sbase
        sl = buf[rr, pl.ds(sbase, 16)]
        mask = jnp.logical_and(lanes16 == lane, in_c)
        fy_c = jnp.max(jnp.where(mask, sl, _NEG))
        fys[rr] = jnp.maximum(fys[rr], jnp.where(in_c, fy_c, _NEG))
        buf[rr, pl.ds(sbase, 16)] = jnp.where(mask, -1e10, sl)

    def step(i, carry):
        out = list(carry)
        base = i * 128
        for rr in range(8):
            for j in range(8):
                v = buf[rr, pl.ds(base + j * 16, 16)]
                out[rr] = jnp.maximum(out[rr], v)
        return tuple(out)

    accs = lax.fori_loop(0, _CW // 128, step, tuple(accs))
    return list(accs), fys


def _sc_finalize_group(t, mc, n_chunks, accs, fys, resf_v, resy_v):
    g = t // mc
    last = (t % mc) == mc - 1

    @pl.when(last)
    def _fin():
        lanes16 = lax.iota(jnp.int32, 16)
        vecf = jnp.full((16,), _NEG, jnp.float32)
        vecy = jnp.full((16,), _NEG, jnp.float32)
        for rr in range(8):
            vecf = jnp.where(lanes16 == rr, jnp.max(accs[rr]), vecf)
            vecy = jnp.where(lanes16 == rr, fys[rr], vecy)
        idx = lanes16 + g * 8
        m8 = lanes16 < 8
        plsc.store_scatter(resf_v, [idx], vecf, mask=m8)
        plsc.store_scatter(resy_v, [idx], vecy, mask=m8)


def _sc_worker(rpw, ncls, m, label_hbm, pred_hbm, outf_hbm, outy_hbm,
               labels_v, buf0, buf1, resf_v, resy_v, sem0, sem1):
    cid = lax.axis_index("c")
    sid = lax.axis_index("s")
    wid = sid * _SC_NC + cid
    base_row = wid * rpw
    mc = (m * _W) // _CW
    n_chunks = (rpw // 8) * mc

    def start(t, buf, sem):
        g = t // mc
        ch = t % mc
        pltpu.make_async_copy(
            pred_hbm.at[pl.ds(base_row + g * 8, 8), pl.ds(ch * _CW, _CW)],
            buf, sem).start()

    def wait(t, buf, sem):
        g = t // mc
        ch = t % mc
        pltpu.make_async_copy(
            pred_hbm.at[pl.ds(base_row + g * 8, 8), pl.ds(ch * _CW, _CW)],
            buf, sem).wait()

    pltpu.sync_copy(label_hbm.at[pl.ds(base_row, rpw)], labels_v)
    start(0, buf0, sem0)

    def pair_body(u, carry):
        accs, fys = list(carry[0]), list(carry[1])
        t0 = 2 * u
        start(t0 + 1, buf1, sem1)
        wait(t0, buf0, sem0)
        accs, fys = _sc_process_chunk(buf0, labels_v, t0, mc, accs, fys)

        @pl.when(t0 + 2 < n_chunks)
        def _next():
            start(t0 + 2, buf0, sem0)

        _sc_finalize_group(t0, mc, n_chunks, accs, fys, resf_v, resy_v)

        t1 = t0 + 1
        wait(t1, buf1, sem1)
        accs, fys = _sc_process_chunk(buf1, labels_v, t1, mc, accs, fys)
        _sc_finalize_group(t1, mc, n_chunks, accs, fys, resf_v, resy_v)
        return tuple(accs), tuple(fys)

    init = (tuple(jnp.full((16,), _NEG, jnp.float32) for _ in range(8)),
            tuple(jnp.float32(_NEG) for _ in range(8)))
    lax.fori_loop(0, n_chunks // 2, pair_body, init)

    pltpu.sync_copy(resf_v, outf_hbm.at[pl.ds(base_row, rpw)])
    pltpu.sync_copy(resy_v, outy_hbm.at[pl.ds(base_row, rpw)])


def _sc_loss(prediction, label, m):
    nrows, ncls = prediction.shape
    rpw = nrows // _SC_NW

    mesh = plsc.VectorSubcoreMesh(core_axis_name="c", subcore_axis_name="s")
    call = functools.partial(
        pl.kernel,
        out_type=(jax.ShapeDtypeStruct((nrows,), jnp.float32),
                  jax.ShapeDtypeStruct((nrows,), jnp.float32)),
        mesh=mesh,
        scratch_types=[
            pltpu.VMEM((rpw,), jnp.int32),
            pltpu.VMEM((8, _CW), jnp.float32),
            pltpu.VMEM((8, _CW), jnp.float32),
            pltpu.VMEM((rpw,), jnp.float32),
            pltpu.VMEM((rpw,), jnp.float32),
            pltpu.SemaphoreType.DMA,
            pltpu.SemaphoreType.DMA,
        ],
        compiler_params=pltpu.CompilerParams(needs_layout_passes=False),
    )(functools.partial(_sc_worker, rpw, ncls, m))

    return call(label, prediction)


def _lane_tree_max(v, width):
    while width > 128:
        width //= 2
        v = jnp.maximum(v[:, :width], v[:, width:2 * width])
    return v


def _tc_body(br, ncls, m, jn, label_ref, pred_ref, outf_ref, outy_ref,
             accm_ref, accy_ref):
    j = pl.program_id(0)

    @pl.when(j == 0)
    def _init():
        accm_ref[...] = jnp.full((br, 128), _NEG, jnp.float32)
        accy_ref[...] = jnp.full((br, 128), _NEG, jnp.float32)

    x = pred_ref[...]
    lab = label_ref[...]
    base = jax.lax.broadcasted_iota(jnp.int32, (br, _W), 1) + (m + j) * _W
    matched = base == lab
    invalid = base >= ncls
    xm = jnp.where(matched | invalid, -1e10, x)
    fyv = jnp.where(matched, x, _NEG)
    accm_ref[...] = jnp.maximum(accm_ref[...], _lane_tree_max(xm, _W))
    accy_ref[...] = jnp.maximum(accy_ref[...], _lane_tree_max(fyv, _W))

    @pl.when(j == jn - 1)
    def _fin():
        outf_ref[...] = jnp.max(accm_ref[...], axis=1, keepdims=True)
        outy_ref[...] = jnp.max(accy_ref[...], axis=1, keepdims=True)


def _tc_loss(prediction, label, m):
    nrows, ncls = prediction.shape
    br = nrows
    jn = pl.cdiv(ncls, _W) - m
    label2 = label.reshape(nrows, 1)

    body = functools.partial(_tc_body, br, ncls, m, jn)
    return pl.pallas_call(
        body,
        grid=(jn,),
        in_specs=[
            pl.BlockSpec((br, 1), lambda j: (0, 0)),
            pl.BlockSpec((br, _W), lambda j: (0, j + m)),
        ],
        out_specs=[
            pl.BlockSpec((br, 1), lambda j: (0, 0)),
            pl.BlockSpec((br, 1), lambda j: (0, 0)),
        ],
        out_shape=[
            jax.ShapeDtypeStruct((nrows, 1), jnp.float32),
            jax.ShapeDtypeStruct((nrows, 1), jnp.float32),
        ],
        scratch_shapes=[
            pltpu.VMEM((br, 128), jnp.float32),
            pltpu.VMEM((br, 128), jnp.float32),
        ],
        compiler_params=pltpu.CompilerParams(
            dimension_semantics=("arbitrary",)),
    )(label2, prediction)


def _combine_body(nrows, ftc_ref, ytc_ref, fsc_ref, ysc_ref, out_ref):
    fnym = jnp.maximum(ftc_ref[...], fsc_ref[...])
    fy = jnp.maximum(ytc_ref[...], ysc_ref[...])
    l = (jnp.maximum(_MARGIN_M + _MARGIN_T - fy, 0.0)
         + jnp.maximum(_MARGIN_M + fnym, 0.0))
    out_ref[0, 0] = jnp.sum(l) / nrows


def kernel(prediction, label):
    nrows, _ = prediction.shape
    fsc, ysc = _sc_loss(prediction, label, _SC_M)
    ftc, ytc = _tc_loss(prediction, label, _SC_M)

    shaped = [a.reshape(8, nrows // 8) for a in (ftc, ytc, fsc, ysc)]
    out = pl.pallas_call(
        functools.partial(_combine_body, nrows),
        out_specs=pl.BlockSpec(memory_space=pltpu.SMEM),
        out_shape=jax.ShapeDtypeStruct((1, 1), jnp.float32),
    )(*shaped)
    return out[0, 0]

# --- scband reference (transcript-rebuilt; emitter-appended) ---
"""Pipeline reference for scband-lossfunction-14912126452422 (READ-ONLY COPY).

The authoritative reference and input builder live on the scoring server;
editing this copy changes nothing except your own understanding.
"""

import jax, jax.numpy as jnp
import numpy as np

M = 1.0
T = 1.0

def setup_inputs(seed: int = 0) -> dict:
    key = jax.random.key(seed)
    k1, k2 = jax.random.split(key)
    prediction = jax.random.normal(k1, (1024, 100000), dtype=jnp.float32)
    label = jax.random.randint(k2, (1024,), 0, 100000, dtype=jnp.int32)
    return {"prediction": prediction, "label": label}

def reference(prediction, label):
    # Faithful translation of Lossfunction.standard with powerestimator='none'
    label2 = label.reshape(-1, 1)
    # fy = prediction.gather(1, label)
    fy = jnp.take_along_axis(prediction, label2, axis=1)
    # fny = prediction.clone().scatter_(1, label, -10**10)
    rows = jnp.arange(prediction.shape[0])[:, None]
    fny = prediction.at[rows, label2].set(-1e10)
    fnym = jnp.max(fny, axis=1).reshape(-1, 1)
    l = jnp.maximum(M + T - fy, 0.0) + jnp.maximum(M + fnym, 0.0)
    L = jnp.mean(l)
    return L

if __name__ == "__main__":
    import jax
    _d = setup_inputs()
    print(jax.jit(kernel)(*tuple(_d.values())))

</pallas_src>

<mosaic_0001>
#map = affine_map<(d0, d1) -> (0)>
#map1 = affine_map<(d0, d1) -> (0, 0)>
module attributes {stable_mosaic.version = 14 : i64} {
  func.func @_sc_worker(%arg0: i32, %arg1: i32, %arg2: memref<1024xi32, #tpu.memory_space<hbm>>, %arg3: memref<1024x100000xf32, #tpu.memory_space<hbm>>, %arg4: memref<1024xf32, #tpu.memory_space<hbm>>, %arg5: memref<1024xf32, #tpu.memory_space<hbm>>, %arg6: memref<32xi32, #tpu.memory_space<vmem>>, %arg7: memref<8x4096xf32, #tpu.memory_space<vmem>>, %arg8: memref<8x4096xf32, #tpu.memory_space<vmem>>, %arg9: memref<32xf32, #tpu.memory_space<vmem>>, %arg10: memref<32xf32, #tpu.memory_space<vmem>>, %arg11: memref<!tpu.dma_semaphore, #tpu.memory_space<semaphore_mem>>, %arg12: memref<!tpu.dma_semaphore, #tpu.memory_space<semaphore_mem>>) attributes {dimension_semantics = [#tpu.dimension_semantics<core_parallel>, #tpu.dimension_semantics<subcore_parallel>], iteration_bounds = array<i64: 2, 16>, scalar_prefetch = 0 : i64, scratch_operands = 7 : i64, tpu.core_type = #tpu.core_type<sc_vector_subcore>, window_params = [{transform_indices = #map}, {transform_indices = #map1}, {transform_indices = #map}, {transform_indices = #map}]} {
    %mul3A = arith.constant 2 : i32
    %mul3A_0 = arith.muli %arg1, %mul3A : i32
    %add3A = arith.addi %mul3A_0, %arg0 : i32
    %mul3A_1 = arith.constant 32 : i32
    %mul3A_2 = arith.muli %add3A, %mul3A_1 : i32
    "tpu.region"() ({
      %run_scoped3A = tpu.sem_alloc : memref<!tpu.dma_semaphore, #tpu.memory_space<semaphore_mem>>
      %dma_start3A_36 = tpu.memref_slice %arg2[%mul3A_2] : memref<1024xi32, #tpu.memory_space<hbm>> -> memref<32xi32, #tpu.memory_space<hbm>>
      %dma_start3A_37 = tpu.memref_slice %arg2[%mul3A_2] : memref<1024xi32, #tpu.memory_space<hbm>> -> memref<32xi32, #tpu.memory_space<hbm>>
      tpu.enqueue_dma source(%dma_start3A_37 : memref<32xi32, #tpu.memory_space<hbm>>) target(%arg6 : memref<32xi32, #tpu.memory_space<vmem>>) target_semaphore(%run_scoped3A : memref<!tpu.dma_semaphore, #tpu.memory_space<semaphore_mem>>)
      %dma_wait3A = tpu.memref_slice %arg2[%mul3A_2] : memref<1024xi32, #tpu.memory_space<hbm>> -> memref<32xi32, #tpu.memory_space<hbm>>
      %dma_wait3A_38 = tpu.memref_slice %arg2[%mul3A_2] : memref<1024xi32, #tpu.memory_space<hbm>> -> memref<32xi32, #tpu.memory_space<hbm>>
      tpu.wait_dma2 semaphore(%run_scoped3A : memref<!tpu.dma_semaphore, #tpu.memory_space<semaphore_mem>>) src(%dma_wait3A_38 : memref<32xi32, #tpu.memory_space<hbm>>) dst(%arg6 : memref<32xi32, #tpu.memory_space<vmem>>)
      tpu.yield
    }) : () -> ()
    %add3A_3 = arith.constant 0 : i32
    %add3A_4 = arith.addi %mul3A_2, %add3A_3 : i32
    %dma_start3A = arith.constant 0 : i32
    %dma_start3A_5 = tpu.memref_slice %arg3[%add3A_4, %dma_start3A] : memref<1024x100000xf32, #tpu.memory_space<hbm>> -> memref<8x4096xf32, #tpu.memory_space<hbm>>
    %dma_start3A_6 = arith.constant 0 : i32
    %dma_start3A_7 = tpu.memref_slice %arg3[%add3A_4, %dma_start3A_6] : memref<1024x100000xf32, #tpu.memory_space<hbm>> -> memref<8x4096xf32, #tpu.memory_space<hbm>>
    tpu.enqueue_dma source(%dma_start3A_7 : memref<8x4096xf32, #tpu.memory_space<hbm>>) target(%arg7 : memref<8x4096xf32, #tpu.memory_space<vmem>>) target_semaphore(%arg11 : memref<!tpu.dma_semaphore, #tpu.memory_space<semaphore_mem>>)
    %broadcast_in_dim3A = arith.constant -3.400000e+38 : f32
    %broadcast_in_dim3A_8 = vector.broadcast %broadcast_in_dim3A : f32 to vector<16xf32>
    %broadcast_in_dim3A_9 = arith.constant -3.400000e+38 : f32
    %broadcast_in_dim3A_10 = vector.broadcast %broadcast_in_dim3A_9 : f32 to vector<16xf32>
    %broadcast_in_dim3A_11 = arith.constant -3.400000e+38 : f32
    %broadcast_in_dim3A_12 = vector.broadcast %broadcast_in_dim3A_11 : f32 to vector<16xf32>
    %broadcast_in_dim3A_13 = arith.constant -3.400000e+38 : f32
    %broadcast_in_dim3A_14 = vector.broadcast %broadcast_in_dim3A_13 : f32 to vector<16xf32>
    %broadcast_in_dim3A_15 = arith.constant -3.400000e+38 : f32
    %broadcast_in_dim3A_16 = vector.broadcast %broadcast_in_dim3A_15 : f32 to vector<16xf32>
    %broadcast_in_dim3A_17 = arith.constant -3.400000e+38 : f32
    %broadcast_in_dim3A_18 = vector.broadcast %broadcast_in_dim3A_17 : f32 to vector<16xf32>
    %broadcast_in_dim3A_19 = arith.constant -3.400000e+38 : f32
    %broadcast_in_dim3A_20 = vector.broadcast %broadcast_in_dim3A_19 : f32 to vector<16xf32>
    %broadcast_in_dim3A_21 = arith.constant -3.400000e+38 : f32
    %broadcast_in_dim3A_22 = vector.broadcast %broadcast_in_dim3A_21 : f32 to vector<16xf32>
    %scan3A = arith.constant -3.400000e+38 : f32
    %scan3A_23 = arith.constant -3.400000e+38 : f32
    %scan3A_24 = arith.constant -3.400000e+38 : f32
    %scan3A_25 = arith.constant -3.400000e+38 : f32
    %scan3A_26 = arith.constant -3.400000e+38 : f32
    %scan3A_27 = arith.constant -3.400000e+38 : f32
    %scan3A_28 = arith.constant -3.400000e+38 : f32
    %scan3A_29 = arith.constant -3.400000e+38 : f32
    %scan3A_30 = arith.constant 0 : i32
    %scan3A_31 = arith.constant 24 : i32
    %scan3A_32 = arith.addi %scan3A_30, %scan3A_31 : i32
    %scan3A_33 = arith.constant 1 : i32
    %scan3A_34:16 = scf.for %scan3A_36 = %scan3A_30 to %scan3A_32 step %scan3A_33 iter_args(%scan3A_37 = %broadcast_in_dim3A_8, %scan3A_38 = %broadcast_in_dim3A_10, %scan3A_39 = %broadcast_in_dim3A_12, %scan3A_40 = %broadcast_in_dim3A_14, %scan3A_41 = %broadcast_in_dim3A_16, %scan3A_42 = %broadcast_in_dim3A_18, %scan3A_43 = %broadcast_in_dim3A_20, %scan3A_44 = %broadcast_in_dim3A_22, %scan3A_45 = %scan3A, %scan3A_46 = %scan3A_23, %scan3A_47 = %scan3A_24, %scan3A_48 = %scan3A_25, %scan3A_49 = %scan3A_26, %scan3A_50 = %scan3A_27, %scan3A_51 = %scan3A_28, %scan3A_52 = %scan3A_29) -> (vector<16xf32>, vector<16xf32>, vector<16xf32>, vector<16xf32>, vector<16xf32>, vector<16xf32>, vector<16xf32>, vector<16xf32>, f32, f32, f32, f32, f32, f32, f32, f32)  : i32 {
      %mul3A_53 = arith.constant 2 : i32
      %mul3A_54 = arith.muli %mul3A_53, %scan3A_36 : i32
      %add3A_55 = arith.constant 1 : i32
      %add3A_56 = arith.addi %mul3A_54, %add3A_55 : i32
      %jit3A = arith.constant 12 : i32
      %div3A = arith.divsi %add3A_56, %jit3A : i32
      %sign3A = arith.constant 0 : i32
      %sign3A_57 = arith.cmpi sgt, %add3A_56, %sign3A : i32
      %sign3A_58 = arith.extui %sign3A_57 : i1 to i32
      %sign3A_59 = arith.constant 0 : i32
      %sign3A_60 = arith.cmpi slt, %add3A_56, %sign3A_59 : i32
      %sign3A_61 = arith.extui %sign3A_60 : i1 to i32
      %sign3A_62 = arith.subi %sign3A_58, %sign3A_61 : i32
      %sign3A_63 = arith.constant 0 : i32
      %sign3A_64 = arith.cmpi sgt, %jit3A, %sign3A_63 : i32
      %sign3A_65 = arith.extui %sign3A_64 : i1 to i32
      %sign3A_66 = arith.constant 0 : i32
      %sign3A_67 = arith.cmpi slt, %jit3A, %sign3A_66 : i32
      %sign3A_68 = arith.extui %sign3A_67 : i1 to i32
      %sign3A_69 = arith.subi %sign3A_65, %sign3A_68 : i32
      %ne3A = arith.cmpi ne, %sign3A_62, %sign3A_69 : i32
      %rem3A = arith.remsi %add3A_56, %jit3A : i32
      %ne3A_70 = arith.constant 0 : i32
      %ne3A_71 = arith.cmpi ne, %rem3A, %ne3A_70 : i32
      %and3A = arith.andi %ne3A, %ne3A_71 : i1
      %sub3A = arith.constant 1 : i32
      %sub3A_72 = arith.subi %div3A, %sub3A : i32
      %select_n3A = arith.select %and3A, %sub3A_72, %div3A : i32
      %jit3A_73 = arith.constant 12 : i32
      %eq3A = arith.constant 0 : i32
      %eq3A_74 = arith.cmpi eq, %jit3A_73, %eq3A : i32
      %jit3A_75 = arith.constant 1 : i32
      %select_n3A_76 = arith.select %eq3A_74, %jit3A_75, %jit3A_73 : i32
      %rem3A_77 = arith.remsi %add3A_56, %select_n3A_76 : i32
      %ne3A_78 = arith.constant 0 : i32
      %ne3A_79 = arith.cmpi ne, %rem3A_77, %ne3A_78 : i32
      %lt3A = arith.constant 0 : i32
      %lt3A_80 = arith.cmpi slt, %rem3A_77, %lt3A : i32
      %lt3A_81 = arith.constant 0 : i32
      %lt3A_82 = arith.cmpi slt, %select_n3A_76, %lt3A_81 : i32
      %ne3A_83 = arith.xori %lt3A_80, %lt3A_82 : i1
      %and3A_84 = arith.andi %ne3A_83, %ne3A_79 : i1
      %add3A_85 = arith.addi %rem3A_77, %select_n3A_76 : i32
      %select_n3A_86 = arith.select %and3A_84, %add3A_85, %rem3A_77 : i32
      %mul3A_87 = arith.constant 8 : i32
      %mul3A_88 = arith.muli %select_n3A, %mul3A_87 : i32
      %add3A_89 = arith.addi %mul3A_2, %mul3A_88 : i32
      %mul3A_90 = arith.constant 4096 : i32
      %mul3A_91 = arith.muli %select_n3A_86, %mul3A_90 : i32
      %dma_start3A_92 = tpu.memref_slice %arg3[%add3A_89, %mul3A_91] : memref<1024x100000xf32, #tpu.memory_space<hbm>> -> memref<8x4096xf32, #tpu.memory_space<hbm>>
      %dma_start3A_93 = tpu.memref_slice %arg3[%add3A_89, %mul3A_91] : memref<1024x100000xf32, #tpu.memory_space<hbm>> -> memref<8x4096xf32, #tpu.memory_space<hbm>>
      tpu.enqueue_dma source(%dma_start3A_93 : memref<8x4096xf32, #tpu.memory_space<hbm>>) target(%arg8 : memref<8x4096xf32, #tpu.memory_space<vmem>>) target_semaphore(%arg12 : memref<!tpu.dma_semaphore, #tpu.memory_space<semaphore_mem>>)
      %jit3A_94 = arith.constant 12 : i32
      %div3A_95 = arith.divsi %mul3A_54, %jit3A_94 : i32
      %sign3A_96 = arith.constant 0 : i32
      %sign3A_97 = arith.cmpi sgt, %mul3A_54, %sign3A_96 : i32
      %sign3A_98 = arith.extui %sign3A_97 : i1 to i32
      %sign3A_99 = arith.constant 0 : i32
      %sign3A_100 = arith.cmpi slt, %mul3A_54, %sign3A_99 : i32
      %sign3A_101 = arith.extui %sign3A_100 : i1 to i32
      %sign3A_102 = arith.subi %sign3A_98, %sign3A_101 : i32
      %sign3A_103 = arith.constant 0 : i32
      %sign3A_104 = arith.cmpi sgt, %jit3A_94, %sign3A_103 : i32
      %sign3A_105 = arith.extui %sign3A_104 : i1 to i32
      %sign3A_106 = arith.constant 0 : i32
      %sign3A_107 = arith.cmpi slt, %jit3A_94, %sign3A_106 : i32
      %sign3A_108 = arith.extui %sign3A_107 : i1 to i32
      %sign3A_109 = arith.subi %sign3A_105, %sign3A_108 : i32
      %ne3A_110 = arith.cmpi ne, %sign3A_102, %sign3A_109 : i32
      %rem3A_111 = arith.remsi %mul3A_54, %jit3A_94 : i32
      %ne3A_112 = arith.constant 0 : i32
      %ne3A_113 = arith.cmpi ne, %rem3A_111, %ne3A_112 : i32
      %and3A_114 = arith.andi %ne3A_110, %ne3A_113 : i1
      %sub3A_115 = arith.constant 1 : i32
      %sub3A_116 = arith.subi %div3A_95, %sub3A_115 : i32
      %select_n3A_117 = arith.select %and3A_114, %sub3A_116, %div3A_95 : i32
      %jit3A_118 = arith.constant 12 : i32
      %eq3A_119 = arith.constant 0 : i32
      %eq3A_120 = arith.cmpi eq, %jit3A_118, %eq3A_119 : i32
      %jit3A_121 = arith.constant 1 : i32
      %select_n3A_122 = arith.select %eq3A_120, %jit3A_121, %jit3A_118 : i32
      %rem3A_123 = arith.remsi %mul3A_54, %select_n3A_122 : i32
      %ne3A_124 = arith.constant 0 : i32
      %ne3A_125 = arith.cmpi ne, %rem3A_123, %ne3A_124 : i32
      %lt3A_126 = arith.constant 0 : i32
      %lt3A_127 = arith.cmpi slt, %rem3A_123, %lt3A_126 : i32
      %lt3A_128 = arith.constant 0 : i32
      %lt3A_129 = arith.cmpi slt, %select_n3A_122, %lt3A_128 : i32
      %ne3A_130 = arith.xori %lt3A_127, %lt3A_129 : i1
      %and3A_131 = arith.andi %ne3A_130, %ne3A_125 : i1
      %add3A_132 = arith.addi %rem3A_123, %select_n3A_122 : i32
      %select_n3A_133 = arith.select %and3A_131, %add3A_132, %rem3A_123 : i32
      %mul3A_134 = arith.constant 8 : i32
      %mul3A_135 = arith.muli %select_n3A_117, %mul3A_134 : i32
      %add3A_136 = arith.addi %mul3A_2, %mul3A_135 : i32
      %mul3A_137 = arith.constant 4096 : i32
      %mul3A_138 = arith.muli %select_n3A_133, %mul3A_137 : i32
      %dma_wait3A = tpu.memref_slice %arg3[%add3A_136, %mul3A_138] : memref<1024x100000xf32, #tpu.memory_space<hbm>> -> memref<8x4096xf32, #tpu.memory_space<hbm>>
      %dma_wait3A_139 = tpu.memref_slice %arg3[%add3A_136, %mul3A_138] : memref<1024x100000xf32, #tpu.memory_space<hbm>> -> memref<8x4096xf32, #tpu.memory_space<hbm>>
      tpu.wait_dma2 semaphore(%arg11 : memref<!tpu.dma_semaphore, #tpu.memory_space<semaphore_mem>>) src(%dma_wait3A_139 : memref<8x4096xf32, #tpu.memory_space<hbm>>) dst(%arg7 : memref<8x4096xf32, #tpu.memory_space<vmem>>)
      %jit3A_140 = arith.constant 12 : i32
      %div3A_141 = arith.divsi %mul3A_54, %jit3A_140 : i32
      %sign3A_142 = arith.constant 0 : i32
      %sign3A_143 = arith.cmpi sgt, %mul3A_54, %sign3A_142 : i32
      %sign3A_144 = arith.extui %sign3A_143 : i1 to i32
      %sign3A_145 = arith.constant 0 : i32
      %sign3A_146 = arith.cmpi slt, %mul3A_54, %sign3A_145 : i32
      %sign3A_147 = arith.extui %sign3A_146 : i1 to i32
      %sign3A_148 = arith.subi %sign3A_144, %sign3A_147 : i32
      %sign3A_149 = arith.constant 0 : i32
      %sign3A_150 = arith.cmpi sgt, %jit3A_140, %sign3A_149 : i32
      %sign3A_151 = arith.extui %sign3A_150 : i1 to i32
      %sign3A_152 = arith.constant 0 : i32
      %sign3A_153 = arith.cmpi slt, %jit3A_140, %sign3A_152 : i32
      %sign3A_154 = arith.extui %sign3A_153 : i1 to i32
      %sign3A_155 = arith.subi %sign3A_151, %sign3A_154 : i32
      %ne3A_156 = arith.cmpi ne, %sign3A_148, %sign3A_155 : i32
      %rem3A_157 = arith.remsi %mul3A_54, %jit3A_140 : i32
      %ne3A_158 = arith.constant 0 : i32
      %ne3A_159 = arith.cmpi ne, %rem3A_157, %ne3A_158 : i32
      %and3A_160 = arith.andi %ne3A_156, %ne3A_159 : i1
      %sub3A_161 = arith.constant 1 : i32
      %sub3A_162 = arith.subi %div3A_141, %sub3A_161 : i32
      %select_n3A_163 = arith.select %and3A_160, %sub3A_162, %div3A_141 : i32
      %jit3A_164 = arith.constant 12 : i32
      %eq3A_165 = arith.constant 0 : i32
      %eq3A_166 = arith.cmpi eq, %jit3A_164, %eq3A_165 : i32
      %jit3A_167 = arith.constant 1 : i32
      %select_n3A_168 = arith.select %eq3A_166, %jit3A_167, %jit3A_164 : i32
      %rem3A_169 = arith.remsi %mul3A_54, %select_n3A_168 : i32
      %ne3A_170 = arith.constant 0 : i32
      %ne3A_171 = arith.cmpi ne, %rem3A_169, %ne3A_170 : i32
      %lt3A_172 = arith.constant 0 : i32
      %lt3A_173 = arith.cmpi slt, %rem3A_169, %lt3A_172 : i32
      %lt3A_174 = arith.constant 0 : i32
      %lt3A_175 = arith.cmpi slt, %select_n3A_168, %lt3A_174 : i32
      %ne3A_176 = arith.xori %lt3A_173, %lt3A_175 : i1
      %and3A_177 = arith.andi %ne3A_176, %ne3A_171 : i1
      %add3A_178 = arith.addi %rem3A_169, %select_n3A_168 : i32
      %select_n3A_179 = arith.select %and3A_177, %add3A_178, %rem3A_169 : i32
      %eq3A_180 = arith.constant 0 : i32
      %eq3A_181 = arith.cmpi eq, %select_n3A_179, %eq3A_180 : i32
      %mul3A_182 = arith.constant 4096 : i32
      %mul3A_183 = arith.muli %select_n3A_179, %mul3A_182 : i32
      %broadcast_in_dim3A_184 = arith.constant -3.400000e+38 : f32
      %broadcast_in_dim3A_185 = vector.broadcast %broadcast_in_dim3A_184 : f32 to vector<16xf32>
      %select_n3A_186 = arith.select %eq3A_181, %broadcast_in_dim3A_185, %scan3A_37 : vector<16xf32>
      %broadcast_in_dim3A_187 = arith.constant -3.400000e+38 : f32
      %broadcast_in_dim3A_188 = vector.broadcast %broadcast_in_dim3A_187 : f32 to vector<16xf32>
      %select_n3A_189 = arith.select %eq3A_181, %broadcast_in_dim3A_188, %scan3A_38 : vector<16xf32>
      %broadcast_in_dim3A_190 = arith.constant -3.400000e+38 : f32
      %broadcast_in_dim3A_191 = vector.broadcast %broadcast_in_dim3A_190 : f32 to vector<16xf32>
      %select_n3A_192 = arith.select %eq3A_181, %broadcast_in_dim3A_191, %scan3A_39 : vector<16xf32>
      %broadcast_in_dim3A_193 = arith.constant -3.400000e+38 : f32
      %broadcast_in_dim3A_194 = vector.broadcast %broadcast_in_dim3A_193 : f32 to vector<16xf32>
      %select_n3A_195 = arith.select %eq3A_181, %broadcast_in_dim3A_194, %scan3A_40 : vector<16xf32>
      %broadcast_in_dim3A_196 = arith.constant -3.400000e+38 : f32
      %broadcast_in_dim3A_197 = vector.broadcast %broadcast_in_dim3A_196 : f32 to vector<16xf32>
      %select_n3A_198 = arith.select %eq3A_181, %broadcast_in_dim3A_197, %scan3A_41 : vector<16xf32>
      %broadcast_in_dim3A_199 = arith.constant -3.400000e+38 : f32
      %broadcast_in_dim3A_200 = vector.broadcast %broadcast_in_dim3A_199 : f32 to vector<16xf32>
      %select_n3A_201 = arith.select %eq3A_181, %broadcast_in_dim3A_200, %scan3A_42 : vector<16xf32>
      %broadcast_in_dim3A_202 = arith.constant -3.400000e+38 : f32
      %broadcast_in_dim3A_203 = vector.broadcast %broadcast_in_dim3A_202 : f32 to vector<16xf32>
      %select_n3A_204 = arith.select %eq3A_181, %broadcast_in_dim3A_203, %scan3A_43 : vector<16xf32>
      %broadcast_in_dim3A_205 = arith.constant -3.400000e+38 : f32
      %broadcast_in_dim3A_206 = vector.broadcast %broadcast_in_dim3A_205 : f32 to vector<16xf32>
      %select_n3A_207 = arith.select %eq3A_181, %broadcast_in_dim3A_206, %scan3A_44 : vector<16xf32>
      %jit3A_208 = arith.constant -3.400000e+38 : f32
      %select_n3A_209 = arith.select %eq3A_181, %jit3A_208, %scan3A_45 : f32
      %jit3A_210 = arith.constant -3.400000e+38 : f32
      %select_n3A_211 = arith.select %eq3A_181, %jit3A_210, %scan3A_46 : f32
      %jit3A_212 = arith.constant -3.400000e+38 : f32
      %select_n3A_213 = arith.select %eq3A_181, %jit3A_212, %scan3A_47 : f32
      %jit3A_214 = arith.constant -3.400000e+38 : f32
      %select_n3A_215 = arith.select %eq3A_181, %jit3A_214, %scan3A_48 : f32
      %jit3A_216 = arith.constant -3.400000e+38 : f32
      %select_n3A_217 = arith.select %eq3A_181, %jit3A_216, %scan3A_49 : f32
      %jit3A_218 = arith.constant -3.400000e+38 : f32
      %select_n3A_219 = arith.select %eq3A_181, %jit3A_218, %scan3A_50 : f32
      %jit3A_220 = arith.constant -3.400000e+38 : f32
      %select_n3A_221 = arith.select %eq3A_181, %jit3A_220, %scan3A_51 : f32
      %jit3A_222 = arith.constant -3.400000e+38 : f32
      %select_n3A_223 = arith.select %eq3A_181, %jit3A_222, %scan3A_52 : f32
      %iota3A = tpu.iota {dimensions = array<i32: 0>} : vector<16xi32>
      %jit3A_224 = arith.constant 2 : i32
      %div3A_225 = arith.divsi %select_n3A_163, %jit3A_224 : i32
      %sign3A_226 = arith.constant 0 : i32
      %sign3A_227 = arith.cmpi sgt, %select_n3A_163, %sign3A_226 : i32
      %sign3A_228 = arith.extui %sign3A_227 : i1 to i32
      %sign3A_229 = arith.constant 0 : i32
      %sign3A_230 = arith.cmpi slt, %select_n3A_163, %sign3A_229 : i32
      %sign3A_231 = arith.extui %sign3A_230 : i1 to i32
      %sign3A_232 = arith.subi %sign3A_228, %sign3A_231 : i32
      %sign3A_233 = arith.constant 0 : i32
      %sign3A_234 = arith.cmpi sgt, %jit3A_224, %sign3A_233 : i32
      %sign3A_235 = arith.extui %sign3A_234 : i1 to i32
      %sign3A_236 = arith.constant 0 : i32
      %sign3A_237 = arith.cmpi slt, %jit3A_224, %sign3A_236 : i32
      %sign3A_238 = arith.extui %sign3A_237 : i1 to i32
      %sign3A_239 = arith.subi %sign3A_235, %sign3A_238 : i32
      %ne3A_240 = arith.cmpi ne, %sign3A_232, %sign3A_239 : i32
      %rem3A_241 = arith.remsi %select_n3A_163, %jit3A_224 : i32
      %ne3A_242 = arith.constant 0 : i32
      %ne3A_243 = arith.cmpi ne, %rem3A_241, %ne3A_242 : i32
      %and3A_244 = arith.andi %ne3A_240, %ne3A_243 : i1
      %sub3A_245 = arith.constant 1 : i32
      %sub3A_246 = arith.subi %div3A_225, %sub3A_245 : i32
      %select_n3A_247 = arith.select %and3A_244, %sub3A_246, %div3A_225 : i32
      %mul3A_248 = arith.constant 16 : i32
      %mul3A_249 = arith.muli %select_n3A_247, %mul3A_248 : i32
      %get3A = arith.index_cast %mul3A_249 : i32 to index
      %get3A_250 = tpu.vector_load %arg6[%get3A] {strides = array<i32>} : memref<32xi32, #tpu.memory_space<vmem>>, vector<16xi32>,
      %jit3A_251 = arith.constant 2 : i32
      %eq3A_252 = arith.constant 0 : i32
      %eq3A_253 = arith.cmpi eq, %jit3A_251, %eq3A_252 : i32
      %jit3A_254 = arith.constant 1 : i32
      %select_n3A_255 = arith.select %eq3A_253, %jit3A_254, %jit3A_251 : i32
      %rem3A_256 = arith.remsi %select_n3A_163, %select_n3A_255 : i32
      %ne3A_257 = arith.constant 0 : i32
      %ne3A_258 = arith.cmpi ne, %rem3A_256, %ne3A_257 : i32
      %lt3A_259 = arith.constant 0 : i32
      %lt3A_260 = arith.cmpi slt, %rem3A_256, %lt3A_259 : i32
      %lt3A_261 = arith.constant 0 : i32
      %lt3A_262 = arith.cmpi slt, %select_n3A_255, %lt3A_261 : i32
      %ne3A_263 = arith.xori %lt3A_260, %lt3A_262 : i1
      %and3A_264 = arith.andi %ne3A_263, %ne3A_258 : i1
      %add3A_265 = arith.addi %rem3A_256, %select_n3A_255 : i32
      %select_n3A_266 = arith.select %and3A_264, %add3A_265, %rem3A_256 : i32
      %mul3A_267 = arith.constant 8 : i32
      %mul3A_268 = arith.muli %select_n3A_266, %mul3A_267 : i32
      %add3A_269 = arith.constant 0 : i32
      %add3A_270 = arith.addi %mul3A_268, %add3A_269 : i32
      %iota3A_271 = tpu.iota {dimensions = array<i32: 0>} : vector<16xi32>
      %eq3A_272 = vector.broadcast %add3A_270 : i32 to vector<16xi32>
      %eq3A_273 = arith.cmpi eq, %iota3A_271, %eq3A_272 : vector<16xi32>
      %convert_element_type3A = arith.sitofp %get3A_250 : vector<16xi32> to vector<16xf32>
      %jit3A_274 = arith.constant -1.000000e+00 : f32
      %broadcast_in_dim3A_275 = vector.broadcast %jit3A_274 : f32 to vector<16xf32>
      %select_n3A_276 = arith.select %eq3A_273, %convert_element_type3A, %broadcast_in_dim3A_275 : vector<16xi1>, vector<16xf32>
      %reduce_max3A = arith.constant true
      %reduce_max3A_277 = vector.broadcast %reduce_max3A : i1 to vector<16xi1>
      %reduce_max3A_278 = tpu.scan <max>, %select_n3A_276 masked %reduce_max3A_277 : vector<16xf32>, vector<16xi1> -> vector<16xf32>
      %reduce_max3A_279 = vector.extract %reduce_max3A_278[15] : f32 from vector<16xf32>
      %convert_element_type3A_280 = arith.fptosi %reduce_max3A_279 : f32 to i32
      %ge3A = arith.cmpi sge, %convert_element_type3A_280, %mul3A_183 : i32
      %add3A_281 = arith.constant 4096 : i32
      %add3A_282 = arith.addi %mul3A_183, %add3A_281 : i32
      %lt3A_283 = arith.cmpi slt, %convert_element_type3A_280, %add3A_282 : i32
      %and3A_284 = arith.andi %ge3A, %lt3A_283 : i1
      %sub3A_285 = arith.subi %convert_element_type3A_280, %mul3A_183 : i32
      %jit3A_286 = arith.constant 0 : i32
      %select_n3A_287 = arith.select %and3A_284, %sub3A_285, %jit3A_286 : i32
      %jit3A_288 = arith.constant 16 : i32
      %div3A_289 = arith.divsi %select_n3A_287, %jit3A_288 : i32
      %sign3A_290 = arith.constant 0 : i32
      %sign3A_291 = arith.cmpi sgt, %select_n3A_287, %sign3A_290 : i32
      %sign3A_292 = arith.extui %sign3A_291 : i1 to i32
      %sign3A_293 = arith.constant 0 : i32
      %sign3A_294 = arith.cmpi slt, %select_n3A_287, %sign3A_293 : i32
      %sign3A_295 = arith.extui %sign3A_294 : i1 to i32
      %sign3A_296 = arith.subi %sign3A_292, %sign3A_295 : i32
      %sign3A_297 = arith.constant 0 : i32
      %sign3A_298 = arith.cmpi sgt, %jit3A_288, %sign3A_297 : i32
      %sign3A_299 = arith.extui %sign3A_298 : i1 to i32
      %sign3A_300 = arith.constant 0 : i32
      %sign3A_301 = arith.cmpi slt, %jit3A_288, %sign3A_300 : i32
      %sign3A_302 = arith.extui %sign3A_301 : i1 to i32
      %sign3A_303 = arith.subi %sign3A_299, %sign3A_302 : i32
      %ne3A_304 = arith.cmpi ne, %sign3A_296, %sign3A_303 : i32
      %rem3A_305 = arith.remsi %select_n3A_287, %jit3A_288 : i32
      %ne3A_306 = arith.constant 0 : i32
      %ne3A_307 = arith.cmpi ne, %rem3A_305, %ne3A_306 : i32
      %and3A_308 = arith.andi %ne3A_304, %ne3A_307 : i1
      %sub3A_309 = arith.constant 1 : i32
      %sub3A_310 = arith.subi %div3A_289, %sub3A_309 : i32
      %select_n3A_311 = arith.select %and3A_308, %sub3A_310, %div3A_289 : i32
      %mul3A_312 = arith.constant 16 : i32
      %mul3A_313 = arith.muli %select_n3A_311, %mul3A_312 : i32
      %sub3A_314 = arith.subi %select_n3A_287, %mul3A_313 : i32
      %get3A_315 = arith.constant 0 : i32
      %get3A_316 = arith.index_cast %get3A_315 : i32 to index
      %get3A_317 = arith.index_cast %mul3A_313 : i32 to index
      %get3A_318 = tpu.vector_load %arg7[%get3A_316, %get3A_317] {strides = array<i32>} : memref<8x4096xf32, #tpu.memory_space<vmem>>, vector<16xf32>,
      %eq3A_319 = vector.broadcast %sub3A_314 : i32 to vector<16xi32>
      %eq3A_320 = arith.cmpi eq, %iota3A, %eq3A_319 : vector<16xi32>
      %and3A_321 = vector.broadcast %and3A_284 : i1 to vector<16xi1>
      %and3A_322 = arith.andi %eq3A_320, %and3A_321 : vector<16xi1>
      %jit3A_323 = arith.constant -3.400000e+38 : f32
      %broadcast_in_dim3A_324 = vector.broadcast %jit3A_323 : f32 to vector<16xf32>
      %select_n3A_325 = arith.select %and3A_322, %get3A_318, %broadcast_in_dim3A_324 : vector<16xi1>, vector<16xf32>
      %reduce_max3A_326 = arith.constant true
      %reduce_max3A_327 = vector.broadcast %reduce_max3A_326 : i1 to vector<16xi1>
      %reduce_max3A_328 = tpu.scan <max>, %select_n3A_325 masked %reduce_max3A_327 : vector<16xf32>, vector<16xi1> -> vector<16xf32>
      %reduce_max3A_329 = vector.extract %reduce_max3A_328[15] : f32 from vector<16xf32>
      %jit3A_330 = arith.constant -3.400000e+38 : f32
      %select_n3A_331 = arith.select %and3A_284, %reduce_max3A_329, %jit3A_330 : f32
      %max3A = arith.maximumf %select_n3A_209, %select_n3A_331 : f32
      %jit3A_332 = arith.constant -1.000000e+10 : f32
      %broadcast_in_dim3A_333 = vector.broadcast %jit3A_332 : f32 to vector<16xf32>
      %select_n3A_334 = arith.select %and3A_322, %broadcast_in_dim3A_333, %get3A_318 : vector<16xi1>, vector<16xf32>
      %swap3A = arith.constant 0 : i32
      %swap3A_335 = arith.index_cast %swap3A : i32 to index
      %swap3A_336 = arith.index_cast %mul3A_313 : i32 to index
      %swap3A_337 = tpu.vector_load %arg7[%swap3A_335, %swap3A_336] {strides = array<i32>} : memref<8x4096xf32, #tpu.memory_space<vmem>>, vector<16xf32>,
      tpu.vector_store %arg7[%swap3A_335, %swap3A_336], %select_n3A_334 {strides = array<i32>} : memref<8x4096xf32, #tpu.memory_space<vmem>>, vector<16xf32>,
      %jit3A_338 = arith.constant 2 : i32
      %div3A_339 = arith.divsi %select_n3A_163, %jit3A_338 : i32
      %sign3A_340 = arith.constant 0 : i32
      %sign3A_341 = arith.cmpi sgt, %select_n3A_163, %sign3A_340 : i32
      %sign3A_342 = arith.extui %sign3A_341 : i1 to i32
      %sign3A_343 = arith.constant 0 : i32
      %sign3A_344 = arith.cmpi slt, %select_n3A_163, %sign3A_343 : i32
      %sign3A_345 = arith.extui %sign3A_344 : i1 to i32
      %sign3A_346 = arith.subi %sign3A_342, %sign3A_345 : i32
      %sign3A_347 = arith.constant 0 : i32
      %sign3A_348 = arith.cmpi sgt, %jit3A_338, %sign3A_347 : i32
      %sign3A_349 = arith.extui %sign3A_348 : i1 to i32
      %sign3A_350 = arith.constant 0 : i32
      %sign3A_351 = arith.cmpi slt, %jit3A_338, %sign3A_350 : i32
      %sign3A_352 = arith.extui %sign3A_351 : i1 to i32
      %sign3A_353 = arith.subi %sign3A_349, %sign3A_352 : i32
      %ne3A_354 = arith.cmpi ne, %sign3A_346, %sign3A_353 : i32
      %rem3A_355 = arith.remsi %select_n3A_163, %jit3A_338 : i32
      %ne3A_356 = arith.constant 0 : i32
      %ne3A_357 = arith.cmpi ne, %rem3A_355, %ne3A_356 : i32
      %and3A_358 = arith.andi %ne3A_354, %ne3A_357 : i1
      %sub3A_359 = arith.constant 1 : i32
      %sub3A_360 = arith.subi %div3A_339, %sub3A_359 : i32
      %select_n3A_361 = arith.select %and3A_358, %sub3A_360, %div3A_339 : i32
      %mul3A_362 = arith.constant 16 : i32
      %mul3A_363 = arith.muli %select_n3A_361, %mul3A_362 : i32
      %get3A_364 = arith.index_cast %mul3A_363 : i32 to index
      %get3A_365 = tpu.vector_load %arg6[%get3A_364] {strides = array<i32>} : memref<32xi32, #tpu.memory_space<vmem>>, vector<16xi32>,
      %jit3A_366 = arith.constant 2 : i32
      %eq3A_367 = arith.constant 0 : i32
      %eq3A_368 = arith.cmpi eq, %jit3A_366, %eq3A_367 : i32
      %jit3A_369 = arith.constant 1 : i32
      %select_n3A_370 = arith.select %eq3A_368, %jit3A_369, %jit3A_366 : i32
      %rem3A_371 = arith.remsi %select_n3A_163, %select_n3A_370 : i32
      %ne3A_372 = arith.constant 0 : i32
      %ne3A_373 = arith.cmpi ne, %rem3A_371, %ne3A_372 : i32
      %lt3A_374 = arith.constant 0 : i32
      %lt3A_375 = arith.cmpi slt, %rem3A_371, %lt3A_374 : i32
      %lt3A_376 = arith.constant 0 : i32
      %lt3A_377 = arith.cmpi slt, %select_n3A_370, %lt3A_376 : i32
      %ne3A_378 = arith.xori %lt3A_375, %lt3A_377 : i1
      %and3A_379 = arith.andi %ne3A_378, %ne3A_373 : i1
      %add3A_380 = arith.addi %rem3A_371, %select_n3A_370 : i32
      %select_n3A_381 = arith.select %and3A_379, %add3A_380, %rem3A_371 : i32
      %mul3A_382 = arith.constant 8 : i32
      %mul3A_383 = arith.muli %select_n3A_381, %mul3A_382 : i32
      %add3A_384 = arith.constant 1 : i32
      %add3A_385 = arith.addi %mul3A_383, %add3A_384 : i32
      %iota3A_386 = tpu.iota {dimensions = array<i32: 0>} : vector<16xi32>
      %eq3A_387 = vector.broadcast %add3A_385 : i32 to vector<16xi32>
      %eq3A_388 = arith.cmpi eq, %iota3A_386, %eq3A_387 : vector<16xi32>
      %convert_element_type3A_389 = arith.sitofp %get3A_365 : vector<16xi32> to vector<16xf32>
      %jit3A_390 = arith.constant -1.000000e+00 : f32
      %broadcast_in_dim3A_391 = vector.broadcast %jit3A_390 : f32 to vector<16xf32>
      %select_n3A_392 = arith.select %eq3A_388, %convert_element_type3A_389, %broadcast_in_dim3A_391 : vector<16xi1>, vector<16xf32>
      %reduce_max3A_393 = arith.constant true
      %reduce_max3A_394 = vector.broadcast %reduce_max3A_393 : i1 to vector<16xi1>
      %reduce_max3A_395 = tpu.scan <max>, %select_n3A_392 masked %reduce_max3A_394 : vector<16xf32>, vector<16xi1> -> vector<16xf32>
      %reduce_max3A_396 = vector.extract %reduce_max3A_395[15] : f32 from vector<16xf32>
      %convert_element_type3A_397 = arith.fptosi %reduce_max3A_396 : f32 to i32
      %ge3A_398 = arith.cmpi sge, %convert_element_type3A_397, %mul3A_183 : i32
      %add3A_399 = arith.constant 4096 : i32
      %add3A_400 = arith.addi %mul3A_183, %add3A_399 : i32
      %lt3A_401 = arith.cmpi slt, %convert_element_type3A_397, %add3A_400 : i32
      %and3A_402 = arith.andi %ge3A_398, %lt3A_401 : i1
      %sub3A_403 = arith.subi %convert_element_type3A_397, %mul3A_183 : i32
      %jit3A_404 = arith.constant 0 : i32
      %select_n3A_405 = arith.select %and3A_402, %sub3A_403, %jit3A_404 : i32
      %jit3A_406 = arith.constant 16 : i32
      %div3A_407 = arith.divsi %select_n3A_405, %jit3A_406 : i32
      %sign3A_408 = arith.constant 0 : i32
      %sign3A_409 = arith.cmpi sgt, %select_n3A_405, %sign3A_408 : i32
      %sign3A_410 = arith.extui %sign3A_409 : i1 to i32
      %sign3A_411 = arith.constant 0 : i32
      %sign3A_412 = arith.cmpi slt, %select_n3A_405, %sign3A_411 : i32
      %sign3A_413 = arith.extui %sign3A_412 : i1 to i32
      %sign3A_414 = arith.subi %sign3A_410, %sign3A_413 : i32
      %sign3A_415 = arith.constant 0 : i32
      %sign3A_416 = arith.cmpi sgt, %jit3A_406, %sign3A_415 : i32
      %sign3A_417 = arith.extui %sign3A_416 : i1 to i32
      %sign3A_418 = arith.constant 0 : i32
      %sign3A_419 = arith.cmpi slt, %jit3A_406, %sign3A_418 : i32
      %sign3A_420 = arith.extui %sign3A_419 : i1 to i32
      %sign3A_421 = arith.subi %sign3A_417, %sign3A_420 : i32
      %ne3A_422 = arith.cmpi ne, %sign3A_414, %sign3A_421 : i32
      %rem3A_423 = arith.remsi %select_n3A_405, %jit3A_406 : i32
      %ne3A_424 = arith.constant 0 : i32
      %ne3A_425 = arith.cmpi ne, %rem3A_423, %ne3A_424 : i32
      %and3A_426 = arith.andi %ne3A_422, %ne3A_425 : i1
      %sub3A_427 = arith.constant 1 : i32
      %sub3A_428 = arith.subi %div3A_407, %sub3A_427 : i32
      %select_n3A_429 = arith.select %and3A_426, %sub3A_428, %div3A_407 : i32
      %mul3A_430 = arith.constant 16 : i32
      %mul3A_431 = arith.muli %select_n3A_429, %mul3A_430 : i32
      %sub3A_432 = arith.subi %select_n3A_405, %mul3A_431 : i32
      %get3A_433 = arith.constant 1 : i32
      %get3A_434 = arith.index_cast %get3A_433 : i32 to index
      %get3A_435 = arith.index_cast %mul3A_431 : i32 to index
      %get3A_436 = tpu.vector_load %arg7[%get3A_434, %get3A_435] {strides = array<i32>} : memref<8x4096xf32, #tpu.memory_space<vmem>>, vector<16xf32>,
      %eq3A_437 = vector.broadcast %sub3A_432 : i32 to vector<16xi32>
      %eq3A_438 = arith.cmpi eq, %iota3A, %eq3A_437 : vector<16xi32>
      %and3A_439 = vector.broadcast %and3A_402 : i1 to vector<16xi1>
      %and3A_440 = arith.andi %eq3A_438, %and3A_439 : vector<16xi1>
      %jit3A_441 = arith.constant -3.400000e+38 : f32
      %broadcast_in_dim3A_442 = vector.broadcast %jit3A_441 : f32 to vector<16xf32>
      %select_n3A_443 = arith.select %and3A_440, %get3A_436, %broadcast_in_dim3A_442 : vector<16xi1>, vector<16xf32>
      %reduce_max3A_444 = arith.constant true
      %reduce_max3A_445 = vector.broadcast %reduce_max3A_444 : i1 to vector<16xi1>
      %reduce_max3A_446 = tpu.scan <max>, %select_n3A_443 masked %reduce_max3A_445 : vector<16xf32>, vector<16xi1> -> vector<16xf32>
      %reduce_max3A_447 = vector.extract %reduce_max3A_446[15] : f32 from vector<16xf32>
      %jit3A_448 = arith.constant -3.400000e+38 : f32
      %select_n3A_449 = arith.select %and3A_402, %reduce_max3A_447, %jit3A_448 : f32
      %max3A_450 = arith.maximumf %select_n3A_211, %select_n3A_449 : f32
      %jit3A_451 = arith.constant -1.000000e+10 : f32
      %broadcast_in_dim3A_452 = vector.broadcast %jit3A_451 : f32 to vector<16xf32>
      %select_n3A_453 = arith.select %and3A_440, %broadcast_in_dim3A_452, %get3A_436 : vector<16xi1>, vector<16xf32>
      %swap3A_454 = arith.constant 1 : i32
      %swap3A_455 = arith.index_cast %swap3A_454 : i32 to index
      %swap3A_456 = arith.index_cast %mul3A_431 : i32 to index
      %swap3A_457 = tpu.vector_load %arg7[%swap3A_455, %swap3A_456] {strides = array<i32>} : memref<8x4096xf32, #tpu.memory_space<vmem>>, vector<16xf32>,
      tpu.vector_store %arg7[%swap3A_455, %swap3A_456], %select_n3A_453 {strides = array<i32>} : memref<8x4096xf32, #tpu.memory_space<vmem>>, vector<16xf32>,
      %jit3A_458 = arith.constant 2 : i32
      %div3A_459 = arith.divsi %select_n3A_163, %jit3A_458 : i32
      %sign3A_460 = arith.constant 0 : i32
      %sign3A_461 = arith.cmpi sgt, %select_n3A_163, %sign3A_460 : i32
      %sign3A_462 = arith.extui %sign3A_461 : i1 to i32
      %sign3A_463 = arith.constant 0 : i32
      %sign3A_464 = arith.cmpi slt, %select_n3A_163, %sign3A_463 : i32
      %sign3A_465 = arith.extui %sign3A_464 : i1 to i32
      %sign3A_466 = arith.subi %sign3A_462, %sign3A_465 : i32
      %sign3A_467 = arith.constant 0 : i32
      %sign3A_468 = arith.cmpi sgt, %jit3A_458, %sign3A_467 : i32
      %sign3A_469 = arith.extui %sign3A_468 : i1 to i32
      %sign3A_470 = arith.constant 0 : i32
      %sign3A_471 = arith.cmpi slt, %jit3A_458, %sign3A_470 : i32
      %sign3A_472 = arith.extui %sign3A_471 : i1 to i32
      %sign3A_473 = arith.subi %sign3A_469, %sign3A_472 : i32
      %ne3A_474 = arith.cmpi ne, %sign3A_466, %sign3A_473 : i32
      %rem3A_475 = arith.remsi %select_n3A_163, %jit3A_458 : i32
      %ne3A_476 = arith.constant 0 : i32
      %ne3A_477 = arith.cmpi ne, %rem3A_475, %ne3A_476 : i32
      %and3A_478 = arith.andi %ne3A_474, %ne3A_477 : i1
      %sub3A_479 = arith.constant 1 : i32
      %sub3A_480 = arith.subi %div3A_459, %sub3A_479 : i32
      %select_n3A_481 = arith.select %and3A_478, %sub3A_480, %div3A_459 : i32
      %mul3A_482 = arith.constant 16 : i32
      %mul3A_483 = arith.muli %select_n3A_481, %mul3A_482 : i32
      %get3A_484 = arith.index_cast %mul3A_483 : i32 to index
      %get3A_485 = tpu.vector_load %arg6[%get3A_484] {strides = array<i32>} : memref<32xi32, #tpu.memory_space<vmem>>, vector<16xi32>,
      %jit3A_486 = arith.constant 2 : i32
      %eq3A_487 = arith.constant 0 : i32
      %eq3A_488 = arith.cmpi eq, %jit3A_486, %eq3A_487 : i32
      %jit3A_489 = arith.constant 1 : i32
      %select_n3A_490 = arith.select %eq3A_488, %jit3A_489, %jit3A_486 : i32
      %rem3A_491 = arith.remsi %select_n3A_163, %select_n3A_490 : i32
      %ne3A_492 = arith.constant 0 : i32
      %ne3A_493 = arith.cmpi ne, %rem3A_491, %ne3A_492 : i32
      %lt3A_494 = arith.constant 0 : i32
      %lt3A_495 = arith.cmpi slt, %rem3A_491, %lt3A_494 : i32
      %lt3A_496 = arith.constant 0 : i32
      %lt3A_497 = arith.cmpi slt, %select_n3A_490, %lt3A_496 : i32
      %ne3A_498 = arith.xori %lt3A_495, %lt3A_497 : i1
      %and3A_499 = arith.andi %ne3A_498, %ne3A_493 : i1
      %add3A_500 = arith.addi %rem3A_491, %select_n3A_490 : i32
      %select_n3A_501 = arith.select %and3A_499, %add3A_500, %rem3A_491 : i32
      %mul3A_502 = arith.constant 8 : i32
      %mul3A_503 = arith.muli %select_n3A_501, %mul3A_502 : i32
      %add3A_504 = arith.constant 2 : i32
      %add3A_505 = arith.addi %mul3A_503, %add3A_504 : i32
      %iota3A_506 = tpu.iota {dimensions = array<i32: 0>} : vector<16xi32>
      %eq3A_507 = vector.broadcast %add3A_505 : i32 to vector<16xi32>
      %eq3A_508 = arith.cmpi eq, %iota3A_506, %eq3A_507 : vector<16xi32>
      %convert_element_type3A_509 = arith.sitofp %get3A_485 : vector<16xi32> to vector<16xf32>
      %jit3A_510 = arith.constant -1.000000e+00 : f32
      %broadcast_in_dim3A_511 = vector.broadcast %jit3A_510 : f32 to vector<16xf32>
      %select_n3A_512 = arith.select %eq3A_508, %convert_element_type3A_509, %broadcast_in_dim3A_511 : vector<16xi1>, vector<16xf32>
      %reduce_max3A_513 = arith.constant true
      %reduce_max3A_514 = vector.broadcast %reduce_max3A_513 : i1 to vector<16xi1>
      %reduce_max3A_515 = tpu.scan <max>, %select_n3A_512 masked %reduce_max3A_514 : vector<16xf32>, vector<16xi1> -> vector<16xf32>
      %reduce_max3A_516 = vector.extract %reduce_max3A_515[15] : f32 from vector<16xf32>
      %convert_element_type3A_517 = arith.fptosi %reduce_max3A_516 : f32 to i32
      %ge3A_518 = arith.cmpi sge, %convert_element_type3A_517, %mul3A_183 : i32
      %add3A_519 = arith.constant 4096 : i32
      %add3A_520 = arith.addi %mul3A_183, %add3A_519 : i32
      %lt3A_521 = arith.cmpi slt, %convert_element_type3A_517, %add3A_520 : i32
      %and3A_522 = arith.andi %ge3A_518, %lt3A_521 : i1
      %sub3A_523 = arith.subi %convert_element_type3A_517, %mul3A_183 : i32
      %jit3A_524 = arith.constant 0 : i32
      %select_n3A_525 = arith.select %and3A_522, %sub3A_523, %jit3A_524 : i32
      %jit3A_526 = arith.constant 16 : i32
      %div3A_527 = arith.divsi %select_n3A_525, %jit3A_526 : i32
      %sign3A_528 = arith.constant 0 : i32
      %sign3A_529 = arith.cmpi sgt, %select_n3A_525, %sign3A_528 : i32
      %sign3A_530 = arith.extui %sign3A_529 : i1 to i32
      %sign3A_531 = arith.constant 0 : i32
      %sign3A_532 = arith.cmpi slt, %select_n3A_525, %sign3A_531 : i32
      %sign3A_533 = arith.extui %sign3A_532 : i1 to i32
      %sign3A_534 = arith.subi %sign3A_530, %sign3A_533 : i32
      %sign3A_535 = arith.constant 0 : i32
      %sign3A_536 = arith.cmpi sgt, %jit3A_526, %sign3A_535 : i32
      %sign3A_537 = arith.extui %sign3A_536 : i1 to i32
      %sign3A_538 = arith.constant 0 : i32
      %sign3A_539 = arith.cmpi slt, %jit3A_526, %sign3A_538 : i32
      %sign3A_540 = arith.extui %sign3A_539 : i1 to i32
      %sign3A_541 = arith.subi %sign3A_537, %sign3A_540 : i32
      %ne3A_542 = arith.cmpi ne, %sign3A_534, %sign3A_541 : i32
      %rem3A_543 = arith.remsi %select_n3A_525, %jit3A_526 : i32
      %ne3A_544 = arith.constant 0 : i32
      %ne3A_545 = arith.cmpi ne, %rem3A_543, %ne3A_544 : i32
      %and3A_546 = arith.andi %ne3A_542, %ne3A_545 : i1
      %sub3A_547 = arith.constant 1 : i32
      %sub3A_548 = arith.subi %div3A_527, %sub3A_547 : i32
      %select_n3A_549 = arith.select %and3A_546, %sub3A_548, %div3A_527 : i32
      %mul3A_550 = arith.constant 16 : i32
      %mul3A_551 = arith.muli %select_n3A_549, %mul3A_550 : i32
      %sub3A_552 = arith.subi %select_n3A_525, %mul3A_551 : i32
      %get3A_553 = arith.constant 2 : i32
      %get3A_554 = arith.index_cast %get3A_553 : i32 to index
      %get3A_555 = arith.index_cast %mul3A_551 : i32 to index
      %get3A_556 = tpu.vector_load %arg7[%get3A_554, %get3A_555] {strides = array<i32>} : memref<8x4096xf32, #tpu.memory_space<vmem>>, vector<16xf32>,
      %eq3A_557 = vector.broadcast %sub3A_552 : i32 to vector<16xi32>
      %eq3A_558 = arith.cmpi eq, %iota3A, %eq3A_557 : vector<16xi32>
      %and3A_559 = vector.broadcast %and3A_522 : i1 to vector<16xi1>
      %and3A_560 = arith.andi %eq3A_558, %and3A_559 : vector<16xi1>
      %jit3A_561 = arith.constant -3.400000e+38 : f32
      %broadcast_in_dim3A_562 = vector.broadcast %jit3A_561 : f32 to vector<16xf32>
      %select_n3A_563 = arith.select %and3A_560, %get3A_556, %broadcast_in_dim3A_562 : vector<16xi1>, vector<16xf32>
      %reduce_max3A_564 = arith.constant true
      %reduce_max3A_565 = vector.broadcast %reduce_max3A_564 : i1 to vector<16xi1>
      %reduce_max3A_566 = tpu.scan <max>, %select_n3A_563 masked %reduce_max3A_565 : vector<16xf32>, vector<16xi1> -> vector<16xf32>
      %reduce_max3A_567 = vector.extract %reduce_max3A_566[15] : f32 from vector<16xf32>
      %jit3A_568 = arith.constant -3.400000e+38 : f32
      %select_n3A_569 = arith.select %and3A_522, %reduce_max3A_567, %jit3A_568 : f32
      %max3A_570 = arith.maximumf %select_n3A_213, %select_n3A_569 : f32
      %jit3A_571 = arith.constant -1.000000e+10 : f32
      %broadcast_in_dim3A_572 = vector.broadcast %jit3A_571 : f32 to vector<16xf32>
      %select_n3A_573 = arith.select %and3A_560, %broadcast_in_dim3A_572, %get3A_556 : vector<16xi1>, vector<16xf32>
      %swap3A_574 = arith.constant 2 : i32
      %swap3A_575 = arith.index_cast %swap3A_574 : i32 to index
      %swap3A_576 = arith.index_cast %mul3A_551 : i32 to index
      %swap3A_577 = tpu.vector_load %arg7[%swap3A_575, %swap3A_576] {strides = array<i32>} : memref<8x4096xf32, #tpu.memory_space<vmem>>, vector<16xf32>,
      tpu.vector_store %arg7[%swap3A_575, %swap3A_576], %select_n3A_573 {strides = array<i32>} : memref<8x4096xf32, #tpu.memory_space<vmem>>, vector<16xf32>,
      %jit3A_578 = arith.constant 2 : i32
      %div3A_579 = arith.divsi %select_n3A_163, %jit3A_578 : i32
      %sign3A_580 = arith.constant 0 : i32
      %sign3A_581 = arith.cmpi sgt, %select_n3A_163, %sign3A_580 : i32
      %sign3A_582 = arith.extui %sign3A_581 : i1 to i32
      %sign3A_583 = arith.constant 0 : i32
      %sign3A_584 = arith.cmpi slt, %select_n3A_163, %sign3A_583 : i32
      %sign3A_585 = arith.extui %sign3A_584 : i1 to i32
      %sign3A_586 = arith.subi %sign3A_582, %sign3A_585 : i32
      %sign3A_587 = arith.constant 0 : i32
      %sign3A_588 = arith.cmpi sgt, %jit3A_578, %sign3A_587 : i32
      %sign3A_589 = arith.extui %sign3A_588 : i1 to i32
      %sign3A_590 = arith.constant 0 : i32
      %sign3A_591 = arith.cmpi slt, %jit3A_578, %sign3A_590 : i32
      %sign3A_592 = arith.extui %sign3A_591 : i1 to i32
      %sign3A_593 = arith.subi %sign3A_589, %sign3A_592 : i32
      %ne3A_594 = arith.cmpi ne, %sign3A_586, %sign3A_593 : i32
      %rem3A_595 = arith.remsi %select_n3A_163, %jit3A_578 : i32
      %ne3A_596 = arith.constant 0 : i32
      %ne3A_597 = arith.cmpi ne, %rem3A_595, %ne3A_596 : i32
      %and3A_598 = arith.andi %ne3A_594, %ne3A_597 : i1
      %sub3A_599 = arith.constant 1 : i32
      %sub3A_600 = arith.subi %div3A_579, %sub3A_599 : i32
      %select_n3A_601 = arith.select %and3A_598, %sub3A_600, %div3A_579 : i32
      %mul3A_602 = arith.constant 16 : i32
      %mul3A_603 = arith.muli %select_n3A_601, %mul3A_602 : i32
      %get3A_604 = arith.index_cast %mul3A_603 : i32 to index
      %get3A_605 = tpu.vector_load %arg6[%get3A_604] {strides = array<i32>} : memref<32xi32, #tpu.memory_space<vmem>>, vector<16xi32>,
      %jit3A_606 = arith.constant 2 : i32
      %eq3A_607 = arith.constant 0 : i32
      %eq3A_608 = arith.cmpi eq, %jit3A_606, %eq3A_607 : i32
      %jit3A_609 = arith.constant 1 : i32
      %select_n3A_610 = arith.select %eq3A_608, %jit3A_609, %jit3A_606 : i32
      %rem3A_611 = arith.remsi %select_n3A_163, %select_n3A_610 : i32
      %ne3A_612 = arith.constant 0 : i32
      %ne3A_613 = arith.cmpi ne, %rem3A_611, %ne3A_612 : i32
      %lt3A_614 = arith.constant 0 : i32
      %lt3A_615 = arith.cmpi slt, %rem3A_611, %lt3A_614 : i32
      %lt3A_616 = arith.constant 0 : i32
      %lt3A_617 = arith.cmpi slt, %select_n3A_610, %lt3A_616 : i32
      %ne3A_618 = arith.xori %lt3A_615, %lt3A_617 : i1
      %and3A_619 = arith.andi %ne3A_618, %ne3A_613 : i1
      %add3A_620 = arith.addi %rem3A_611, %select_n3A_610 : i32
      %select_n3A_621 = arith.select %and3A_619, %add3A_620, %rem3A_611 : i32
      %mul3A_622 = arith.constant 8 : i32
      %mul3A_623 = arith.muli %select_n3A_621, %mul3A_622 : i32
      %add3A_624 = arith.constant 3 : i32
      %add3A_625 = arith.addi %mul3A_623, %add3A_624 : i32
      %iota3A_626 = tpu.iota {dimensions = array<i32: 0>} : vector<16xi32>
      %eq3A_627 = vector.broadcast %add3A_625 : i32 to vector<16xi32>
      %eq3A_628 = arith.cmpi eq, %iota3A_626, %eq3A_627 : vector<16xi32>
      %convert_element_type3A_629 = arith.sitofp %get3A_605 : vector<16xi32> to vector<16xf32>
      %jit3A_630 = arith.constant -1.000000e+00 : f32
      %broadcast_in_dim3A_631 = vector.broadcast %jit3A_630 : f32 to vector<16xf32>
      %select_n3A_632 = arith.select %eq3A_628, %convert_element_type3A_629, %broadcast_in_dim3A_631 : vector<16xi1>, vector<16xf32>
      %reduce_max3A_633 = arith.constant true
      %reduce_max3A_634 = vector.broadcast %reduce_max3A_633 : i1 to vector<16xi1>
      %reduce_max3A_635 = tpu.scan <max>, %select_n3A_632 masked %reduce_max3A_634 : vector<16xf32>, vector<16xi1> -> vector<16xf32>
      %reduce_max3A_636 = vector.extract %reduce_max3A_635[15] : f32 from vector<16xf32>
      %convert_element_type3A_637 = arith.fptosi %reduce_max3A_636 : f32 to i32
      %ge3A_638 = arith.cmpi sge, %convert_element_type3A_637, %mul3A_183 : i32
      %add3A_639 = arith.constant 4096 : i32
      %add3A_640 = arith.addi %mul3A_183, %add3A_639 : i32
      %lt3A_641 = arith.cmpi slt, %convert_element_type3A_637, %add3A_640 : i32
      %and3A_642 = arith.andi %ge3A_638, %lt3A_641 : i1
      %sub3A_643 = arith.subi %convert_element_type3A_637, %mul3A_183 : i32
      %jit3A_644 = arith.constant 0 : i32
      %select_n3A_645 = arith.select %and3A_642, %sub3A_643, %jit3A_644 : i32
      %jit3A_646 = arith.constant 16 : i32
      %div3A_647 = arith.divsi %select_n3A_645, %jit3A_646 : i32
      %sign3A_648 = arith.constant 0 : i32
      %sign3A_649 = arith.cmpi sgt, %select_n3A_645, %sign3A_648 : i32
      %sign3A_650 = arith.extui %sign3A_649 : i1 to i32
      %sign3A_651 = arith.constant 0 : i32
      %sign3A_652 = arith.cmpi slt, %select_n3A_645, %sign3A_651 : i32
      %sign3A_653 = arith.extui %sign3A_652 : i1 to i32
      %sign3A_654 = arith.subi %sign3A_650, %sign3A_653 : i32
      %sign3A_655 = arith.constant 0 : i32
      %sign3A_656 = arith.cmpi sgt, %jit3A_646, %sign3A_655 : i32
      %sign3A_657 = arith.extui %sign3A_656 : i1 to i32
      %sign3A_658 = arith.constant 0 : i32
      %sign3A_659 = arith.cmpi slt, %jit3A_646, %sign3A_658 : i32
      %sign3A_660 = arith.extui %sign3A_659 : i1 to i32
      %sign3A_661 = arith.subi %sign3A_657, %sign3A_660 : i32
      %ne3A_662 = arith.cmpi ne, %sign3A_654, %sign3A_661 : i32
      %rem3A_663 = arith.remsi %select_n3A_645, %jit3A_646 : i32
      %ne3A_664 = arith.constant 0 : i32
      %ne3A_665 = arith.cmpi ne, %rem3A_663, %ne3A_664 : i32
      %and3A_666 = arith.andi %ne3A_662, %ne3A_665 : i1
      %sub3A_667 = arith.constant 1 : i32
      %sub3A_668 = arith.subi %div3A_647, %sub3A_667 : i32
      %select_n3A_669 = arith.select %and3A_666, %sub3A_668, %div3A_647 : i32
      %mul3A_670 = arith.constant 16 : i32
      %mul3A_671 = arith.muli %select_n3A_669, %mul3A_670 : i32
      %sub3A_672 = arith.subi %select_n3A_645, %mul3A_671 : i32
      %get3A_673 = arith.constant 3 : i32
      %get3A_674 = arith.index_cast %get3A_673 : i32 to index
      %get3A_675 = arith.index_cast %mul3A_671 : i32 to index
      %get3A_676 = tpu.vector_load %arg7[%get3A_674, %get3A_675] {strides = array<i32>} : memref<8x4096xf32, #tpu.memory_space<vmem>>, vector<16xf32>,
      %eq3A_677 = vector.broadcast %sub3A_672 : i32 to vector<16xi32>
      %eq3A_678 = arith.cmpi eq, %iota3A, %eq3A_677 : vector<16xi32>
      %and3A_679 = vector.broadcast %and3A_642 : i1 to vector<16xi1>
      %and3A_680 = arith.andi %eq3A_678, %and3A_679 : vector<16xi1>
      %jit3A_681 = arith.constant -3.400000e+38 : f32
      %broadcast_in_dim3A_682 = vector.broadcast %jit3A_681 : f32 to vector<16xf32>
      %select_n3A_683 = arith.select %and3A_680, %get3A_676, %broadcast_in_dim3A_682 : vector<16xi1>, vector<16xf32>
      %reduce_max3A_684 = arith.constant true
      %reduce_max3A_685 = vector.broadcast %reduce_max3A_684 : i1 to vector<16xi1>
      %reduce_max3A_686 = tpu.scan <max>, %select_n3A_683 masked %reduce_max3A_685 : vector<16xf32>, vector<16xi1> -> vector<16xf32>
      %reduce_max3A_687 = vector.extract %reduce_max3A_686[15] : f32 from vector<16xf32>
      %jit3A_688 = arith.constant -3.400000e+38 : f32
      %select_n3A_689 = arith.select %and3A_642, %reduce_max3A_687, %jit3A_688 : f32
      %max3A_690 = arith.maximumf %select_n3A_215, %select_n3A_689 : f32
      %jit3A_691 = arith.constant -1.000000e+10 : f32
      %broadcast_in_dim3A_692 = vector.broadcast %jit3A_691 : f32 to vector<16xf32>
      %select_n3A_693 = arith.select %and3A_680, %broadcast_in_dim3A_692, %get3A_676 : vector<16xi1>, vector<16xf32>
      %swap3A_694 = arith.constant 3 : i32
      %swap3A_695 = arith.index_cast %swap3A_694 : i32 to index
      %swap3A_696 = arith.index_cast %mul3A_671 : i32 to index
      %swap3A_697 = tpu.vector_load %arg7[%swap3A_695, %swap3A_696] {strides = array<i32>} : memref<8x4096xf32, #tpu.memory_space<vmem>>, vector<16xf32>,
      tpu.vector_store %arg7[%swap3A_695, %swap3A_696], %select_n3A_693 {strides = array<i32>} : memref<8x4096xf32, #tpu.memory_space<vmem>>, vector<16xf32>,
      %jit3A_698 = arith.constant 2 : i32
      %div3A_699 = arith.divsi %select_n3A_163, %jit3A_698 : i32
      %sign3A_700 = arith.constant 0 : i32
      %sign3A_701 = arith.cmpi sgt, %select_n3A_163, %sign3A_700 : i32
      %sign3A_702 = arith.extui %sign3A_701 : i1 to i32
      %sign3A_703 = arith.constant 0 : i32
      %sign3A_704 = arith.cmpi slt, %select_n3A_163, %sign3A_703 : i32
      %sign3A_705 = arith.extui %sign3A_704 : i1 to i32
      %sign3A_706 = arith.subi %sign3A_702, %sign3A_705 : i32
      %sign3A_707 = arith.constant 0 : i32
      %sign3A_708 = arith.cmpi sgt, %jit3A_698, %sign3A_707 : i32
      %sign3A_709 = arith.extui %sign3A_708 : i1 to i32
      %sign3A_710 = arith.constant 0 : i32
      %sign3A_711 = arith.cmpi slt, %jit3A_698, %sign3A_710 : i32
      %sign3A_712 = arith.extui %sign3A_711 : i1 to i32
      %sign3A_713 = arith.subi %sign3A_709, %sign3A_712 : i32
      %ne3A_714 = arith.cmpi ne, %sign3A_706, %sign3A_713 : i32
      %rem3A_715 = arith.remsi %select_n3A_163, %jit3A_698 : i32
      %ne3A_716 = arith.constant 0 : i32
      %ne3A_717 = arith.cmpi ne, %rem3A_715, %ne3A_716 : i32
      %and3A_718 = arith.andi %ne3A_714, %ne3A_717 : i1
      %sub3A_719 = arith.constant 1 : i32
      %sub3A_720 = arith.subi %div3A_699, %sub3A_719 : i32
      %select_n3A_721 = arith.select %and3A_718, %sub3A_720, %div3A_699 : i32
      %mul3A_722 = arith.constant 16 : i32
      %mul3A_723 = arith.muli %select_n3A_721, %mul3A_722 : i32
      %get3A_724 = arith.index_cast %mul3A_723 : i32 to index
      %get3A_725 = tpu.vector_load %arg6[%get3A_724] {strides = array<i32>} : memref<32xi32, #tpu.memory_space<vmem>>, vector<16xi32>,
      %jit3A_726 = arith.constant 2 : i32
      %eq3A_727 = arith.constant 0 : i32
      %eq3A_728 = arith.cmpi eq, %jit3A_726, %eq3A_727 : i32
      %jit3A_729 = arith.constant 1 : i32
      %select_n3A_730 = arith.select %eq3A_728, %jit3A_729, %jit3A_726 : i32
      %rem3A_731 = arith.remsi %select_n3A_163, %select_n3A_730 : i32
      %ne3A_732 = arith.constant 0 : i32
      %ne3A_733 = arith.cmpi ne, %rem3A_731, %ne3A_732 : i32
      %lt3A_734 = arith.constant 0 : i32
      %lt3A_735 = arith.cmpi slt, %rem3A_731, %lt3A_734 : i32
      %lt3A_736 = arith.constant 0 : i32
      %lt3A_737 = arith.cmpi slt, %select_n3A_730, %lt3A_736 : i32
      %ne3A_738 = arith.xori %lt3A_735, %lt3A_737 : i1
      %and3A_739 = arith.andi %ne3A_738, %ne3A_733 : i1
      %add3A_740 = arith.addi %rem3A_731, %select_n3A_730 : i32
      %select_n3A_741 = arith.select %and3A_739, %add3A_740, %rem3A_731 : i32
      %mul3A_742 = arith.constant 8 : i32
      %mul3A_743 = arith.muli %select_n3A_741, %mul3A_742 : i32
      %add3A_744 = arith.constant 4 : i32
      %add3A_745 = arith.addi %mul3A_743, %add3A_744 : i32
      %iota3A_746 = tpu.iota {dimensions = array<i32: 0>} : vector<16xi32>
      %eq3A_747 = vector.broadcast %add3A_745 : i32 to vector<16xi32>
      %eq3A_748 = arith.cmpi eq, %iota3A_746, %eq3A_747 : vector<16xi32>
      %convert_element_type3A_749 = arith.sitofp %get3A_725 : vector<16xi32> to vector<16xf32>
      %jit3A_750 = arith.constant -1.000000e+00 : f32
      %broadcast_in_dim3A_751 = vector.broadcast %jit3A_750 : f32 to vector<16xf32>
      %select_n3A_752 = arith.select %eq3A_748, %convert_element_type3A_749, %broadcast_in_dim3A_751 : vector<16xi1>, vector<16xf32>
      %reduce_max3A_753 = arith.constant true
      %reduce_max3A_754 = vector.broadcast %reduce_max3A_753 : i1 to vector<16xi1>
      %reduce_max3A_755 = tpu.scan <max>, %select_n3A_752 masked %reduce_max3A_754 : vector<16xf32>, vector<16xi1> -> vector<16xf32>
      %reduce_max3A_756 = vector.extract %reduce_max3A_755[15] : f32 from vector<16xf32>
      %convert_element_type3A_757 = arith.fptosi %reduce_max3A_756 : f32 to i32
      %ge3A_758 = arith.cmpi sge, %convert_element_type3A_757, %mul3A_183 : i32
      %add3A_759 = arith.constant 4096 : i32
      %add3A_760 = arith.addi %mul3A_183, %add3A_759 : i32
      %lt3A_761 = arith.cmpi slt, %convert_element_type3A_757, %add3A_760 : i32
      %and3A_762 = arith.andi %ge3A_758, %lt3A_761 : i1
      %sub3A_763 = arith.subi %convert_element_type3A_757, %mul3A_183 : i32
      %jit3A_764 = arith.constant 0 : i32
      %select_n3A_765 = arith.select %and3A_762, %sub3A_763, %jit3A_764 : i32
      %jit3A_766 = arith.constant 16 : i32
      %div3A_767 = arith.divsi %select_n3A_765, %jit3A_766 : i32
      %sign3A_768 = arith.constant 0 : i32
      %sign3A_769 = arith.cmpi sgt, %select_n3A_765, %sign3A_768 : i32
      %sign3A_770 = arith.extui %sign3A_769 : i1 to i32
      %sign3A_771 = arith.constant 0 : i32
      %sign3A_772 = arith.cmpi slt, %select_n3A_765, %sign3A_771 : i32
      %sign3A_773 = arith.extui %sign3A_772 : i1 to i32
      %sign3A_774 = arith.subi %sign3A_770, %sign3A_773 : i32
      %sign3A_775 = arith.constant 0 : i32
      %sign3A_776 = arith.cmpi sgt, %jit3A_766, %sign3A_775 : i32
      %sign3A_777 = arith.extui %sign3A_776 : i1 to i32
      %sign3A_778 = arith.constant 0 : i32
      %sign3A_779 = arith.cmpi slt, %jit3A_766, %sign3A_778 : i32
      %sign3A_780 = arith.extui %sign3A_779 : i1 to i32
      %sign3A_781 = arith.subi %sign3A_777, %sign3A_780 : i32
      %ne3A_782 = arith.cmpi ne, %sign3A_774, %sign3A_781 : i32
      %rem3A_783 = arith.remsi %select_n3A_765, %jit3A_766 : i32
      %ne3A_784 = arith.constant 0 : i32
      %ne3A_785 = arith.cmpi ne, %rem3A_783, %ne3A_784 : i32
      %and3A_786 = arith.andi %ne3A_782, %ne3A_785 : i1
      %sub3A_787 = arith.constant 1 : i32
      %sub3A_788 = arith.subi %div3A_767, %sub3A_787 : i32
      %select_n3A_789 = arith.select %and3A_786, %sub3A_788, %div3A_767 : i32
      %mul3A_790 = arith.constant 16 : i32
      %mul3A_791 = arith.muli %select_n3A_789, %mul3A_790 : i32
      %sub3A_792 = arith.subi %select_n3A_765, %mul3A_791 : i32
      %get3A_793 = arith.constant 4 : i32
      %get3A_794 = arith.index_cast %get3A_793 : i32 to index
      %get3A_795 = arith.index_cast %mul3A_791 : i32 to index
      %get3A_796 = tpu.vector_load %arg7[%get3A_794, %get3A_795] {strides = array<i32>} : memref<8x4096xf32, #tpu.memory_space<vmem>>, vector<16xf32>,
      %eq3A_797 = vector.broadcast %sub3A_792 : i32 to vector<16xi32>
      %eq3A_798 = arith.cmpi eq, %iota3A, %eq3A_797 : vector<16xi32>
      %and3A_799 = vector.broadcast %and3A_762 : i1 to vector<16xi1>
      %and3A_800 = arith.andi %eq3A_798, %and3A_799 : vector<16xi1>
      %jit3A_801 = arith.constant -3.400000e+38 : f32
      %broadcast_in_dim3A_802 = vector.broadcast %jit3A_801 : f32 to vector<16xf32>
      %select_n3A_803 = arith.select %and3A_800, %get3A_796, %broadcast_in_dim3A_802 : vector<16xi1>, vector<16xf32>
      %reduce_max3A_804 = arith.constant true
      %reduce_max3A_805 = vector.broadcast %reduce_max3A_804 : i1 to vector<16xi1>
      %reduce_max3A_806 = tpu.scan <max>, %select_n3A_803 masked %reduce_max3A_805 : vector<16xf32>, vector<16xi1> -> vector<16xf32>
      %reduce_max3A_807 = vector.extract %reduce_max3A_806[15] : f32 from vector<16xf32>
      %jit3A_808 = arith.constant -3.400000e+38 : f32
      %select_n3A_809 = arith.select %and3A_762, %reduce_max3A_807, %jit3A_808 : f32
      %max3A_810 = arith.maximumf %select_n3A_217, %select_n3A_809 : f32
      %jit3A_811 = arith.constant -1.000000e+10 : f32
      %broadcast_in_dim3A_812 = vector.broadcast %jit3A_811 : f32 to vector<16xf32>
      %select_n3A_813 = arith.select %and3A_800, %broadcast_in_dim3A_812, %get3A_796 : vector<16xi1>, vector<16xf32>
      %swap3A_814 = arith.constant 4 : i32
      %swap3A_815 = arith.index_cast %swap3A_814 : i32 to index
      %swap3A_816 = arith.index_cast %mul3A_791 : i32 to index
      %swap3A_817 = tpu.vector_load %arg7[%swap3A_815, %swap3A_816] {strides = array<i32>} : memref<8x4096xf32, #tpu.memory_space<vmem>>, vector<16xf32>,
      tpu.vector_store %arg7[%swap3A_815, %swap3A_816], %select_n3A_813 {strides = array<i32>} : memref<8x4096xf32, #tpu.memory_space<vmem>>, vector<16xf32>,
      %jit3A_818 = arith.constant 2 : i32
      %div3A_819 = arith.divsi %select_n3A_163, %jit3A_818 : i32
      %sign3A_820 = arith.constant 0 : i32
      %sign3A_821 = arith.cmpi sgt, %select_n3A_163, %sign3A_820 : i32
      %sign3A_822 = arith.extui %sign3A_821 : i1 to i32
      %sign3A_823 = arith.constant 0 : i32
      %sign3A_824 = arith.cmpi slt, %select_n3A_163, %sign3A_823 : i32
      %sign3A_825 = arith.extui %sign3A_824 : i1 to i32
      %sign3A_826 = arith.subi %sign3A_822, %sign3A_825 : i32
      %sign3A_827 = arith.constant 0 : i32
      %sign3A_828 = arith.cmpi sgt, %jit3A_818, %sign3A_827 : i32
      %sign3A_829 = arith.extui %sign3A_828 : i1 to i32
      %sign3A_830 = arith.constant 0 : i32
      %sign3A_831 = arith.cmpi slt, %jit3A_818, %sign3A_830 : i32
      %sign3A_832 = arith.extui %sign3A_831 : i1 to i32
      %sign3A_833 = arith.subi %sign3A_829, %sign3A_832 : i32
      %ne3A_834 = arith.cmpi ne, %sign3A_826, %sign3A_833 : i32
      %rem3A_835 = arith.remsi %select_n3A_163, %jit3A_818 : i32
      %ne3A_836 = arith.constant 0 : i32
      %ne3A_837 = arith.cmpi ne, %rem3A_835, %ne3A_836 : i32
      %and3A_838 = arith.andi %ne3A_834, %ne3A_837 : i1
      %sub3A_839 = arith.constant 1 : i32
      %sub3A_840 = arith.subi %div3A_819, %sub3A_839 : i32
      %select_n3A_841 = arith.select %and3A_838, %sub3A_840, %div3A_819 : i32
      %mul3A_842 = arith.constant 16 : i32
      %mul3A_843 = arith.muli %select_n3A_841, %mul3A_842 : i32
      %get3A_844 = arith.index_cast %mul3A_843 : i32 to index
      %get3A_845 = tpu.vector_load %arg6[%get3A_844] {strides = array<i32>} : memref<32xi32, #tpu.memory_space<vmem>>, vector<16xi32>,
      %jit3A_846 = arith.constant 2 : i32
      %eq3A_847 = arith.constant 0 : i32
      %eq3A_848 = arith.cmpi eq, %jit3A_846, %eq3A_847 : i32
      %jit3A_849 = arith.constant 1 : i32
      %select_n3A_850 = arith.select %eq3A_848, %jit3A_849, %jit3A_846 : i32
      %rem3A_851 = arith.remsi %select_n3A_163, %select_n3A_850 : i32
      %ne3A_852 = arith.constant 0 : i32
      %ne3A_853 = arith.cmpi ne, %rem3A_851, %ne3A_852 : i32
      %lt3A_854 = arith.constant 0 : i32
      %lt3A_855 = arith.cmpi slt, %rem3A_851, %lt3A_854 : i32
      %lt3A_856 = arith.constant 0 : i32
      %lt3A_857 = arith.cmpi slt, %select_n3A_850, %lt3A_856 : i32
      %ne3A_858 = arith.xori %lt3A_855, %lt3A_857 : i1
      %and3A_859 = arith.andi %ne3A_858, %ne3A_853 : i1
      %add3A_860 = arith.addi %rem3A_851, %select_n3A_850 : i32
      %select_n3A_861 = arith.select %and3A_859, %add3A_860, %rem3A_851 : i32
      %mul3A_862 = arith.constant 8 : i32
      %mul3A_863 = arith.muli %select_n3A_861, %mul3A_862 : i32
      %add3A_864 = arith.constant 5 : i32
      %add3A_865 = arith.addi %mul3A_863, %add3A_864 : i32
      %iota3A_866 = tpu.iota {dimensions = array<i32: 0>} : vector<16xi32>
      %eq3A_867 = vector.broadcast %add3A_865 : i32 to vector<16xi32>
      %eq3A_868 = arith.cmpi eq, %iota3A_866, %eq3A_867 : vector<16xi32>
      %convert_element_type3A_869 = arith.sitofp %get3A_845 : vector<16xi32> to vector<16xf32>
      %jit3A_870 = arith.constant -1.000000e+00 : f32
      %broadcast_in_dim3A_871 = vector.broadcast %jit3A_870 : f32 to vector<16xf32>
      %select_n3A_872 = arith.select %eq3A_868, %convert_element_type3A_869, %broadcast_in_dim3A_871 : vector<16xi1>, vector<16xf32>
      %reduce_max3A_873 = arith.constant true
      %reduce_max3A_874 = vector.broadcast %reduce_max3A_873 : i1 to vector<16xi1>
      %reduce_max3A_875 = tpu.scan <max>, %select_n3A_872 masked %reduce_max3A_874 : vector<16xf32>, vector<16xi1> -> vector<16xf32>
      %reduce_max3A_876 = vector.extract %reduce_max3A_875[15] : f32 from vector<16xf32>
      %convert_element_type3A_877 = arith.fptosi %reduce_max3A_876 : f32 to i32
      %ge3A_878 = arith.cmpi sge, %convert_element_type3A_877, %mul3A_183 : i32
      %add3A_879 = arith.constant 4096 : i32
      %add3A_880 = arith.addi %mul3A_183, %add3A_879 : i32
      %lt3A_881 = arith.cmpi slt, %convert_element_type3A_877, %add3A_880 : i32
      %and3A_882 = arith.andi %ge3A_878, %lt3A_881 : i1
      %sub3A_883 = arith.subi %convert_element_type3A_877, %mul3A_183 : i32
      %jit3A_884 = arith.constant 0 : i32
      %select_n3A_885 = arith.select %and3A_882, %sub3A_883, %jit3A_884 : i32
      %jit3A_886 = arith.constant 16 : i32
      %div3A_887 = arith.divsi %select_n3A_885, %jit3A_886 : i32
      %sign3A_888 = arith.constant 0 : i32
      %sign3A_889 = arith.cmpi sgt, %select_n3A_885, %sign3A_888 : i32
      %sign3A_890 = arith.extui %sign3A_889 : i1 to i32
      %sign3A_891 = arith.constant 0 : i32
      %sign3A_892 = arith.cmpi slt, %select_n3A_885, %sign3A_891 : i32
      %sign3A_893 = arith.extui %sign3A_892 : i1 to i32
      %sign3A_894 = arith.subi %sign3A_890, %sign3A_893 : i32
      %sign3A_895 = arith.constant 0 : i32
      %sign3A_896 = arith.cmpi sgt, %jit3A_886, %sign3A_895 : i32
      %sign3A_897 = arith.extui %sign3A_896 : i1 to i32
      %sign3A_898 = arith.constant 0 : i32
      %sign3A_899 = arith.cmpi slt, %jit3A_886, %sign3A_898 : i32
      %sign3A_900 = arith.extui %sign3A_899 : i1 to i32
      %sign3A_901 = arith.subi %sign3A_897, %sign3A_900 : i32
      %ne3A_902 = arith.cmpi ne, %sign3A_894, %sign3A_901 : i32
      %rem3A_903 = arith.remsi %select_n3A_885, %jit3A_886 : i32
      %ne3A_904 = arith.constant 0 : i32
      %ne3A_905 = arith.cmpi ne, %rem3A_903, %ne3A_904 : i32
      %and3A_906 = arith.andi %ne3A_902, %ne3A_905 : i1
      %sub3A_907 = arith.constant 1 : i32
      %sub3A_908 = arith.subi %div3A_887, %sub3A_907 : i32
      %select_n3A_909 = arith.select %and3A_906, %sub3A_908, %div3A_887 : i32
      %mul3A_910 = arith.constant 16 : i32
      %mul3A_911 = arith.muli %select_n3A_909, %mul3A_910 : i32
      %sub3A_912 = arith.subi %select_n3A_885, %mul3A_911 : i32
      %get3A_913 = arith.constant 5 : i32
      %get3A_914 = arith.index_cast %get3A_913 : i32 to index
      %get3A_915 = arith.index_cast %mul3A_911 : i32 to index
      %get3A_916 = tpu.vector_load %arg7[%get3A_914, %get3A_915] {strides = array<i32>} : memref<8x4096xf32, #tpu.memory_space<vmem>>, vector<16xf32>,
      %eq3A_917 = vector.broadcast %sub3A_912 : i32 to vector<16xi32>
      %eq3A_918 = arith.cmpi eq, %iota3A, %eq3A_917 : vector<16xi32>
      %and3A_919 = vector.broadcast %and3A_882 : i1 to vector<16xi1>
      %and3A_920 = arith.andi %eq3A_918, %and3A_919 : vector<16xi1>
      %jit3A_921 = arith.constant -3.400000e+38 : f32
      %broadcast_in_dim3A_922 = vector.broadcast %jit3A_921 : f32 to vector<16xf32>
      %select_n3A_923 = arith.select %and3A_920, %get3A_916, %broadcast_in_dim3A_922 : vector<16xi1>, vector<16xf32>
      %reduce_max3A_924 = arith.constant true
      %reduce_max3A_925 = vector.broadcast %reduce_max3A_924 : i1 to vector<16xi1>
      %reduce_max3A_926 = tpu.scan <max>, %select_n3A_923 masked %reduce_max3A_925 : vector<16xf32>, vector<16xi1> -> vector<16xf32>
      %reduce_max3A_927 = vector.extract %reduce_max3A_926[15] : f32 from vector<16xf32>
      %jit3A_928 = arith.constant -3.400000e+38 : f32
      %select_n3A_929 = arith.select %and3A_882, %reduce_max3A_927, %jit3A_928 : f32
      %max3A_930 = arith.maximumf %select_n3A_219, %select_n3A_929 : f32
      %jit3A_931 = arith.constant -1.000000e+10 : f32
      %broadcast_in_dim3A_932 = vector.broadcast %jit3A_931 : f32 to vector<16xf32>
      %select_n3A_933 = arith.select %and3A_920, %broadcast_in_dim3A_932, %get3A_916 : vector<16xi1>, vector<16xf32>
      %swap3A_934 = arith.constant 5 : i32
      %swap3A_935 = arith.index_cast %swap3A_934 : i32 to index
      %swap3A_936 = arith.index_cast %mul3A_911 : i32 to index
      %swap3A_937 = tpu.vector_load %arg7[%swap3A_935, %swap3A_936] {strides = array<i32>} : memref<8x4096xf32, #tpu.memory_space<vmem>>, vector<16xf32>,
      tpu.vector_store %arg7[%swap3A_935, %swap3A_936], %select_n3A_933 {strides = array<i32>} : memref<8x4096xf32, #tpu.memory_space<vmem>>, vector<16xf32>,
      %jit3A_938 = arith.constant 2 : i32
      %div3A_939 = arith.divsi %select_n3A_163, %jit3A_938 : i32
      %sign3A_940 = arith.constant 0 : i32
      %sign3A_941 = arith.cmpi sgt, %select_n3A_163, %sign3A_940 : i32
      %sign3A_942 = arith.extui %sign3A_941 : i1 to i32
      %sign3A_943 = arith.constant 0 : i32
      %sign3A_944 = arith.cmpi slt, %select_n3A_163, %sign3A_943 : i32
      %sign3A_945 = arith.extui %sign3A_944 : i1 to i32
      %sign3A_946 = arith.subi %sign3A_942, %sign3A_945 : i32
      %sign3A_947 = arith.constant 0 : i32
      %sign3A_948 = arith.cmpi sgt, %jit3A_938, %sign3A_947 : i32
      %sign3A_949 = arith.extui %sign3A_948 : i1 to i32
      %sign3A_950 = arith.constant 0 : i32
      %sign3A_951 = arith.cmpi slt, %jit3A_938, %sign3A_950 : i32
      %sign3A_952 = arith.extui %sign3A_951 : i1 to i32
      %sign3A_953 = arith.subi %sign3A_949, %sign3A_952 : i32
      %ne3A_954 = arith.cmpi ne, %sign3A_946, %sign3A_953 : i32
      %rem3A_955 = arith.remsi %select_n3A_163, %jit3A_938 : i32
      %ne3A_956 = arith.constant 0 : i32
      %ne3A_957 = arith.cmpi ne, %rem3A_955, %ne3A_956 : i32
      %and3A_958 = arith.andi %ne3A_954, %ne3A_957 : i1
      %sub3A_959 = arith.constant 1 : i32
      %sub3A_960 = arith.subi %div3A_939, %sub3A_959 : i32
      %select_n3A_961 = arith.select %and3A_958, %sub3A_960, %div3A_939 : i32
      %mul3A_962 = arith.constant 16 : i32
      %mul3A_963 = arith.muli %select_n3A_961, %mul3A_962 : i32
      %get3A_964 = arith.index_cast %mul3A_963 : i32 to index
      %get3A_965 = tpu.vector_load %arg6[%get3A_964] {strides = array<i32>} : memref<32xi32, #tpu.memory_space<vmem>>, vector<16xi32>,
      %jit3A_966 = arith.constant 2 : i32
      %eq3A_967 = arith.constant 0 : i32
      %eq3A_968 = arith.cmpi eq, %jit3A_966, %eq3A_967 : i32
      %jit3A_969 = arith.constant 1 : i32
      %select_n3A_970 = arith.select %eq3A_968, %jit3A_969, %jit3A_966 : i32
      %rem3A_971 = arith.remsi %select_n3A_163, %select_n3A_970 : i32
      %ne3A_972 = arith.constant 0 : i32
      %ne3A_973 = arith.cmpi ne, %rem3A_971, %ne3A_972 : i32
      %lt3A_974 = arith.constant 0 : i32
      %lt3A_975 = arith.cmpi slt, %rem3A_971, %lt3A_974 : i32
      %lt3A_976 = arith.constant 0 : i32
      %lt3A_977 = arith.cmpi slt, %select_n3A_970, %lt3A_976 : i32
      %ne3A_978 = arith.xori %lt3A_975, %lt3A_977 : i1
      %and3A_979 = arith.andi %ne3A_978, %ne3A_973 : i1
      %add3A_980 = arith.addi %rem3A_971, %select_n3A_970 : i32
      %select_n3A_981 = arith.select %and3A_979, %add3A_980, %rem3A_971 : i32
      %mul3A_982 = arith.constant 8 : i32
      %mul3A_983 = arith.muli %select_n3A_981, %mul3A_982 : i32
      %add3A_984 = arith.constant 6 : i32
      %add3A_985 = arith.addi %mul3A_983, %add3A_984 : i32
      %iota3A_986 = tpu.iota {dimensions = array<i32: 0>} : vector<16xi32>
      %eq3A_987 = vector.broadcast %add3A_985 : i32 to vector<16xi32>
      %eq3A_988 = arith.cmpi eq, %iota3A_986, %eq3A_987 : vector<16xi32>
      %convert_element_type3A_989 = arith.sitofp %get3A_965 : vector<16xi32> to vector<16xf32>
      %jit3A_990 = arith.constant -1.000000e+00 : f32
      %broadcast_in_dim3A_991 = vector.broadcast %jit3A_990 : f32 to vector<16xf32>
      %select_n3A_992 = arith.select %eq3A_988, %convert_element_type3A_989, %broadcast_in_dim3A_991 : vector<16xi1>, vector<16xf32>
      %reduce_max3A_993 = arith.constant true
      %reduce_max3A_994 = vector.broadcast %reduce_max3A_993 : i1 to vector<16xi1>
      %reduce_max3A_995 = tpu.scan <max>, %select_n3A_992 masked %reduce_max3A_994 : vector<16xf32>, vector<16xi1> -> vector<16xf32>
      %reduce_max3A_996 = vector.extract %reduce_max3A_995[15] : f32 from vector<16xf32>
      %convert_element_type3A_997 = arith.fptosi %reduce_max3A_996 : f32 to i32
      %ge3A_998 = arith.cmpi sge, %convert_element_type3A_997, %mul3A_183 : i32
      %add3A_999 = arith.constant 4096 : i32
      %add3A_1000 = arith.addi %mul3A_183, %add3A_999 : i32
      %lt3A_1001 = arith.cmpi slt, %convert_element_type3A_997, %add3A_1000 : i32
      %and3A_1002 = arith.andi %ge3A_998, %lt3A_1001 : i1
      %sub3A_1003 = arith.subi %convert_element_type3A_997, %mul3A_183 : i32
      %jit3A_1004 = arith.constant 0 : i32
      %select_n3A_1005 = arith.select %and3A_1002, %sub3A_1003, %jit3A_1004 : i32
      %jit3A_1006 = arith.constant 16 : i32
      %div3A_1007 = arith.divsi %select_n3A_1005, %jit3A_1006 : i32
      %sign3A_1008 = arith.constant 0 : i32
      %sign3A_1009 = arith.cmpi sgt, %select_n3A_1005, %sign3A_1008 : i32
      %sign3A_1010 = arith.extui %sign3A_1009 : i1 to i32
      %sign3A_1011 = arith.constant 0 : i32
      %sign3A_1012 = arith.cmpi slt, %select_n3A_1005, %sign3A_1011 : i32
      %sign3A_1013 = arith.extui %sign3A_1012 : i1 to i32
      %sign3A_1014 = arith.subi %sign3A_1010, %sign3A_1013 : i32
      %sign3A_1015 = arith.constant 0 : i32
      %sign3A_1016 = arith.cmpi sgt, %jit3A_1006, %sign3A_1015 : i32
      %sign3A_1017 = arith.extui %sign3A_1016 : i1 to i32
      %sign3A_1018 = arith.constant 0 : i32
      %sign3A_1019 = arith.cmpi slt, %jit3A_1006, %sign3A_1018 : i32
      %sign3A_1020 = arith.extui %sign3A_1019 : i1 to i32
      %sign3A_1021 = arith.subi %sign3A_1017, %sign3A_1020 : i32
      %ne3A_1022 = arith.cmpi ne, %sign3A_1014, %sign3A_1021 : i32
      %rem3A_1023 = arith.remsi %select_n3A_1005, %jit3A_1006 : i32
      %ne3A_1024 = arith.constant 0 : i32
      %ne3A_1025 = arith.cmpi ne, %rem3A_1023, %ne3A_1024 : i32
      %and3A_1026 = arith.andi %ne3A_1022, %ne3A_1025 : i1
      %sub3A_1027 = arith.constant 1 : i32
      %sub3A_1028 = arith.subi %div3A_1007, %sub3A_1027 : i32
      %select_n3A_1029 = arith.select %and3A_1026, %sub3A_1028, %div3A_1007 : i32
      %mul3A_1030 = arith.constant 16 : i32
      %mul3A_1031 = arith.muli %select_n3A_1029, %mul3A_1030 : i32
      %sub3A_1032 = arith.subi %select_n3A_1005, %mul3A_1031 : i32
      %get3A_1033 = arith.constant 6 : i32
      %get3A_1034 = arith.index_cast %get3A_1033 : i32 to index
      %get3A_1035 = arith.index_cast %mul3A_1031 : i32 to index
      %get3A_1036 = tpu.vector_load %arg7[%get3A_1034, %get3A_1035] {strides = array<i32>} : memref<8x4096xf32, #tpu.memory_space<vmem>>, vector<16xf32>,
      %eq3A_1037 = vector.broadcast %sub3A_1032 : i32 to vector<16xi32>
      %eq3A_1038 = arith.cmpi eq, %iota3A, %eq3A_1037 : vector<16xi32>
      %and3A_1039 = vector.broadcast %and3A_1002 : i1 to vector<16xi1>
      %and3A_1040 = arith.andi %eq3A_1038, %and3A_1039 : vector<16xi1>
      %jit3A_1041 = arith.constant -3.400000e+38 : f32
      %broadcast_in_dim3A_1042 = vector.broadcast %jit3A_1041 : f32 to vector<16xf32>
      %select_n3A_1043 = arith.select %and3A_1040, %get3A_1036, %broadcast_in_dim3A_1042 : vector<16xi1>, vector<16xf32>
      %reduce_max3A_1044 = arith.constant true
      %reduce_max3A_1045 = vector.broadcast %reduce_max3A_1044 : i1 to vector<16xi1>
      %reduce_max3A_1046 = tpu.scan <max>, %select_n3A_1043 masked %reduce_max3A_1045 : vector<16xf32>, vector<16xi1> -> vector<16xf32>
      %reduce_max3A_1047 = vector.extract %reduce_max3A_1046[15] : f32 from vector<16xf32>
      %jit3A_1048 = arith.constant -3.400000e+38 : f32
      %select_n3A_1049 = arith.select %and3A_1002, %reduce_max3A_1047, %jit3A_1048 : f32
      %max3A_1050 = arith.maximumf %select_n3A_221, %select_n3A_1049 : f32
      %jit3A_1051 = arith.constant -1.000000e+10 : f32
      %broadcast_in_dim3A_1052 = vector.broadcast %jit3A_1051 : f32 to vector<16xf32>
      %select_n3A_1053 = arith.select %and3A_1040, %broadcast_in_dim3A_1052, %get3A_1036 : vector<16xi1>, vector<16xf32>
      %swap3A_1054 = arith.constant 6 : i32
      %swap3A_1055 = arith.index_cast %swap3A_1054 : i32 to index
      %swap3A_1056 = arith.index_cast %mul3A_1031 : i32 to index
      %swap3A_1057 = tpu.vector_load %arg7[%swap3A_1055, %swap3A_1056] {strides = array<i32>} : memref<8x4096xf32, #tpu.memory_space<vmem>>, vector<16xf32>,
      tpu.vector_store %arg7[%swap3A_1055, %swap3A_1056], %select_n3A_1053 {strides = array<i32>} : memref<8x4096xf32, #tpu.memory_space<vmem>>, vector<16xf32>,
      %jit3A_1058 = arith.constant 2 : i32
      %div3A_1059 = arith.divsi %select_n3A_163, %jit3A_1058 : i32
      %sign3A_1060 = arith.constant 0 : i32
      %sign3A_1061 = arith.cmpi sgt, %select_n3A_163, %sign3A_1060 : i32
      %sign3A_1062 = arith.extui %sign3A_1061 : i1 to i32
      %sign3A_1063 = arith.constant 0 : i32
      %sign3A_1064 = arith.cmpi slt, %select_n3A_163, %sign3A_1063 : i32
      %sign3A_1065 = arith.extui %sign3A_1064 : i1 to i32
      %sign3A_1066 = arith.subi %sign3A_1062, %sign3A_1065 : i32
      %sign3A_1067 = arith.constant 0 : i32
      %sign3A_1068 = arith.cmpi sgt, %jit3A_1058, %sign3A_1067 : i32
      %sign3A_1069 = arith.extui %sign3A_1068 : i1 to i32
      %sign3A_1070 = arith.constant 0 : i32
      %sign3A_1071 = arith.cmpi slt, %jit3A_1058, %sign3A_1070 : i32
      %sign3A_1072 = arith.extui %sign3A_1071 : i1 to i32
      %sign3A_1073 = arith.subi %sign3A_1069, %sign3A_1072 : i32
      %ne3A_1074 = arith.cmpi ne, %sign3A_1066, %sign3A_1073 : i32
      %rem3A_1075 = arith.remsi %select_n3A_163, %jit3A_1058 : i32
      %ne3A_1076 = arith.constant 0 : i32
      %ne3A_1077 = arith.cmpi ne, %rem3A_1075, %ne3A_1076 : i32
      %and3A_1078 = arith.andi %ne3A_1074, %ne3A_1077 : i1
      %sub3A_1079 = arith.constant 1 : i32
      %sub3A_1080 = arith.subi %div3A_1059, %sub3A_1079 : i32
      %select_n3A_1081 = arith.select %and3A_1078, %sub3A_1080, %div3A_1059 : i32
      %mul3A_1082 = arith.constant 16 : i32
      %mul3A_1083 = arith.muli %select_n3A_1081, %mul3A_1082 : i32
      %get3A_1084 = arith.index_cast %mul3A_1083 : i32 to index
      %get3A_1085 = tpu.vector_load %arg6[%get3A_1084] {strides = array<i32>} : memref<32xi32, #tpu.memory_space<vmem>>, vector<16xi32>,
      %jit3A_1086 = arith.constant 2 : i32
      %eq3A_1087 = arith.constant 0 : i32
      %eq3A_1088 = arith.cmpi eq, %jit3A_1086, %eq3A_1087 : i32
      %jit3A_1089 = arith.constant 1 : i32
      %select_n3A_1090 = arith.select %eq3A_1088, %jit3A_1089, %jit3A_1086 : i32
      %rem3A_1091 = arith.remsi %select_n3A_163, %select_n3A_1090 : i32
      %ne3A_1092 = arith.constant 0 : i32
      %ne3A_1093 = arith.cmpi ne, %rem3A_1091, %ne3A_1092 : i32
      %lt3A_1094 = arith.constant 0 : i32
      %lt3A_1095 = arith.cmpi slt, %rem3A_1091, %lt3A_1094 : i32
      %lt3A_1096 = arith.constant 0 : i32
      %lt3A_1097 = arith.cmpi slt, %select_n3A_1090, %lt3A_1096 : i32
      %ne3A_1098 = arith.xori %lt3A_1095, %lt3A_1097 : i1
      %and3A_1099 = arith.andi %ne3A_1098, %ne3A_1093 : i1
      %add3A_1100 = arith.addi %rem3A_1091, %select_n3A_1090 : i32
      %select_n3A_1101 = arith.select %and3A_1099, %add3A_1100, %rem3A_1091 : i32
      %mul3A_1102 = arith.constant 8 : i32
      %mul3A_1103 = arith.muli %select_n3A_1101, %mul3A_1102 : i32
      %add3A_1104 = arith.constant 7 : i32
      %add3A_1105 = arith.addi %mul3A_1103, %add3A_1104 : i32
      %iota3A_1106 = tpu.iota {dimensions = array<i32: 0>} : vector<16xi32>
      %eq3A_1107 = vector.broadcast %add3A_1105 : i32 to vector<16xi32>
      %eq3A_1108 = arith.cmpi eq, %iota3A_1106, %eq3A_1107 : vector<16xi32>
      %convert_element_type3A_1109 = arith.sitofp %get3A_1085 : vector<16xi32> to vector<16xf32>
      %jit3A_1110 = arith.constant -1.000000e+00 : f32
      %broadcast_in_dim3A_1111 = vector.broadcast %jit3A_1110 : f32 to vector<16xf32>
      %select_n3A_1112 = arith.select %eq3A_1108, %convert_element_type3A_1109, %broadcast_in_dim3A_1111 : vector<16xi1>, vector<16xf32>
      %reduce_max3A_1113 = arith.constant true
      %reduce_max3A_1114 = vector.broadcast %reduce_max3A_1113 : i1 to vector<16xi1>
      %reduce_max3A_1115 = tpu.scan <max>, %select_n3A_1112 masked %reduce_max3A_1114 : vector<16xf32>, vector<16xi1> -> vector<16xf32>
      %reduce_max3A_1116 = vector.extract %reduce_max3A_1115[15] : f32 from vector<16xf32>
      %convert_element_type3A_1117 = arith.fptosi %reduce_max3A_1116 : f32 to i32
      %ge3A_1118 = arith.cmpi sge, %convert_element_type3A_1117, %mul3A_183 : i32
      %add3A_1119 = arith.constant 4096 : i32
      %add3A_1120 = arith.addi %mul3A_183, %add3A_1119 : i32
      %lt3A_1121 = arith.cmpi slt, %convert_element_type3A_1117, %add3A_1120 : i32
      %and3A_1122 = arith.andi %ge3A_1118, %lt3A_1121 : i1
      %sub3A_1123 = arith.subi %convert_element_type3A_1117, %mul3A_183 : i32
      %jit3A_1124 = arith.constant 0 : i32
      %select_n3A_1125 = arith.select %and3A_1122, %sub3A_1123, %jit3A_1124 : i32
      %jit3A_1126 = arith.constant 16 : i32
      %div3A_1127 = arith.divsi %select_n3A_1125, %jit3A_1126 : i32
      %sign3A_1128 = arith.constant 0 : i32
      %sign3A_1129 = arith.cmpi sgt, %select_n3A_1125, %sign3A_1128 : i32
      %sign3A_1130 = arith.extui %sign3A_1129 : i1 to i32
      %sign3A_1131 = arith.constant 0 : i32
      %sign3A_1132 = arith.cmpi slt, %select_n3A_1125, %sign3A_1131 : i32
      %sign3A_1133 = arith.extui %sign3A_1132 : i1 to i32
      %sign3A_1134 = arith.subi %sign3A_1130, %sign3A_1133 : i32
      %sign3A_1135 = arith.constant 0 : i32
      %sign3A_1136 = arith.cmpi sgt, %jit3A_1126, %sign3A_1135 : i32
      %sign3A_1137 = arith.extui %sign3A_1136 : i1 to i32
      %sign3A_1138 = arith.constant 0 : i32
      %sign3A_1139 = arith.cmpi slt, %jit3A_1126, %sign3A_1138 : i32
      %sign3A_1140 = arith.extui %sign3A_1139 : i1 to i32
      %sign3A_1141 = arith.subi %sign3A_1137, %sign3A_1140 : i32
      %ne3A_1142 = arith.cmpi ne, %sign3A_1134, %sign3A_1141 : i32
      %rem3A_1143 = arith.remsi %select_n3A_1125, %jit3A_1126 : i32
      %ne3A_1144 = arith.constant 0 : i32
      %ne3A_1145 = arith.cmpi ne, %rem3A_1143, %ne3A_1144 : i32
      %and3A_1146 = arith.andi %ne3A_1142, %ne3A_1145 : i1
      %sub3A_1147 = arith.constant 1 : i32
      %sub3A_1148 = arith.subi %div3A_1127, %sub3A_1147 : i32
      %select_n3A_1149 = arith.select %and3A_1146, %sub3A_1148, %div3A_1127 : i32
      %mul3A_1150 = arith.constant 16 : i32
      %mul3A_1151 = arith.muli %select_n3A_1149, %mul3A_1150 : i32
      %sub3A_1152 = arith.subi %select_n3A_1125, %mul3A_1151 : i32
      %get3A_1153 = arith.constant 7 : i32
      %get3A_1154 = arith.index_cast %get3A_1153 : i32 to index
      %get3A_1155 = arith.index_cast %mul3A_1151 : i32 to index
      %get3A_1156 = tpu.vector_load %arg7[%get3A_1154, %get3A_1155] {strides = array<i32>} : memref<8x4096xf32, #tpu.memory_space<vmem>>, vector<16xf32>,
      %eq3A_1157 = vector.broadcast %sub3A_1152 : i32 to vector<16xi32>
      %eq3A_1158 = arith.cmpi eq, %iota3A, %eq3A_1157 : vector<16xi32>
      %and3A_1159 = vector.broadcast %and3A_1122 : i1 to vector<16xi1>
      %and3A_1160 = arith.andi %eq3A_1158, %and3A_1159 : vector<16xi1>
      %jit3A_1161 = arith.constant -3.400000e+38 : f32
      %broadcast_in_dim3A_1162 = vector.broadcast %jit3A_1161 : f32 to vector<16xf32>
      %select_n3A_1163 = arith.select %and3A_1160, %get3A_1156, %broadcast_in_dim3A_1162 : vector<16xi1>, vector<16xf32>
      %reduce_max3A_1164 = arith.constant true
      %reduce_max3A_1165 = vector.broadcast %reduce_max3A_1164 : i1 to vector<16xi1>
      %reduce_max3A_1166 = tpu.scan <max>, %select_n3A_1163 masked %reduce_max3A_1165 : vector<16xf32>, vector<16xi1> -> vector<16xf32>
      %reduce_max3A_1167 = vector.extract %reduce_max3A_1166[15] : f32 from vector<16xf32>
      %jit3A_1168 = arith.constant -3.400000e+38 : f32
      %select_n3A_1169 = arith.select %and3A_1122, %reduce_max3A_1167, %jit3A_1168 : f32
      %max3A_1170 = arith.maximumf %select_n3A_223, %select_n3A_1169 : f32
      %jit3A_1171 = arith.constant -1.000000e+10 : f32
      %broadcast_in_dim3A_1172 = vector.broadcast %jit3A_1171 : f32 to vector<16xf32>
      %select_n3A_1173 = arith.select %and3A_1160, %broadcast_in_dim3A_1172, %get3A_1156 : vector<16xi1>, vector<16xf32>
      %swap3A_1174 = arith.constant 7 : i32
      %swap3A_1175 = arith.index_cast %swap3A_1174 : i32 to index
      %swap3A_1176 = arith.index_cast %mul3A_1151 : i32 to index
      %swap3A_1177 = tpu.vector_load %arg7[%swap3A_1175, %swap3A_1176] {strides = array<i32>} : memref<8x4096xf32, #tpu.memory_space<vmem>>, vector<16xf32>,
      tpu.vector_store %arg7[%swap3A_1175, %swap3A_1176], %select_n3A_1173 {strides = array<i32>} : memref<8x4096xf32, #tpu.memory_space<vmem>>, vector<16xf32>,
      %scan3A_1178 = arith.constant 0 : i32
      %scan3A_1179 = arith.constant 32 : i32
      %scan3A_1180 = arith.addi %scan3A_1178, %scan3A_1179 : i32
      %scan3A_1181 = arith.constant 1 : i32
      %scan3A_1182:8 = scf.for %scan3A_2380 = %scan3A_1178 to %scan3A_1180 step %scan3A_1181 iter_args(%scan3A_2381 = %select_n3A_186, %scan3A_2382 = %select_n3A_189, %scan3A_2383 = %select_n3A_192, %scan3A_2384 = %select_n3A_195, %scan3A_2385 = %select_n3A_198, %scan3A_2386 = %select_n3A_201, %scan3A_2387 = %select_n3A_204, %scan3A_2388 = %select_n3A_207) -> (vector<16xf32>, vector<16xf32>, vector<16xf32>, vector<16xf32>, vector<16xf32>, vector<16xf32>, vector<16xf32>, vector<16xf32>)  : i32 {
        %mul3A_2389 = arith.constant 128 : i32
        %mul3A_2390 = arith.muli %scan3A_2380, %mul3A_2389 : i32
        %add3A_2391 = arith.constant 0 : i32
        %add3A_2392 = arith.addi %mul3A_2390, %add3A_2391 : i32
        %get3A_2393 = arith.constant 0 : i32
        %get3A_2394 = arith.index_cast %get3A_2393 : i32 to index
        %get3A_2395 = arith.index_cast %add3A_2392 : i32 to index
        %get3A_2396 = tpu.vector_load %arg7[%get3A_2394, %get3A_2395] {strides = array<i32>} : memref<8x4096xf32, #tpu.memory_space<vmem>>, vector<16xf32>,
        %max3A_2397 = arith.maximumf %scan3A_2381, %get3A_2396 : vector<16xf32>
        %add3A_2398 = arith.constant 16 : i32
        %add3A_2399 = arith.addi %mul3A_2390, %add3A_2398 : i32
        %get3A_2400 = arith.constant 0 : i32
        %get3A_2401 = arith.index_cast %get3A_2400 : i32 to index
        %get3A_2402 = arith.index_cast %add3A_2399 : i32 to index
        %get3A_2403 = tpu.vector_load %arg7[%get3A_2401, %get3A_2402] {strides = array<i32>} : memref<8x4096xf32, #tpu.memory_space<vmem>>, vector<16xf32>,
        %max3A_2404 = arith.maximumf %max3A_2397, %get3A_2403 : vector<16xf32>
        %add3A_2405 = arith.constant 32 : i32
        %add3A_2406 = arith.addi %mul3A_2390, %add3A_2405 : i32
        %get3A_2407 = arith.constant 0 : i32
        %get3A_2408 = arith.index_cast %get3A_2407 : i32 to index
        %get3A_2409 = arith.index_cast %add3A_2406 : i32 to index
        %get3A_2410 = tpu.vector_load %arg7[%get3A_2408, %get3A_2409] {strides = array<i32>} : memref<8x4096xf32, #tpu.memory_space<vmem>>, vector<16xf32>,
        %max3A_2411 = arith.maximumf %max3A_2404, %get3A_2410 : vector<16xf32>
        %add3A_2412 = arith.constant 48 : i32
        %add3A_2413 = arith.addi %mul3A_2390, %add3A_2412 : i32
        %get3A_2414 = arith.constant 0 : i32
        %get3A_2415 = arith.index_cast %get3A_2414 : i32 to index
        %get3A_2416 = arith.index_cast %add3A_2413 : i32 to index
        %get3A_2417 = tpu.vector_load %arg7[%get3A_2415, %get3A_2416] {strides = array<i32>} : memref<8x4096xf32, #tpu.memory_space<vmem>>, vector<16xf32>,
        %max3A_2418 = arith.maximumf %max3A_2411, %get3A_2417 : vector<16xf32>
        %add3A_2419 = arith.constant 64 : i32
        %add3A_2420 = arith.addi %mul3A_2390, %add3A_2419 : i32
        %get3A_2421 = arith.constant 0 : i32
        %get3A_2422 = arith.index_cast %get3A_2421 : i32 to index
        %get3A_2423 = arith.index_cast %add3A_2420 : i32 to index
        %get3A_2424 = tpu.vector_load %arg7[%get3A_2422, %get3A_2423] {strides = array<i32>} : memref<8x4096xf32, #tpu.memory_space<vmem>>, vector<16xf32>,
        %max3A_2425 = arith.maximumf %max3A_2418, %get3A_2424 : vector<16xf32>
        %add3A_2426 = arith.constant 80 : i32
        %add3A_2427 = arith.addi %mul3A_2390, %add3A_2426 : i32
        %get3A_2428 = arith.constant 0 : i32
        %get3A_2429 = arith.index_cast %get3A_2428 : i32 to index
        %get3A_2430 = arith.index_cast %add3A_2427 : i32 to index
        %get3A_2431 = tpu.vector_load %arg7[%get3A_2429, %get3A_2430] {strides = array<i32>} : memref<8x4096xf32, #tpu.memory_space<vmem>>, vector<16xf32>,
        %max3A_2432 = arith.maximumf %max3A_2425, %get3A_2431 : vector<16xf32>
        %add3A_2433 = arith.constant 96 : i32
        %add3A_2434 = arith.addi %mul3A_2390, %add3A_2433 : i32
        %get3A_2435 = arith.constant 0 : i32
        %get3A_2436 = arith.index_cast %get3A_2435 : i32 to index
        %get3A_2437 = arith.index_cast %add3A_2434 : i32 to index
        %get3A_2438 = tpu.vector_load %arg7[%get3A_2436, %get3A_2437] {strides = array<i32>} : memref<8x4096xf32, #tpu.memory_space<vmem>>, vector<16xf32>,
        %max3A_2439 = arith.maximumf %max3A_2432, %get3A_2438 : vector<16xf32>
        %add3A_2440 = arith.constant 112 : i32
        %add3A_2441 = arith.addi %mul3A_2390, %add3A_2440 : i32
        %get3A_2442 = arith.constant 0 : i32
        %get3A_2443 = arith.index_cast %get3A_2442 : i32 to index
        %get3A_2444 = arith.index_cast %add3A_2441 : i32 to index
        %get3A_2445 = tpu.vector_load %arg7[%get3A_2443, %get3A_2444] {strides = array<i32>} : memref<8x4096xf32, #tpu.memory_space<vmem>>, vector<16xf32>,
        %max3A_2446 = arith.maximumf %max3A_2439, %get3A_2445 : vector<16xf32>
        %add3A_2447 = arith.constant 0 : i32
        %add3A_2448 = arith.addi %mul3A_2390, %add3A_2447 : i32
        %get3A_2449 = arith.constant 1 : i32
        %get3A_2450 = arith.index_cast %get3A_2449 : i32 to index
        %get3A_2451 = arith.index_cast %add3A_2448 : i32 to index
        %get3A_2452 = tpu.vector_load %arg7[%get3A_2450, %get3A_2451] {strides = array<i32>} : memref<8x4096xf32, #tpu.memory_space<vmem>>, vector<16xf32>,
        %max3A_2453 = arith.maximumf %scan3A_2382, %get3A_2452 : vector<16xf32>
        %add3A_2454 = arith.constant 16 : i32
        %add3A_2455 = arith.addi %mul3A_2390, %add3A_2454 : i32
        %get3A_2456 = arith.constant 1 : i32
        %get3A_2457 = arith.index_cast %get3A_2456 : i32 to index
        %get3A_2458 = arith.index_cast %add3A_2455 : i32 to index
        %get3A_2459 = tpu.vector_load %arg7[%get3A_2457, %get3A_2458] {strides = array<i32>} : memref<8x4096xf32, #tpu.memory_space<vmem>>, vector<16xf32>,
        %max3A_2460 = arith.maximumf %max3A_2453, %get3A_2459 : vector<16xf32>
        %add3A_2461 = arith.constant 32 : i32
        %add3A_2462 = arith.addi %mul3A_2390, %add3A_2461 : i32
        %get3A_2463 = arith.constant 1 : i32
        %get3A_2464 = arith.index_cast %get3A_2463 : i32 to index
        %get3A_2465 = arith.index_cast %add3A_2462 : i32 to index
        %get3A_2466 = tpu.vector_load %arg7[%get3A_2464, %get3A_2465] {strides = array<i32>} : memref<8x4096xf32, #tpu.memory_space<vmem>>, vector<16xf32>,
        %max3A_2467 = arith.maximumf %max3A_2460, %get3A_2466 : vector<16xf32>
        %add3A_2468 = arith.constant 48 : i32
        %add3A_2469 = arith.addi %mul3A_2390, %add3A_2468 : i32
        %get3A_2470 = arith.constant 1 : i32
        %get3A_2471 = arith.index_cast %get3A_2470 : i32 to index
        %get3A_2472 = arith.index_cast %add3A_2469 : i32 to index
        %get3A_2473 = tpu.vector_load %arg7[%get3A_2471, %get3A_2472] {strides = array<i32>} : memref<8x4096xf32, #tpu.memory_space<vmem>>, vector<16xf32>,
        %max3A_2474 = arith.maximumf %max3A_2467, %get3A_2473 : vector<16xf32>
        %add3A_2475 = arith.constant 64 : i32
        %add3A_2476 = arith.addi %mul3A_2390, %add3A_2475 : i32
        %get3A_2477 = arith.constant 1 : i32
        %get3A_2478 = arith.index_cast %get3A_2477 : i32 to index
        %get3A_2479 = arith.index_cast %add3A_2476 : i32 to index
        %get3A_2480 = tpu.vector_load %arg7[%get3A_2478, %get3A_2479] {strides = array<i32>} : memref<8x4096xf32, #tpu.memory_space<vmem>>, vector<16xf32>,
        %max3A_2481 = arith.maximumf %max3A_2474, %get3A_2480 : vector<16xf32>
        %add3A_2482 = arith.constant 80 : i32
        %add3A_2483 = arith.addi %mul3A_2390, %add3A_2482 : i32
        %get3A_2484 = arith.constant 1 : i32
        %get3A_2485 = arith.index_cast %get3A_2484 : i32 to index
        %get3A_2486 = arith.index_cast %add3A_2483 : i32 to index
        %get3A_2487 = tpu.vector_load %arg7[%get3A_2485, %get3A_2486] {strides = array<i32>} : memref<8x4096xf32, #tpu.memory_space<vmem>>, vector<16xf32>,
        %max3A_2488 = arith.maximumf %max3A_2481, %get3A_2487 : vector<16xf32>
        %add3A_2489 = arith.constant 96 : i32
        %add3A_2490 = arith.addi %mul3A_2390, %add3A_2489 : i32
        %get3A_2491 = arith.constant 1 : i32
        %get3A_2492 = arith.index_cast %get3A_2491 : i32 to index
        %get3A_2493 = arith.index_cast %add3A_2490 : i32 to index
        %get3A_2494 = tpu.vector_load %arg7[%get3A_2492, %get3A_2493] {strides = array<i32>} : memref<8x4096xf32, #tpu.memory_space<vmem>>, vector<16xf32>,
        %max3A_2495 = arith.maximumf %max3A_2488, %get3A_2494 : vector<16xf32>
        %add3A_2496 = arith.constant 112 : i32
        %add3A_2497 = arith.addi %mul3A_2390, %add3A_2496 : i32
        %get3A_2498 = arith.constant 1 : i32
        %get3A_2499 = arith.index_cast %get3A_2498 : i32 to index
        %get3A_2500 = arith.index_cast %add3A_2497 : i32 to index
        %get3A_2501 = tpu.vector_load %arg7[%get3A_2499, %get3A_2500] {strides = array<i32>} : memref<8x4096xf32, #tpu.memory_space<vmem>>, vector<16xf32>,
        %max3A_2502 = arith.maximumf %max3A_2495, %get3A_2501 : vector<16xf32>
        %add3A_2503 = arith.constant 0 : i32
        %add3A_2504 = arith.addi %mul3A_2390, %add3A_2503 : i32
        %get3A_2505 = arith.constant 2 : i32
        %get3A_2506 = arith.index_cast %get3A_2505 : i32 to index
        %get3A_2507 = arith.index_cast %add3A_2504 : i32 to index
        %get3A_2508 = tpu.vector_load %arg7[%get3A_2506, %get3A_2507] {strides = array<i32>} : memref<8x4096xf32, #tpu.memory_space<vmem>>, vector<16xf32>,
        %max3A_2509 = arith.maximumf %scan3A_2383, %get3A_2508 : vector<16xf32>
        %add3A_2510 = arith.constant 16 : i32
        %add3A_2511 = arith.addi %mul3A_2390, %add3A_2510 : i32
        %get3A_2512 = arith.constant 2 : i32
        %get3A_2513 = arith.index_cast %get3A_2512 : i32 to index
        %get3A_2514 = arith.index_cast %add3A_2511 : i32 to index
        %get3A_2515 = tpu.vector_load %arg7[%get3A_2513, %get3A_2514] {strides = array<i32>} : memref<8x4096xf32, #tpu.memory_space<vmem>>, vector<16xf32>,
        %max3A_2516 = arith.maximumf %max3A_2509, %get3A_2515 : vector<16xf32>
        %add3A_2517 = arith.constant 32 : i32
        %add3A_2518 = arith.addi %mul3A_2390, %add3A_2517 : i32
        %get3A_2519 = arith.constant 2 : i32
        %get3A_2520 = arith.index_cast %get3A_2519 : i32 to index
        %get3A_2521 = arith.index_cast %add3A_2518 : i32 to index
        %get3A_2522 = tpu.vector_load %arg7[%get3A_2520, %get3A_2521] {strides = array<i32>} : memref<8x4096xf32, #tpu.memory_space<vmem>>, vector<16xf32>,
        %max3A_2523 = arith.maximumf %max3A_2516, %get3A_2522 : vector<16xf32>
        %add3A_2524 = arith.constant 48 : i32
        %add3A_2525 = arith.addi %mul3A_2390, %add3A_2524 : i32
        %get3A_2526 = arith.constant 2 : i32
        %get3A_2527 = arith.index_cast %get3A_2526 : i32 to index
        %get3A_2528 = arith.index_cast %add3A_2525 : i32 to index
        %get3A_2529 = tpu.vector_load %arg7[%get3A_2527, %get3A_2528] {strides = array<i32>} : memref<8x4096xf32, #tpu.memory_space<vmem>>, vector<16xf32>,
        %max3A_2530 = arith.maximumf %max3A_2523, %get3A_2529 : vector<16xf32>
        %add3A_2531 = arith.constant 64 : i32
        %add3A_2532 = arith.addi %mul3A_2390, %add3A_2531 : i32
        %get3A_2533 = arith.constant 2 : i32
        %get3A_2534 = arith.index_cast %get3A_2533 : i32 to index
        %get3A_2535 = arith.index_cast %add3A_2532 : i32 to index
        %get3A_2536 = tpu.vector_load %arg7[%get3A_2534, %get3A_2535] {strides = array<i32>} : memref<8x4096xf32, #tpu.memory_space<vmem>>, vector<16xf32>,
        %max3A_2537 = arith.maximumf %max3A_2530, %get3A_2536 : vector<16xf32>
        %add3A_2538 = arith.constant 80 : i32
        %add3A_2539 = arith.addi %mul3A_2390, %add3A_2538 : i32
        %get3A_2540 = arith.constant 2 : i32
        %get3A_2541 = arith.index_cast %get3A_2540 : i32 to index
        %get3A_2542 = arith.index_cast %add3A_2539 : i32 to index
        %get3A_2543 = tpu.vector_load %arg7[%get3A_2541, %get3A_2542] {strides = array<i32>} : memref<8x4096xf32, #tpu.memory_space<vmem>>, vector<16xf32>,
        %max3A_2544 = arith.maximumf %max3A_2537, %get3A_2543 : vector<16xf32>
        %add3A_2545 = arith.constant 96 : i32
        %add3A_2546 = arith.addi %mul3A_2390, %add3A_2545 : i32
        %get3A_2547 = arith.constant 2 : i32
        %get3A_2548 = arith.index_cast %get3A_2547 : i32 to index
        %get3A_2549 = arith.index_cast %add3A_2546 : i32 to index
        %get3A_2550 = tpu.vector_load %arg7[%get3A_2548, %get3A_2549] {strides = array<i32>} : memref<8x4096xf32, #tpu.memory_space<vmem>>, vector<16xf32>,
        %max3A_2551 = arith.maximumf %max3A_2544, %get3A_2550 : vector<16xf32>
        %add3A_2552 = arith.constant 112 : i32
        %add3A_2553 = arith.addi %mul3A_2390, %add3A_2552 : i32
        %get3A_2554 = arith.constant 2 : i32
        %get3A_2555 = arith.index_cast %get3A_2554 : i32 to index
        %get3A_2556 = arith.index_cast %add3A_2553 : i32 to index
        %get3A_2557 = tpu.vector_load %arg7[%get3A_2555, %get3A_2556] {strides = array<i32>} : memref<8x4096xf32, #tpu.memory_space<vmem>>, vector<16xf32>,
        %max3A_2558 = arith.maximumf %max3A_2551, %get3A_2557 : vector<16xf32>
        %add3A_2559 = arith.constant 0 : i32
        %add3A_2560 = arith.addi %mul3A_2390, %add3A_2559 : i32
        %get3A_2561 = arith.constant 3 : i32
        %get3A_2562 = arith.index_cast %get3A_2561 : i32 to index
        %get3A_2563 = arith.index_cast %add3A_2560 : i32 to index
        %get3A_2564 = tpu.vector_load %arg7[%get3A_2562, %get3A_2563] {strides = array<i32>} : memref<8x4096xf32, #tpu.memory_space<vmem>>, vector<16xf32>,
        %max3A_2565 = arith.maximumf %scan3A_2384, %get3A_2564 : vector<16xf32>
        %add3A_2566 = arith.constant 16 : i32
        %add3A_2567 = arith.addi %mul3A_2390, %add3A_2566 : i32
        %get3A_2568 = arith.constant 3 : i32
        %get3A_2569 = arith.index_cast %get3A_2568 : i32 to index
        %get3A_2570 = arith.index_cast %add3A_2567 : i32 to index
        %get3A_2571 = tpu.vector_load %arg7[%get3A_2569, %get3A_2570] {strides = array<i32>} : memref<8x4096xf32, #tpu.memory_space<vmem>>, vector<16xf32>,
        %max3A_2572 = arith.maximumf %max3A_2565, %get3A_2571 : vector<16xf32>
        %add3A_2573 = arith.constant 32 : i32
        %add3A_2574 = arith.addi %mul3A_2390, %add3A_2573 : i32
        %get3A_2575 = arith.constant 3 : i32
        %get3A_2576 = arith.index_cast %get3A_2575 : i32 to index
        %get3A_2577 = arith.index_cast %add3A_2574 : i32 to index
        %get3A_2578 = tpu.vector_load %arg7[%get3A_2576, %get3A_2577] {strides = array<i32>} : memref<8x4096xf32, #tpu.memory_space<vmem>>, vector<16xf32>,
        %max3A_2579 = arith.maximumf %max3A_2572, %get3A_2578 : vector<16xf32>
        %add3A_2580 = arith.constant 48 : i32
        %add3A_2581 = arith.addi %mul3A_2390, %add3A_2580 : i32
        %get3A_2582 = arith.constant 3 : i32
        %get3A_2583 = arith.index_cast %get3A_2582 : i32 to index
        %get3A_2584 = arith.index_cast %add3A_2581 : i32 to index
        %get3A_2585 = tpu.vector_load %arg7[%get3A_2583, %get3A_2584] {strides = array<i32>} : memref<8x4096xf32, #tpu.memory_space<vmem>>, vector<16xf32>,
        %max3A_2586 = arith.maximumf %max3A_2579, %get3A_2585 : vector<16xf32>
        %add3A_2587 = arith.constant 64 : i32
        %add3A_2588 = arith.addi %mul3A_2390, %add3A_2587 : i32
        %get3A_2589 = arith.constant 3 : i32
        %get3A_2590 = arith.index_cast %get3A_2589 : i32 to index
        %get3A_2591 = arith.index_cast %add3A_2588 : i32 to index
        %get3A_2592 = tpu.vector_load %arg7[%get3A_2590, %get3A_2591] {strides = array<i32>} : memref<8x4096xf32, #tpu.memory_space<vmem>>, vector<16xf32>,
        %max3A_2593 = arith.maximumf %max3A_2586, %get3A_2592 : vector<16xf32>
        %add3A_2594 = arith.constant 80 : i32
        %add3A_2595 = arith.addi %mul3A_2390, %add3A_2594 : i32
        %get3A_2596 = arith.constant 3 : i32
        %get3A_2597 = arith.index_cast %get3A_2596 : i32 to index
        %get3A_2598 = arith.index_cast %add3A_2595 : i32 to index
        %get3A_2599 = tpu.vector_load %arg7[%get3A_2597, %get3A_2598] {strides = array<i32>} : memref<8x4096xf32, #tpu.memory_space<vmem>>, vector<16xf32>,
        %max3A_2600 = arith.maximumf %max3A_2593, %get3A_2599 : vector<16xf32>
        %add3A_2601 = arith.constant 96 : i32
        %add3A_2602 = arith.addi %mul3A_2390, %add3A_2601 : i32
        %get3A_2603 = arith.constant 3 : i32
        %get3A_2604 = arith.index_cast %get3A_2603 : i32 to index
        %get3A_2605 = arith.index_cast %add3A_2602 : i32 to index
        %get3A_2606 = tpu.vector_load %arg7[%get3A_2604, %get3A_2605] {strides = array<i32>} : memref<8x4096xf32, #tpu.memory_space<vmem>>, vector<16xf32>,
        %max3A_2607 = arith.maximumf %max3A_2600, %get3A_2606 : vector<16xf32>
        %add3A_2608 = arith.constant 112 : i32
        %add3A_2609 = arith.addi %mul3A_2390, %add3A_2608 : i32
        %get3A_2610 = arith.constant 3 : i32
        %get3A_2611 = arith.index_cast %get3A_2610 : i32 to index
        %get3A_2612 = arith.index_cast %add3A_2609 : i32 to index
        %get3A_2613 = tpu.vector_load %arg7[%get3A_2611, %get3A_2612] {strides = array<i32>} : memref<8x4096xf32, #tpu.memory_space<vmem>>, vector<16xf32>,
        %max3A_2614 = arith.maximumf %max3A_2607, %get3A_2613 : vector<16xf32>
        %add3A_2615 = arith.constant 0 : i32
        %add3A_2616 = arith.addi %mul3A_2390, %add3A_2615 : i32
        %get3A_2617 = arith.constant 4 : i32
        %get3A_2618 = arith.index_cast %get3A_2617 : i32 to index
        %get3A_2619 = arith.index_cast %add3A_2616 : i32 to index
        %get3A_2620 = tpu.vector_load %arg7[%get3A_2618, %get3A_2619] {strides = array<i32>} : memref<8x4096xf32, #tpu.memory_space<vmem>>, vector<16xf32>,
        %max3A_2621 = arith.maximumf %scan3A_2385, %get3A_2620 : vector<16xf32>
        %add3A_2622 = arith.constant 16 : i32
        %add3A_2623 = arith.addi %mul3A_2390, %add3A_2622 : i32
        %get3A_2624 = arith.constant 4 : i32
        %get3A_2625 = arith.index_cast %get3A_2624 : i32 to index
        %get3A_2626 = arith.index_cast %add3A_2623 : i32 to index
        %get3A_2627 = tpu.vector_load %arg7[%get3A_2625, %get3A_2626] {strides = array<i32>} : memref<8x4096xf32, #tpu.memory_space<vmem>>, vector<16xf32>,
        %max3A_2628 = arith.maximumf %max3A_2621, %get3A_2627 : vector<16xf32>
        %add3A_2629 = arith.constant 32 : i32
        %add3A_2630 = arith.addi %mul3A_2390, %add3A_2629 : i32
        %get3A_2631 = arith.constant 4 : i32
        %get3A_2632 = arith.index_cast %get3A_2631 : i32 to index
        %get3A_2633 = arith.index_cast %add3A_2630 : i32 to index
        %get3A_2634 = tpu.vector_load %arg7[%get3A_2632, %get3A_2633] {strides = array<i32>} : memref<8x4096xf32, #tpu.memory_space<vmem>>, vector<16xf32>,
        %max3A_2635 = arith.maximumf %max3A_2628, %get3A_2634 : vector<16xf32>
        %add3A_2636 = arith.constant 48 : i32
        %add3A_2637 = arith.addi %mul3A_2390, %add3A_2636 : i32
        %get3A_2638 = arith.constant 4 : i32
        %get3A_2639 = arith.index_cast %get3A_2638 : i32 to index
        %get3A_2640 = arith.index_cast %add3A_2637 : i32 to index
        %get3A_2641 = tpu.vector_load %arg7[%get3A_2639, %get3A_2640] {strides = array<i32>} : memref<8x4096xf32, #tpu.memory_space<vmem>>, vector<16xf32>,
        %max3A_2642 = arith.maximumf %max3A_2635, %get3A_2641 : vector<16xf32>
        %add3A_2643 = arith.constant 64 : i32
        %add3A_2644 = arith.addi %mul3A_2390, %add3A_2643 : i32
        %get3A_2645 = arith.constant 4 : i32
        %get3A_2646 = arith.index_cast %get3A_2645 : i32 to index
        %get3A_2647 = arith.index_cast %add3A_2644 : i32 to index
        %get3A_2648 = tpu.vector_load %arg7[%get3A_2646, %get3A_2647] {strides = array<i32>} : memref<8x4096xf32, #tpu.memory_space<vmem>>, vector<16xf32>,
        %max3A_2649 = arith.maximumf %max3A_2642, %get3A_2648 : vector<16xf32>
        %add3A_2650 = arith.constant 80 : i32
        %add3A_2651 = arith.addi %mul3A_2390, %add3A_2650 : i32
        %get3A_2652 = arith.constant 4 : i32
        %get3A_2653 = arith.index_cast %get3A_2652 : i32 to index
        %get3A_2654 = arith.index_cast %add3A_2651 : i32 to index
        %get3A_2655 = tpu.vector_load %arg7[%get3A_2653, %get3A_2654] {strides = array<i32>} : memref<8x4096xf32, #tpu.memory_space<vmem>>, vector<16xf32>,
        %max3A_2656 = arith.maximumf %max3A_2649, %get3A_2655 : vector<16xf32>
        %add3A_2657 = arith.constant 96 : i32
        %add3A_2658 = arith.addi %mul3A_2390, %add3A_2657 : i32
        %get3A_2659 = arith.constant 4 : i32
        %get3A_2660 = arith.index_cast %get3A_2659 : i32 to index
        %get3A_2661 = arith.index_cast %add3A_2658 : i32 to index
        %get3A_2662 = tpu.vector_load %arg7[%get3A_2660, %get3A_2661] {strides = array<i32>} : memref<8x4096xf32, #tpu.memory_space<vmem>>, vector<16xf32>,
        %max3A_2663 = arith.maximumf %max3A_2656, %get3A_2662 : vector<16xf32>
        %add3A_2664 = arith.constant 112 : i32
        %add3A_2665 = arith.addi %mul3A_2390, %add3A_2664 : i32
        %get3A_2666 = arith.constant 4 : i32
        %get3A_2667 = arith.index_cast %get3A_2666 : i32 to index
        %get3A_2668 = arith.index_cast %add3A_2665 : i32 to index
        %get3A_2669 = tpu.vector_load %arg7[%get3A_2667, %get3A_2668] {strides = array<i32>} : memref<8x4096xf32, #tpu.memory_space<vmem>>, vector<16xf32>,
        %max3A_2670 = arith.maximumf %max3A_2663, %get3A_2669 : vector<16xf32>
        %add3A_2671 = arith.constant 0 : i32
        %add3A_2672 = arith.addi %mul3A_2390, %add3A_2671 : i32
        %get3A_2673 = arith.constant 5 : i32
        %get3A_2674 = arith.index_cast %get3A_2673 : i32 to index
        %get3A_2675 = arith.index_cast %add3A_2672 : i32 to index
        %get3A_2676 = tpu.vector_load %arg7[%get3A_2674, %get3A_2675] {strides = array<i32>} : memref<8x4096xf32, #tpu.memory_space<vmem>>, vector<16xf32>,
        %max3A_2677 = arith.maximumf %scan3A_2386, %get3A_2676 : vector<16xf32>
        %add3A_2678 = arith.constant 16 : i32
        %add3A_2679 = arith.addi %mul3A_2390, %add3A_2678 : i32
        %get3A_2680 = arith.constant 5 : i32
        %get3A_2681 = arith.index_cast %get3A_2680 : i32 to index
        %get3A_2682 = arith.index_cast %add3A_2679 : i32 to index
        %get3A_2683 = tpu.vector_load %arg7[%get3A_2681, %get3A_2682] {strides = array<i32>} : memref<8x4096xf32, #tpu.memory_space<vmem>>, vector<16xf32>,
        %max3A_2684 = arith.maximumf %max3A_2677, %get3A_2683 : vector<16xf32>
        %add3A_2685 = arith.constant 32 : i32
        %add3A_2686 = arith.addi %mul3A_2390, %add3A_2685 : i32
        %get3A_2687 = arith.constant 5 : i32
        %get3A_2688 = arith.index_cast %get3A_2687 : i32 to index
        %get3A_2689 = arith.index_cast %add3A_2686 : i32 to index
        %get3A_2690 = tpu.vector_load %arg7[%get3A_2688, %get3A_2689] {strides = array<i32>} : memref<8x4096xf32, #tpu.memory_space<vmem>>, vector<16xf32>,
        %max3A_2691 = arith.maximumf %max3A_2684, %get3A_2690 : vector<16xf32>
        %add3A_2692 = arith.constant 48 : i32
        %add3A_2693 = arith.addi %mul3A_2390, %add3A_2692 : i32
        %get3A_2694 = arith.constant 5 : i32
        %get3A_2695 = arith.index_cast %get3A_2694 : i32 to index
        %get3A_2696 = arith.index_cast %add3A_2693 : i32 to index
        %get3A_2697 = tpu.vector_load %arg7[%get3A_2695, %get3A_2696] {strides = array<i32>} : memref<8x4096xf32, #tpu.memory_space<vmem>>, vector<16xf32>,
        %max3A_2698 = arith.maximumf %max3A_2691, %get3A_2697 : vector<16xf32>
        %add3A_2699 = arith.constant 64 : i32
        %add3A_2700 = arith.addi %mul3A_2390, %add3A_2699 : i32
        %get3A_2701 = arith.constant 5 : i32
        %get3A_2702 = arith.index_cast %get3A_2701 : i32 to index
        %get3A_2703 = arith.index_cast %add3A_2700 : i32 to index
        %get3A_2704 = tpu.vector_load %arg7[%get3A_2702, %get3A_2703] {strides = array<i32>} : memref<8x4096xf32, #tpu.memory_space<vmem>>, vector<16xf32>,
        %max3A_2705 = arith.maximumf %max3A_2698, %get3A_2704 : vector<16xf32>
        %add3A_2706 = arith.constant 80 : i32
        %add3A_2707 = arith.addi %mul3A_2390, %add3A_2706 : i32
        %get3A_2708 = arith.constant 5 : i32
        %get3A_2709 = arith.index_cast %get3A_2708 : i32 to index
        %get3A_2710 = arith.index_cast %add3A_2707 : i32 to index
        %get3A_2711 = tpu.vector_load %arg7[%get3A_2709, %get3A_2710] {strides = array<i32>} : memref<8x4096xf32, #tpu.memory_space<vmem>>, vector<16xf32>,
        %max3A_2712 = arith.maximumf %max3A_2705, %get3A_2711 : vector<16xf32>
        %add3A_2713 = arith.constant 96 : i32
        %add3A_2714 = arith.addi %mul3A_2390, %add3A_2713 : i32
        %get3A_2715 = arith.constant 5 : i32
        %get3A_2716 = arith.index_cast %get3A_2715 : i32 to index
        %get3A_2717 = arith.index_cast %add3A_2714 : i32 to index
        %get3A_2718 = tpu.vector_load %arg7[%get3A_2716, %get3A_2717] {strides = array<i32>} : memref<8x4096xf32, #tpu.memory_space<vmem>>, vector<16xf32>,
        %max3A_2719 = arith.maximumf %max3A_2712, %get3A_2718 : vector<16xf32>
        %add3A_2720 = arith.constant 112 : i32
        %add3A_2721 = arith.addi %mul3A_2390, %add3A_2720 : i32
        %get3A_2722 = arith.constant 5 : i32
        %get3A_2723 = arith.index_cast %get3A_2722 : i32 to index
        %get3A_2724 = arith.index_cast %add3A_2721 : i32 to index
        %get3A_2725 = tpu.vector_load %arg7[%get3A_2723, %get3A_2724] {strides = array<i32>} : memref<8x4096xf32, #tpu.memory_space<vmem>>, vector<16xf32>,
        %max3A_2726 = arith.maximumf %max3A_2719, %get3A_2725 : vector<16xf32>
        %add3A_2727 = arith.constant 0 : i32
        %add3A_2728 = arith.addi %mul3A_2390, %add3A_2727 : i32
        %get3A_2729 = arith.constant 6 : i32
        %get3A_2730 = arith.index_cast %get3A_2729 : i32 to index
        %get3A_2731 = arith.index_cast %add3A_2728 : i32 to index
        %get3A_2732 = tpu.vector_load %arg7[%get3A_2730, %get3A_2731] {strides = array<i32>} : memref<8x4096xf32, #tpu.memory_space<vmem>>, vector<16xf32>,
        %max3A_2733 = arith.maximumf %scan3A_2387, %get3A_2732 : vector<16xf32>
        %add3A_2734 = arith.constant 16 : i32
        %add3A_2735 = arith.addi %mul3A_2390, %add3A_2734 : i32
        %get3A_2736 = arith.constant 6 : i32
        %get3A_2737 = arith.index_cast %get3A_2736 : i32 to index
        %get3A_2738 = arith.index_cast %add3A_2735 : i32 to index
        %get3A_2739 = tpu.vector_load %arg7[%get3A_2737, %get3A_2738] {strides = array<i32>} : memref<8x4096xf32, #tpu.memory_space<vmem>>, vector<16xf32>,
        %max3A_2740 = arith.maximumf %max3A_2733, %get3A_2739 : vector<16xf32>
        %add3A_2741 = arith.constant 32 : i32
        %add3A_2742 = arith.addi %mul3A_2390, %add3A_2741 : i32
        %get3A_2743 = arith.constant 6 : i32
        %get3A_2744 = arith.index_cast %get3A_2743 : i32 to index
        %get3A_2745 = arith.index_cast %add3A_2742 : i32 to index
        %get3A_2746 = tpu.vector_load %arg7[%get3A_2744, %get3A_2745] {strides = array<i32>} : memref<8x4096xf32, #tpu.memory_space<vmem>>, vector<16xf32>,
        %max3A_2747 = arith.maximumf %max3A_2740, %get3A_2746 : vector<16xf32>
        %add3A_2748 = arith.constant 48 : i32
        %add3A_2749 = arith.addi %mul3A_2390, %add3A_2748 : i32
        %get3A_2750 = arith.constant 6 : i32
        %get3A_2751 = arith.index_cast %get3A_2750 : i32 to index
        %get3A_2752 = arith.index_cast %add3A_2749 : i32 to index
        %get3A_2753 = tpu.vector_load %arg7[%get3A_2751, %get3A_2752] {strides = array<i32>} : memref<8x4096xf32, #tpu.memory_space<vmem>>, vector<16xf32>,
        %max3A_2754 = arith.maximumf %max3A_2747, %get3A_2753 : vector<16xf32>
        %add3A_2755 = arith.constant 64 : i32
        %add3A_2756 = arith.addi %mul3A_2390, %add3A_2755 : i32
        %get3A_2757 = arith.constant 6 : i32
        %get3A_2758 = arith.index_cast %get3A_2757 : i32 to index
        %get3A_2759 = arith.index_cast %add3A_2756 : i32 to index
        %get3A_2760 = tpu.vector_load %arg7[%get3A_2758, %get3A_2759] {strides = array<i32>} : memref<8x4096xf32, #tpu.memory_space<vmem>>, vector<16xf32>,
        %max3A_2761 = arith.maximumf %max3A_2754, %get3A_2760 : vector<16xf32>
        %add3A_2762 = arith.constant 80 : i32
        %add3A_2763 = arith.addi %mul3A_2390, %add3A_2762 : i32
        %get3A_2764 = arith.constant 6 : i32
        %get3A_2765 = arith.index_cast %get3A_2764 : i32 to index
        %get3A_2766 = arith.index_cast %add3A_2763 : i32 to index
        %get3A_2767 = tpu.vector_load %arg7[%get3A_2765, %get3A_2766] {strides = array<i32>} : memref<8x4096xf32, #tpu.memory_space<vmem>>, vector<16xf32>,
        %max3A_2768 = arith.maximumf %max3A_2761, %get3A_2767 : vector<16xf32>
        %add3A_2769 = arith.constant 96 : i32
        %add3A_2770 = arith.addi %mul3A_2390, %add3A_2769 : i32
        %get3A_2771 = arith.constant 6 : i32
        %get3A_2772 = arith.index_cast %get3A_2771 : i32 to index
        %get3A_2773 = arith.index_cast %add3A_2770 : i32 to index
        %get3A_2774 = tpu.vector_load %arg7[%get3A_2772, %get3A_2773] {strides = array<i32>} : memref<8x4096xf32, #tpu.memory_space<vmem>>, vector<16xf32>,
        %max3A_2775 = arith.maximumf %max3A_2768, %get3A_2774 : vector<16xf32>
        %add3A_2776 = arith.constant 112 : i32
        %add3A_2777 = arith.addi %mul3A_2390, %add3A_2776 : i32
        %get3A_2778 = arith.constant 6 : i32
        %get3A_2779 = arith.index_cast %get3A_2778 : i32 to index
        %get3A_2780 = arith.index_cast %add3A_2777 : i32 to index
        %get3A_2781 = tpu.vector_load %arg7[%get3A_2779, %get3A_2780] {strides = array<i32>} : memref<8x4096xf32, #tpu.memory_space<vmem>>, vector<16xf32>,
        %max3A_2782 = arith.maximumf %max3A_2775, %get3A_2781 : vector<16xf32>
        %add3A_2783 = arith.constant 0 : i32
        %add3A_2784 = arith.addi %mul3A_2390, %add3A_2783 : i32
        %get3A_2785 = arith.constant 7 : i32
        %get3A_2786 = arith.index_cast %get3A_2785 : i32 to index
        %get3A_2787 = arith.index_cast %add3A_2784 : i32 to index
        %get3A_2788 = tpu.vector_load %arg7[%get3A_2786, %get3A_2787] {strides = array<i32>} : memref<8x4096xf32, #tpu.memory_space<vmem>>, vector<16xf32>,
        %max3A_2789 = arith.maximumf %scan3A_2388, %get3A_2788 : vector<16xf32>
        %add3A_2790 = arith.constant 16 : i32
        %add3A_2791 = arith.addi %mul3A_2390, %add3A_2790 : i32
        %get3A_2792 = arith.constant 7 : i32
        %get3A_2793 = arith.index_cast %get3A_2792 : i32 to index
        %get3A_2794 = arith.index_cast %add3A_2791 : i32 to index
        %get3A_2795 = tpu.vector_load %arg7[%get3A_2793, %get3A_2794] {strides = array<i32>} : memref<8x4096xf32, #tpu.memory_space<vmem>>, vector<16xf32>,
        %max3A_2796 = arith.maximumf %max3A_2789, %get3A_2795 : vector<16xf32>
        %add3A_2797 = arith.constant 32 : i32
        %add3A_2798 = arith.addi %mul3A_2390, %add3A_2797 : i32
        %get3A_2799 = arith.constant 7 : i32
        %get3A_2800 = arith.index_cast %get3A_2799 : i32 to index
        %get3A_2801 = arith.index_cast %add3A_2798 : i32 to index
        %get3A_2802 = tpu.vector_load %arg7[%get3A_2800, %get3A_2801] {strides = array<i32>} : memref<8x4096xf32, #tpu.memory_space<vmem>>, vector<16xf32>,
        %max3A_2803 = arith.maximumf %max3A_2796, %get3A_2802 : vector<16xf32>
        %add3A_2804 = arith.constant 48 : i32
        %add3A_2805 = arith.addi %mul3A_2390, %add3A_2804 : i32
        %get3A_2806 = arith.constant 7 : i32
        %get3A_2807 = arith.index_cast %get3A_2806 : i32 to index
        %get3A_2808 = arith.index_cast %add3A_2805 : i32 to index
        %get3A_2809 = tpu.vector_load %arg7[%get3A_2807, %get3A_2808] {strides = array<i32>} : memref<8x4096xf32, #tpu.memory_space<vmem>>, vector<16xf32>,
        %max3A_2810 = arith.maximumf %max3A_2803, %get3A_2809 : vector<16xf32>
        %add3A_2811 = arith.constant 64 : i32
        %add3A_2812 = arith.addi %mul3A_2390, %add3A_2811 : i32
        %get3A_2813 = arith.constant 7 : i32
        %get3A_2814 = arith.index_cast %get3A_2813 : i32 to index
        %get3A_2815 = arith.index_cast %add3A_2812 : i32 to index
        %get3A_2816 = tpu.vector_load %arg7[%get3A_2814, %get3A_2815] {strides = array<i32>} : memref<8x4096xf32, #tpu.memory_space<vmem>>, vector<16xf32>,
        %max3A_2817 = arith.maximumf %max3A_2810, %get3A_2816 : vector<16xf32>
        %add3A_2818 = arith.constant 80 : i32
        %add3A_2819 = arith.addi %mul3A_2390, %add3A_2818 : i32
        %get3A_2820 = arith.constant 7 : i32
        %get3A_2821 = arith.index_cast %get3A_2820 : i32 to index
        %get3A_2822 = arith.index_cast %add3A_2819 : i32 to index
        %get3A_2823 = tpu.vector_load %arg7[%get3A_2821, %get3A_2822] {strides = array<i32>} : memref<8x4096xf32, #tpu.memory_space<vmem>>, vector<16xf32>,
        %max3A_2824 = arith.maximumf %max3A_2817, %get3A_2823 : vector<16xf32>
        %add3A_2825 = arith.constant 96 : i32
        %add3A_2826 = arith.addi %mul3A_2390, %add3A_2825 : i32
        %get3A_2827 = arith.constant 7 : i32
        %get3A_2828 = arith.index_cast %get3A_2827 : i32 to index
        %get3A_2829 = arith.index_cast %add3A_2826 : i32 to index
        %get3A_2830 = tpu.vector_load %arg7[%get3A_2828, %get3A_2829] {strides = array<i32>} : memref<8x4096xf32, #tpu.memory_space<vmem>>, vector<16xf32>,
        %max3A_2831 = arith.maximumf %max3A_2824, %get3A_2830 : vector<16xf32>
        %add3A_2832 = arith.constant 112 : i32
        %add3A_2833 = arith.addi %mul3A_2390, %add3A_2832 : i32
        %get3A_2834 = arith.constant 7 : i32
        %get3A_2835 = arith.index_cast %get3A_2834 : i32 to index
        %get3A_2836 = arith.index_cast %add3A_2833 : i32 to index
        %get3A_2837 = tpu.vector_load %arg7[%get3A_2835, %get3A_2836] {strides = array<i32>} : memref<8x4096xf32, #tpu.memory_space<vmem>>, vector<16xf32>,
        %max3A_2838 = arith.maximumf %max3A_2831, %get3A_2837 : vector<16xf32>
        scf.yield %max3A_2446, %max3A_2502, %max3A_2558, %max3A_2614, %max3A_2670, %max3A_2726, %max3A_2782, %max3A_2838 : vector<16xf32>, vector<16xf32>, vector<16xf32>, vector<16xf32>, vector<16xf32>, vector<16xf32>, vector<16xf32>, vector<16xf32>
      }
      %scan3A_1183 = arith.constant 32 : i32
      %add3A_1184 = arith.constant 2 : i32
      %add3A_1185 = arith.addi %mul3A_54, %add3A_1184 : i32
      %lt3A_1186 = arith.constant 48 : i32
      %lt3A_1187 = arith.cmpi slt, %add3A_1185, %lt3A_1186 : i32
      %convert_element_type3A_1188 = arith.extui %lt3A_1187 : i1 to i32
      %cond3A = arith.constant 0 : i32
      %cond3A_1189 = arith.cmpi ne, %convert_element_type3A_1188, %cond3A : i32
      scf.if %cond3A_1189 {
        %add3A_2380 = arith.constant 2 : i32
        %add3A_2381 = arith.addi %mul3A_54, %add3A_2380 : i32
        %jit3A_2382 = arith.constant 12 : i32
        %div3A_2383 = arith.divsi %add3A_2381, %jit3A_2382 : i32
        %sign3A_2384 = arith.constant 0 : i32
        %sign3A_2385 = arith.cmpi sgt, %add3A_2381, %sign3A_2384 : i32
        %sign3A_2386 = arith.extui %sign3A_2385 : i1 to i32
        %sign3A_2387 = arith.constant 0 : i32
        %sign3A_2388 = arith.cmpi slt, %add3A_2381, %sign3A_2387 : i32
        %sign3A_2389 = arith.extui %sign3A_2388 : i1 to i32
        %sign3A_2390 = arith.subi %sign3A_2386, %sign3A_2389 : i32
        %sign3A_2391 = arith.constant 0 : i32
        %sign3A_2392 = arith.cmpi sgt, %jit3A_2382, %sign3A_2391 : i32
        %sign3A_2393 = arith.extui %sign3A_2392 : i1 to i32
        %sign3A_2394 = arith.constant 0 : i32
        %sign3A_2395 = arith.cmpi slt, %jit3A_2382, %sign3A_2394 : i32
        %sign3A_2396 = arith.extui %sign3A_2395 : i1 to i32
        %sign3A_2397 = arith.subi %sign3A_2393, %sign3A_2396 : i32
        %ne3A_2398 = arith.cmpi ne, %sign3A_2390, %sign3A_2397 : i32
        %rem3A_2399 = arith.remsi %add3A_2381, %jit3A_2382 : i32
        %ne3A_2400 = arith.constant 0 : i32
        %ne3A_2401 = arith.cmpi ne, %rem3A_2399, %ne3A_2400 : i32
        %and3A_2402 = arith.andi %ne3A_2398, %ne3A_2401 : i1
        %sub3A_2403 = arith.constant 1 : i32
        %sub3A_2404 = arith.subi %div3A_2383, %sub3A_2403 : i32
        %select_n3A_2405 = arith.select %and3A_2402, %sub3A_2404, %div3A_2383 : i32
        %jit3A_2406 = arith.constant 12 : i32
        %eq3A_2407 = arith.constant 0 : i32
        %eq3A_2408 = arith.cmpi eq, %jit3A_2406, %eq3A_2407 : i32
        %jit3A_2409 = arith.constant 1 : i32
        %select_n3A_2410 = arith.select %eq3A_2408, %jit3A_2409, %jit3A_2406 : i32
        %rem3A_2411 = arith.remsi %add3A_2381, %select_n3A_2410 : i32
        %ne3A_2412 = arith.constant 0 : i32
        %ne3A_2413 = arith.cmpi ne, %rem3A_2411, %ne3A_2412 : i32
        %lt3A_2414 = arith.constant 0 : i32
        %lt3A_2415 = arith.cmpi slt, %rem3A_2411, %lt3A_2414 : i32
        %lt3A_2416 = arith.constant 0 : i32
        %lt3A_2417 = arith.cmpi slt, %select_n3A_2410, %lt3A_2416 : i32
        %ne3A_2418 = arith.xori %lt3A_2415, %lt3A_2417 : i1
        %and3A_2419 = arith.andi %ne3A_2418, %ne3A_2413 : i1
        %add3A_2420 = arith.addi %rem3A_2411, %select_n3A_2410 : i32
        %select_n3A_2421 = arith.select %and3A_2419, %add3A_2420, %rem3A_2411 : i32
        %mul3A_2422 = arith.constant 8 : i32
        %mul3A_2423 = arith.muli %select_n3A_2405, %mul3A_2422 : i32
        %add3A_2424 = arith.addi %mul3A_2, %mul3A_2423 : i32
        %mul3A_2425 = arith.constant 4096 : i32
        %mul3A_2426 = arith.muli %select_n3A_2421, %mul3A_2425 : i32
        %dma_start3A_2427 = tpu.memref_slice %arg3[%add3A_2424, %mul3A_2426] : memref<1024x100000xf32, #tpu.memory_space<hbm>> -> memref<8x4096xf32, #tpu.memory_space<hbm>>
        %dma_start3A_2428 = tpu.memref_slice %arg3[%add3A_2424, %mul3A_2426] : memref<1024x100000xf32, #tpu.memory_space<hbm>> -> memref<8x4096xf32, #tpu.memory_space<hbm>>
        tpu.enqueue_dma source(%dma_start3A_2428 : memref<8x4096xf32, #tpu.memory_space<hbm>>) target(%arg7 : memref<8x4096xf32, #tpu.memory_space<vmem>>) target_semaphore(%arg11 : memref<!tpu.dma_semaphore, #tpu.memory_space<semaphore_mem>>)
      } else {
      }
      %jit3A_1190 = arith.constant 12 : i32
      %div3A_1191 = arith.divsi %mul3A_54, %jit3A_1190 : i32
      %sign3A_1192 = arith.constant 0 : i32
      %sign3A_1193 = arith.cmpi sgt, %mul3A_54, %sign3A_1192 : i32
      %sign3A_1194 = arith.extui %sign3A_1193 : i1 to i32
      %sign3A_1195 = arith.constant 0 : i32
      %sign3A_1196 = arith.cmpi slt, %mul3A_54, %sign3A_1195 : i32
      %sign3A_1197 = arith.extui %sign3A_1196 : i1 to i32
      %sign3A_1198 = arith.subi %sign3A_1194, %sign3A_1197 : i32
      %sign3A_1199 = arith.constant 0 : i32
      %sign3A_1200 = arith.cmpi sgt, %jit3A_1190, %sign3A_1199 : i32
      %sign3A_1201 = arith.extui %sign3A_1200 : i1 to i32
      %sign3A_1202 = arith.constant 0 : i32
      %sign3A_1203 = arith.cmpi slt, %jit3A_1190, %sign3A_1202 : i32
      %sign3A_1204 = arith.extui %sign3A_1203 : i1 to i32
      %sign3A_1205 = arith.subi %sign3A_1201, %sign3A_1204 : i32
      %ne3A_1206 = arith.cmpi ne, %sign3A_1198, %sign3A_1205 : i32
      %rem3A_1207 = arith.remsi %mul3A_54, %jit3A_1190 : i32
      %ne3A_1208 = arith.constant 0 : i32
      %ne3A_1209 = arith.cmpi ne, %rem3A_1207, %ne3A_1208 : i32
      %and3A_1210 = arith.andi %ne3A_1206, %ne3A_1209 : i1
      %sub3A_1211 = arith.constant 1 : i32
      %sub3A_1212 = arith.subi %div3A_1191, %sub3A_1211 : i32
      %select_n3A_1213 = arith.select %and3A_1210, %sub3A_1212, %div3A_1191 : i32
      %jit3A_1214 = arith.constant 12 : i32
      %eq3A_1215 = arith.constant 0 : i32
      %eq3A_1216 = arith.cmpi eq, %jit3A_1214, %eq3A_1215 : i32
      %jit3A_1217 = arith.constant 1 : i32
      %select_n3A_1218 = arith.select %eq3A_1216, %jit3A_1217, %jit3A_1214 : i32
      %rem3A_1219 = arith.remsi %mul3A_54, %select_n3A_1218 : i32
      %ne3A_1220 = arith.constant 0 : i32
      %ne3A_1221 = arith.cmpi ne, %rem3A_1219, %ne3A_1220 : i32
      %lt3A_1222 = arith.constant 0 : i32
      %lt3A_1223 = arith.cmpi slt, %rem3A_1219, %lt3A_1222 : i32
      %lt3A_1224 = arith.constant 0 : i32
      %lt3A_1225 = arith.cmpi slt, %select_n3A_1218, %lt3A_1224 : i32
      %ne3A_1226 = arith.xori %lt3A_1223, %lt3A_1225 : i1
      %and3A_1227 = arith.andi %ne3A_1226, %ne3A_1221 : i1
      %add3A_1228 = arith.addi %rem3A_1219, %select_n3A_1218 : i32
      %select_n3A_1229 = arith.select %and3A_1227, %add3A_1228, %rem3A_1219 : i32
      %eq3A_1230 = arith.constant 11 : i32
      %eq3A_1231 = arith.cmpi eq, %select_n3A_1229, %eq3A_1230 : i32
      %convert_element_type3A_1232 = arith.extui %eq3A_1231 : i1 to i32
      %cond3A_1233 = arith.constant 0 : i32
      %cond3A_1234 = arith.cmpi ne, %convert_element_type3A_1232, %cond3A_1233 : i32
      scf.if %cond3A_1234 {
        %iota3A_2380 = tpu.iota {dimensions = array<i32: 0>} : vector<16xi32>
        %broadcast_in_dim3A_2381 = arith.constant -3.400000e+38 : f32
        %broadcast_in_dim3A_2382 = vector.broadcast %broadcast_in_dim3A_2381 : f32 to vector<16xf32>
        %broadcast_in_dim3A_2383 = arith.constant -3.400000e+38 : f32
        %broadcast_in_dim3A_2384 = vector.broadcast %broadcast_in_dim3A_2383 : f32 to vector<16xf32>
        %eq3A_2385 = arith.constant 0 : i32
        %eq3A_2386 = vector.broadcast %eq3A_2385 : i32 to vector<16xi32>
        %eq3A_2387 = arith.cmpi eq, %iota3A_2380, %eq3A_2386 : vector<16xi32>
        %reduce_max3A_2388 = arith.constant true
        %reduce_max3A_2389 = vector.broadcast %reduce_max3A_2388 : i1 to vector<16xi1>
        %reduce_max3A_2390 = tpu.scan <max>, %scan3A_1182#0 masked %reduce_max3A_2389 : vector<16xf32>, vector<16xi1> -> vector<16xf32>
        %reduce_max3A_2391 = vector.extract %reduce_max3A_2390[15] : f32 from vector<16xf32>
        %broadcast_in_dim3A_2392 = vector.broadcast %reduce_max3A_2391 : f32 to vector<16xf32>
        %select_n3A_2393 = arith.select %eq3A_2387, %broadcast_in_dim3A_2392, %broadcast_in_dim3A_2382 : vector<16xi1>, vector<16xf32>
        %eq3A_2394 = arith.constant 0 : i32
        %eq3A_2395 = vector.broadcast %eq3A_2394 : i32 to vector<16xi32>
        %eq3A_2396 = arith.cmpi eq, %iota3A_2380, %eq3A_2395 : vector<16xi32>
        %broadcast_in_dim3A_2397 = vector.broadcast %max3A : f32 to vector<16xf32>
        %select_n3A_2398 = arith.select %eq3A_2396, %broadcast_in_dim3A_2397, %broadcast_in_dim3A_2384 : vector<16xi1>, vector<16xf32>
        %eq3A_2399 = arith.constant 1 : i32
        %eq3A_2400 = vector.broadcast %eq3A_2399 : i32 to vector<16xi32>
        %eq3A_2401 = arith.cmpi eq, %iota3A_2380, %eq3A_2400 : vector<16xi32>
        %reduce_max3A_2402 = arith.constant true
        %reduce_max3A_2403 = vector.broadcast %reduce_max3A_2402 : i1 to vector<16xi1>
        %reduce_max3A_2404 = tpu.scan <max>, %scan3A_1182#1 masked %reduce_max3A_2403 : vector<16xf32>, vector<16xi1> -> vector<16xf32>
        %reduce_max3A_2405 = vector.extract %reduce_max3A_2404[15] : f32 from vector<16xf32>
        %broadcast_in_dim3A_2406 = vector.broadcast %reduce_max3A_2405 : f32 to vector<16xf32>
        %select_n3A_2407 = arith.select %eq3A_2401, %broadcast_in_dim3A_2406, %select_n3A_2393 : vector<16xi1>, vector<16xf32>
        %eq3A_2408 = arith.constant 1 : i32
        %eq3A_2409 = vector.broadcast %eq3A_2408 : i32 to vector<16xi32>
        %eq3A_2410 = arith.cmpi eq, %iota3A_2380, %eq3A_2409 : vector<16xi32>
        %broadcast_in_dim3A_2411 = vector.broadcast %max3A_450 : f32 to vector<16xf32>
        %select_n3A_2412 = arith.select %eq3A_2410, %broadcast_in_dim3A_2411, %select_n3A_2398 : vector<16xi1>, vector<16xf32>
        %eq3A_2413 = arith.constant 2 : i32
        %eq3A_2414 = vector.broadcast %eq3A_2413 : i32 to vector<16xi32>
        %eq3A_2415 = arith.cmpi eq, %iota3A_2380, %eq3A_2414 : vector<16xi32>
        %reduce_max3A_2416 = arith.constant true
        %reduce_max3A_2417 = vector.broadcast %reduce_max3A_2416 : i1 to vector<16xi1>
        %reduce_max3A_2418 = tpu.scan <max>, %scan3A_1182#2 masked %reduce_max3A_2417 : vector<16xf32>, vector<16xi1> -> vector<16xf32>
        %reduce_max3A_2419 = vector.extract %reduce_max3A_2418[15] : f32 from vector<16xf32>
        %broadcast_in_dim3A_2420 = vector.broadcast %reduce_max3A_2419 : f32 to vector<16xf32>
        %select_n3A_2421 = arith.select %eq3A_2415, %broadcast_in_dim3A_2420, %select_n3A_2407 : vector<16xi1>, vector<16xf32>
        %eq3A_2422 = arith.constant 2 : i32
        %eq3A_2423 = vector.broadcast %eq3A_2422 : i32 to vector<16xi32>
        %eq3A_2424 = arith.cmpi eq, %iota3A_2380, %eq3A_2423 : vector<16xi32>
        %broadcast_in_dim3A_2425 = vector.broadcast %max3A_570 : f32 to vector<16xf32>
        %select_n3A_2426 = arith.select %eq3A_2424, %broadcast_in_dim3A_2425, %select_n3A_2412 : vector<16xi1>, vector<16xf32>
        %eq3A_2427 = arith.constant 3 : i32
        %eq3A_2428 = vector.broadcast %eq3A_2427 : i32 to vector<16xi32>
        %eq3A_2429 = arith.cmpi eq, %iota3A_2380, %eq3A_2428 : vector<16xi32>
        %reduce_max3A_2430 = arith.constant true
        %reduce_max3A_2431 = vector.broadcast %reduce_max3A_2430 : i1 to vector<16xi1>
        %reduce_max3A_2432 = tpu.scan <max>, %scan3A_1182#3 masked %reduce_max3A_2431 : vector<16xf32>, vector<16xi1> -> vector<16xf32>
        %reduce_max3A_2433 = vector.extract %reduce_max3A_2432[15] : f32 from vector<16xf32>
        %broadcast_in_dim3A_2434 = vector.broadcast %reduce_max3A_2433 : f32 to vector<16xf32>
        %select_n3A_2435 = arith.select %eq3A_2429, %broadcast_in_dim3A_2434, %select_n3A_2421 : vector<16xi1>, vector<16xf32>
        %eq3A_2436 = arith.constant 3 : i32
        %eq3A_2437 = vector.broadcast %eq3A_2436 : i32 to vector<16xi32>
        %eq3A_2438 = arith.cmpi eq, %iota3A_2380, %eq3A_2437 : vector<16xi32>
        %broadcast_in_dim3A_2439 = vector.broadcast %max3A_690 : f32 to vector<16xf32>
        %select_n3A_2440 = arith.select %eq3A_2438, %broadcast_in_dim3A_2439, %select_n3A_2426 : vector<16xi1>, vector<16xf32>
        %eq3A_2441 = arith.constant 4 : i32
        %eq3A_2442 = vector.broadcast %eq3A_2441 : i32 to vector<16xi32>
        %eq3A_2443 = arith.cmpi eq, %iota3A_2380, %eq3A_2442 : vector<16xi32>
        %reduce_max3A_2444 = arith.constant true
        %reduce_max3A_2445 = vector.broadcast %reduce_max3A_2444 : i1 to vector<16xi1>
        %reduce_max3A_2446 = tpu.scan <max>, %scan3A_1182#4 masked %reduce_max3A_2445 : vector<16xf32>, vector<16xi1> -> vector<16xf32>
        %reduce_max3A_2447 = vector.extract %reduce_max3A_2446[15] : f32 from vector<16xf32>
        %broadcast_in_dim3A_2448 = vector.broadcast %reduce_max3A_2447 : f32 to vector<16xf32>
        %select_n3A_2449 = arith.select %eq3A_2443, %broadcast_in_dim3A_2448, %select_n3A_2435 : vector<16xi1>, vector<16xf32>
        %eq3A_2450 = arith.constant 4 : i32
        %eq3A_2451 = vector.broadcast %eq3A_2450 : i32 to vector<16xi32>
        %eq3A_2452 = arith.cmpi eq, %iota3A_2380, %eq3A_2451 : vector<16xi32>
        %broadcast_in_dim3A_2453 = vector.broadcast %max3A_810 : f32 to vector<16xf32>
        %select_n3A_2454 = arith.select %eq3A_2452, %broadcast_in_dim3A_2453, %select_n3A_2440 : vector<16xi1>, vector<16xf32>
        %eq3A_2455 = arith.constant 5 : i32
        %eq3A_2456 = vector.broadcast %eq3A_2455 : i32 to vector<16xi32>
        %eq3A_2457 = arith.cmpi eq, %iota3A_2380, %eq3A_2456 : vector<16xi32>
        %reduce_max3A_2458 = arith.constant true
        %reduce_max3A_2459 = vector.broadcast %reduce_max3A_2458 : i1 to vector<16xi1>
        %reduce_max3A_2460 = tpu.scan <max>, %scan3A_1182#5 masked %reduce_max3A_2459 : vector<16xf32>, vector<16xi1> -> vector<16xf32>
        %reduce_max3A_2461 = vector.extract %reduce_max3A_2460[15] : f32 from vector<16xf32>
        %broadcast_in_dim3A_2462 = vector.broadcast %reduce_max3A_2461 : f32 to vector<16xf32>
        %select_n3A_2463 = arith.select %eq3A_2457, %broadcast_in_dim3A_2462, %select_n3A_2449 : vector<16xi1>, vector<16xf32>
        %eq3A_2464 = arith.constant 5 : i32
        %eq3A_2465 = vector.broadcast %eq3A_2464 : i32 to vector<16xi32>
        %eq3A_2466 = arith.cmpi eq, %iota3A_2380, %eq3A_2465 : vector<16xi32>
        %broadcast_in_dim3A_2467 = vector.broadcast %max3A_930 : f32 to vector<16xf32>
        %select_n3A_2468 = arith.select %eq3A_2466, %broadcast_in_dim3A_2467, %select_n3A_2454 : vector<16xi1>, vector<16xf32>
        %eq3A_2469 = arith.constant 6 : i32
        %eq3A_2470 = vector.broadcast %eq3A_2469 : i32 to vector<16xi32>
        %eq3A_2471 = arith.cmpi eq, %iota3A_2380, %eq3A_2470 : vector<16xi32>
        %reduce_max3A_2472 = arith.constant true
        %reduce_max3A_2473 = vector.broadcast %reduce_max3A_2472 : i1 to vector<16xi1>
        %reduce_max3A_2474 = tpu.scan <max>, %scan3A_1182#6 masked %reduce_max3A_2473 : vector<16xf32>, vector<16xi1> -> vector<16xf32>
        %reduce_max3A_2475 = vector.extract %reduce_max3A_2474[15] : f32 from vector<16xf32>
        %broadcast_in_dim3A_2476 = vector.broadcast %reduce_max3A_2475 : f32 to vector<16xf32>
        %select_n3A_2477 = arith.select %eq3A_2471, %broadcast_in_dim3A_2476, %select_n3A_2463 : vector<16xi1>, vector<16xf32>
        %eq3A_2478 = arith.constant 6 : i32
        %eq3A_2479 = vector.broadcast %eq3A_2478 : i32 to vector<16xi32>
        %eq3A_2480 = arith.cmpi eq, %iota3A_2380, %eq3A_2479 : vector<16xi32>
        %broadcast_in_dim3A_2481 = vector.broadcast %max3A_1050 : f32 to vector<16xf32>
        %select_n3A_2482 = arith.select %eq3A_2480, %broadcast_in_dim3A_2481, %select_n3A_2468 : vector<16xi1>, vector<16xf32>
        %eq3A_2483 = arith.constant 7 : i32
        %eq3A_2484 = vector.broadcast %eq3A_2483 : i32 to vector<16xi32>
        %eq3A_2485 = arith.cmpi eq, %iota3A_2380, %eq3A_2484 : vector<16xi32>
        %reduce_max3A_2486 = arith.constant true
        %reduce_max3A_2487 = vector.broadcast %reduce_max3A_2486 : i1 to vector<16xi1>
        %reduce_max3A_2488 = tpu.scan <max>, %scan3A_1182#7 masked %reduce_max3A_2487 : vector<16xf32>, vector<16xi1> -> vector<16xf32>
        %reduce_max3A_2489 = vector.extract %reduce_max3A_2488[15] : f32 from vector<16xf32>
        %broadcast_in_dim3A_2490 = vector.broadcast %reduce_max3A_2489 : f32 to vector<16xf32>
        %select_n3A_2491 = arith.select %eq3A_2485, %broadcast_in_dim3A_2490, %select_n3A_2477 : vector<16xi1>, vector<16xf32>
        %eq3A_2492 = arith.constant 7 : i32
        %eq3A_2493 = vector.broadcast %eq3A_2492 : i32 to vector<16xi32>
        %eq3A_2494 = arith.cmpi eq, %iota3A_2380, %eq3A_2493 : vector<16xi32>
        %broadcast_in_dim3A_2495 = vector.broadcast %max3A_1170 : f32 to vector<16xf32>
        %select_n3A_2496 = arith.select %eq3A_2494, %broadcast_in_dim3A_2495, %select_n3A_2482 : vector<16xi1>, vector<16xf32>
        %mul3A_2497 = arith.constant 8 : i32
        %mul3A_2498 = arith.muli %select_n3A_1213, %mul3A_2497 : i32
        %add3A_2499 = vector.broadcast %mul3A_2498 : i32 to vector<16xi32>
        %add3A_2500 = arith.addi %iota3A_2380, %add3A_2499 : vector<16xi32>
        %lt3A_2501 = arith.constant 8 : i32
        %lt3A_2502 = vector.broadcast %lt3A_2501 : i32 to vector<16xi32>
        %lt3A_2503 = arith.cmpi slt, %iota3A_2380, %lt3A_2502 : vector<16xi32>
        tpu.vector_store_idx %arg9[%add3A_2500], %select_n3A_2491 masked %lt3A_2503 : memref<32xf32, #tpu.memory_space<vmem>>[vector<16xi32>], vector<16xf32>, vector<16xi1>
        tpu.vector_store_idx %arg10[%add3A_2500], %select_n3A_2496 masked %lt3A_2503 : memref<32xf32, #tpu.memory_space<vmem>>[vector<16xi32>], vector<16xf32>, vector<16xi1>
      } else {
      }
      %add3A_1235 = arith.constant 1 : i32
      %add3A_1236 = arith.addi %mul3A_54, %add3A_1235 : i32
      %jit3A_1237 = arith.constant 12 : i32
      %div3A_1238 = arith.divsi %add3A_1236, %jit3A_1237 : i32
      %sign3A_1239 = arith.constant 0 : i32
      %sign3A_1240 = arith.cmpi sgt, %add3A_1236, %sign3A_1239 : i32
      %sign3A_1241 = arith.extui %sign3A_1240 : i1 to i32
      %sign3A_1242 = arith.constant 0 : i32
      %sign3A_1243 = arith.cmpi slt, %add3A_1236, %sign3A_1242 : i32
      %sign3A_1244 = arith.extui %sign3A_1243 : i1 to i32
      %sign3A_1245 = arith.subi %sign3A_1241, %sign3A_1244 : i32
      %sign3A_1246 = arith.constant 0 : i32
      %sign3A_1247 = arith.cmpi sgt, %jit3A_1237, %sign3A_1246 : i32
      %sign3A_1248 = arith.extui %sign3A_1247 : i1 to i32
      %sign3A_1249 = arith.constant 0 : i32
      %sign3A_1250 = arith.cmpi slt, %jit3A_1237, %sign3A_1249 : i32
      %sign3A_1251 = arith.extui %sign3A_1250 : i1 to i32
      %sign3A_1252 = arith.subi %sign3A_1248, %sign3A_1251 : i32
      %ne3A_1253 = arith.cmpi ne, %sign3A_1245, %sign3A_1252 : i32
      %rem3A_1254 = arith.remsi %add3A_1236, %jit3A_1237 : i32
      %ne3A_1255 = arith.constant 0 : i32
      %ne3A_1256 = arith.cmpi ne, %rem3A_1254, %ne3A_1255 : i32
      %and3A_1257 = arith.andi %ne3A_1253, %ne3A_1256 : i1
      %sub3A_1258 = arith.constant 1 : i32
      %sub3A_1259 = arith.subi %div3A_1238, %sub3A_1258 : i32
      %select_n3A_1260 = arith.select %and3A_1257, %sub3A_1259, %div3A_1238 : i32
      %jit3A_1261 = arith.constant 12 : i32
      %eq3A_1262 = arith.constant 0 : i32
      %eq3A_1263 = arith.cmpi eq, %jit3A_1261, %eq3A_1262 : i32
      %jit3A_1264 = arith.constant 1 : i32
      %select_n3A_1265 = arith.select %eq3A_1263, %jit3A_1264, %jit3A_1261 : i32
      %rem3A_1266 = arith.remsi %add3A_1236, %select_n3A_1265 : i32
      %ne3A_1267 = arith.constant 0 : i32
      %ne3A_1268 = arith.cmpi ne, %rem3A_1266, %ne3A_1267 : i32
      %lt3A_1269 = arith.constant 0 : i32
      %lt3A_1270 = arith.cmpi slt, %rem3A_1266, %lt3A_1269 : i32
      %lt3A_1271 = arith.constant 0 : i32
      %lt3A_1272 = arith.cmpi slt, %select_n3A_1265, %lt3A_1271 : i32
      %ne3A_1273 = arith.xori %lt3A_1270, %lt3A_1272 : i1
      %and3A_1274 = arith.andi %ne3A_1273, %ne3A_1268 : i1
      %add3A_1275 = arith.addi %rem3A_1266, %select_n3A_1265 : i32
      %select_n3A_1276 = arith.select %and3A_1274, %add3A_1275, %rem3A_1266 : i32
      %mul3A_1277 = arith.constant 8 : i32
      %mul3A_1278 = arith.muli %select_n3A_1260, %mul3A_1277 : i32
      %add3A_1279 = arith.addi %mul3A_2, %mul3A_1278 : i32
      %mul3A_1280 = arith.constant 4096 : i32
      %mul3A_1281 = arith.muli %select_n3A_1276, %mul3A_1280 : i32
      %dma_wait3A_1282 = tpu.memref_slice %arg3[%add3A_1279, %mul3A_1281] : memref<1024x100000xf32, #tpu.memory_space<hbm>> -> memref<8x4096xf32, #tpu.memory_space<hbm>>
      %dma_wait3A_1283 = tpu.memref_slice %arg3[%add3A_1279, %mul3A_1281] : memref<1024x100000xf32, #tpu.memory_space<hbm>> -> memref<8x4096xf32, #tpu.memory_space<hbm>>
      tpu.wait_dma2 semaphore(%arg12 : memref<!tpu.dma_semaphore, #tpu.memory_space<semaphore_mem>>) src(%dma_wait3A_1283 : memref<8x4096xf32, #tpu.memory_space<hbm>>) dst(%arg8 : memref<8x4096xf32, #tpu.memory_space<vmem>>)
      %jit3A_1284 = arith.constant 12 : i32
      %div3A_1285 = arith.divsi %add3A_1236, %jit3A_1284 : i32
      %sign3A_1286 = arith.constant 0 : i32
      %sign3A_1287 = arith.cmpi sgt, %add3A_1236, %sign3A_1286 : i32
      %sign3A_1288 = arith.extui %sign3A_1287 : i1 to i32
      %sign3A_1289 = arith.constant 0 : i32
      %sign3A_1290 = arith.cmpi slt, %add3A_1236, %sign3A_1289 : i32
      %sign3A_1291 = arith.extui %sign3A_1290 : i1 to i32
      %sign3A_1292 = arith.subi %sign3A_1288, %sign3A_1291 : i32
      %sign3A_1293 = arith.constant 0 : i32
      %sign3A_1294 = arith.cmpi sgt, %jit3A_1284, %sign3A_1293 : i32
      %sign3A_1295 = arith.extui %sign3A_1294 : i1 to i32
      %sign3A_1296 = arith.constant 0 : i32
      %sign3A_1297 = arith.cmpi slt, %jit3A_1284, %sign3A_1296 : i32
      %sign3A_1298 = arith.extui %sign3A_1297 : i1 to i32
      %sign3A_1299 = arith.subi %sign3A_1295, %sign3A_1298 : i32
      %ne3A_1300 = arith.cmpi ne, %sign3A_1292, %sign3A_1299 : i32
      %rem3A_1301 = arith.remsi %add3A_1236, %jit3A_1284 : i32
      %ne3A_1302 = arith.constant 0 : i32
      %ne3A_1303 = arith.cmpi ne, %rem3A_1301, %ne3A_1302 : i32
      %and3A_1304 = arith.andi %ne3A_1300, %ne3A_1303 : i1
      %sub3A_1305 = arith.constant 1 : i32
      %sub3A_1306 = arith.subi %div3A_1285, %sub3A_1305 : i32
      %select_n3A_1307 = arith.select %and3A_1304, %sub3A_1306, %div3A_1285 : i32
      %jit3A_1308 = arith.constant 12 : i32
      %eq3A_1309 = arith.constant 0 : i32
      %eq3A_1310 = arith.cmpi eq, %jit3A_1308, %eq3A_1309 : i32
      %jit3A_1311 = arith.constant 1 : i32
      %select_n3A_1312 = arith.select %eq3A_1310, %jit3A_1311, %jit3A_1308 : i32
      %rem3A_1313 = arith.remsi %add3A_1236, %select_n3A_1312 : i32
      %ne3A_1314 = arith.constant 0 : i32
      %ne3A_1315 = arith.cmpi ne, %rem3A_1313, %ne3A_1314 : i32
      %lt3A_1316 = arith.constant 0 : i32
      %lt3A_1317 = arith.cmpi slt, %rem3A_1313, %lt3A_1316 : i32
      %lt3A_1318 = arith.constant 0 : i32
      %lt3A_1319 = arith.cmpi slt, %select_n3A_1312, %lt3A_1318 : i32
      %ne3A_1320 = arith.xori %lt3A_1317, %lt3A_1319 : i1
      %and3A_1321 = arith.andi %ne3A_1320, %ne3A_1315 : i1
      %add3A_1322 = arith.addi %rem3A_1313, %select_n3A_1312 : i32
      %select_n3A_1323 = arith.select %and3A_1321, %add3A_1322, %rem3A_1313 : i32
      %eq3A_1324 = arith.constant 0 : i32
      %eq3A_1325 = arith.cmpi eq, %select_n3A_1323, %eq3A_1324 : i32
      %mul3A_1326 = arith.constant 4096 : i32
      %mul3A_1327 = arith.muli %select_n3A_1323, %mul3A_1326 : i32
      %broadcast_in_dim3A_1328 = arith.constant -3.400000e+38 : f32
      %broadcast_in_dim3A_1329 = vector.broadcast %broadcast_in_dim3A_1328 : f32 to vector<16xf32>
      %select_n3A_1330 = arith.select %eq3A_1325, %broadcast_in_dim3A_1329, %scan3A_1182#0 : vector<16xf32>
      %broadcast_in_dim3A_1331 = arith.constant -3.400000e+38 : f32
      %broadcast_in_dim3A_1332 = vector.broadcast %broadcast_in_dim3A_1331 : f32 to vector<16xf32>
      %select_n3A_1333 = arith.select %eq3A_1325, %broadcast_in_dim3A_1332, %scan3A_1182#1 : vector<16xf32>
      %broadcast_in_dim3A_1334 = arith.constant -3.400000e+38 : f32
      %broadcast_in_dim3A_1335 = vector.broadcast %broadcast_in_dim3A_1334 : f32 to vector<16xf32>
      %select_n3A_1336 = arith.select %eq3A_1325, %broadcast_in_dim3A_1335, %scan3A_1182#2 : vector<16xf32>
      %broadcast_in_dim3A_1337 = arith.constant -3.400000e+38 : f32
      %broadcast_in_dim3A_1338 = vector.broadcast %broadcast_in_dim3A_1337 : f32 to vector<16xf32>
      %select_n3A_1339 = arith.select %eq3A_1325, %broadcast_in_dim3A_1338, %scan3A_1182#3 : vector<16xf32>
      %broadcast_in_dim3A_1340 = arith.constant -3.400000e+38 : f32
      %broadcast_in_dim3A_1341 = vector.broadcast %broadcast_in_dim3A_1340 : f32 to vector<16xf32>
      %select_n3A_1342 = arith.select %eq3A_1325, %broadcast_in_dim3A_1341, %scan3A_1182#4 : vector<16xf32>
      %broadcast_in_dim3A_1343 = arith.constant -3.400000e+38 : f32
      %broadcast_in_dim3A_1344 = vector.broadcast %broadcast_in_dim3A_1343 : f32 to vector<16xf32>
      %select_n3A_1345 = arith.select %eq3A_1325, %broadcast_in_dim3A_1344, %scan3A_1182#5 : vector<16xf32>
      %broadcast_in_dim3A_1346 = arith.constant -3.400000e+38 : f32
      %broadcast_in_dim3A_1347 = vector.broadcast %broadcast_in_dim3A_1346 : f32 to vector<16xf32>
      %select_n3A_1348 = arith.select %eq3A_1325, %broadcast_in_dim3A_1347, %scan3A_1182#6 : vector<16xf32>
      %broadcast_in_dim3A_1349 = arith.constant -3.400000e+38 : f32
      %broadcast_in_dim3A_1350 = vector.broadcast %broadcast_in_dim3A_1349 : f32 to vector<16xf32>
      %select_n3A_1351 = arith.select %eq3A_1325, %broadcast_in_dim3A_1350, %scan3A_1182#7 : vector<16xf32>
      %jit3A_1352 = arith.constant -3.400000e+38 : f32
      %select_n3A_1353 = arith.select %eq3A_1325, %jit3A_1352, %max3A : f32
      %jit3A_1354 = arith.constant -3.400000e+38 : f32
      %select_n3A_1355 = arith.select %eq3A_1325, %jit3A_1354, %max3A_450 : f32
      %jit3A_1356 = arith.constant -3.400000e+38 : f32
      %select_n3A_1357 = arith.select %eq3A_1325, %jit3A_1356, %max3A_570 : f32
      %jit3A_1358 = arith.constant -3.400000e+38 : f32
      %select_n3A_1359 = arith.select %eq3A_1325, %jit3A_1358, %max3A_690 : f32
      %jit3A_1360 = arith.constant -3.400000e+38 : f32
      %select_n3A_1361 = arith.select %eq3A_1325, %jit3A_1360, %max3A_810 : f32
      %jit3A_1362 = arith.constant -3.400000e+38 : f32
      %select_n3A_1363 = arith.select %eq3A_1325, %jit3A_1362, %max3A_930 : f32
      %jit3A_1364 = arith.constant -3.400000e+38 : f32
      %select_n3A_1365 = arith.select %eq3A_1325, %jit3A_1364, %max3A_1050 : f32
      %jit3A_1366 = arith.constant -3.400000e+38 : f32
      %select_n3A_1367 = arith.select %eq3A_1325, %jit3A_1366, %max3A_1170 : f32
      %iota3A_1368 = tpu.iota {dimensions = array<i32: 0>} : vector<16xi32>
      %jit3A_1369 = arith.constant 2 : i32
      %div3A_1370 = arith.divsi %select_n3A_1307, %jit3A_1369 : i32
      %sign3A_1371 = arith.constant 0 : i32
      %sign3A_1372 = arith.cmpi sgt, %select_n3A_1307, %sign3A_1371 : i32
      %sign3A_1373 = arith.extui %sign3A_1372 : i1 to i32
      %sign3A_1374 = arith.constant 0 : i32
      %sign3A_1375 = arith.cmpi slt, %select_n3A_1307, %sign3A_1374 : i32
      %sign3A_1376 = arith.extui %sign3A_1375 : i1 to i32
      %sign3A_1377 = arith.subi %sign3A_1373, %sign3A_1376 : i32
      %sign3A_1378 = arith.constant 0 : i32
      %sign3A_1379 = arith.cmpi sgt, %jit3A_1369, %sign3A_1378 : i32
      %sign3A_1380 = arith.extui %sign3A_1379 : i1 to i32
      %sign3A_1381 = arith.constant 0 : i32
      %sign3A_1382 = arith.cmpi slt, %jit3A_1369, %sign3A_1381 : i32
      %sign3A_1383 = arith.extui %sign3A_1382 : i1 to i32
      %sign3A_1384 = arith.subi %sign3A_1380, %sign3A_1383 : i32
      %ne3A_1385 = arith.cmpi ne, %sign3A_1377, %sign3A_1384 : i32
      %rem3A_1386 = arith.remsi %select_n3A_1307, %jit3A_1369 : i32
      %ne3A_1387 = arith.constant 0 : i32
      %ne3A_1388 = arith.cmpi ne, %rem3A_1386, %ne3A_1387 : i32
      %and3A_1389 = arith.andi %ne3A_1385, %ne3A_1388 : i1
      %sub3A_1390 = arith.constant 1 : i32
      %sub3A_1391 = arith.subi %div3A_1370, %sub3A_1390 : i32
      %select_n3A_1392 = arith.select %and3A_1389, %sub3A_1391, %div3A_1370 : i32
      %mul3A_1393 = arith.constant 16 : i32
      %mul3A_1394 = arith.muli %select_n3A_1392, %mul3A_1393 : i32
      %get3A_1395 = arith.index_cast %mul3A_1394 : i32 to index
      %get3A_1396 = tpu.vector_load %arg6[%get3A_1395] {strides = array<i32>} : memref<32xi32, #tpu.memory_space<vmem>>, vector<16xi32>,
      %jit3A_1397 = arith.constant 2 : i32
      %eq3A_1398 = arith.constant 0 : i32
      %eq3A_1399 = arith.cmpi eq, %jit3A_1397, %eq3A_1398 : i32
      %jit3A_1400 = arith.constant 1 : i32
      %select_n3A_1401 = arith.select %eq3A_1399, %jit3A_1400, %jit3A_1397 : i32
      %rem3A_1402 = arith.remsi %select_n3A_1307, %select_n3A_1401 : i32
      %ne3A_1403 = arith.constant 0 : i32
      %ne3A_1404 = arith.cmpi ne, %rem3A_1402, %ne3A_1403 : i32
      %lt3A_1405 = arith.constant 0 : i32
      %lt3A_1406 = arith.cmpi slt, %rem3A_1402, %lt3A_1405 : i32
      %lt3A_1407 = arith.constant 0 : i32
      %lt3A_1408 = arith.cmpi slt, %select_n3A_1401, %lt3A_1407 : i32
      %ne3A_1409 = arith.xori %lt3A_1406, %lt3A_1408 : i1
      %and3A_1410 = arith.andi %ne3A_1409, %ne3A_1404 : i1
      %add3A_1411 = arith.addi %rem3A_1402, %select_n3A_1401 : i32
      %select_n3A_1412 = arith.select %and3A_1410, %add3A_1411, %rem3A_1402 : i32
      %mul3A_1413 = arith.constant 8 : i32
      %mul3A_1414 = arith.muli %select_n3A_1412, %mul3A_1413 : i32
      %add3A_1415 = arith.constant 0 : i32
      %add3A_1416 = arith.addi %mul3A_1414, %add3A_1415 : i32
      %iota3A_1417 = tpu.iota {dimensions = array<i32: 0>} : vector<16xi32>
      %eq3A_1418 = vector.broadcast %add3A_1416 : i32 to vector<16xi32>
      %eq3A_1419 = arith.cmpi eq, %iota3A_1417, %eq3A_1418 : vector<16xi32>
      %convert_element_type3A_1420 = arith.sitofp %get3A_1396 : vector<16xi32> to vector<16xf32>
      %jit3A_1421 = arith.constant -1.000000e+00 : f32
      %broadcast_in_dim3A_1422 = vector.broadcast %jit3A_1421 : f32 to vector<16xf32>
      %select_n3A_1423 = arith.select %eq3A_1419, %convert_element_type3A_1420, %broadcast_in_dim3A_1422 : vector<16xi1>, vector<16xf32>
      %reduce_max3A_1424 = arith.constant true
      %reduce_max3A_1425 = vector.broadcast %reduce_max3A_1424 : i1 to vector<16xi1>
      %reduce_max3A_1426 = tpu.scan <max>, %select_n3A_1423 masked %reduce_max3A_1425 : vector<16xf32>, vector<16xi1> -> vector<16xf32>
      %reduce_max3A_1427 = vector.extract %reduce_max3A_1426[15] : f32 from vector<16xf32>
      %convert_element_type3A_1428 = arith.fptosi %reduce_max3A_1427 : f32 to i32
      %ge3A_1429 = arith.cmpi sge, %convert_element_type3A_1428, %mul3A_1327 : i32
      %add3A_1430 = arith.constant 4096 : i32
      %add3A_1431 = arith.addi %mul3A_1327, %add3A_1430 : i32
      %lt3A_1432 = arith.cmpi slt, %convert_element_type3A_1428, %add3A_1431 : i32
      %and3A_1433 = arith.andi %ge3A_1429, %lt3A_1432 : i1
      %sub3A_1434 = arith.subi %convert_element_type3A_1428, %mul3A_1327 : i32
      %jit3A_1435 = arith.constant 0 : i32
      %select_n3A_1436 = arith.select %and3A_1433, %sub3A_1434, %jit3A_1435 : i32
      %jit3A_1437 = arith.constant 16 : i32
      %div3A_1438 = arith.divsi %select_n3A_1436, %jit3A_1437 : i32
      %sign3A_1439 = arith.constant 0 : i32
      %sign3A_1440 = arith.cmpi sgt, %select_n3A_1436, %sign3A_1439 : i32
      %sign3A_1441 = arith.extui %sign3A_1440 : i1 to i32
      %sign3A_1442 = arith.constant 0 : i32
      %sign3A_1443 = arith.cmpi slt, %select_n3A_1436, %sign3A_1442 : i32
      %sign3A_1444 = arith.extui %sign3A_1443 : i1 to i32
      %sign3A_1445 = arith.subi %sign3A_1441, %sign3A_1444 : i32
      %sign3A_1446 = arith.constant 0 : i32
      %sign3A_1447 = arith.cmpi sgt, %jit3A_1437, %sign3A_1446 : i32
      %sign3A_1448 = arith.extui %sign3A_1447 : i1 to i32
      %sign3A_1449 = arith.constant 0 : i32
      %sign3A_1450 = arith.cmpi slt, %jit3A_1437, %sign3A_1449 : i32
      %sign3A_1451 = arith.extui %sign3A_1450 : i1 to i32
      %sign3A_1452 = arith.subi %sign3A_1448, %sign3A_1451 : i32
      %ne3A_1453 = arith.cmpi ne, %sign3A_1445, %sign3A_1452 : i32
      %rem3A_1454 = arith.remsi %select_n3A_1436, %jit3A_1437 : i32
      %ne3A_1455 = arith.constant 0 : i32
      %ne3A_1456 = arith.cmpi ne, %rem3A_1454, %ne3A_1455 : i32
      %and3A_1457 = arith.andi %ne3A_1453, %ne3A_1456 : i1
      %sub3A_1458 = arith.constant 1 : i32
      %sub3A_1459 = arith.subi %div3A_1438, %sub3A_1458 : i32
      %select_n3A_1460 = arith.select %and3A_1457, %sub3A_1459, %div3A_1438 : i32
      %mul3A_1461 = arith.constant 16 : i32
      %mul3A_1462 = arith.muli %select_n3A_1460, %mul3A_1461 : i32
      %sub3A_1463 = arith.subi %select_n3A_1436, %mul3A_1462 : i32
      %get3A_1464 = arith.constant 0 : i32
      %get3A_1465 = arith.index_cast %get3A_1464 : i32 to index
      %get3A_1466 = arith.index_cast %mul3A_1462 : i32 to index
      %get3A_1467 = tpu.vector_load %arg8[%get3A_1465, %get3A_1466] {strides = array<i32>} : memref<8x4096xf32, #tpu.memory_space<vmem>>, vector<16xf32>,
      %eq3A_1468 = vector.broadcast %sub3A_1463 : i32 to vector<16xi32>
      %eq3A_1469 = arith.cmpi eq, %iota3A_1368, %eq3A_1468 : vector<16xi32>
      %and3A_1470 = vector.broadcast %and3A_1433 : i1 to vector<16xi1>
      %and3A_1471 = arith.andi %eq3A_1469, %and3A_1470 : vector<16xi1>
      %jit3A_1472 = arith.constant -3.400000e+38 : f32
      %broadcast_in_dim3A_1473 = vector.broadcast %jit3A_1472 : f32 to vector<16xf32>
      %select_n3A_1474 = arith.select %and3A_1471, %get3A_1467, %broadcast_in_dim3A_1473 : vector<16xi1>, vector<16xf32>
      %reduce_max3A_1475 = arith.constant true
      %reduce_max3A_1476 = vector.broadcast %reduce_max3A_1475 : i1 to vector<16xi1>
      %reduce_max3A_1477 = tpu.scan <max>, %select_n3A_1474 masked %reduce_max3A_1476 : vector<16xf32>, vector<16xi1> -> vector<16xf32>
      %reduce_max3A_1478 = vector.extract %reduce_max3A_1477[15] : f32 from vector<16xf32>
      %jit3A_1479 = arith.constant -3.400000e+38 : f32
      %select_n3A_1480 = arith.select %and3A_1433, %reduce_max3A_1478, %jit3A_1479 : f32
      %max3A_1481 = arith.maximumf %select_n3A_1353, %select_n3A_1480 : f32
      %jit3A_1482 = arith.constant -1.000000e+10 : f32
      %broadcast_in_dim3A_1483 = vector.broadcast %jit3A_1482 : f32 to vector<16xf32>
      %select_n3A_1484 = arith.select %and3A_1471, %broadcast_in_dim3A_1483, %get3A_1467 : vector<16xi1>, vector<16xf32>
      %swap3A_1485 = arith.constant 0 : i32
      %swap3A_1486 = arith.index_cast %swap3A_1485 : i32 to index
      %swap3A_1487 = arith.index_cast %mul3A_1462 : i32 to index
      %swap3A_1488 = tpu.vector_load %arg8[%swap3A_1486, %swap3A_1487] {strides = array<i32>} : memref<8x4096xf32, #tpu.memory_space<vmem>>, vector<16xf32>,
      tpu.vector_store %arg8[%swap3A_1486, %swap3A_1487], %select_n3A_1484 {strides = array<i32>} : memref<8x4096xf32, #tpu.memory_space<vmem>>, vector<16xf32>,
      %jit3A_1489 = arith.constant 2 : i32
      %div3A_1490 = arith.divsi %select_n3A_1307, %jit3A_1489 : i32
      %sign3A_1491 = arith.constant 0 : i32
      %sign3A_1492 = arith.cmpi sgt, %select_n3A_1307, %sign3A_1491 : i32
      %sign3A_1493 = arith.extui %sign3A_1492 : i1 to i32
      %sign3A_1494 = arith.constant 0 : i32
      %sign3A_1495 = arith.cmpi slt, %select_n3A_1307, %sign3A_1494 : i32
      %sign3A_1496 = arith.extui %sign3A_1495 : i1 to i32
      %sign3A_1497 = arith.subi %sign3A_1493, %sign3A_1496 : i32
      %sign3A_1498 = arith.constant 0 : i32
      %sign3A_1499 = arith.cmpi sgt, %jit3A_1489, %sign3A_1498 : i32
      %sign3A_1500 = arith.extui %sign3A_1499 : i1 to i32
      %sign3A_1501 = arith.constant 0 : i32
      %sign3A_1502 = arith.cmpi slt, %jit3A_1489, %sign3A_1501 : i32
      %sign3A_1503 = arith.extui %sign3A_1502 : i1 to i32
      %sign3A_1504 = arith.subi %sign3A_1500, %sign3A_1503 : i32
      %ne3A_1505 = arith.cmpi ne, %sign3A_1497, %sign3A_1504 : i32
      %rem3A_1506 = arith.remsi %select_n3A_1307, %jit3A_1489 : i32
      %ne3A_1507 = arith.constant 0 : i32
      %ne3A_1508 = arith.cmpi ne, %rem3A_1506, %ne3A_1507 : i32
      %and3A_1509 = arith.andi %ne3A_1505, %ne3A_1508 : i1
      %sub3A_1510 = arith.constant 1 : i32
      %sub3A_1511 = arith.subi %div3A_1490, %sub3A_1510 : i32
      %select_n3A_1512 = arith.select %and3A_1509, %sub3A_1511, %div3A_1490 : i32
      %mul3A_1513 = arith.constant 16 : i32
      %mul3A_1514 = arith.muli %select_n3A_1512, %mul3A_1513 : i32
      %get3A_1515 = arith.index_cast %mul3A_1514 : i32 to index
      %get3A_1516 = tpu.vector_load %arg6[%get3A_1515] {strides = array<i32>} : memref<32xi32, #tpu.memory_space<vmem>>, vector<16xi32>,
      %jit3A_1517 = arith.constant 2 : i32
      %eq3A_1518 = arith.constant 0 : i32
      %eq3A_1519 = arith.cmpi eq, %jit3A_1517, %eq3A_1518 : i32
      %jit3A_1520 = arith.constant 1 : i32
      %select_n3A_1521 = arith.select %eq3A_1519, %jit3A_1520, %jit3A_1517 : i32
      %rem3A_1522 = arith.remsi %select_n3A_1307, %select_n3A_1521 : i32
      %ne3A_1523 = arith.constant 0 : i32
      %ne3A_1524 = arith.cmpi ne, %rem3A_1522, %ne3A_1523 : i32
      %lt3A_1525 = arith.constant 0 : i32
      %lt3A_1526 = arith.cmpi slt, %rem3A_1522, %lt3A_1525 : i32
      %lt3A_1527 = arith.constant 0 : i32
      %lt3A_1528 = arith.cmpi slt, %select_n3A_1521, %lt3A_1527 : i32
      %ne3A_1529 = arith.xori %lt3A_1526, %lt3A_1528 : i1
      %and3A_1530 = arith.andi %ne3A_1529, %ne3A_1524 : i1
      %add3A_1531 = arith.addi %rem3A_1522, %select_n3A_1521 : i32
      %select_n3A_1532 = arith.select %and3A_1530, %add3A_1531, %rem3A_1522 : i32
      %mul3A_1533 = arith.constant 8 : i32
      %mul3A_1534 = arith.muli %select_n3A_1532, %mul3A_1533 : i32
      %add3A_1535 = arith.constant 1 : i32
      %add3A_1536 = arith.addi %mul3A_1534, %add3A_1535 : i32
      %iota3A_1537 = tpu.iota {dimensions = array<i32: 0>} : vector<16xi32>
      %eq3A_1538 = vector.broadcast %add3A_1536 : i32 to vector<16xi32>
      %eq3A_1539 = arith.cmpi eq, %iota3A_1537, %eq3A_1538 : vector<16xi32>
      %convert_element_type3A_1540 = arith.sitofp %get3A_1516 : vector<16xi32> to vector<16xf32>
      %jit3A_1541 = arith.constant -1.000000e+00 : f32
      %broadcast_in_dim3A_1542 = vector.broadcast %jit3A_1541 : f32 to vector<16xf32>
      %select_n3A_1543 = arith.select %eq3A_1539, %convert_element_type3A_1540, %broadcast_in_dim3A_1542 : vector<16xi1>, vector<16xf32>
      %reduce_max3A_1544 = arith.constant true
      %reduce_max3A_1545 = vector.broadcast %reduce_max3A_1544 : i1 to vector<16xi1>
      %reduce_max3A_1546 = tpu.scan <max>, %select_n3A_1543 masked %reduce_max3A_1545 : vector<16xf32>, vector<16xi1> -> vector<16xf32>
      %reduce_max3A_1547 = vector.extract %reduce_max3A_1546[15] : f32 from vector<16xf32>
      %convert_element_type3A_1548 = arith.fptosi %reduce_max3A_1547 : f32 to i32
      %ge3A_1549 = arith.cmpi sge, %convert_element_type3A_1548, %mul3A_1327 : i32
      %add3A_1550 = arith.constant 4096 : i32
      %add3A_1551 = arith.addi %mul3A_1327, %add3A_1550 : i32
      %lt3A_1552 = arith.cmpi slt, %convert_element_type3A_1548, %add3A_1551 : i32
      %and3A_1553 = arith.andi %ge3A_1549, %lt3A_1552 : i1
      %sub3A_1554 = arith.subi %convert_element_type3A_1548, %mul3A_1327 : i32
      %jit3A_1555 = arith.constant 0 : i32
      %select_n3A_1556 = arith.select %and3A_1553, %sub3A_1554, %jit3A_1555 : i32
      %jit3A_1557 = arith.constant 16 : i32
      %div3A_1558 = arith.divsi %select_n3A_1556, %jit3A_1557 : i32
      %sign3A_1559 = arith.constant 0 : i32
      %sign3A_1560 = arith.cmpi sgt, %select_n3A_1556, %sign3A_1559 : i32
      %sign3A_1561 = arith.extui %sign3A_1560 : i1 to i32
      %sign3A_1562 = arith.constant 0 : i32
      %sign3A_1563 = arith.cmpi slt, %select_n3A_1556, %sign3A_1562 : i32
      %sign3A_1564 = arith.extui %sign3A_1563 : i1 to i32
      %sign3A_1565 = arith.subi %sign3A_1561, %sign3A_1564 : i32
      %sign3A_1566 = arith.constant 0 : i32
      %sign3A_1567 = arith.cmpi sgt, %jit3A_1557, %sign3A_1566 : i32
      %sign3A_1568 = arith.extui %sign3A_1567 : i1 to i32
      %sign3A_1569 = arith.constant 0 : i32
      %sign3A_1570 = arith.cmpi slt, %jit3A_1557, %sign3A_1569 : i32
      %sign3A_1571 = arith.extui %sign3A_1570 : i1 to i32
      %sign3A_1572 = arith.subi %sign3A_1568, %sign3A_1571 : i32
      %ne3A_1573 = arith.cmpi ne, %sign3A_1565, %sign3A_1572 : i32
      %rem3A_1574 = arith.remsi %select_n3A_1556, %jit3A_1557 : i32
      %ne3A_1575 = arith.constant 0 : i32
      %ne3A_1576 = arith.cmpi ne, %rem3A_1574, %ne3A_1575 : i32
      %and3A_1577 = arith.andi %ne3A_1573, %ne3A_1576 : i1
      %sub3A_1578 = arith.constant 1 : i32
      %sub3A_1579 = arith.subi %div3A_1558, %sub3A_1578 : i32
      %select_n3A_1580 = arith.select %and3A_1577, %sub3A_1579, %div3A_1558 : i32
      %mul3A_1581 = arith.constant 16 : i32
      %mul3A_1582 = arith.muli %select_n3A_1580, %mul3A_1581 : i32
      %sub3A_1583 = arith.subi %select_n3A_1556, %mul3A_1582 : i32
      %get3A_1584 = arith.constant 1 : i32
      %get3A_1585 = arith.index_cast %get3A_1584 : i32 to index
      %get3A_1586 = arith.index_cast %mul3A_1582 : i32 to index
      %get3A_1587 = tpu.vector_load %arg8[%get3A_1585, %get3A_1586] {strides = array<i32>} : memref<8x4096xf32, #tpu.memory_space<vmem>>, vector<16xf32>,
      %eq3A_1588 = vector.broadcast %sub3A_1583 : i32 to vector<16xi32>
      %eq3A_1589 = arith.cmpi eq, %iota3A_1368, %eq3A_1588 : vector<16xi32>
      %and3A_1590 = vector.broadcast %and3A_1553 : i1 to vector<16xi1>
      %and3A_1591 = arith.andi %eq3A_1589, %and3A_1590 : vector<16xi1>
      %jit3A_1592 = arith.constant -3.400000e+38 : f32
      %broadcast_in_dim3A_1593 = vector.broadcast %jit3A_1592 : f32 to vector<16xf32>
      %select_n3A_1594 = arith.select %and3A_1591, %get3A_1587, %broadcast_in_dim3A_1593 : vector<16xi1>, vector<16xf32>
      %reduce_max3A_1595 = arith.constant true
      %reduce_max3A_1596 = vector.broadcast %reduce_max3A_1595 : i1 to vector<16xi1>
      %reduce_max3A_1597 = tpu.scan <max>, %select_n3A_1594 masked %reduce_max3A_1596 : vector<16xf32>, vector<16xi1> -> vector<16xf32>
      %reduce_max3A_1598 = vector.extract %reduce_max3A_1597[15] : f32 from vector<16xf32>
      %jit3A_1599 = arith.constant -3.400000e+38 : f32
      %select_n3A_1600 = arith.select %and3A_1553, %reduce_max3A_1598, %jit3A_1599 : f32
      %max3A_1601 = arith.maximumf %select_n3A_1355, %select_n3A_1600 : f32
      %jit3A_1602 = arith.constant -1.000000e+10 : f32
      %broadcast_in_dim3A_1603 = vector.broadcast %jit3A_1602 : f32 to vector<16xf32>
      %select_n3A_1604 = arith.select %and3A_1591, %broadcast_in_dim3A_1603, %get3A_1587 : vector<16xi1>, vector<16xf32>
      %swap3A_1605 = arith.constant 1 : i32
      %swap3A_1606 = arith.index_cast %swap3A_1605 : i32 to index
      %swap3A_1607 = arith.index_cast %mul3A_1582 : i32 to index
      %swap3A_1608 = tpu.vector_load %arg8[%swap3A_1606, %swap3A_1607] {strides = array<i32>} : memref<8x4096xf32, #tpu.memory_space<vmem>>, vector<16xf32>,
      tpu.vector_store %arg8[%swap3A_1606, %swap3A_1607], %select_n3A_1604 {strides = array<i32>} : memref<8x4096xf32, #tpu.memory_space<vmem>>, vector<16xf32>,
      %jit3A_1609 = arith.constant 2 : i32
      %div3A_1610 = arith.divsi %select_n3A_1307, %jit3A_1609 : i32
      %sign3A_1611 = arith.constant 0 : i32
      %sign3A_1612 = arith.cmpi sgt, %select_n3A_1307, %sign3A_1611 : i32
      %sign3A_1613 = arith.extui %sign3A_1612 : i1 to i32
      %sign3A_1614 = arith.constant 0 : i32
      %sign3A_1615 = arith.cmpi slt, %select_n3A_1307, %sign3A_1614 : i32
      %sign3A_1616 = arith.extui %sign3A_1615 : i1 to i32
      %sign3A_1617 = arith.subi %sign3A_1613, %sign3A_1616 : i32
      %sign3A_1618 = arith.constant 0 : i32
      %sign3A_1619 = arith.cmpi sgt, %jit3A_1609, %sign3A_1618 : i32
      %sign3A_1620 = arith.extui %sign3A_1619 : i1 to i32
      %sign3A_1621 = arith.constant 0 : i32
      %sign3A_1622 = arith.cmpi slt, %jit3A_1609, %sign3A_1621 : i32
      %sign3A_1623 = arith.extui %sign3A_1622 : i1 to i32
      %sign3A_1624 = arith.subi %sign3A_1620, %sign3A_1623 : i32
      %ne3A_1625 = arith.cmpi ne, %sign3A_1617, %sign3A_1624 : i32
      %rem3A_1626 = arith.remsi %select_n3A_1307, %jit3A_1609 : i32
      %ne3A_1627 = arith.constant 0 : i32
      %ne3A_1628 = arith.cmpi ne, %rem3A_1626, %ne3A_1627 : i32
      %and3A_1629 = arith.andi %ne3A_1625, %ne3A_1628 : i1
      %sub3A_1630 = arith.constant 1 : i32
      %sub3A_1631 = arith.subi %div3A_1610, %sub3A_1630 : i32
      %select_n3A_1632 = arith.select %and3A_1629, %sub3A_1631, %div3A_1610 : i32
      %mul3A_1633 = arith.constant 16 : i32
      %mul3A_1634 = arith.muli %select_n3A_1632, %mul3A_1633 : i32
      %get3A_1635 = arith.index_cast %mul3A_1634 : i32 to index
      %get3A_1636 = tpu.vector_load %arg6[%get3A_1635] {strides = array<i32>} : memref<32xi32, #tpu.memory_space<vmem>>, vector<16xi32>,
      %jit3A_1637 = arith.constant 2 : i32
      %eq3A_1638 = arith.constant 0 : i32
      %eq3A_1639 = arith.cmpi eq, %jit3A_1637, %eq3A_1638 : i32
      %jit3A_1640 = arith.constant 1 : i32
      %select_n3A_1641 = arith.select %eq3A_1639, %jit3A_1640, %jit3A_1637 : i32
      %rem3A_1642 = arith.remsi %select_n3A_1307, %select_n3A_1641 : i32
      %ne3A_1643 = arith.constant 0 : i32
      %ne3A_1644 = arith.cmpi ne, %rem3A_1642, %ne3A_1643 : i32
      %lt3A_1645 = arith.constant 0 : i32
      %lt3A_1646 = arith.cmpi slt, %rem3A_1642, %lt3A_1645 : i32
      %lt3A_1647 = arith.constant 0 : i32
      %lt3A_1648 = arith.cmpi slt, %select_n3A_1641, %lt3A_1647 : i32
      %ne3A_1649 = arith.xori %lt3A_1646, %lt3A_1648 : i1
      %and3A_1650 = arith.andi %ne3A_1649, %ne3A_1644 : i1
      %add3A_1651 = arith.addi %rem3A_1642, %select_n3A_1641 : i32
      %select_n3A_1652 = arith.select %and3A_1650, %add3A_1651, %rem3A_1642 : i32
      %mul3A_1653 = arith.constant 8 : i32
      %mul3A_1654 = arith.muli %select_n3A_1652, %mul3A_1653 : i32
      %add3A_1655 = arith.constant 2 : i32
      %add3A_1656 = arith.addi %mul3A_1654, %add3A_1655 : i32
      %iota3A_1657 = tpu.iota {dimensions = array<i32: 0>} : vector<16xi32>
      %eq3A_1658 = vector.broadcast %add3A_1656 : i32 to vector<16xi32>
      %eq3A_1659 = arith.cmpi eq, %iota3A_1657, %eq3A_1658 : vector<16xi32>
      %convert_element_type3A_1660 = arith.sitofp %get3A_1636 : vector<16xi32> to vector<16xf32>
      %jit3A_1661 = arith.constant -1.000000e+00 : f32
      %broadcast_in_dim3A_1662 = vector.broadcast %jit3A_1661 : f32 to vector<16xf32>
      %select_n3A_1663 = arith.select %eq3A_1659, %convert_element_type3A_1660, %broadcast_in_dim3A_1662 : vector<16xi1>, vector<16xf32>
      %reduce_max3A_1664 = arith.constant true
      %reduce_max3A_1665 = vector.broadcast %reduce_max3A_1664 : i1 to vector<16xi1>
      %reduce_max3A_1666 = tpu.scan <max>, %select_n3A_1663 masked %reduce_max3A_1665 : vector<16xf32>, vector<16xi1> -> vector<16xf32>
      %reduce_max3A_1667 = vector.extract %reduce_max3A_1666[15] : f32 from vector<16xf32>
      %convert_element_type3A_1668 = arith.fptosi %reduce_max3A_1667 : f32 to i32
      %ge3A_1669 = arith.cmpi sge, %convert_element_type3A_1668, %mul3A_1327 : i32
      %add3A_1670 = arith.constant 4096 : i32
      %add3A_1671 = arith.addi %mul3A_1327, %add3A_1670 : i32
      %lt3A_1672 = arith.cmpi slt, %convert_element_type3A_1668, %add3A_1671 : i32
      %and3A_1673 = arith.andi %ge3A_1669, %lt3A_1672 : i1
      %sub3A_1674 = arith.subi %convert_element_type3A_1668, %mul3A_1327 : i32
      %jit3A_1675 = arith.constant 0 : i32
      %select_n3A_1676 = arith.select %and3A_1673, %sub3A_1674, %jit3A_1675 : i32
      %jit3A_1677 = arith.constant 16 : i32
      %div3A_1678 = arith.divsi %select_n3A_1676, %jit3A_1677 : i32
      %sign3A_1679 = arith.constant 0 : i32
      %sign3A_1680 = arith.cmpi sgt, %select_n3A_1676, %sign3A_1679 : i32
      %sign3A_1681 = arith.extui %sign3A_1680 : i1 to i32
      %sign3A_1682 = arith.constant 0 : i32
      %sign3A_1683 = arith.cmpi slt, %select_n3A_1676, %sign3A_1682 : i32
      %sign3A_1684 = arith.extui %sign3A_1683 : i1 to i32
      %sign3A_1685 = arith.subi %sign3A_1681, %sign3A_1684 : i32
      %sign3A_1686 = arith.constant 0 : i32
      %sign3A_1687 = arith.cmpi sgt, %jit3A_1677, %sign3A_1686 : i32
      %sign3A_1688 = arith.extui %sign3A_1687 : i1 to i32
      %sign3A_1689 = arith.constant 0 : i32
      %sign3A_1690 = arith.cmpi slt, %jit3A_1677, %sign3A_1689 : i32
      %sign3A_1691 = arith.extui %sign3A_1690 : i1 to i32
      %sign3A_1692 = arith.subi %sign3A_1688, %sign3A_1691 : i32
      %ne3A_1693 = arith.cmpi ne, %sign3A_1685, %sign3A_1692 : i32
      %rem3A_1694 = arith.remsi %select_n3A_1676, %jit3A_1677 : i32
      %ne3A_1695 = arith.constant 0 : i32
      %ne3A_1696 = arith.cmpi ne, %rem3A_1694, %ne3A_1695 : i32
      %and3A_1697 = arith.andi %ne3A_1693, %ne3A_1696 : i1
      %sub3A_1698 = arith.constant 1 : i32
      %sub3A_1699 = arith.subi %div3A_1678, %sub3A_1698 : i32
      %select_n3A_1700 = arith.select %and3A_1697, %sub3A_1699, %div3A_1678 : i32
      %mul3A_1701 = arith.constant 16 : i32
      %mul3A_1702 = arith.muli %select_n3A_1700, %mul3A_1701 : i32
      %sub3A_1703 = arith.subi %select_n3A_1676, %mul3A_1702 : i32
      %get3A_1704 = arith.constant 2 : i32
      %get3A_1705 = arith.index_cast %get3A_1704 : i32 to index
      %get3A_1706 = arith.index_cast %mul3A_1702 : i32 to index
      %get3A_1707 = tpu.vector_load %arg8[%get3A_1705, %get3A_1706] {strides = array<i32>} : memref<8x4096xf32, #tpu.memory_space<vmem>>, vector<16xf32>,
      %eq3A_1708 = vector.broadcast %sub3A_1703 : i32 to vector<16xi32>
      %eq3A_1709 = arith.cmpi eq, %iota3A_1368, %eq3A_1708 : vector<16xi32>
      %and3A_1710 = vector.broadcast %and3A_1673 : i1 to vector<16xi1>
      %and3A_1711 = arith.andi %eq3A_1709, %and3A_1710 : vector<16xi1>
      %jit3A_1712 = arith.constant -3.400000e+38 : f32
      %broadcast_in_dim3A_1713 = vector.broadcast %jit3A_1712 : f32 to vector<16xf32>
      %select_n3A_1714 = arith.select %and3A_1711, %get3A_1707, %broadcast_in_dim3A_1713 : vector<16xi1>, vector<16xf32>
      %reduce_max3A_1715 = arith.constant true
      %reduce_max3A_1716 = vector.broadcast %reduce_max3A_1715 : i1 to vector<16xi1>
      %reduce_max3A_1717 = tpu.scan <max>, %select_n3A_1714 masked %reduce_max3A_1716 : vector<16xf32>, vector<16xi1> -> vector<16xf32>
      %reduce_max3A_1718 = vector.extract %reduce_max3A_1717[15] : f32 from vector<16xf32>
      %jit3A_1719 = arith.constant -3.400000e+38 : f32
      %select_n3A_1720 = arith.select %and3A_1673, %reduce_max3A_1718, %jit3A_1719 : f32
      %max3A_1721 = arith.maximumf %select_n3A_1357, %select_n3A_1720 : f32
      %jit3A_1722 = arith.constant -1.000000e+10 : f32
      %broadcast_in_dim3A_1723 = vector.broadcast %jit3A_1722 : f32 to vector<16xf32>
      %select_n3A_1724 = arith.select %and3A_1711, %broadcast_in_dim3A_1723, %get3A_1707 : vector<16xi1>, vector<16xf32>
      %swap3A_1725 = arith.constant 2 : i32
      %swap3A_1726 = arith.index_cast %swap3A_1725 : i32 to index
      %swap3A_1727 = arith.index_cast %mul3A_1702 : i32 to index
      %swap3A_1728 = tpu.vector_load %arg8[%swap3A_1726, %swap3A_1727] {strides = array<i32>} : memref<8x4096xf32, #tpu.memory_space<vmem>>, vector<16xf32>,
      tpu.vector_store %arg8[%swap3A_1726, %swap3A_1727], %select_n3A_1724 {strides = array<i32>} : memref<8x4096xf32, #tpu.memory_space<vmem>>, vector<16xf32>,
      %jit3A_1729 = arith.constant 2 : i32
      %div3A_1730 = arith.divsi %select_n3A_1307, %jit3A_1729 : i32
      %sign3A_1731 = arith.constant 0 : i32
      %sign3A_1732 = arith.cmpi sgt, %select_n3A_1307, %sign3A_1731 : i32
      %sign3A_1733 = arith.extui %sign3A_1732 : i1 to i32
      %sign3A_1734 = arith.constant 0 : i32
      %sign3A_1735 = arith.cmpi slt, %select_n3A_1307, %sign3A_1734 : i32
      %sign3A_1736 = arith.extui %sign3A_1735 : i1 to i32
      %sign3A_1737 = arith.subi %sign3A_1733, %sign3A_1736 : i32
      %sign3A_1738 = arith.constant 0 : i32
      %sign3A_1739 = arith.cmpi sgt, %jit3A_1729, %sign3A_1738 : i32
      %sign3A_1740 = arith.extui %sign3A_1739 : i1 to i32
      %sign3A_1741 = arith.constant 0 : i32
      %sign3A_1742 = arith.cmpi slt, %jit3A_1729, %sign3A_1741 : i32
      %sign3A_1743 = arith.extui %sign3A_1742 : i1 to i32
      %sign3A_1744 = arith.subi %sign3A_1740, %sign3A_1743 : i32
      %ne3A_1745 = arith.cmpi ne, %sign3A_1737, %sign3A_1744 : i32
      %rem3A_1746 = arith.remsi %select_n3A_1307, %jit3A_1729 : i32
      %ne3A_1747 = arith.constant 0 : i32
      %ne3A_1748 = arith.cmpi ne, %rem3A_1746, %ne3A_1747 : i32
      %and3A_1749 = arith.andi %ne3A_1745, %ne3A_1748 : i1
      %sub3A_1750 = arith.constant 1 : i32
      %sub3A_1751 = arith.subi %div3A_1730, %sub3A_1750 : i32
      %select_n3A_1752 = arith.select %and3A_1749, %sub3A_1751, %div3A_1730 : i32
      %mul3A_1753 = arith.constant 16 : i32
      %mul3A_1754 = arith.muli %select_n3A_1752, %mul3A_1753 : i32
      %get3A_1755 = arith.index_cast %mul3A_1754 : i32 to index
      %get3A_1756 = tpu.vector_load %arg6[%get3A_1755] {strides = array<i32>} : memref<32xi32, #tpu.memory_space<vmem>>, vector<16xi32>,
      %jit3A_1757 = arith.constant 2 : i32
      %eq3A_1758 = arith.constant 0 : i32
      %eq3A_1759 = arith.cmpi eq, %jit3A_1757, %eq3A_1758 : i32
      %jit3A_1760 = arith.constant 1 : i32
      %select_n3A_1761 = arith.select %eq3A_1759, %jit3A_1760, %jit3A_1757 : i32
      %rem3A_1762 = arith.remsi %select_n3A_1307, %select_n3A_1761 : i32
      %ne3A_1763 = arith.constant 0 : i32
      %ne3A_1764 = arith.cmpi ne, %rem3A_1762, %ne3A_1763 : i32
      %lt3A_1765 = arith.constant 0 : i32
      %lt3A_1766 = arith.cmpi slt, %rem3A_1762, %lt3A_1765 : i32
      %lt3A_1767 = arith.constant 0 : i32
      %lt3A_1768 = arith.cmpi slt, %select_n3A_1761, %lt3A_1767 : i32
      %ne3A_1769 = arith.xori %lt3A_1766, %lt3A_1768 : i1
      %and3A_1770 = arith.andi %ne3A_1769, %ne3A_1764 : i1
      %add3A_1771 = arith.addi %rem3A_1762, %select_n3A_1761 : i32
      %select_n3A_1772 = arith.select %and3A_1770, %add3A_1771, %rem3A_1762 : i32
      %mul3A_1773 = arith.constant 8 : i32
      %mul3A_1774 = arith.muli %select_n3A_1772, %mul3A_1773 : i32
      %add3A_1775 = arith.constant 3 : i32
      %add3A_1776 = arith.addi %mul3A_1774, %add3A_1775 : i32
      %iota3A_1777 = tpu.iota {dimensions = array<i32: 0>} : vector<16xi32>
      %eq3A_1778 = vector.broadcast %add3A_1776 : i32 to vector<16xi32>
      %eq3A_1779 = arith.cmpi eq, %iota3A_1777, %eq3A_1778 : vector<16xi32>
      %convert_element_type3A_1780 = arith.sitofp %get3A_1756 : vector<16xi32> to vector<16xf32>
      %jit3A_1781 = arith.constant -1.000000e+00 : f32
      %broadcast_in_dim3A_1782 = vector.broadcast %jit3A_1781 : f32 to vector<16xf32>
      %select_n3A_1783 = arith.select %eq3A_1779, %convert_element_type3A_1780, %broadcast_in_dim3A_1782 : vector<16xi1>, vector<16xf32>
      %reduce_max3A_1784 = arith.constant true
      %reduce_max3A_1785 = vector.broadcast %reduce_max3A_1784 : i1 to vector<16xi1>
      %reduce_max3A_1786 = tpu.scan <max>, %select_n3A_1783 masked %reduce_max3A_1785 : vector<16xf32>, vector<16xi1> -> vector<16xf32>
      %reduce_max3A_1787 = vector.extract %reduce_max3A_1786[15] : f32 from vector<16xf32>
      %convert_element_type3A_1788 = arith.fptosi %reduce_max3A_1787 : f32 to i32
      %ge3A_1789 = arith.cmpi sge, %convert_element_type3A_1788, %mul3A_1327 : i32
      %add3A_1790 = arith.constant 4096 : i32
      %add3A_1791 = arith.addi %mul3A_1327, %add3A_1790 : i32
      %lt3A_1792 = arith.cmpi slt, %convert_element_type3A_1788, %add3A_1791 : i32
      %and3A_1793 = arith.andi %ge3A_1789, %lt3A_1792 : i1
      %sub3A_1794 = arith.subi %convert_element_type3A_1788, %mul3A_1327 : i32
      %jit3A_1795 = arith.constant 0 : i32
      %select_n3A_1796 = arith.select %and3A_1793, %sub3A_1794, %jit3A_1795 : i32
      %jit3A_1797 = arith.constant 16 : i32
      %div3A_1798 = arith.divsi %select_n3A_1796, %jit3A_1797 : i32
      %sign3A_1799 = arith.constant 0 : i32
      %sign3A_1800 = arith.cmpi sgt, %select_n3A_1796, %sign3A_1799 : i32
      %sign3A_1801 = arith.extui %sign3A_1800 : i1 to i32
      %sign3A_1802 = arith.constant 0 : i32
      %sign3A_1803 = arith.cmpi slt, %select_n3A_1796, %sign3A_1802 : i32
      %sign3A_1804 = arith.extui %sign3A_1803 : i1 to i32
      %sign3A_1805 = arith.subi %sign3A_1801, %sign3A_1804 : i32
      %sign3A_1806 = arith.constant 0 : i32
      %sign3A_1807 = arith.cmpi sgt, %jit3A_1797, %sign3A_1806 : i32
      %sign3A_1808 = arith.extui %sign3A_1807 : i1 to i32
      %sign3A_1809 = arith.constant 0 : i32
      %sign3A_1810 = arith.cmpi slt, %jit3A_1797, %sign3A_1809 : i32
      %sign3A_1811 = arith.extui %sign3A_1810 : i1 to i32
      %sign3A_1812 = arith.subi %sign3A_1808, %sign3A_1811 : i32
      %ne3A_1813 = arith.cmpi ne, %sign3A_1805, %sign3A_1812 : i32
      %rem3A_1814 = arith.remsi %select_n3A_1796, %jit3A_1797 : i32
      %ne3A_1815 = arith.constant 0 : i32
      %ne3A_1816 = arith.cmpi ne, %rem3A_1814, %ne3A_1815 : i32
      %and3A_1817 = arith.andi %ne3A_1813, %ne3A_1816 : i1
      %sub3A_1818 = arith.constant 1 : i32
      %sub3A_1819 = arith.subi %div3A_1798, %sub3A_1818 : i32
      %select_n3A_1820 = arith.select %and3A_1817, %sub3A_1819, %div3A_1798 : i32
      %mul3A_1821 = arith.constant 16 : i32
      %mul3A_1822 = arith.muli %select_n3A_1820, %mul3A_1821 : i32
      %sub3A_1823 = arith.subi %select_n3A_1796, %mul3A_1822 : i32
      %get3A_1824 = arith.constant 3 : i32
      %get3A_1825 = arith.index_cast %get3A_1824 : i32 to index
      %get3A_1826 = arith.index_cast %mul3A_1822 : i32 to index
      %get3A_1827 = tpu.vector_load %arg8[%get3A_1825, %get3A_1826] {strides = array<i32>} : memref<8x4096xf32, #tpu.memory_space<vmem>>, vector<16xf32>,
      %eq3A_1828 = vector.broadcast %sub3A_1823 : i32 to vector<16xi32>
      %eq3A_1829 = arith.cmpi eq, %iota3A_1368, %eq3A_1828 : vector<16xi32>
      %and3A_1830 = vector.broadcast %and3A_1793 : i1 to vector<16xi1>
      %and3A_1831 = arith.andi %eq3A_1829, %and3A_1830 : vector<16xi1>
      %jit3A_1832 = arith.constant -3.400000e+38 : f32
      %broadcast_in_dim3A_1833 = vector.broadcast %jit3A_1832 : f32 to vector<16xf32>
      %select_n3A_1834 = arith.select %and3A_1831, %get3A_1827, %broadcast_in_dim3A_1833 : vector<16xi1>, vector<16xf32>
      %reduce_max3A_1835 = arith.constant true
      %reduce_max3A_1836 = vector.broadcast %reduce_max3A_1835 : i1 to vector<16xi1>
      %reduce_max3A_1837 = tpu.scan <max>, %select_n3A_1834 masked %reduce_max3A_1836 : vector<16xf32>, vector<16xi1> -> vector<16xf32>
      %reduce_max3A_1838 = vector.extract %reduce_max3A_1837[15] : f32 from vector<16xf32>
      %jit3A_1839 = arith.constant -3.400000e+38 : f32
      %select_n3A_1840 = arith.select %and3A_1793, %reduce_max3A_1838, %jit3A_1839 : f32
      %max3A_1841 = arith.maximumf %select_n3A_1359, %select_n3A_1840 : f32
      %jit3A_1842 = arith.constant -1.000000e+10 : f32
      %broadcast_in_dim3A_1843 = vector.broadcast %jit3A_1842 : f32 to vector<16xf32>
      %select_n3A_1844 = arith.select %and3A_1831, %broadcast_in_dim3A_1843, %get3A_1827 : vector<16xi1>, vector<16xf32>
      %swap3A_1845 = arith.constant 3 : i32
      %swap3A_1846 = arith.index_cast %swap3A_1845 : i32 to index
      %swap3A_1847 = arith.index_cast %mul3A_1822 : i32 to index
      %swap3A_1848 = tpu.vector_load %arg8[%swap3A_1846, %swap3A_1847] {strides = array<i32>} : memref<8x4096xf32, #tpu.memory_space<vmem>>, vector<16xf32>,
      tpu.vector_store %arg8[%swap3A_1846, %swap3A_1847], %select_n3A_1844 {strides = array<i32>} : memref<8x4096xf32, #tpu.memory_space<vmem>>, vector<16xf32>,
      %jit3A_1849 = arith.constant 2 : i32
      %div3A_1850 = arith.divsi %select_n3A_1307, %jit3A_1849 : i32
      %sign3A_1851 = arith.constant 0 : i32
      %sign3A_1852 = arith.cmpi sgt, %select_n3A_1307, %sign3A_1851 : i32
      %sign3A_1853 = arith.extui %sign3A_1852 : i1 to i32
      %sign3A_1854 = arith.constant 0 : i32
      %sign3A_1855 = arith.cmpi slt, %select_n3A_1307, %sign3A_1854 : i32
      %sign3A_1856 = arith.extui %sign3A_1855 : i1 to i32
      %sign3A_1857 = arith.subi %sign3A_1853, %sign3A_1856 : i32
      %sign3A_1858 = arith.constant 0 : i32
      %sign3A_1859 = arith.cmpi sgt, %jit3A_1849, %sign3A_1858 : i32
      %sign3A_1860 = arith.extui %sign3A_1859 : i1 to i32
      %sign3A_1861 = arith.constant 0 : i32
      %sign3A_1862 = arith.cmpi slt, %jit3A_1849, %sign3A_1861 : i32
      %sign3A_1863 = arith.extui %sign3A_1862 : i1 to i32
      %sign3A_1864 = arith.subi %sign3A_1860, %sign3A_1863 : i32
      %ne3A_1865 = arith.cmpi ne, %sign3A_1857, %sign3A_1864 : i32
      %rem3A_1866 = arith.remsi %select_n3A_1307, %jit3A_1849 : i32
      %ne3A_1867 = arith.constant 0 : i32
      %ne3A_1868 = arith.cmpi ne, %rem3A_1866, %ne3A_1867 : i32
      %and3A_1869 = arith.andi %ne3A_1865, %ne3A_1868 : i1
      %sub3A_1870 = arith.constant 1 : i32
      %sub3A_1871 = arith.subi %div3A_1850, %sub3A_1870 : i32
      %select_n3A_1872 = arith.select %and3A_1869, %sub3A_1871, %div3A_1850 : i32
      %mul3A_1873 = arith.constant 16 : i32
      %mul3A_1874 = arith.muli %select_n3A_1872, %mul3A_1873 : i32
      %get3A_1875 = arith.index_cast %mul3A_1874 : i32 to index
      %get3A_1876 = tpu.vector_load %arg6[%get3A_1875] {strides = array<i32>} : memref<32xi32, #tpu.memory_space<vmem>>, vector<16xi32>,
      %jit3A_1877 = arith.constant 2 : i32
      %eq3A_1878 = arith.constant 0 : i32
      %eq3A_1879 = arith.cmpi eq, %jit3A_1877, %eq3A_1878 : i32
      %jit3A_1880 = arith.constant 1 : i32
      %select_n3A_1881 = arith.select %eq3A_1879, %jit3A_1880, %jit3A_1877 : i32
      %rem3A_1882 = arith.remsi %select_n3A_1307, %select_n3A_1881 : i32
      %ne3A_1883 = arith.constant 0 : i32
      %ne3A_1884 = arith.cmpi ne, %rem3A_1882, %ne3A_1883 : i32
      %lt3A_1885 = arith.constant 0 : i32
      %lt3A_1886 = arith.cmpi slt, %rem3A_1882, %lt3A_1885 : i32
      %lt3A_1887 = arith.constant 0 : i32
      %lt3A_1888 = arith.cmpi slt, %select_n3A_1881, %lt3A_1887 : i32
      %ne3A_1889 = arith.xori %lt3A_1886, %lt3A_1888 : i1
      %and3A_1890 = arith.andi %ne3A_1889, %ne3A_1884 : i1
      %add3A_1891 = arith.addi %rem3A_1882, %select_n3A_1881 : i32
      %select_n3A_1892 = arith.select %and3A_1890, %add3A_1891, %rem3A_1882 : i32
      %mul3A_1893 = arith.constant 8 : i32
      %mul3A_1894 = arith.muli %select_n3A_1892, %mul3A_1893 : i32
      %add3A_1895 = arith.constant 4 : i32
      %add3A_1896 = arith.addi %mul3A_1894, %add3A_1895 : i32
      %iota3A_1897 = tpu.iota {dimensions = array<i32: 0>} : vector<16xi32>
      %eq3A_1898 = vector.broadcast %add3A_1896 : i32 to vector<16xi32>
      %eq3A_1899 = arith.cmpi eq, %iota3A_1897, %eq3A_1898 : vector<16xi32>
      %convert_element_type3A_1900 = arith.sitofp %get3A_1876 : vector<16xi32> to vector<16xf32>
      %jit3A_1901 = arith.constant -1.000000e+00 : f32
      %broadcast_in_dim3A_1902 = vector.broadcast %jit3A_1901 : f32 to vector<16xf32>
      %select_n3A_1903 = arith.select %eq3A_1899, %convert_element_type3A_1900, %broadcast_in_dim3A_1902 : vector<16xi1>, vector<16xf32>
      %reduce_max3A_1904 = arith.constant true
      %reduce_max3A_1905 = vector.broadcast %reduce_max3A_1904 : i1 to vector<16xi1>
      %reduce_max3A_1906 = tpu.scan <max>, %select_n3A_1903 masked %reduce_max3A_1905 : vector<16xf32>, vector<16xi1> -> vector<16xf32>
      %reduce_max3A_1907 = vector.extract %reduce_max3A_1906[15] : f32 from vector<16xf32>
      %convert_element_type3A_1908 = arith.fptosi %reduce_max3A_1907 : f32 to i32
      %ge3A_1909 = arith.cmpi sge, %convert_element_type3A_1908, %mul3A_1327 : i32
      %add3A_1910 = arith.constant 4096 : i32
      %add3A_1911 = arith.addi %mul3A_1327, %add3A_1910 : i32
      %lt3A_1912 = arith.cmpi slt, %convert_element_type3A_1908, %add3A_1911 : i32
      %and3A_1913 = arith.andi %ge3A_1909, %lt3A_1912 : i1
      %sub3A_1914 = arith.subi %convert_element_type3A_1908, %mul3A_1327 : i32
      %jit3A_1915 = arith.constant 0 : i32
      %select_n3A_1916 = arith.select %and3A_1913, %sub3A_1914, %jit3A_1915 : i32
      %jit3A_1917 = arith.constant 16 : i32
      %div3A_1918 = arith.divsi %select_n3A_1916, %jit3A_1917 : i32
      %sign3A_1919 = arith.constant 0 : i32
      %sign3A_1920 = arith.cmpi sgt, %select_n3A_1916, %sign3A_1919 : i32
      %sign3A_1921 = arith.extui %sign3A_1920 : i1 to i32
      %sign3A_1922 = arith.constant 0 : i32
      %sign3A_1923 = arith.cmpi slt, %select_n3A_1916, %sign3A_1922 : i32
      %sign3A_1924 = arith.extui %sign3A_1923 : i1 to i32
      %sign3A_1925 = arith.subi %sign3A_1921, %sign3A_1924 : i32
      %sign3A_1926 = arith.constant 0 : i32
      %sign3A_1927 = arith.cmpi sgt, %jit3A_1917, %sign3A_1926 : i32
      %sign3A_1928 = arith.extui %sign3A_1927 : i1 to i32
      %sign3A_1929 = arith.constant 0 : i32
      %sign3A_1930 = arith.cmpi slt, %jit3A_1917, %sign3A_1929 : i32
      %sign3A_1931 = arith.extui %sign3A_1930 : i1 to i32
      %sign3A_1932 = arith.subi %sign3A_1928, %sign3A_1931 : i32
      %ne3A_1933 = arith.cmpi ne, %sign3A_1925, %sign3A_1932 : i32
      %rem3A_1934 = arith.remsi %select_n3A_1916, %jit3A_1917 : i32
      %ne3A_1935 = arith.constant 0 : i32
      %ne3A_1936 = arith.cmpi ne, %rem3A_1934, %ne3A_1935 : i32
      %and3A_1937 = arith.andi %ne3A_1933, %ne3A_1936 : i1
      %sub3A_1938 = arith.constant 1 : i32
      %sub3A_1939 = arith.subi %div3A_1918, %sub3A_1938 : i32
      %select_n3A_1940 = arith.select %and3A_1937, %sub3A_1939, %div3A_1918 : i32
      %mul3A_1941 = arith.constant 16 : i32
      %mul3A_1942 = arith.muli %select_n3A_1940, %mul3A_1941 : i32
      %sub3A_1943 = arith.subi %select_n3A_1916, %mul3A_1942 : i32
      %get3A_1944 = arith.constant 4 : i32
      %get3A_1945 = arith.index_cast %get3A_1944 : i32 to index
      %get3A_1946 = arith.index_cast %mul3A_1942 : i32 to index
      %get3A_1947 = tpu.vector_load %arg8[%get3A_1945, %get3A_1946] {strides = array<i32>} : memref<8x4096xf32, #tpu.memory_space<vmem>>, vector<16xf32>,
      %eq3A_1948 = vector.broadcast %sub3A_1943 : i32 to vector<16xi32>
      %eq3A_1949 = arith.cmpi eq, %iota3A_1368, %eq3A_1948 : vector<16xi32>
      %and3A_1950 = vector.broadcast %and3A_1913 : i1 to vector<16xi1>
      %and3A_1951 = arith.andi %eq3A_1949, %and3A_1950 : vector<16xi1>
      %jit3A_1952 = arith.constant -3.400000e+38 : f32
      %broadcast_in_dim3A_1953 = vector.broadcast %jit3A_1952 : f32 to vector<16xf32>
      %select_n3A_1954 = arith.select %and3A_1951, %get3A_1947, %broadcast_in_dim3A_1953 : vector<16xi1>, vector<16xf32>
      %reduce_max3A_1955 = arith.constant true
      %reduce_max3A_1956 = vector.broadcast %reduce_max3A_1955 : i1 to vector<16xi1>
      %reduce_max3A_1957 = tpu.scan <max>, %select_n3A_1954 masked %reduce_max3A_1956 : vector<16xf32>, vector<16xi1> -> vector<16xf32>
      %reduce_max3A_1958 = vector.extract %reduce_max3A_1957[15] : f32 from vector<16xf32>
      %jit3A_1959 = arith.constant -3.400000e+38 : f32
      %select_n3A_1960 = arith.select %and3A_1913, %reduce_max3A_1958, %jit3A_1959 : f32
      %max3A_1961 = arith.maximumf %select_n3A_1361, %select_n3A_1960 : f32
      %jit3A_1962 = arith.constant -1.000000e+10 : f32
      %broadcast_in_dim3A_1963 = vector.broadcast %jit3A_1962 : f32 to vector<16xf32>
      %select_n3A_1964 = arith.select %and3A_1951, %broadcast_in_dim3A_1963, %get3A_1947 : vector<16xi1>, vector<16xf32>
      %swap3A_1965 = arith.constant 4 : i32
      %swap3A_1966 = arith.index_cast %swap3A_1965 : i32 to index
      %swap3A_1967 = arith.index_cast %mul3A_1942 : i32 to index
      %swap3A_1968 = tpu.vector_load %arg8[%swap3A_1966, %swap3A_1967] {strides = array<i32>} : memref<8x4096xf32, #tpu.memory_space<vmem>>, vector<16xf32>,
      tpu.vector_store %arg8[%swap3A_1966, %swap3A_1967], %select_n3A_1964 {strides = array<i32>} : memref<8x4096xf32, #tpu.memory_space<vmem>>, vector<16xf32>,
      %jit3A_1969 = arith.constant 2 : i32
      %div3A_1970 = arith.divsi %select_n3A_1307, %jit3A_1969 : i32
      %sign3A_1971 = arith.constant 0 : i32
      %sign3A_1972 = arith.cmpi sgt, %select_n3A_1307, %sign3A_1971 : i32
      %sign3A_1973 = arith.extui %sign3A_1972 : i1 to i32
      %sign3A_1974 = arith.constant 0 : i32
      %sign3A_1975 = arith.cmpi slt, %select_n3A_1307, %sign3A_1974 : i32
      %sign3A_1976 = arith.extui %sign3A_1975 : i1 to i32
      %sign3A_1977 = arith.subi %sign3A_1973, %sign3A_1976 : i32
      %sign3A_1978 = arith.constant 0 : i32
      %sign3A_1979 = arith.cmpi sgt, %jit3A_1969, %sign3A_1978 : i32
      %sign3A_1980 = arith.extui %sign3A_1979 : i1 to i32
      %sign3A_1981 = arith.constant 0 : i32
      %sign3A_1982 = arith.cmpi slt, %jit3A_1969, %sign3A_1981 : i32
      %sign3A_1983 = arith.extui %sign3A_1982 : i1 to i32
      %sign3A_1984 = arith.subi %sign3A_1980, %sign3A_1983 : i32
      %ne3A_1985 = arith.cmpi ne, %sign3A_1977, %sign3A_1984 : i32
      %rem3A_1986 = arith.remsi %select_n3A_1307, %jit3A_1969 : i32
      %ne3A_1987 = arith.constant 0 : i32
      %ne3A_1988 = arith.cmpi ne, %rem3A_1986, %ne3A_1987 : i32
      %and3A_1989 = arith.andi %ne3A_1985, %ne3A_1988 : i1
      %sub3A_1990 = arith.constant 1 : i32
      %sub3A_1991 = arith.subi %div3A_1970, %sub3A_1990 : i32
      %select_n3A_1992 = arith.select %and3A_1989, %sub3A_1991, %div3A_1970 : i32
      %mul3A_1993 = arith.constant 16 : i32
      %mul3A_1994 = arith.muli %select_n3A_1992, %mul3A_1993 : i32
      %get3A_1995 = arith.index_cast %mul3A_1994 : i32 to index
      %get3A_1996 = tpu.vector_load %arg6[%get3A_1995] {strides = array<i32>} : memref<32xi32, #tpu.memory_space<vmem>>, vector<16xi32>,
      %jit3A_1997 = arith.constant 2 : i32
      %eq3A_1998 = arith.constant 0 : i32
      %eq3A_1999 = arith.cmpi eq, %jit3A_1997, %eq3A_1998 : i32
      %jit3A_2000 = arith.constant 1 : i32
      %select_n3A_2001 = arith.select %eq3A_1999, %jit3A_2000, %jit3A_1997 : i32
      %rem3A_2002 = arith.remsi %select_n3A_1307, %select_n3A_2001 : i32
      %ne3A_2003 = arith.constant 0 : i32
      %ne3A_2004 = arith.cmpi ne, %rem3A_2002, %ne3A_2003 : i32
      %lt3A_2005 = arith.constant 0 : i32
      %lt3A_2006 = arith.cmpi slt, %rem3A_2002, %lt3A_2005 : i32
      %lt3A_2007 = arith.constant 0 : i32
      %lt3A_2008 = arith.cmpi slt, %select_n3A_2001, %lt3A_2007 : i32
      %ne3A_2009 = arith.xori %lt3A_2006, %lt3A_2008 : i1
      %and3A_2010 = arith.andi %ne3A_2009, %ne3A_2004 : i1
      %add3A_2011 = arith.addi %rem3A_2002, %select_n3A_2001 : i32
      %select_n3A_2012 = arith.select %and3A_2010, %add3A_2011, %rem3A_2002 : i32
      %mul3A_2013 = arith.constant 8 : i32
      %mul3A_2014 = arith.muli %select_n3A_2012, %mul3A_2013 : i32
      %add3A_2015 = arith.constant 5 : i32
      %add3A_2016 = arith.addi %mul3A_2014, %add3A_2015 : i32
      %iota3A_2017 = tpu.iota {dimensions = array<i32: 0>} : vector<16xi32>
      %eq3A_2018 = vector.broadcast %add3A_2016 : i32 to vector<16xi32>
      %eq3A_2019 = arith.cmpi eq, %iota3A_2017, %eq3A_2018 : vector<16xi32>
      %convert_element_type3A_2020 = arith.sitofp %get3A_1996 : vector<16xi32> to vector<16xf32>
      %jit3A_2021 = arith.constant -1.000000e+00 : f32
      %broadcast_in_dim3A_2022 = vector.broadcast %jit3A_2021 : f32 to vector<16xf32>
      %select_n3A_2023 = arith.select %eq3A_2019, %convert_element_type3A_2020, %broadcast_in_dim3A_2022 : vector<16xi1>, vector<16xf32>
      %reduce_max3A_2024 = arith.constant true
      %reduce_max3A_2025 = vector.broadcast %reduce_max3A_2024 : i1 to vector<16xi1>
      %reduce_max3A_2026 = tpu.scan <max>, %select_n3A_2023 masked %reduce_max3A_2025 : vector<16xf32>, vector<16xi1> -> vector<16xf32>
      %reduce_max3A_2027 = vector.extract %reduce_max3A_2026[15] : f32 from vector<16xf32>
      %convert_element_type3A_2028 = arith.fptosi %reduce_max3A_2027 : f32 to i32
      %ge3A_2029 = arith.cmpi sge, %convert_element_type3A_2028, %mul3A_1327 : i32
      %add3A_2030 = arith.constant 4096 : i32
      %add3A_2031 = arith.addi %mul3A_1327, %add3A_2030 : i32
      %lt3A_2032 = arith.cmpi slt, %convert_element_type3A_2028, %add3A_2031 : i32
      %and3A_2033 = arith.andi %ge3A_2029, %lt3A_2032 : i1
      %sub3A_2034 = arith.subi %convert_element_type3A_2028, %mul3A_1327 : i32
      %jit3A_2035 = arith.constant 0 : i32
      %select_n3A_2036 = arith.select %and3A_2033, %sub3A_2034, %jit3A_2035 : i32
      %jit3A_2037 = arith.constant 16 : i32
      %div3A_2038 = arith.divsi %select_n3A_2036, %jit3A_2037 : i32
      %sign3A_2039 = arith.constant 0 : i32
      %sign3A_2040 = arith.cmpi sgt, %select_n3A_2036, %sign3A_2039 : i32
      %sign3A_2041 = arith.extui %sign3A_2040 : i1 to i32
      %sign3A_2042 = arith.constant 0 : i32
      %sign3A_2043 = arith.cmpi slt, %select_n3A_2036, %sign3A_2042 : i32
      %sign3A_2044 = arith.extui %sign3A_2043 : i1 to i32
      %sign3A_2045 = arith.subi %sign3A_2041, %sign3A_2044 : i32
      %sign3A_2046 = arith.constant 0 : i32
      %sign3A_2047 = arith.cmpi sgt, %jit3A_2037, %sign3A_2046 : i32
      %sign3A_2048 = arith.extui %sign3A_2047 : i1 to i32
      %sign3A_2049 = arith.constant 0 : i32
      %sign3A_2050 = arith.cmpi slt, %jit3A_2037, %sign3A_2049 : i32
      %sign3A_2051 = arith.extui %sign3A_2050 : i1 to i32
      %sign3A_2052 = arith.subi %sign3A_2048, %sign3A_2051 : i32
      %ne3A_2053 = arith.cmpi ne, %sign3A_2045, %sign3A_2052 : i32
      %rem3A_2054 = arith.remsi %select_n3A_2036, %jit3A_2037 : i32
      %ne3A_2055 = arith.constant 0 : i32
      %ne3A_2056 = arith.cmpi ne, %rem3A_2054, %ne3A_2055 : i32
      %and3A_2057 = arith.andi %ne3A_2053, %ne3A_2056 : i1
      %sub3A_2058 = arith.constant 1 : i32
      %sub3A_2059 = arith.subi %div3A_2038, %sub3A_2058 : i32
      %select_n3A_2060 = arith.select %and3A_2057, %sub3A_2059, %div3A_2038 : i32
      %mul3A_2061 = arith.constant 16 : i32
      %mul3A_2062 = arith.muli %select_n3A_2060, %mul3A_2061 : i32
      %sub3A_2063 = arith.subi %select_n3A_2036, %mul3A_2062 : i32
      %get3A_2064 = arith.constant 5 : i32
      %get3A_2065 = arith.index_cast %get3A_2064 : i32 to index
      %get3A_2066 = arith.index_cast %mul3A_2062 : i32 to index
      %get3A_2067 = tpu.vector_load %arg8[%get3A_2065, %get3A_2066] {strides = array<i32>} : memref<8x4096xf32, #tpu.memory_space<vmem>>, vector<16xf32>,
      %eq3A_2068 = vector.broadcast %sub3A_2063 : i32 to vector<16xi32>
      %eq3A_2069 = arith.cmpi eq, %iota3A_1368, %eq3A_2068 : vector<16xi32>
      %and3A_2070 = vector.broadcast %and3A_2033 : i1 to vector<16xi1>
      %and3A_2071 = arith.andi %eq3A_2069, %and3A_2070 : vector<16xi1>
      %jit3A_2072 = arith.constant -3.400000e+38 : f32
      %broadcast_in_dim3A_2073 = vector.broadcast %jit3A_2072 : f32 to vector<16xf32>
      %select_n3A_2074 = arith.select %and3A_2071, %get3A_2067, %broadcast_in_dim3A_2073 : vector<16xi1>, vector<16xf32>
      %reduce_max3A_2075 = arith.constant true
      %reduce_max3A_2076 = vector.broadcast %reduce_max3A_2075 : i1 to vector<16xi1>
      %reduce_max3A_2077 = tpu.scan <max>, %select_n3A_2074 masked %reduce_max3A_2076 : vector<16xf32>, vector<16xi1> -> vector<16xf32>
      %reduce_max3A_2078 = vector.extract %reduce_max3A_2077[15] : f32 from vector<16xf32>
      %jit3A_2079 = arith.constant -3.400000e+38 : f32
      %select_n3A_2080 = arith.select %and3A_2033, %reduce_max3A_2078, %jit3A_2079 : f32
      %max3A_2081 = arith.maximumf %select_n3A_1363, %select_n3A_2080 : f32
      %jit3A_2082 = arith.constant -1.000000e+10 : f32
      %broadcast_in_dim3A_2083 = vector.broadcast %jit3A_2082 : f32 to vector<16xf32>
      %select_n3A_2084 = arith.select %and3A_2071, %broadcast_in_dim3A_2083, %get3A_2067 : vector<16xi1>, vector<16xf32>
      %swap3A_2085 = arith.constant 5 : i32
      %swap3A_2086 = arith.index_cast %swap3A_2085 : i32 to index
      %swap3A_2087 = arith.index_cast %mul3A_2062 : i32 to index
      %swap3A_2088 = tpu.vector_load %arg8[%swap3A_2086, %swap3A_2087] {strides = array<i32>} : memref<8x4096xf32, #tpu.memory_space<vmem>>, vector<16xf32>,
      tpu.vector_store %arg8[%swap3A_2086, %swap3A_2087], %select_n3A_2084 {strides = array<i32>} : memref<8x4096xf32, #tpu.memory_space<vmem>>, vector<16xf32>,
      %jit3A_2089 = arith.constant 2 : i32
      %div3A_2090 = arith.divsi %select_n3A_1307, %jit3A_2089 : i32
      %sign3A_2091 = arith.constant 0 : i32
      %sign3A_2092 = arith.cmpi sgt, %select_n3A_1307, %sign3A_2091 : i32
      %sign3A_2093 = arith.extui %sign3A_2092 : i1 to i32
      %sign3A_2094 = arith.constant 0 : i32
      %sign3A_2095 = arith.cmpi slt, %select_n3A_1307, %sign3A_2094 : i32
      %sign3A_2096 = arith.extui %sign3A_2095 : i1 to i32
      %sign3A_2097 = arith.subi %sign3A_2093, %sign3A_2096 : i32
      %sign3A_2098 = arith.constant 0 : i32
      %sign3A_2099 = arith.cmpi sgt, %jit3A_2089, %sign3A_2098 : i32
      %sign3A_2100 = arith.extui %sign3A_2099 : i1 to i32
      %sign3A_2101 = arith.constant 0 : i32
      %sign3A_2102 = arith.cmpi slt, %jit3A_2089, %sign3A_2101 : i32
      %sign3A_2103 = arith.extui %sign3A_2102 : i1 to i32
      %sign3A_2104 = arith.subi %sign3A_2100, %sign3A_2103 : i32
      %ne3A_2105 = arith.cmpi ne, %sign3A_2097, %sign3A_2104 : i32
      %rem3A_2106 = arith.remsi %select_n3A_1307, %jit3A_2089 : i32
      %ne3A_2107 = arith.constant 0 : i32
      %ne3A_2108 = arith.cmpi ne, %rem3A_2106, %ne3A_2107 : i32
      %and3A_2109 = arith.andi %ne3A_2105, %ne3A_2108 : i1
      %sub3A_2110 = arith.constant 1 : i32
      %sub3A_2111 = arith.subi %div3A_2090, %sub3A_2110 : i32
      %select_n3A_2112 = arith.select %and3A_2109, %sub3A_2111, %div3A_2090 : i32
      %mul3A_2113 = arith.constant 16 : i32
      %mul3A_2114 = arith.muli %select_n3A_2112, %mul3A_2113 : i32
      %get3A_2115 = arith.index_cast %mul3A_2114 : i32 to index
      %get3A_2116 = tpu.vector_load %arg6[%get3A_2115] {strides = array<i32>} : memref<32xi32, #tpu.memory_space<vmem>>, vector<16xi32>,
      %jit3A_2117 = arith.constant 2 : i32
      %eq3A_2118 = arith.constant 0 : i32
      %eq3A_2119 = arith.cmpi eq, %jit3A_2117, %eq3A_2118 : i32
      %jit3A_2120 = arith.constant 1 : i32
      %select_n3A_2121 = arith.select %eq3A_2119, %jit3A_2120, %jit3A_2117 : i32
      %rem3A_2122 = arith.remsi %select_n3A_1307, %select_n3A_2121 : i32
      %ne3A_2123 = arith.constant 0 : i32
      %ne3A_2124 = arith.cmpi ne, %rem3A_2122, %ne3A_2123 : i32
      %lt3A_2125 = arith.constant 0 : i32
      %lt3A_2126 = arith.cmpi slt, %rem3A_2122, %lt3A_2125 : i32
      %lt3A_2127 = arith.constant 0 : i32
      %lt3A_2128 = arith.cmpi slt, %select_n3A_2121, %lt3A_2127 : i32
      %ne3A_2129 = arith.xori %lt3A_2126, %lt3A_2128 : i1
      %and3A_2130 = arith.andi %ne3A_2129, %ne3A_2124 : i1
      %add3A_2131 = arith.addi %rem3A_2122, %select_n3A_2121 : i32
      %select_n3A_2132 = arith.select %and3A_2130, %add3A_2131, %rem3A_2122 : i32
      %mul3A_2133 = arith.constant 8 : i32
      %mul3A_2134 = arith.muli %select_n3A_2132, %mul3A_2133 : i32
      %add3A_2135 = arith.constant 6 : i32
      %add3A_2136 = arith.addi %mul3A_2134, %add3A_2135 : i32
      %iota3A_2137 = tpu.iota {dimensions = array<i32: 0>} : vector<16xi32>
      %eq3A_2138 = vector.broadcast %add3A_2136 : i32 to vector<16xi32>
      %eq3A_2139 = arith.cmpi eq, %iota3A_2137, %eq3A_2138 : vector<16xi32>
      %convert_element_type3A_2140 = arith.sitofp %get3A_2116 : vector<16xi32> to vector<16xf32>
      %jit3A_2141 = arith.constant -1.000000e+00 : f32
      %broadcast_in_dim3A_2142 = vector.broadcast %jit3A_2141 : f32 to vector<16xf32>
      %select_n3A_2143 = arith.select %eq3A_2139, %convert_element_type3A_2140, %broadcast_in_dim3A_2142 : vector<16xi1>, vector<16xf32>
      %reduce_max3A_2144 = arith.constant true
      %reduce_max3A_2145 = vector.broadcast %reduce_max3A_2144 : i1 to vector<16xi1>
      %reduce_max3A_2146 = tpu.scan <max>, %select_n3A_2143 masked %reduce_max3A_2145 : vector<16xf32>, vector<16xi1> -> vector<16xf32>
      %reduce_max3A_2147 = vector.extract %reduce_max3A_2146[15] : f32 from vector<16xf32>
      %convert_element_type3A_2148 = arith.fptosi %reduce_max3A_2147 : f32 to i32
      %ge3A_2149 = arith.cmpi sge, %convert_element_type3A_2148, %mul3A_1327 : i32
      %add3A_2150 = arith.constant 4096 : i32
      %add3A_2151 = arith.addi %mul3A_1327, %add3A_2150 : i32
      %lt3A_2152 = arith.cmpi slt, %convert_element_type3A_2148, %add3A_2151 : i32
      %and3A_2153 = arith.andi %ge3A_2149, %lt3A_2152 : i1
      %sub3A_2154 = arith.subi %convert_element_type3A_2148, %mul3A_1327 : i32
      %jit3A_2155 = arith.constant 0 : i32
      %select_n3A_2156 = arith.select %and3A_2153, %sub3A_2154, %jit3A_2155 : i32
      %jit3A_2157 = arith.constant 16 : i32
      %div3A_2158 = arith.divsi %select_n3A_2156, %jit3A_2157 : i32
      %sign3A_2159 = arith.constant 0 : i32
      %sign3A_2160 = arith.cmpi sgt, %select_n3A_2156, %sign3A_2159 : i32
      %sign3A_2161 = arith.extui %sign3A_2160 : i1 to i32
      %sign3A_2162 = arith.constant 0 : i32
      %sign3A_2163 = arith.cmpi slt, %select_n3A_2156, %sign3A_2162 : i32
      %sign3A_2164 = arith.extui %sign3A_2163 : i1 to i32
      %sign3A_2165 = arith.subi %sign3A_2161, %sign3A_2164 : i32
      %sign3A_2166 = arith.constant 0 : i32
      %sign3A_2167 = arith.cmpi sgt, %jit3A_2157, %sign3A_2166 : i32
      %sign3A_2168 = arith.extui %sign3A_2167 : i1 to i32
      %sign3A_2169 = arith.constant 0 : i32
      %sign3A_2170 = arith.cmpi slt, %jit3A_2157, %sign3A_2169 : i32
      %sign3A_2171 = arith.extui %sign3A_2170 : i1 to i32
      %sign3A_2172 = arith.subi %sign3A_2168, %sign3A_2171 : i32
      %ne3A_2173 = arith.cmpi ne, %sign3A_2165, %sign3A_2172 : i32
      %rem3A_2174 = arith.remsi %select_n3A_2156, %jit3A_2157 : i32
      %ne3A_2175 = arith.constant 0 : i32
      %ne3A_2176 = arith.cmpi ne, %rem3A_2174, %ne3A_2175 : i32
      %and3A_2177 = arith.andi %ne3A_2173, %ne3A_2176 : i1
      %sub3A_2178 = arith.constant 1 : i32
      %sub3A_2179 = arith.subi %div3A_2158, %sub3A_2178 : i32
      %select_n3A_2180 = arith.select %and3A_2177, %sub3A_2179, %div3A_2158 : i32
      %mul3A_2181 = arith.constant 16 : i32
      %mul3A_2182 = arith.muli %select_n3A_2180, %mul3A_2181 : i32
      %sub3A_2183 = arith.subi %select_n3A_2156, %mul3A_2182 : i32
      %get3A_2184 = arith.constant 6 : i32
      %get3A_2185 = arith.index_cast %get3A_2184 : i32 to index
      %get3A_2186 = arith.index_cast %mul3A_2182 : i32 to index
      %get3A_2187 = tpu.vector_load %arg8[%get3A_2185, %get3A_2186] {strides = array<i32>} : memref<8x4096xf32, #tpu.memory_space<vmem>>, vector<16xf32>,
      %eq3A_2188 = vector.broadcast %sub3A_2183 : i32 to vector<16xi32>
      %eq3A_2189 = arith.cmpi eq, %iota3A_1368, %eq3A_2188 : vector<16xi32>
      %and3A_2190 = vector.broadcast %and3A_2153 : i1 to vector<16xi1>
      %and3A_2191 = arith.andi %eq3A_2189, %and3A_2190 : vector<16xi1>
      %jit3A_2192 = arith.constant -3.400000e+38 : f32
      %broadcast_in_dim3A_2193 = vector.broadcast %jit3A_2192 : f32 to vector<16xf32>
      %select_n3A_2194 = arith.select %and3A_2191, %get3A_2187, %broadcast_in_dim3A_2193 : vector<16xi1>, vector<16xf32>
      %reduce_max3A_2195 = arith.constant true
      %reduce_max3A_2196 = vector.broadcast %reduce_max3A_2195 : i1 to vector<16xi1>
      %reduce_max3A_2197 = tpu.scan <max>, %select_n3A_2194 masked %reduce_max3A_2196 : vector<16xf32>, vector<16xi1> -> vector<16xf32>
      %reduce_max3A_2198 = vector.extract %reduce_max3A_2197[15] : f32 from vector<16xf32>
      %jit3A_2199 = arith.constant -3.400000e+38 : f32
      %select_n3A_2200 = arith.select %and3A_2153, %reduce_max3A_2198, %jit3A_2199 : f32
      %max3A_2201 = arith.maximumf %select_n3A_1365, %select_n3A_2200 : f32
      %jit3A_2202 = arith.constant -1.000000e+10 : f32
      %broadcast_in_dim3A_2203 = vector.broadcast %jit3A_2202 : f32 to vector<16xf32>
      %select_n3A_2204 = arith.select %and3A_2191, %broadcast_in_dim3A_2203, %get3A_2187 : vector<16xi1>, vector<16xf32>
      %swap3A_2205 = arith.constant 6 : i32
      %swap3A_2206 = arith.index_cast %swap3A_2205 : i32 to index
      %swap3A_2207 = arith.index_cast %mul3A_2182 : i32 to index
      %swap3A_2208 = tpu.vector_load %arg8[%swap3A_2206, %swap3A_2207] {strides = array<i32>} : memref<8x4096xf32, #tpu.memory_space<vmem>>, vector<16xf32>,
      tpu.vector_store %arg8[%swap3A_2206, %swap3A_2207], %select_n3A_2204 {strides = array<i32>} : memref<8x4096xf32, #tpu.memory_space<vmem>>, vector<16xf32>,
      %jit3A_2209 = arith.constant 2 : i32
      %div3A_2210 = arith.divsi %select_n3A_1307, %jit3A_2209 : i32
      %sign3A_2211 = arith.constant 0 : i32
      %sign3A_2212 = arith.cmpi sgt, %select_n3A_1307, %sign3A_2211 : i32
      %sign3A_2213 = arith.extui %sign3A_2212 : i1 to i32
      %sign3A_2214 = arith.constant 0 : i32
      %sign3A_2215 = arith.cmpi slt, %select_n3A_1307, %sign3A_2214 : i32
      %sign3A_2216 = arith.extui %sign3A_2215 : i1 to i32
      %sign3A_2217 = arith.subi %sign3A_2213, %sign3A_2216 : i32
      %sign3A_2218 = arith.constant 0 : i32
      %sign3A_2219 = arith.cmpi sgt, %jit3A_2209, %sign3A_2218 : i32
      %sign3A_2220 = arith.extui %sign3A_2219 : i1 to i32
      %sign3A_2221 = arith.constant 0 : i32
      %sign3A_2222 = arith.cmpi slt, %jit3A_2209, %sign3A_2221 : i32
      %sign3A_2223 = arith.extui %sign3A_2222 : i1 to i32
      %sign3A_2224 = arith.subi %sign3A_2220, %sign3A_2223 : i32
      %ne3A_2225 = arith.cmpi ne, %sign3A_2217, %sign3A_2224 : i32
      %rem3A_2226 = arith.remsi %select_n3A_1307, %jit3A_2209 : i32
      %ne3A_2227 = arith.constant 0 : i32
      %ne3A_2228 = arith.cmpi ne, %rem3A_2226, %ne3A_2227 : i32
      %and3A_2229 = arith.andi %ne3A_2225, %ne3A_2228 : i1
      %sub3A_2230 = arith.constant 1 : i32
      %sub3A_2231 = arith.subi %div3A_2210, %sub3A_2230 : i32
      %select_n3A_2232 = arith.select %and3A_2229, %sub3A_2231, %div3A_2210 : i32
      %mul3A_2233 = arith.constant 16 : i32
      %mul3A_2234 = arith.muli %select_n3A_2232, %mul3A_2233 : i32
      %get3A_2235 = arith.index_cast %mul3A_2234 : i32 to index
      %get3A_2236 = tpu.vector_load %arg6[%get3A_2235] {strides = array<i32>} : memref<32xi32, #tpu.memory_space<vmem>>, vector<16xi32>,
      %jit3A_2237 = arith.constant 2 : i32
      %eq3A_2238 = arith.constant 0 : i32
      %eq3A_2239 = arith.cmpi eq, %jit3A_2237, %eq3A_2238 : i32
      %jit3A_2240 = arith.constant 1 : i32
      %select_n3A_2241 = arith.select %eq3A_2239, %jit3A_2240, %jit3A_2237 : i32
      %rem3A_2242 = arith.remsi %select_n3A_1307, %select_n3A_2241 : i32
      %ne3A_2243 = arith.constant 0 : i32
      %ne3A_2244 = arith.cmpi ne, %rem3A_2242, %ne3A_2243 : i32
      %lt3A_2245 = arith.constant 0 : i32
      %lt3A_2246 = arith.cmpi slt, %rem3A_2242, %lt3A_2245 : i32
      %lt3A_2247 = arith.constant 0 : i32
      %lt3A_2248 = arith.cmpi slt, %select_n3A_2241, %lt3A_2247 : i32
      %ne3A_2249 = arith.xori %lt3A_2246, %lt3A_2248 : i1
      %and3A_2250 = arith.andi %ne3A_2249, %ne3A_2244 : i1
      %add3A_2251 = arith.addi %rem3A_2242, %select_n3A_2241 : i32
      %select_n3A_2252 = arith.select %and3A_2250, %add3A_2251, %rem3A_2242 : i32
      %mul3A_2253 = arith.constant 8 : i32
      %mul3A_2254 = arith.muli %select_n3A_2252, %mul3A_2253 : i32
      %add3A_2255 = arith.constant 7 : i32
      %add3A_2256 = arith.addi %mul3A_2254, %add3A_2255 : i32
      %iota3A_2257 = tpu.iota {dimensions = array<i32: 0>} : vector<16xi32>
      %eq3A_2258 = vector.broadcast %add3A_2256 : i32 to vector<16xi32>
      %eq3A_2259 = arith.cmpi eq, %iota3A_2257, %eq3A_2258 : vector<16xi32>
      %convert_element_type3A_2260 = arith.sitofp %get3A_2236 : vector<16xi32> to vector<16xf32>
      %jit3A_2261 = arith.constant -1.000000e+00 : f32
      %broadcast_in_dim3A_2262 = vector.broadcast %jit3A_2261 : f32 to vector<16xf32>
      %select_n3A_2263 = arith.select %eq3A_2259, %convert_element_type3A_2260, %broadcast_in_dim3A_2262 : vector<16xi1>, vector<16xf32>
      %reduce_max3A_2264 = arith.constant true
      %reduce_max3A_2265 = vector.broadcast %reduce_max3A_2264 : i1 to vector<16xi1>
      %reduce_max3A_2266 = tpu.scan <max>, %select_n3A_2263 masked %reduce_max3A_2265 : vector<16xf32>, vector<16xi1> -> vector<16xf32>
      %reduce_max3A_2267 = vector.extract %reduce_max3A_2266[15] : f32 from vector<16xf32>
      %convert_element_type3A_2268 = arith.fptosi %reduce_max3A_2267 : f32 to i32
      %ge3A_2269 = arith.cmpi sge, %convert_element_type3A_2268, %mul3A_1327 : i32
      %add3A_2270 = arith.constant 4096 : i32
      %add3A_2271 = arith.addi %mul3A_1327, %add3A_2270 : i32
      %lt3A_2272 = arith.cmpi slt, %convert_element_type3A_2268, %add3A_2271 : i32
      %and3A_2273 = arith.andi %ge3A_2269, %lt3A_2272 : i1
      %sub3A_2274 = arith.subi %convert_element_type3A_2268, %mul3A_1327 : i32
      %jit3A_2275 = arith.constant 0 : i32
      %select_n3A_2276 = arith.select %and3A_2273, %sub3A_2274, %jit3A_2275 : i32
      %jit3A_2277 = arith.constant 16 : i32
      %div3A_2278 = arith.divsi %select_n3A_2276, %jit3A_2277 : i32
      %sign3A_2279 = arith.constant 0 : i32
      %sign3A_2280 = arith.cmpi sgt, %select_n3A_2276, %sign3A_2279 : i32
      %sign3A_2281 = arith.extui %sign3A_2280 : i1 to i32
      %sign3A_2282 = arith.constant 0 : i32
      %sign3A_2283 = arith.cmpi slt, %select_n3A_2276, %sign3A_2282 : i32
      %sign3A_2284 = arith.extui %sign3A_2283 : i1 to i32
      %sign3A_2285 = arith.subi %sign3A_2281, %sign3A_2284 : i32
      %sign3A_2286 = arith.constant 0 : i32
      %sign3A_2287 = arith.cmpi sgt, %jit3A_2277, %sign3A_2286 : i32
      %sign3A_2288 = arith.extui %sign3A_2287 : i1 to i32
      %sign3A_2289 = arith.constant 0 : i32
      %sign3A_2290 = arith.cmpi slt, %jit3A_2277, %sign3A_2289 : i32
      %sign3A_2291 = arith.extui %sign3A_2290 : i1 to i32
      %sign3A_2292 = arith.subi %sign3A_2288, %sign3A_2291 : i32
      %ne3A_2293 = arith.cmpi ne, %sign3A_2285, %sign3A_2292 : i32
      %rem3A_2294 = arith.remsi %select_n3A_2276, %jit3A_2277 : i32
      %ne3A_2295 = arith.constant 0 : i32
      %ne3A_2296 = arith.cmpi ne, %rem3A_2294, %ne3A_2295 : i32
      %and3A_2297 = arith.andi %ne3A_2293, %ne3A_2296 : i1
      %sub3A_2298 = arith.constant 1 : i32
      %sub3A_2299 = arith.subi %div3A_2278, %sub3A_2298 : i32
      %select_n3A_2300 = arith.select %and3A_2297, %sub3A_2299, %div3A_2278 : i32
      %mul3A_2301 = arith.constant 16 : i32
      %mul3A_2302 = arith.muli %select_n3A_2300, %mul3A_2301 : i32
      %sub3A_2303 = arith.subi %select_n3A_2276, %mul3A_2302 : i32
      %get3A_2304 = arith.constant 7 : i32
      %get3A_2305 = arith.index_cast %get3A_2304 : i32 to index
      %get3A_2306 = arith.index_cast %mul3A_2302 : i32 to index
      %get3A_2307 = tpu.vector_load %arg8[%get3A_2305, %get3A_2306] {strides = array<i32>} : memref<8x4096xf32, #tpu.memory_space<vmem>>, vector<16xf32>,
      %eq3A_2308 = vector.broadcast %sub3A_2303 : i32 to vector<16xi32>
      %eq3A_2309 = arith.cmpi eq, %iota3A_1368, %eq3A_2308 : vector<16xi32>
      %and3A_2310 = vector.broadcast %and3A_2273 : i1 to vector<16xi1>
      %and3A_2311 = arith.andi %eq3A_2309, %and3A_2310 : vector<16xi1>
      %jit3A_2312 = arith.constant -3.400000e+38 : f32
      %broadcast_in_dim3A_2313 = vector.broadcast %jit3A_2312 : f32 to vector<16xf32>
      %select_n3A_2314 = arith.select %and3A_2311, %get3A_2307, %broadcast_in_dim3A_2313 : vector<16xi1>, vector<16xf32>
      %reduce_max3A_2315 = arith.constant true
      %reduce_max3A_2316 = vector.broadcast %reduce_max3A_2315 : i1 to vector<16xi1>
      %reduce_max3A_2317 = tpu.scan <max>, %select_n3A_2314 masked %reduce_max3A_2316 : vector<16xf32>, vector<16xi1> -> vector<16xf32>
      %reduce_max3A_2318 = vector.extract %reduce_max3A_2317[15] : f32 from vector<16xf32>
      %jit3A_2319 = arith.constant -3.400000e+38 : f32
      %select_n3A_2320 = arith.select %and3A_2273, %reduce_max3A_2318, %jit3A_2319 : f32
      %max3A_2321 = arith.maximumf %select_n3A_1367, %select_n3A_2320 : f32
      %jit3A_2322 = arith.constant -1.000000e+10 : f32
      %broadcast_in_dim3A_2323 = vector.broadcast %jit3A_2322 : f32 to vector<16xf32>
      %select_n3A_2324 = arith.select %and3A_2311, %broadcast_in_dim3A_2323, %get3A_2307 : vector<16xi1>, vector<16xf32>
      %swap3A_2325 = arith.constant 7 : i32
      %swap3A_2326 = arith.index_cast %swap3A_2325 : i32 to index
      %swap3A_2327 = arith.index_cast %mul3A_2302 : i32 to index
      %swap3A_2328 = tpu.vector_load %arg8[%swap3A_2326, %swap3A_2327] {strides = array<i32>} : memref<8x4096xf32, #tpu.memory_space<vmem>>, vector<16xf32>,
      tpu.vector_store %arg8[%swap3A_2326, %swap3A_2327], %select_n3A_2324 {strides = array<i32>} : memref<8x4096xf32, #tpu.memory_space<vmem>>, vector<16xf32>,
      %scan3A_2329 = arith.constant 0 : i32
      %scan3A_2330 = arith.constant 32 : i32
      %scan3A_2331 = arith.addi %scan3A_2329, %scan3A_2330 : i32
      %scan3A_2332 = arith.constant 1 : i32
      %scan3A_2333:8 = scf.for %scan3A_2380 = %scan3A_2329 to %scan3A_2331 step %scan3A_2332 iter_args(%scan3A_2381 = %select_n3A_1330, %scan3A_2382 = %select_n3A_1333, %scan3A_2383 = %select_n3A_1336, %scan3A_2384 = %select_n3A_1339, %scan3A_2385 = %select_n3A_1342, %scan3A_2386 = %select_n3A_1345, %scan3A_2387 = %select_n3A_1348, %scan3A_2388 = %select_n3A_1351) -> (vector<16xf32>, vector<16xf32>, vector<16xf32>, vector<16xf32>, vector<16xf32>, vector<16xf32>, vector<16xf32>, vector<16xf32>)  : i32 {
        %mul3A_2389 = arith.constant 128 : i32
        %mul3A_2390 = arith.muli %scan3A_2380, %mul3A_2389 : i32
        %add3A_2391 = arith.constant 0 : i32
        %add3A_2392 = arith.addi %mul3A_2390, %add3A_2391 : i32
        %get3A_2393 = arith.constant 0 : i32
        %get3A_2394 = arith.index_cast %get3A_2393 : i32 to index
        %get3A_2395 = arith.index_cast %add3A_2392 : i32 to index
        %get3A_2396 = tpu.vector_load %arg8[%get3A_2394, %get3A_2395] {strides = array<i32>} : memref<8x4096xf32, #tpu.memory_space<vmem>>, vector<16xf32>,
        %max3A_2397 = arith.maximumf %scan3A_2381, %get3A_2396 : vector<16xf32>
        %add3A_2398 = arith.constant 16 : i32
        %add3A_2399 = arith.addi %mul3A_2390, %add3A_2398 : i32
        %get3A_2400 = arith.constant 0 : i32
        %get3A_2401 = arith.index_cast %get3A_2400 : i32 to index
        %get3A_2402 = arith.index_cast %add3A_2399 : i32 to index
        %get3A_2403 = tpu.vector_load %arg8[%get3A_2401, %get3A_2402] {strides = array<i32>} : memref<8x4096xf32, #tpu.memory_space<vmem>>, vector<16xf32>,
        %max3A_2404 = arith.maximumf %max3A_2397, %get3A_2403 : vector<16xf32>
        %add3A_2405 = arith.constant 32 : i32
        %add3A_2406 = arith.addi %mul3A_2390, %add3A_2405 : i32
        %get3A_2407 = arith.constant 0 : i32
        %get3A_2408 = arith.index_cast %get3A_2407 : i32 to index
        %get3A_2409 = arith.index_cast %add3A_2406 : i32 to index
        %get3A_2410 = tpu.vector_load %arg8[%get3A_2408, %get3A_2409] {strides = array<i32>} : memref<8x4096xf32, #tpu.memory_space<vmem>>, vector<16xf32>,
        %max3A_2411 = arith.maximumf %max3A_2404, %get3A_2410 : vector<16xf32>
        %add3A_2412 = arith.constant 48 : i32
        %add3A_2413 = arith.addi %mul3A_2390, %add3A_2412 : i32
        %get3A_2414 = arith.constant 0 : i32
        %get3A_2415 = arith.index_cast %get3A_2414 : i32 to index
        %get3A_2416 = arith.index_cast %add3A_2413 : i32 to index
        %get3A_2417 = tpu.vector_load %arg8[%get3A_2415, %get3A_2416] {strides = array<i32>} : memref<8x4096xf32, #tpu.memory_space<vmem>>, vector<16xf32>,
        %max3A_2418 = arith.maximumf %max3A_2411, %get3A_2417 : vector<16xf32>
        %add3A_2419 = arith.constant 64 : i32
        %add3A_2420 = arith.addi %mul3A_2390, %add3A_2419 : i32
        %get3A_2421 = arith.constant 0 : i32
        %get3A_2422 = arith.index_cast %get3A_2421 : i32 to index
        %get3A_2423 = arith.index_cast %add3A_2420 : i32 to index
        %get3A_2424 = tpu.vector_load %arg8[%get3A_2422, %get3A_2423] {strides = array<i32>} : memref<8x4096xf32, #tpu.memory_space<vmem>>, vector<16xf32>,
        %max3A_2425 = arith.maximumf %max3A_2418, %get3A_2424 : vector<16xf32>
        %add3A_2426 = arith.constant 80 : i32
        %add3A_2427 = arith.addi %mul3A_2390, %add3A_2426 : i32
        %get3A_2428 = arith.constant 0 : i32
        %get3A_2429 = arith.index_cast %get3A_2428 : i32 to index
        %get3A_2430 = arith.index_cast %add3A_2427 : i32 to index
        %get3A_2431 = tpu.vector_load %arg8[%get3A_2429, %get3A_2430] {strides = array<i32>} : memref<8x4096xf32, #tpu.memory_space<vmem>>, vector<16xf32>,
        %max3A_2432 = arith.maximumf %max3A_2425, %get3A_2431 : vector<16xf32>
        %add3A_2433 = arith.constant 96 : i32
        %add3A_2434 = arith.addi %mul3A_2390, %add3A_2433 : i32
        %get3A_2435 = arith.constant 0 : i32
        %get3A_2436 = arith.index_cast %get3A_2435 : i32 to index
        %get3A_2437 = arith.index_cast %add3A_2434 : i32 to index
        %get3A_2438 = tpu.vector_load %arg8[%get3A_2436, %get3A_2437] {strides = array<i32>} : memref<8x4096xf32, #tpu.memory_space<vmem>>, vector<16xf32>,
        %max3A_2439 = arith.maximumf %max3A_2432, %get3A_2438 : vector<16xf32>
        %add3A_2440 = arith.constant 112 : i32
        %add3A_2441 = arith.addi %mul3A_2390, %add3A_2440 : i32
        %get3A_2442 = arith.constant 0 : i32
        %get3A_2443 = arith.index_cast %get3A_2442 : i32 to index
        %get3A_2444 = arith.index_cast %add3A_2441 : i32 to index
        %get3A_2445 = tpu.vector_load %arg8[%get3A_2443, %get3A_2444] {strides = array<i32>} : memref<8x4096xf32, #tpu.memory_space<vmem>>, vector<16xf32>,
        %max3A_2446 = arith.maximumf %max3A_2439, %get3A_2445 : vector<16xf32>
        %add3A_2447 = arith.constant 0 : i32
        %add3A_2448 = arith.addi %mul3A_2390, %add3A_2447 : i32
        %get3A_2449 = arith.constant 1 : i32
        %get3A_2450 = arith.index_cast %get3A_2449 : i32 to index
        %get3A_2451 = arith.index_cast %add3A_2448 : i32 to index
        %get3A_2452 = tpu.vector_load %arg8[%get3A_2450, %get3A_2451] {strides = array<i32>} : memref<8x4096xf32, #tpu.memory_space<vmem>>, vector<16xf32>,
        %max3A_2453 = arith.maximumf %scan3A_2382, %get3A_2452 : vector<16xf32>
        %add3A_2454 = arith.constant 16 : i32
        %add3A_2455 = arith.addi %mul3A_2390, %add3A_2454 : i32
        %get3A_2456 = arith.constant 1 : i32
        %get3A_2457 = arith.index_cast %get3A_2456 : i32 to index
        %get3A_2458 = arith.index_cast %add3A_2455 : i32 to index
        %get3A_2459 = tpu.vector_load %arg8[%get3A_2457, %get3A_2458] {strides = array<i32>} : memref<8x4096xf32, #tpu.memory_space<vmem>>, vector<16xf32>,
        %max3A_2460 = arith.maximumf %max3A_2453, %get3A_2459 : vector<16xf32>
        %add3A_2461 = arith.constant 32 : i32
        %add3A_2462 = arith.addi %mul3A_2390, %add3A_2461 : i32
        %get3A_2463 = arith.constant 1 : i32
        %get3A_2464 = arith.index_cast %get3A_2463 : i32 to index
        %get3A_2465 = arith.index_cast %add3A_2462 : i32 to index
        %get3A_2466 = tpu.vector_load %arg8[%get3A_2464, %get3A_2465] {strides = array<i32>} : memref<8x4096xf32, #tpu.memory_space<vmem>>, vector<16xf32>,
        %max3A_2467 = arith.maximumf %max3A_2460, %get3A_2466 : vector<16xf32>
        %add3A_2468 = arith.constant 48 : i32
        %add3A_2469 = arith.addi %mul3A_2390, %add3A_2468 : i32
        %get3A_2470 = arith.constant 1 : i32
        %get3A_2471 = arith.index_cast %get3A_2470 : i32 to index
        %get3A_2472 = arith.index_cast %add3A_2469 : i32 to index
        %get3A_2473 = tpu.vector_load %arg8[%get3A_2471, %get3A_2472] {strides = array<i32>} : memref<8x4096xf32, #tpu.memory_space<vmem>>, vector<16xf32>,
        %max3A_2474 = arith.maximumf %max3A_2467, %get3A_2473 : vector<16xf32>
        %add3A_2475 = arith.constant 64 : i32
        %add3A_2476 = arith.addi %mul3A_2390, %add3A_2475 : i32
        %get3A_2477 = arith.constant 1 : i32
        %get3A_2478 = arith.index_cast %get3A_2477 : i32 to index
        %get3A_2479 = arith.index_cast %add3A_2476 : i32 to index
        %get3A_2480 = tpu.vector_load %arg8[%get3A_2478, %get3A_2479] {strides = array<i32>} : memref<8x4096xf32, #tpu.memory_space<vmem>>, vector<16xf32>,
        %max3A_2481 = arith.maximumf %max3A_2474, %get3A_2480 : vector<16xf32>
        %add3A_2482 = arith.constant 80 : i32
        %add3A_2483 = arith.addi %mul3A_2390, %add3A_2482 : i32
        %get3A_2484 = arith.constant 1 : i32
        %get3A_2485 = arith.index_cast %get3A_2484 : i32 to index
        %get3A_2486 = arith.index_cast %add3A_2483 : i32 to index
        %get3A_2487 = tpu.vector_load %arg8[%get3A_2485, %get3A_2486] {strides = array<i32>} : memref<8x4096xf32, #tpu.memory_space<vmem>>, vector<16xf32>,
        %max3A_2488 = arith.maximumf %max3A_2481, %get3A_2487 : vector<16xf32>
        %add3A_2489 = arith.constant 96 : i32
        %add3A_2490 = arith.addi %mul3A_2390, %add3A_2489 : i32
        %get3A_2491 = arith.constant 1 : i32
        %get3A_2492 = arith.index_cast %get3A_2491 : i32 to index
        %get3A_2493 = arith.index_cast %add3A_2490 : i32 to index
        %get3A_2494 = tpu.vector_load %arg8[%get3A_2492, %get3A_2493] {strides = array<i32>} : memref<8x4096xf32, #tpu.memory_space<vmem>>, vector<16xf32>,
        %max3A_2495 = arith.maximumf %max3A_2488, %get3A_2494 : vector<16xf32>
        %add3A_2496 = arith.constant 112 : i32
        %add3A_2497 = arith.addi %mul3A_2390, %add3A_2496 : i32
        %get3A_2498 = arith.constant 1 : i32
        %get3A_2499 = arith.index_cast %get3A_2498 : i32 to index
        %get3A_2500 = arith.index_cast %add3A_2497 : i32 to index
        %get3A_2501 = tpu.vector_load %arg8[%get3A_2499, %get3A_2500] {strides = array<i32>} : memref<8x4096xf32, #tpu.memory_space<vmem>>, vector<16xf32>,
        %max3A_2502 = arith.maximumf %max3A_2495, %get3A_2501 : vector<16xf32>
        %add3A_2503 = arith.constant 0 : i32
        %add3A_2504 = arith.addi %mul3A_2390, %add3A_2503 : i32
        %get3A_2505 = arith.constant 2 : i32
        %get3A_2506 = arith.index_cast %get3A_2505 : i32 to index
        %get3A_2507 = arith.index_cast %add3A_2504 : i32 to index
        %get3A_2508 = tpu.vector_load %arg8[%get3A_2506, %get3A_2507] {strides = array<i32>} : memref<8x4096xf32, #tpu.memory_space<vmem>>, vector<16xf32>,
        %max3A_2509 = arith.maximumf %scan3A_2383, %get3A_2508 : vector<16xf32>
        %add3A_2510 = arith.constant 16 : i32
        %add3A_2511 = arith.addi %mul3A_2390, %add3A_2510 : i32
        %get3A_2512 = arith.constant 2 : i32
        %get3A_2513 = arith.index_cast %get3A_2512 : i32 to index
        %get3A_2514 = arith.index_cast %add3A_2511 : i32 to index
        %get3A_2515 = tpu.vector_load %arg8[%get3A_2513, %get3A_2514] {strides = array<i32>} : memref<8x4096xf32, #tpu.memory_space<vmem>>, vector<16xf32>,
        %max3A_2516 = arith.maximumf %max3A_2509, %get3A_2515 : vector<16xf32>
        %add3A_2517 = arith.constant 32 : i32
        %add3A_2518 = arith.addi %mul3A_2390, %add3A_2517 : i32
        %get3A_2519 = arith.constant 2 : i32
        %get3A_2520 = arith.index_cast %get3A_2519 : i32 to index
        %get3A_2521 = arith.index_cast %add3A_2518 : i32 to index
        %get3A_2522 = tpu.vector_load %arg8[%get3A_2520, %get3A_2521] {strides = array<i32>} : memref<8x4096xf32, #tpu.memory_space<vmem>>, vector<16xf32>,
        %max3A_2523 = arith.maximumf %max3A_2516, %get3A_2522 : vector<16xf32>
        %add3A_2524 = arith.constant 48 : i32
        %add3A_2525 = arith.addi %mul3A_2390, %add3A_2524 : i32
        %get3A_2526 = arith.constant 2 : i32
        %get3A_2527 = arith.index_cast %get3A_2526 : i32 to index
        %get3A_2528 = arith.index_cast %add3A_2525 : i32 to index
        %get3A_2529 = tpu.vector_load %arg8[%get3A_2527, %get3A_2528] {strides = array<i32>} : memref<8x4096xf32, #tpu.memory_space<vmem>>, vector<16xf32>,
        %max3A_2530 = arith.maximumf %max3A_2523, %get3A_2529 : vector<16xf32>
        %add3A_2531 = arith.constant 64 : i32
        %add3A_2532 = arith.addi %mul3A_2390, %add3A_2531 : i32
        %get3A_2533 = arith.constant 2 : i32
        %get3A_2534 = arith.index_cast %get3A_2533 : i32 to index
        %get3A_2535 = arith.index_cast %add3A_2532 : i32 to index
        %get3A_2536 = tpu.vector_load %arg8[%get3A_2534, %get3A_2535] {strides = array<i32>} : memref<8x4096xf32, #tpu.memory_space<vmem>>, vector<16xf32>,
        %max3A_2537 = arith.maximumf %max3A_2530, %get3A_2536 : vector<16xf32>
        %add3A_2538 = arith.constant 80 : i32
        %add3A_2539 = arith.addi %mul3A_2390, %add3A_2538 : i32
        %get3A_2540 = arith.constant 2 : i32
        %get3A_2541 = arith.index_cast %get3A_2540 : i32 to index
        %get3A_2542 = arith.index_cast %add3A_2539 : i32 to index
        %get3A_2543 = tpu.vector_load %arg8[%get3A_2541, %get3A_2542] {strides = array<i32>} : memref<8x4096xf32, #tpu.memory_space<vmem>>, vector<16xf32>,
        %max3A_2544 = arith.maximumf %max3A_2537, %get3A_2543 : vector<16xf32>
        %add3A_2545 = arith.constant 96 : i32
        %add3A_2546 = arith.addi %mul3A_2390, %add3A_2545 : i32
        %get3A_2547 = arith.constant 2 : i32
        %get3A_2548 = arith.index_cast %get3A_2547 : i32 to index
        %get3A_2549 = arith.index_cast %add3A_2546 : i32 to index
        %get3A_2550 = tpu.vector_load %arg8[%get3A_2548, %get3A_2549] {strides = array<i32>} : memref<8x4096xf32, #tpu.memory_space<vmem>>, vector<16xf32>,
        %max3A_2551 = arith.maximumf %max3A_2544, %get3A_2550 : vector<16xf32>
        %add3A_2552 = arith.constant 112 : i32
        %add3A_2553 = arith.addi %mul3A_2390, %add3A_2552 : i32
        %get3A_2554 = arith.constant 2 : i32
        %get3A_2555 = arith.index_cast %get3A_2554 : i32 to index
        %get3A_2556 = arith.index_cast %add3A_2553 : i32 to index
        %get3A_2557 = tpu.vector_load %arg8[%get3A_2555, %get3A_2556] {strides = array<i32>} : memref<8x4096xf32, #tpu.memory_space<vmem>>, vector<16xf32>,
        %max3A_2558 = arith.maximumf %max3A_2551, %get3A_2557 : vector<16xf32>
        %add3A_2559 = arith.constant 0 : i32
        %add3A_2560 = arith.addi %mul3A_2390, %add3A_2559 : i32
        %get3A_2561 = arith.constant 3 : i32
        %get3A_2562 = arith.index_cast %get3A_2561 : i32 to index
        %get3A_2563 = arith.index_cast %add3A_2560 : i32 to index
        %get3A_2564 = tpu.vector_load %arg8[%get3A_2562, %get3A_2563] {strides = array<i32>} : memref<8x4096xf32, #tpu.memory_space<vmem>>, vector<16xf32>,
        %max3A_2565 = arith.maximumf %scan3A_2384, %get3A_2564 : vector<16xf32>
        %add3A_2566 = arith.constant 16 : i32
        %add3A_2567 = arith.addi %mul3A_2390, %add3A_2566 : i32
        %get3A_2568 = arith.constant 3 : i32
        %get3A_2569 = arith.index_cast %get3A_2568 : i32 to index
        %get3A_2570 = arith.index_cast %add3A_2567 : i32 to index
        %get3A_2571 = tpu.vector_load %arg8[%get3A_2569, %get3A_2570] {strides = array<i32>} : memref<8x4096xf32, #tpu.memory_space<vmem>>, vector<16xf32>,
        %max3A_2572 = arith.maximumf %max3A_2565, %get3A_2571 : vector<16xf32>
        %add3A_2573 = arith.constant 32 : i32
        %add3A_2574 = arith.addi %mul3A_2390, %add3A_2573 : i32
        %get3A_2575 = arith.constant 3 : i32
        %get3A_2576 = arith.index_cast %get3A_2575 : i32 to index
        %get3A_2577 = arith.index_cast %add3A_2574 : i32 to index
        %get3A_2578 = tpu.vector_load %arg8[%get3A_2576, %get3A_2577] {strides = array<i32>} : memref<8x4096xf32, #tpu.memory_space<vmem>>, vector<16xf32>,
        %max3A_2579 = arith.maximumf %max3A_2572, %get3A_2578 : vector<16xf32>
        %add3A_2580 = arith.constant 48 : i32
        %add3A_2581 = arith.addi %mul3A_2390, %add3A_2580 : i32
        %get3A_2582 = arith.constant 3 : i32
        %get3A_2583 = arith.index_cast %get3A_2582 : i32 to index
        %get3A_2584 = arith.index_cast %add3A_2581 : i32 to index
        %get3A_2585 = tpu.vector_load %arg8[%get3A_2583, %get3A_2584] {strides = array<i32>} : memref<8x4096xf32, #tpu.memory_space<vmem>>, vector<16xf32>,
        %max3A_2586 = arith.maximumf %max3A_2579, %get3A_2585 : vector<16xf32>
        %add3A_2587 = arith.constant 64 : i32
        %add3A_2588 = arith.addi %mul3A_2390, %add3A_2587 : i32
        %get3A_2589 = arith.constant 3 : i32
        %get3A_2590 = arith.index_cast %get3A_2589 : i32 to index
        %get3A_2591 = arith.index_cast %add3A_2588 : i32 to index
        %get3A_2592 = tpu.vector_load %arg8[%get3A_2590, %get3A_2591] {strides = array<i32>} : memref<8x4096xf32, #tpu.memory_space<vmem>>, vector<16xf32>,
        %max3A_2593 = arith.maximumf %max3A_2586, %get3A_2592 : vector<16xf32>
        %add3A_2594 = arith.constant 80 : i32
        %add3A_2595 = arith.addi %mul3A_2390, %add3A_2594 : i32
        %get3A_2596 = arith.constant 3 : i32
        %get3A_2597 = arith.index_cast %get3A_2596 : i32 to index
        %get3A_2598 = arith.index_cast %add3A_2595 : i32 to index
        %get3A_2599 = tpu.vector_load %arg8[%get3A_2597, %get3A_2598] {strides = array<i32>} : memref<8x4096xf32, #tpu.memory_space<vmem>>, vector<16xf32>,
        %max3A_2600 = arith.maximumf %max3A_2593, %get3A_2599 : vector<16xf32>
        %add3A_2601 = arith.constant 96 : i32
        %add3A_2602 = arith.addi %mul3A_2390, %add3A_2601 : i32
        %get3A_2603 = arith.constant 3 : i32
        %get3A_2604 = arith.index_cast %get3A_2603 : i32 to index
        %get3A_2605 = arith.index_cast %add3A_2602 : i32 to index
        %get3A_2606 = tpu.vector_load %arg8[%get3A_2604, %get3A_2605] {strides = array<i32>} : memref<8x4096xf32, #tpu.memory_space<vmem>>, vector<16xf32>,
        %max3A_2607 = arith.maximumf %max3A_2600, %get3A_2606 : vector<16xf32>
        %add3A_2608 = arith.constant 112 : i32
        %add3A_2609 = arith.addi %mul3A_2390, %add3A_2608 : i32
        %get3A_2610 = arith.constant 3 : i32
        %get3A_2611 = arith.index_cast %get3A_2610 : i32 to index
        %get3A_2612 = arith.index_cast %add3A_2609 : i32 to index
        %get3A_2613 = tpu.vector_load %arg8[%get3A_2611, %get3A_2612] {strides = array<i32>} : memref<8x4096xf32, #tpu.memory_space<vmem>>, vector<16xf32>,
        %max3A_2614 = arith.maximumf %max3A_2607, %get3A_2613 : vector<16xf32>
        %add3A_2615 = arith.constant 0 : i32
        %add3A_2616 = arith.addi %mul3A_2390, %add3A_2615 : i32
        %get3A_2617 = arith.constant 4 : i32
        %get3A_2618 = arith.index_cast %get3A_2617 : i32 to index
        %get3A_2619 = arith.index_cast %add3A_2616 : i32 to index
        %get3A_2620 = tpu.vector_load %arg8[%get3A_2618, %get3A_2619] {strides = array<i32>} : memref<8x4096xf32, #tpu.memory_space<vmem>>, vector<16xf32>,
        %max3A_2621 = arith.maximumf %scan3A_2385, %get3A_2620 : vector<16xf32>
        %add3A_2622 = arith.constant 16 : i32
        %add3A_2623 = arith.addi %mul3A_2390, %add3A_2622 : i32
        %get3A_2624 = arith.constant 4 : i32
        %get3A_2625 = arith.index_cast %get3A_2624 : i32 to index
        %get3A_2626 = arith.index_cast %add3A_2623 : i32 to index
        %get3A_2627 = tpu.vector_load %arg8[%get3A_2625, %get3A_2626] {strides = array<i32>} : memref<8x4096xf32, #tpu.memory_space<vmem>>, vector<16xf32>,
        %max3A_2628 = arith.maximumf %max3A_2621, %get3A_2627 : vector<16xf32>
        %add3A_2629 = arith.constant 32 : i32
        %add3A_2630 = arith.addi %mul3A_2390, %add3A_2629 : i32
        %get3A_2631 = arith.constant 4 : i32
        %get3A_2632 = arith.index_cast %get3A_2631 : i32 to index
        %get3A_2633 = arith.index_cast %add3A_2630 : i32 to index
        %get3A_2634 = tpu.vector_load %arg8[%get3A_2632, %get3A_2633] {strides = array<i32>} : memref<8x4096xf32, #tpu.memory_space<vmem>>, vector<16xf32>,
        %max3A_2635 = arith.maximumf %max3A_2628, %get3A_2634 : vector<16xf32>
        %add3A_2636 = arith.constant 48 : i32
        %add3A_2637 = arith.addi %mul3A_2390, %add3A_2636 : i32
        %get3A_2638 = arith.constant 4 : i32
        %get3A_2639 = arith.index_cast %get3A_2638 : i32 to index
        %get3A_2640 = arith.index_cast %add3A_2637 : i32 to index
        %get3A_2641 = tpu.vector_load %arg8[%get3A_2639, %get3A_2640] {strides = array<i32>} : memref<8x4096xf32, #tpu.memory_space<vmem>>, vector<16xf32>,
        %max3A_2642 = arith.maximumf %max3A_2635, %get3A_2641 : vector<16xf32>
        %add3A_2643 = arith.constant 64 : i32
        %add3A_2644 = arith.addi %mul3A_2390, %add3A_2643 : i32
        %get3A_2645 = arith.constant 4 : i32
        %get3A_2646 = arith.index_cast %get3A_2645 : i32 to index
        %get3A_2647 = arith.index_cast %add3A_2644 : i32 to index
        %get3A_2648 = tpu.vector_load %arg8[%get3A_2646, %get3A_2647] {strides = array<i32>} : memref<8x4096xf32, #tpu.memory_space<vmem>>, vector<16xf32>,
        %max3A_2649 = arith.maximumf %max3A_2642, %get3A_2648 : vector<16xf32>
        %add3A_2650 = arith.constant 80 : i32
        %add3A_2651 = arith.addi %mul3A_2390, %add3A_2650 : i32
        %get3A_2652 = arith.constant 4 : i32
        %get3A_2653 = arith.index_cast %get3A_2652 : i32 to index
        %get3A_2654 = arith.index_cast %add3A_2651 : i32 to index
        %get3A_2655 = tpu.vector_load %arg8[%get3A_2653, %get3A_2654] {strides = array<i32>} : memref<8x4096xf32, #tpu.memory_space<vmem>>, vector<16xf32>,
        %max3A_2656 = arith.maximumf %max3A_2649, %get3A_2655 : vector<16xf32>
        %add3A_2657 = arith.constant 96 : i32
        %add3A_2658 = arith.addi %mul3A_2390, %add3A_2657 : i32
        %get3A_2659 = arith.constant 4 : i32
        %get3A_2660 = arith.index_cast %get3A_2659 : i32 to index
        %get3A_2661 = arith.index_cast %add3A_2658 : i32 to index
        %get3A_2662 = tpu.vector_load %arg8[%get3A_2660, %get3A_2661] {strides = array<i32>} : memref<8x4096xf32, #tpu.memory_space<vmem>>, vector<16xf32>,
        %max3A_2663 = arith.maximumf %max3A_2656, %get3A_2662 : vector<16xf32>
        %add3A_2664 = arith.constant 112 : i32
        %add3A_2665 = arith.addi %mul3A_2390, %add3A_2664 : i32
        %get3A_2666 = arith.constant 4 : i32
        %get3A_2667 = arith.index_cast %get3A_2666 : i32 to index
        %get3A_2668 = arith.index_cast %add3A_2665 : i32 to index
        %get3A_2669 = tpu.vector_load %arg8[%get3A_2667, %get3A_2668] {strides = array<i32>} : memref<8x4096xf32, #tpu.memory_space<vmem>>, vector<16xf32>,
        %max3A_2670 = arith.maximumf %max3A_2663, %get3A_2669 : vector<16xf32>
        %add3A_2671 = arith.constant 0 : i32
        %add3A_2672 = arith.addi %mul3A_2390, %add3A_2671 : i32
        %get3A_2673 = arith.constant 5 : i32
        %get3A_2674 = arith.index_cast %get3A_2673 : i32 to index
        %get3A_2675 = arith.index_cast %add3A_2672 : i32 to index
        %get3A_2676 = tpu.vector_load %arg8[%get3A_2674, %get3A_2675] {strides = array<i32>} : memref<8x4096xf32, #tpu.memory_space<vmem>>, vector<16xf32>,
        %max3A_2677 = arith.maximumf %scan3A_2386, %get3A_2676 : vector<16xf32>
        %add3A_2678 = arith.constant 16 : i32
        %add3A_2679 = arith.addi %mul3A_2390, %add3A_2678 : i32
        %get3A_2680 = arith.constant 5 : i32
        %get3A_2681 = arith.index_cast %get3A_2680 : i32 to index
        %get3A_2682 = arith.index_cast %add3A_2679 : i32 to index
        %get3A_2683 = tpu.vector_load %arg8[%get3A_2681, %get3A_2682] {strides = array<i32>} : memref<8x4096xf32, #tpu.memory_space<vmem>>, vector<16xf32>,
        %max3A_2684 = arith.maximumf %max3A_2677, %get3A_2683 : vector<16xf32>
        %add3A_2685 = arith.constant 32 : i32
        %add3A_2686 = arith.addi %mul3A_2390, %add3A_2685 : i32
        %get3A_2687 = arith.constant 5 : i32
        %get3A_2688 = arith.index_cast %get3A_2687 : i32 to index
        %get3A_2689 = arith.index_cast %add3A_2686 : i32 to index
        %get3A_2690 = tpu.vector_load %arg8[%get3A_2688, %get3A_2689] {strides = array<i32>} : memref<8x4096xf32, #tpu.memory_space<vmem>>, vector<16xf32>,
        %max3A_2691 = arith.maximumf %max3A_2684, %get3A_2690 : vector<16xf32>
        %add3A_2692 = arith.constant 48 : i32
        %add3A_2693 = arith.addi %mul3A_2390, %add3A_2692 : i32
        %get3A_2694 = arith.constant 5 : i32
        %get3A_2695 = arith.index_cast %get3A_2694 : i32 to index
        %get3A_2696 = arith.index_cast %add3A_2693 : i32 to index
        %get3A_2697 = tpu.vector_load %arg8[%get3A_2695, %get3A_2696] {strides = array<i32>} : memref<8x4096xf32, #tpu.memory_space<vmem>>, vector<16xf32>,
        %max3A_2698 = arith.maximumf %max3A_2691, %get3A_2697 : vector<16xf32>
        %add3A_2699 = arith.constant 64 : i32
        %add3A_2700 = arith.addi %mul3A_2390, %add3A_2699 : i32
        %get3A_2701 = arith.constant 5 : i32
        %get3A_2702 = arith.index_cast %get3A_2701 : i32 to index
        %get3A_2703 = arith.index_cast %add3A_2700 : i32 to index
        %get3A_2704 = tpu.vector_load %arg8[%get3A_2702, %get3A_2703] {strides = array<i32>} : memref<8x4096xf32, #tpu.memory_space<vmem>>, vector<16xf32>,
        %max3A_2705 = arith.maximumf %max3A_2698, %get3A_2704 : vector<16xf32>
        %add3A_2706 = arith.constant 80 : i32
        %add3A_2707 = arith.addi %mul3A_2390, %add3A_2706 : i32
        %get3A_2708 = arith.constant 5 : i32
        %get3A_2709 = arith.index_cast %get3A_2708 : i32 to index
        %get3A_2710 = arith.index_cast %add3A_2707 : i32 to index
        %get3A_2711 = tpu.vector_load %arg8[%get3A_2709, %get3A_2710] {strides = array<i32>} : memref<8x4096xf32, #tpu.memory_space<vmem>>, vector<16xf32>,
        %max3A_2712 = arith.maximumf %max3A_2705, %get3A_2711 : vector<16xf32>
        %add3A_2713 = arith.constant 96 : i32
        %add3A_2714 = arith.addi %mul3A_2390, %add3A_2713 : i32
        %get3A_2715 = arith.constant 5 : i32
        %get3A_2716 = arith.index_cast %get3A_2715 : i32 to index
        %get3A_2717 = arith.index_cast %add3A_2714 : i32 to index
        %get3A_2718 = tpu.vector_load %arg8[%get3A_2716, %get3A_2717] {strides = array<i32>} : memref<8x4096xf32, #tpu.memory_space<vmem>>, vector<16xf32>,
        %max3A_2719 = arith.maximumf %max3A_2712, %get3A_2718 : vector<16xf32>
        %add3A_2720 = arith.constant 112 : i32
        %add3A_2721 = arith.addi %mul3A_2390, %add3A_2720 : i32
        %get3A_2722 = arith.constant 5 : i32
        %get3A_2723 = arith.index_cast %get3A_2722 : i32 to index
        %get3A_2724 = arith.index_cast %add3A_2721 : i32 to index
        %get3A_2725 = tpu.vector_load %arg8[%get3A_2723, %get3A_2724] {strides = array<i32>} : memref<8x4096xf32, #tpu.memory_space<vmem>>, vector<16xf32>,
        %max3A_2726 = arith.maximumf %max3A_2719, %get3A_2725 : vector<16xf32>
        %add3A_2727 = arith.constant 0 : i32
        %add3A_2728 = arith.addi %mul3A_2390, %add3A_2727 : i32
        %get3A_2729 = arith.constant 6 : i32
        %get3A_2730 = arith.index_cast %get3A_2729 : i32 to index
        %get3A_2731 = arith.index_cast %add3A_2728 : i32 to index
        %get3A_2732 = tpu.vector_load %arg8[%get3A_2730, %get3A_2731] {strides = array<i32>} : memref<8x4096xf32, #tpu.memory_space<vmem>>, vector<16xf32>,
        %max3A_2733 = arith.maximumf %scan3A_2387, %get3A_2732 : vector<16xf32>
        %add3A_2734 = arith.constant 16 : i32
        %add3A_2735 = arith.addi %mul3A_2390, %add3A_2734 : i32
        %get3A_2736 = arith.constant 6 : i32
        %get3A_2737 = arith.index_cast %get3A_2736 : i32 to index
        %get3A_2738 = arith.index_cast %add3A_2735 : i32 to index
        %get3A_2739 = tpu.vector_load %arg8[%get3A_2737, %get3A_2738] {strides = array<i32>} : memref<8x4096xf32, #tpu.memory_space<vmem>>, vector<16xf32>,
        %max3A_2740 = arith.maximumf %max3A_2733, %get3A_2739 : vector<16xf32>
        %add3A_2741 = arith.constant 32 : i32
        %add3A_2742 = arith.addi %mul3A_2390, %add3A_2741 : i32
        %get3A_2743 = arith.constant 6 : i32
        %get3A_2744 = arith.index_cast %get3A_2743 : i32 to index
        %get3A_2745 = arith.index_cast %add3A_2742 : i32 to index
        %get3A_2746 = tpu.vector_load %arg8[%get3A_2744, %get3A_2745] {strides = array<i32>} : memref<8x4096xf32, #tpu.memory_space<vmem>>, vector<16xf32>,
        %max3A_2747 = arith.maximumf %max3A_2740, %get3A_2746 : vector<16xf32>
        %add3A_2748 = arith.constant 48 : i32
        %add3A_2749 = arith.addi %mul3A_2390, %add3A_2748 : i32
        %get3A_2750 = arith.constant 6 : i32
        %get3A_2751 = arith.index_cast %get3A_2750 : i32 to index
        %get3A_2752 = arith.index_cast %add3A_2749 : i32 to index
        %get3A_2753 = tpu.vector_load %arg8[%get3A_2751, %get3A_2752] {strides = array<i32>} : memref<8x4096xf32, #tpu.memory_space<vmem>>, vector<16xf32>,
        %max3A_2754 = arith.maximumf %max3A_2747, %get3A_2753 : vector<16xf32>
        %add3A_2755 = arith.constant 64 : i32
        %add3A_2756 = arith.addi %mul3A_2390, %add3A_2755 : i32
        %get3A_2757 = arith.constant 6 : i32
        %get3A_2758 = arith.index_cast %get3A_2757 : i32 to index
        %get3A_2759 = arith.index_cast %add3A_2756 : i32 to index
        %get3A_2760 = tpu.vector_load %arg8[%get3A_2758, %get3A_2759] {strides = array<i32>} : memref<8x4096xf32, #tpu.memory_space<vmem>>, vector<16xf32>,
        %max3A_2761 = arith.maximumf %max3A_2754, %get3A_2760 : vector<16xf32>
        %add3A_2762 = arith.constant 80 : i32
        %add3A_2763 = arith.addi %mul3A_2390, %add3A_2762 : i32
        %get3A_2764 = arith.constant 6 : i32
        %get3A_2765 = arith.index_cast %get3A_2764 : i32 to index
        %get3A_2766 = arith.index_cast %add3A_2763 : i32 to index
        %get3A_2767 = tpu.vector_load %arg8[%get3A_2765, %get3A_2766] {strides = array<i32>} : memref<8x4096xf32, #tpu.memory_space<vmem>>, vector<16xf32>,
        %max3A_2768 = arith.maximumf %max3A_2761, %get3A_2767 : vector<16xf32>
        %add3A_2769 = arith.constant 96 : i32
        %add3A_2770 = arith.addi %mul3A_2390, %add3A_2769 : i32
        %get3A_2771 = arith.constant 6 : i32
        %get3A_2772 = arith.index_cast %get3A_2771 : i32 to index
        %get3A_2773 = arith.index_cast %add3A_2770 : i32 to index
        %get3A_2774 = tpu.vector_load %arg8[%get3A_2772, %get3A_2773] {strides = array<i32>} : memref<8x4096xf32, #tpu.memory_space<vmem>>, vector<16xf32>,
        %max3A_2775 = arith.maximumf %max3A_2768, %get3A_2774 : vector<16xf32>
        %add3A_2776 = arith.constant 112 : i32
        %add3A_2777 = arith.addi %mul3A_2390, %add3A_2776 : i32
        %get3A_2778 = arith.constant 6 : i32
        %get3A_2779 = arith.index_cast %get3A_2778 : i32 to index
        %get3A_2780 = arith.index_cast %add3A_2777 : i32 to index
        %get3A_2781 = tpu.vector_load %arg8[%get3A_2779, %get3A_2780] {strides = array<i32>} : memref<8x4096xf32, #tpu.memory_space<vmem>>, vector<16xf32>,
        %max3A_2782 = arith.maximumf %max3A_2775, %get3A_2781 : vector<16xf32>
        %add3A_2783 = arith.constant 0 : i32
        %add3A_2784 = arith.addi %mul3A_2390, %add3A_2783 : i32
        %get3A_2785 = arith.constant 7 : i32
        %get3A_2786 = arith.index_cast %get3A_2785 : i32 to index
        %get3A_2787 = arith.index_cast %add3A_2784 : i32 to index
        %get3A_2788 = tpu.vector_load %arg8[%get3A_2786, %get3A_2787] {strides = array<i32>} : memref<8x4096xf32, #tpu.memory_space<vmem>>, vector<16xf32>,
        %max3A_2789 = arith.maximumf %scan3A_2388, %get3A_2788 : vector<16xf32>
        %add3A_2790 = arith.constant 16 : i32
        %add3A_2791 = arith.addi %mul3A_2390, %add3A_2790 : i32
        %get3A_2792 = arith.constant 7 : i32
        %get3A_2793 = arith.index_cast %get3A_2792 : i32 to index
        %get3A_2794 = arith.index_cast %add3A_2791 : i32 to index
        %get3A_2795 = tpu.vector_load %arg8[%get3A_2793, %get3A_2794] {strides = array<i32>} : memref<8x4096xf32, #tpu.memory_space<vmem>>, vector<16xf32>,
        %max3A_2796 = arith.maximumf %max3A_2789, %get3A_2795 : vector<16xf32>
        %add3A_2797 = arith.constant 32 : i32
        %add3A_2798 = arith.addi %mul3A_2390, %add3A_2797 : i32
        %get3A_2799 = arith.constant 7 : i32
        %get3A_2800 = arith.index_cast %get3A_2799 : i32 to index
        %get3A_2801 = arith.index_cast %add3A_2798 : i32 to index
        %get3A_2802 = tpu.vector_load %arg8[%get3A_2800, %get3A_2801] {strides = array<i32>} : memref<8x4096xf32, #tpu.memory_space<vmem>>, vector<16xf32>,
        %max3A_2803 = arith.maximumf %max3A_2796, %get3A_2802 : vector<16xf32>
        %add3A_2804 = arith.constant 48 : i32
        %add3A_2805 = arith.addi %mul3A_2390, %add3A_2804 : i32
        %get3A_2806 = arith.constant 7 : i32
        %get3A_2807 = arith.index_cast %get3A_2806 : i32 to index
        %get3A_2808 = arith.index_cast %add3A_2805 : i32 to index
        %get3A_2809 = tpu.vector_load %arg8[%get3A_2807, %get3A_2808] {strides = array<i32>} : memref<8x4096xf32, #tpu.memory_space<vmem>>, vector<16xf32>,
        %max3A_2810 = arith.maximumf %max3A_2803, %get3A_2809 : vector<16xf32>
        %add3A_2811 = arith.constant 64 : i32
        %add3A_2812 = arith.addi %mul3A_2390, %add3A_2811 : i32
        %get3A_2813 = arith.constant 7 : i32
        %get3A_2814 = arith.index_cast %get3A_2813 : i32 to index
        %get3A_2815 = arith.index_cast %add3A_2812 : i32 to index
        %get3A_2816 = tpu.vector_load %arg8[%get3A_2814, %get3A_2815] {strides = array<i32>} : memref<8x4096xf32, #tpu.memory_space<vmem>>, vector<16xf32>,
        %max3A_2817 = arith.maximumf %max3A_2810, %get3A_2816 : vector<16xf32>
        %add3A_2818 = arith.constant 80 : i32
        %add3A_2819 = arith.addi %mul3A_2390, %add3A_2818 : i32
        %get3A_2820 = arith.constant 7 : i32
        %get3A_2821 = arith.index_cast %get3A_2820 : i32 to index
        %get3A_2822 = arith.index_cast %add3A_2819 : i32 to index
        %get3A_2823 = tpu.vector_load %arg8[%get3A_2821, %get3A_2822] {strides = array<i32>} : memref<8x4096xf32, #tpu.memory_space<vmem>>, vector<16xf32>,
        %max3A_2824 = arith.maximumf %max3A_2817, %get3A_2823 : vector<16xf32>
        %add3A_2825 = arith.constant 96 : i32
        %add3A_2826 = arith.addi %mul3A_2390, %add3A_2825 : i32
        %get3A_2827 = arith.constant 7 : i32
        %get3A_2828 = arith.index_cast %get3A_2827 : i32 to index
        %get3A_2829 = arith.index_cast %add3A_2826 : i32 to index
        %get3A_2830 = tpu.vector_load %arg8[%get3A_2828, %get3A_2829] {strides = array<i32>} : memref<8x4096xf32, #tpu.memory_space<vmem>>, vector<16xf32>,
        %max3A_2831 = arith.maximumf %max3A_2824, %get3A_2830 : vector<16xf32>
        %add3A_2832 = arith.constant 112 : i32
        %add3A_2833 = arith.addi %mul3A_2390, %add3A_2832 : i32
        %get3A_2834 = arith.constant 7 : i32
        %get3A_2835 = arith.index_cast %get3A_2834 : i32 to index
        %get3A_2836 = arith.index_cast %add3A_2833 : i32 to index
        %get3A_2837 = tpu.vector_load %arg8[%get3A_2835, %get3A_2836] {strides = array<i32>} : memref<8x4096xf32, #tpu.memory_space<vmem>>, vector<16xf32>,
        %max3A_2838 = arith.maximumf %max3A_2831, %get3A_2837 : vector<16xf32>
        scf.yield %max3A_2446, %max3A_2502, %max3A_2558, %max3A_2614, %max3A_2670, %max3A_2726, %max3A_2782, %max3A_2838 : vector<16xf32>, vector<16xf32>, vector<16xf32>, vector<16xf32>, vector<16xf32>, vector<16xf32>, vector<16xf32>, vector<16xf32>
      }
      %scan3A_2334 = arith.constant 32 : i32
      %jit3A_2335 = arith.constant 12 : i32
      %div3A_2336 = arith.divsi %add3A_1236, %jit3A_2335 : i32
      %sign3A_2337 = arith.constant 0 : i32
      %sign3A_2338 = arith.cmpi sgt, %add3A_1236, %sign3A_2337 : i32
      %sign3A_2339 = arith.extui %sign3A_2338 : i1 to i32
      %sign3A_2340 = arith.constant 0 : i32
      %sign3A_2341 = arith.cmpi slt, %add3A_1236, %sign3A_2340 : i32
      %sign3A_2342 = arith.extui %sign3A_2341 : i1 to i32
      %sign3A_2343 = arith.subi %sign3A_2339, %sign3A_2342 : i32
      %sign3A_2344 = arith.constant 0 : i32
      %sign3A_2345 = arith.cmpi sgt, %jit3A_2335, %sign3A_2344 : i32
      %sign3A_2346 = arith.extui %sign3A_2345 : i1 to i32
      %sign3A_2347 = arith.constant 0 : i32
      %sign3A_2348 = arith.cmpi slt, %jit3A_2335, %sign3A_2347 : i32
      %sign3A_2349 = arith.extui %sign3A_2348 : i1 to i32
      %sign3A_2350 = arith.subi %sign3A_2346, %sign3A_2349 : i32
      %ne3A_2351 = arith.cmpi ne, %sign3A_2343, %sign3A_2350 : i32
      %rem3A_2352 = arith.remsi %add3A_1236, %jit3A_2335 : i32
      %ne3A_2353 = arith.constant 0 : i32
      %ne3A_2354 = arith.cmpi ne, %rem3A_2352, %ne3A_2353 : i32
      %and3A_2355 = arith.andi %ne3A_2351, %ne3A_2354 : i1
      %sub3A_2356 = arith.constant 1 : i32
      %sub3A_2357 = arith.subi %div3A_2336, %sub3A_2356 : i32
      %select_n3A_2358 = arith.select %and3A_2355, %sub3A_2357, %div3A_2336 : i32
      %jit3A_2359 = arith.constant 12 : i32
      %eq3A_2360 = arith.constant 0 : i32
      %eq3A_2361 = arith.cmpi eq, %jit3A_2359, %eq3A_2360 : i32
      %jit3A_2362 = arith.constant 1 : i32
      %select_n3A_2363 = arith.select %eq3A_2361, %jit3A_2362, %jit3A_2359 : i32
      %rem3A_2364 = arith.remsi %add3A_1236, %select_n3A_2363 : i32
      %ne3A_2365 = arith.constant 0 : i32
      %ne3A_2366 = arith.cmpi ne, %rem3A_2364, %ne3A_2365 : i32
      %lt3A_2367 = arith.constant 0 : i32
      %lt3A_2368 = arith.cmpi slt, %rem3A_2364, %lt3A_2367 : i32
      %lt3A_2369 = arith.constant 0 : i32
      %lt3A_2370 = arith.cmpi slt, %select_n3A_2363, %lt3A_2369 : i32
      %ne3A_2371 = arith.xori %lt3A_2368, %lt3A_2370 : i1
      %and3A_2372 = arith.andi %ne3A_2371, %ne3A_2366 : i1
      %add3A_2373 = arith.addi %rem3A_2364, %select_n3A_2363 : i32
      %select_n3A_2374 = arith.select %and3A_2372, %add3A_2373, %rem3A_2364 : i32
      %eq3A_2375 = arith.constant 11 : i32
      %eq3A_2376 = arith.cmpi eq, %select_n3A_2374, %eq3A_2375 : i32
      %convert_element_type3A_2377 = arith.extui %eq3A_2376 : i1 to i32
      %cond3A_2378 = arith.constant 0 : i32
      %cond3A_2379 = arith.cmpi ne, %convert_element_type3A_2377, %cond3A_2378 : i32
      scf.if %cond3A_2379 {
        %iota3A_2380 = tpu.iota {dimensions = array<i32: 0>} : vector<16xi32>
        %broadcast_in_dim3A_2381 = arith.constant -3.400000e+38 : f32
        %broadcast_in_dim3A_2382 = vector.broadcast %broadcast_in_dim3A_2381 : f32 to vector<16xf32>
        %broadcast_in_dim3A_2383 = arith.constant -3.400000e+38 : f32
        %broadcast_in_dim3A_2384 = vector.broadcast %broadcast_in_dim3A_2383 : f32 to vector<16xf32>
        %eq3A_2385 = arith.constant 0 : i32
        %eq3A_2386 = vector.broadcast %eq3A_2385 : i32 to vector<16xi32>
        %eq3A_2387 = arith.cmpi eq, %iota3A_2380, %eq3A_2386 : vector<16xi32>
        %reduce_max3A_2388 = arith.constant true
        %reduce_max3A_2389 = vector.broadcast %reduce_max3A_2388 : i1 to vector<16xi1>
        %reduce_max3A_2390 = tpu.scan <max>, %scan3A_2333#0 masked %reduce_max3A_2389 : vector<16xf32>, vector<16xi1> -> vector<16xf32>
        %reduce_max3A_2391 = vector.extract %reduce_max3A_2390[15] : f32 from vector<16xf32>
        %broadcast_in_dim3A_2392 = vector.broadcast %reduce_max3A_2391 : f32 to vector<16xf32>
        %select_n3A_2393 = arith.select %eq3A_2387, %broadcast_in_dim3A_2392, %broadcast_in_dim3A_2382 : vector<16xi1>, vector<16xf32>
        %eq3A_2394 = arith.constant 0 : i32
        %eq3A_2395 = vector.broadcast %eq3A_2394 : i32 to vector<16xi32>
        %eq3A_2396 = arith.cmpi eq, %iota3A_2380, %eq3A_2395 : vector<16xi32>
        %broadcast_in_dim3A_2397 = vector.broadcast %max3A_1481 : f32 to vector<16xf32>
        %select_n3A_2398 = arith.select %eq3A_2396, %broadcast_in_dim3A_2397, %broadcast_in_dim3A_2384 : vector<16xi1>, vector<16xf32>
        %eq3A_2399 = arith.constant 1 : i32
        %eq3A_2400 = vector.broadcast %eq3A_2399 : i32 to vector<16xi32>
        %eq3A_2401 = arith.cmpi eq, %iota3A_2380, %eq3A_2400 : vector<16xi32>
        %reduce_max3A_2402 = arith.constant true
        %reduce_max3A_2403 = vector.broadcast %reduce_max3A_2402 : i1 to vector<16xi1>
        %reduce_max3A_2404 = tpu.scan <max>, %scan3A_2333#1 masked %reduce_max3A_2403 : vector<16xf32>, vector<16xi1> -> vector<16xf32>
        %reduce_max3A_2405 = vector.extract %reduce_max3A_2404[15] : f32 from vector<16xf32>
        %broadcast_in_dim3A_2406 = vector.broadcast %reduce_max3A_2405 : f32 to vector<16xf32>
        %select_n3A_2407 = arith.select %eq3A_2401, %broadcast_in_dim3A_2406, %select_n3A_2393 : vector<16xi1>, vector<16xf32>
        %eq3A_2408 = arith.constant 1 : i32
        %eq3A_2409 = vector.broadcast %eq3A_2408 : i32 to vector<16xi32>
        %eq3A_2410 = arith.cmpi eq, %iota3A_2380, %eq3A_2409 : vector<16xi32>
        %broadcast_in_dim3A_2411 = vector.broadcast %max3A_1601 : f32 to vector<16xf32>
        %select_n3A_2412 = arith.select %eq3A_2410, %broadcast_in_dim3A_2411, %select_n3A_2398 : vector<16xi1>, vector<16xf32>
        %eq3A_2413 = arith.constant 2 : i32
        %eq3A_2414 = vector.broadcast %eq3A_2413 : i32 to vector<16xi32>
        %eq3A_2415 = arith.cmpi eq, %iota3A_2380, %eq3A_2414 : vector<16xi32>
        %reduce_max3A_2416 = arith.constant true
        %reduce_max3A_2417 = vector.broadcast %reduce_max3A_2416 : i1 to vector<16xi1>
        %reduce_max3A_2418 = tpu.scan <max>, %scan3A_2333#2 masked %reduce_max3A_2417 : vector<16xf32>, vector<16xi1> -> vector<16xf32>
        %reduce_max3A_2419 = vector.extract %reduce_max3A_2418[15] : f32 from vector<16xf32>
        %broadcast_in_dim3A_2420 = vector.broadcast %reduce_max3A_2419 : f32 to vector<16xf32>
        %select_n3A_2421 = arith.select %eq3A_2415, %broadcast_in_dim3A_2420, %select_n3A_2407 : vector<16xi1>, vector<16xf32>
        %eq3A_2422 = arith.constant 2 : i32
        %eq3A_2423 = vector.broadcast %eq3A_2422 : i32 to vector<16xi32>
        %eq3A_2424 = arith.cmpi eq, %iota3A_2380, %eq3A_2423 : vector<16xi32>
        %broadcast_in_dim3A_2425 = vector.broadcast %max3A_1721 : f32 to vector<16xf32>
        %select_n3A_2426 = arith.select %eq3A_2424, %broadcast_in_dim3A_2425, %select_n3A_2412 : vector<16xi1>, vector<16xf32>
        %eq3A_2427 = arith.constant 3 : i32
        %eq3A_2428 = vector.broadcast %eq3A_2427 : i32 to vector<16xi32>
        %eq3A_2429 = arith.cmpi eq, %iota3A_2380, %eq3A_2428 : vector<16xi32>
        %reduce_max3A_2430 = arith.constant true
        %reduce_max3A_2431 = vector.broadcast %reduce_max3A_2430 : i1 to vector<16xi1>
        %reduce_max3A_2432 = tpu.scan <max>, %scan3A_2333#3 masked %reduce_max3A_2431 : vector<16xf32>, vector<16xi1> -> vector<16xf32>
        %reduce_max3A_2433 = vector.extract %reduce_max3A_2432[15] : f32 from vector<16xf32>
        %broadcast_in_dim3A_2434 = vector.broadcast %reduce_max3A_2433 : f32 to vector<16xf32>
        %select_n3A_2435 = arith.select %eq3A_2429, %broadcast_in_dim3A_2434, %select_n3A_2421 : vector<16xi1>, vector<16xf32>
        %eq3A_2436 = arith.constant 3 : i32
        %eq3A_2437 = vector.broadcast %eq3A_2436 : i32 to vector<16xi32>
        %eq3A_2438 = arith.cmpi eq, %iota3A_2380, %eq3A_2437 : vector<16xi32>
        %broadcast_in_dim3A_2439 = vector.broadcast %max3A_1841 : f32 to vector<16xf32>
        %select_n3A_2440 = arith.select %eq3A_2438, %broadcast_in_dim3A_2439, %select_n3A_2426 : vector<16xi1>, vector<16xf32>
        %eq3A_2441 = arith.constant 4 : i32
        %eq3A_2442 = vector.broadcast %eq3A_2441 : i32 to vector<16xi32>
        %eq3A_2443 = arith.cmpi eq, %iota3A_2380, %eq3A_2442 : vector<16xi32>
        %reduce_max3A_2444 = arith.constant true
        %reduce_max3A_2445 = vector.broadcast %reduce_max3A_2444 : i1 to vector<16xi1>
        %reduce_max3A_2446 = tpu.scan <max>, %scan3A_2333#4 masked %reduce_max3A_2445 : vector<16xf32>, vector<16xi1> -> vector<16xf32>
        %reduce_max3A_2447 = vector.extract %reduce_max3A_2446[15] : f32 from vector<16xf32>
        %broadcast_in_dim3A_2448 = vector.broadcast %reduce_max3A_2447 : f32 to vector<16xf32>
        %select_n3A_2449 = arith.select %eq3A_2443, %broadcast_in_dim3A_2448, %select_n3A_2435 : vector<16xi1>, vector<16xf32>
        %eq3A_2450 = arith.constant 4 : i32
        %eq3A_2451 = vector.broadcast %eq3A_2450 : i32 to vector<16xi32>
        %eq3A_2452 = arith.cmpi eq, %iota3A_2380, %eq3A_2451 : vector<16xi32>
        %broadcast_in_dim3A_2453 = vector.broadcast %max3A_1961 : f32 to vector<16xf32>
        %select_n3A_2454 = arith.select %eq3A_2452, %broadcast_in_dim3A_2453, %select_n3A_2440 : vector<16xi1>, vector<16xf32>
        %eq3A_2455 = arith.constant 5 : i32
        %eq3A_2456 = vector.broadcast %eq3A_2455 : i32 to vector<16xi32>
        %eq3A_2457 = arith.cmpi eq, %iota3A_2380, %eq3A_2456 : vector<16xi32>
        %reduce_max3A_2458 = arith.constant true
        %reduce_max3A_2459 = vector.broadcast %reduce_max3A_2458 : i1 to vector<16xi1>
        %reduce_max3A_2460 = tpu.scan <max>, %scan3A_2333#5 masked %reduce_max3A_2459 : vector<16xf32>, vector<16xi1> -> vector<16xf32>
        %reduce_max3A_2461 = vector.extract %reduce_max3A_2460[15] : f32 from vector<16xf32>
        %broadcast_in_dim3A_2462 = vector.broadcast %reduce_max3A_2461 : f32 to vector<16xf32>
        %select_n3A_2463 = arith.select %eq3A_2457, %broadcast_in_dim3A_2462, %select_n3A_2449 : vector<16xi1>, vector<16xf32>
        %eq3A_2464 = arith.constant 5 : i32
        %eq3A_2465 = vector.broadcast %eq3A_2464 : i32 to vector<16xi32>
        %eq3A_2466 = arith.cmpi eq, %iota3A_2380, %eq3A_2465 : vector<16xi32>
        %broadcast_in_dim3A_2467 = vector.broadcast %max3A_2081 : f32 to vector<16xf32>
        %select_n3A_2468 = arith.select %eq3A_2466, %broadcast_in_dim3A_2467, %select_n3A_2454 : vector<16xi1>, vector<16xf32>
        %eq3A_2469 = arith.constant 6 : i32
        %eq3A_2470 = vector.broadcast %eq3A_2469 : i32 to vector<16xi32>
        %eq3A_2471 = arith.cmpi eq, %iota3A_2380, %eq3A_2470 : vector<16xi32>
        %reduce_max3A_2472 = arith.constant true
        %reduce_max3A_2473 = vector.broadcast %reduce_max3A_2472 : i1 to vector<16xi1>
        %reduce_max3A_2474 = tpu.scan <max>, %scan3A_2333#6 masked %reduce_max3A_2473 : vector<16xf32>, vector<16xi1> -> vector<16xf32>
        %reduce_max3A_2475 = vector.extract %reduce_max3A_2474[15] : f32 from vector<16xf32>
        %broadcast_in_dim3A_2476 = vector.broadcast %reduce_max3A_2475 : f32 to vector<16xf32>
        %select_n3A_2477 = arith.select %eq3A_2471, %broadcast_in_dim3A_2476, %select_n3A_2463 : vector<16xi1>, vector<16xf32>
        %eq3A_2478 = arith.constant 6 : i32
        %eq3A_2479 = vector.broadcast %eq3A_2478 : i32 to vector<16xi32>
        %eq3A_2480 = arith.cmpi eq, %iota3A_2380, %eq3A_2479 : vector<16xi32>
        %broadcast_in_dim3A_2481 = vector.broadcast %max3A_2201 : f32 to vector<16xf32>
        %select_n3A_2482 = arith.select %eq3A_2480, %broadcast_in_dim3A_2481, %select_n3A_2468 : vector<16xi1>, vector<16xf32>
        %eq3A_2483 = arith.constant 7 : i32
        %eq3A_2484 = vector.broadcast %eq3A_2483 : i32 to vector<16xi32>
        %eq3A_2485 = arith.cmpi eq, %iota3A_2380, %eq3A_2484 : vector<16xi32>
        %reduce_max3A_2486 = arith.constant true
        %reduce_max3A_2487 = vector.broadcast %reduce_max3A_2486 : i1 to vector<16xi1>
        %reduce_max3A_2488 = tpu.scan <max>, %scan3A_2333#7 masked %reduce_max3A_2487 : vector<16xf32>, vector<16xi1> -> vector<16xf32>
        %reduce_max3A_2489 = vector.extract %reduce_max3A_2488[15] : f32 from vector<16xf32>
        %broadcast_in_dim3A_2490 = vector.broadcast %reduce_max3A_2489 : f32 to vector<16xf32>
        %select_n3A_2491 = arith.select %eq3A_2485, %broadcast_in_dim3A_2490, %select_n3A_2477 : vector<16xi1>, vector<16xf32>
        %eq3A_2492 = arith.constant 7 : i32
        %eq3A_2493 = vector.broadcast %eq3A_2492 : i32 to vector<16xi32>
        %eq3A_2494 = arith.cmpi eq, %iota3A_2380, %eq3A_2493 : vector<16xi32>
        %broadcast_in_dim3A_2495 = vector.broadcast %max3A_2321 : f32 to vector<16xf32>
        %select_n3A_2496 = arith.select %eq3A_2494, %broadcast_in_dim3A_2495, %select_n3A_2482 : vector<16xi1>, vector<16xf32>
        %mul3A_2497 = arith.constant 8 : i32
        %mul3A_2498 = arith.muli %select_n3A_2358, %mul3A_2497 : i32
        %add3A_2499 = vector.broadcast %mul3A_2498 : i32 to vector<16xi32>
        %add3A_2500 = arith.addi %iota3A_2380, %add3A_2499 : vector<16xi32>
        %lt3A_2501 = arith.constant 8 : i32
        %lt3A_2502 = vector.broadcast %lt3A_2501 : i32 to vector<16xi32>
        %lt3A_2503 = arith.cmpi slt, %iota3A_2380, %lt3A_2502 : vector<16xi32>
        tpu.vector_store_idx %arg9[%add3A_2500], %select_n3A_2491 masked %lt3A_2503 : memref<32xf32, #tpu.memory_space<vmem>>[vector<16xi32>], vector<16xf32>, vector<16xi1>
        tpu.vector_store_idx %arg10[%add3A_2500], %select_n3A_2496 masked %lt3A_2503 : memref<32xf32, #tpu.memory_space<vmem>>[vector<16xi32>], vector<16xf32>, vector<16xi1>
      } else {
      }
      scf.yield %scan3A_2333#0, %scan3A_2333#1, %scan3A_2333#2, %scan3A_2333#3, %scan3A_2333#4, %scan3A_2333#5, %scan3A_2333#6, %scan3A_2333#7, %max3A_1481, %max3A_1601, %max3A_1721, %max3A_1841, %max3A_1961, %max3A_2081, %max3A_2201, %max3A_2321 : vector<16xf32>, vector<16xf32>, vector<16xf32>, vector<16xf32>, vector<16xf32>, vector<16xf32>, vector<16xf32>, vector<16xf32>, f32, f32, f32, f32, f32, f32, f32, f32
    }
    %scan3A_35 = arith.constant 24 : i32
    "tpu.region"() ({
      %run_scoped3A = tpu.sem_alloc : memref<!tpu.dma_semaphore, #tpu.memory_space<semaphore_mem>>
      %dma_start3A_36 = tpu.memref_slice %arg4[%mul3A_2] : memref<1024xf32, #tpu.memory_space<hbm>> -> memref<32xf32, #tpu.memory_space<hbm>>
      %dma_start3A_37 = tpu.memref_slice %arg4[%mul3A_2] : memref<1024xf32, #tpu.memory_space<hbm>> -> memref<32xf32, #tpu.memory_space<hbm>>
      tpu.enqueue_dma source(%arg9 : memref<32xf32, #tpu.memory_space<vmem>>) target(%dma_start3A_37 : memref<32xf32, #tpu.memory_space<hbm>>) target_semaphore(%run_scoped3A : memref<!tpu.dma_semaphore, #tpu.memory_space<semaphore_mem>>)
      %dma_wait3A = tpu.memref_slice %arg4[%mul3A_2] : memref<1024xf32, #tpu.memory_space<hbm>> -> memref<32xf32, #tpu.memory_space<hbm>>
      %dma_wait3A_38 = tpu.memref_slice %arg4[%mul3A_2] : memref<1024xf32, #tpu.memory_space<hbm>> -> memref<32xf32, #tpu.memory_space<hbm>>
      tpu.wait_dma2 semaphore(%run_scoped3A : memref<!tpu.dma_semaphore, #tpu.memory_space<semaphore_mem>>) src(%arg9 : memref<32xf32, #tpu.memory_space<vmem>>) dst(%dma_wait3A_38 : memref<32xf32, #tpu.memory_space<hbm>>)
      tpu.yield
    }) : () -> ()
    "tpu.region"() ({
      %run_scoped3A = tpu.sem_alloc : memref<!tpu.dma_semaphore, #tpu.memory_space<semaphore_mem>>
      %dma_start3A_36 = tpu.memref_slice %arg5[%mul3A_2] : memref<1024xf32, #tpu.memory_space<hbm>> -> memref<32xf32, #tpu.memory_space<hbm>>
      %dma_start3A_37 = tpu.memref_slice %arg5[%mul3A_2] : memref<1024xf32, #tpu.memory_space<hbm>> -> memref<32xf32, #tpu.memory_space<hbm>>
      tpu.enqueue_dma source(%arg10 : memref<32xf32, #tpu.memory_space<vmem>>) target(%dma_start3A_37 : memref<32xf32, #tpu.memory_space<hbm>>) target_semaphore(%run_scoped3A : memref<!tpu.dma_semaphore, #tpu.memory_space<semaphore_mem>>)
      %dma_wait3A = tpu.memref_slice %arg5[%mul3A_2] : memref<1024xf32, #tpu.memory_space<hbm>> -> memref<32xf32, #tpu.memory_space<hbm>>
      %dma_wait3A_38 = tpu.memref_slice %arg5[%mul3A_2] : memref<1024xf32, #tpu.memory_space<hbm>> -> memref<32xf32, #tpu.memory_space<hbm>>
      tpu.wait_dma2 semaphore(%run_scoped3A : memref<!tpu.dma_semaphore, #tpu.memory_space<semaphore_mem>>) src(%arg10 : memref<32xf32, #tpu.memory_space<vmem>>) dst(%dma_wait3A_38 : memref<32xf32, #tpu.memory_space<hbm>>)
      tpu.yield
    }) : () -> ()
    return
  }
}

module attributes {stable_mosaic.version = 14 : i64} {
  func.func @_tc_body(%arg0: i32, %arg1: memref<1024x1xi32, #tpu.memory_space<vmem>>, %arg2: memref<1024x2048xf32, #tpu.memory_space<vmem>>, %arg3: memref<1024x1xf32, #tpu.memory_space<vmem>>, %arg4: memref<1024x1xf32, #tpu.memory_space<vmem>>, %arg5: memref<1024x128xf32, #tpu.memory_space<vmem>>, %arg6: memref<1024x128xf32, #tpu.memory_space<vmem>>) attributes {dimension_semantics = [#tpu.dimension_semantics<arbitrary>], iteration_bounds = array<i64: 25>, scalar_prefetch = 0 : i64, scratch_operands = 2 : i64, tpu.core_type = #tpu.core_type<tc>, window_params = [{pipeline_mode = #tpu.pipeline_mode<synchronous>, transform_indices = @transform_0, window_bounds = array<i64: 1024, 1>}, {transform_indices = @transform_1, window_bounds = array<i64: 1024, 2048>}, {pipeline_mode = #tpu.pipeline_mode<synchronous>, transform_indices = @transform_2, window_bounds = array<i64: 1024, 1>}, {pipeline_mode = #tpu.pipeline_mode<synchronous>, transform_indices = @transform_3, window_bounds = array<i64: 1024, 1>}]} {
    %eq3A = arith.constant 0 : i32
    %eq3A_0 = arith.cmpi eq, %arg0, %eq3A : i32
    %convert_element_type3A = arith.extui %eq3A_0 : i1 to i32
    %cond3A = arith.constant 0 : i32
    %cond3A_1 = arith.cmpi ne, %convert_element_type3A, %cond3A : i32
    scf.if %cond3A_1 {
      %broadcast_in_dim3A_58 = arith.constant -3.400000e+38 : f32
      %broadcast_in_dim3A_59 = vector.broadcast %broadcast_in_dim3A_58 : f32 to vector<1024x128xf32>
      %swap3A_60 = arith.constant 0 : index
      %swap3A_61 = arith.constant 0 : index
      %swap3A_62 = vector.load %arg5[%swap3A_60, %swap3A_61] : memref<1024x128xf32, #tpu.memory_space<vmem>>, vector<1024x128xf32>
      tpu.vector_store %arg5[%swap3A_60, %swap3A_61], %broadcast_in_dim3A_59 {strides = array<i32>} : memref<1024x128xf32, #tpu.memory_space<vmem>>, vector<1024x128xf32>,
      %broadcast_in_dim3A_63 = arith.constant -3.400000e+38 : f32
      %broadcast_in_dim3A_64 = vector.broadcast %broadcast_in_dim3A_63 : f32 to vector<1024x128xf32>
      %swap3A_65 = arith.constant 0 : index
      %swap3A_66 = arith.constant 0 : index
      %swap3A_67 = vector.load %arg6[%swap3A_65, %swap3A_66] : memref<1024x128xf32, #tpu.memory_space<vmem>>, vector<1024x128xf32>
      tpu.vector_store %arg6[%swap3A_65, %swap3A_66], %broadcast_in_dim3A_64 {strides = array<i32>} : memref<1024x128xf32, #tpu.memory_space<vmem>>, vector<1024x128xf32>,
    } else {
    }
    %get3A = arith.constant 0 : index
    %get3A_2 = arith.constant 0 : index
    %get3A_3 = vector.load %arg2[%get3A, %get3A_2] : memref<1024x2048xf32, #tpu.memory_space<vmem>>, vector<1024x2048xf32>
    %get3A_4 = arith.constant 0 : index
    %get3A_5 = arith.constant 0 : index
    %get3A_6 = vector.load %arg1[%get3A_4, %get3A_5] : memref<1024x1xi32, #tpu.memory_space<vmem>>, vector<1024x1xi32>
    %iota3A = tpu.iota {dimensions = array<i32: 1>} : vector<1024x2048xi32>
    %add3A = arith.constant 24 : i32
    %add3A_7 = arith.addi %add3A, %arg0 : i32
    %mul3A = arith.constant 2048 : i32
    %mul3A_8 = arith.muli %add3A_7, %mul3A : i32
    %add3A_9 = vector.broadcast %mul3A_8 : i32 to vector<1024x2048xi32>
    %add3A_10 = arith.addi %iota3A, %add3A_9 : vector<1024x2048xi32>
    %eq3A_11 = vector.broadcast %get3A_6 : vector<1024x1xi32> to vector<1024x2048xi32>
    %eq3A_12 = arith.cmpi eq, %add3A_10, %eq3A_11 : vector<1024x2048xi32>
    %ge3A = arith.constant 100000 : i32
    %ge3A_13 = vector.broadcast %ge3A : i32 to vector<1024x2048xi32>
    %ge3A_14 = arith.cmpi sge, %add3A_10, %ge3A_13 : vector<1024x2048xi32>
    %or3A = arith.ori %eq3A_12, %ge3A_14 : vector<1024x2048xi1>
    %jit3A = arith.constant -1.000000e+10 : f32
    %broadcast_in_dim3A = vector.broadcast %jit3A : f32 to vector<1024x2048xf32>
    %select_n3A = arith.select %or3A, %broadcast_in_dim3A, %get3A_3 : vector<1024x2048xi1>, vector<1024x2048xf32>
    %jit3A_15 = arith.constant -3.400000e+38 : f32
    %broadcast_in_dim3A_16 = vector.broadcast %jit3A_15 : f32 to vector<1024x2048xf32>
    %select_n3A_17 = arith.select %eq3A_12, %get3A_3, %broadcast_in_dim3A_16 : vector<1024x2048xi1>, vector<1024x2048xf32>
    %get3A_18 = arith.constant 0 : index
    %get3A_19 = arith.constant 0 : index
    %get3A_20 = vector.load %arg5[%get3A_18, %get3A_19] : memref<1024x128xf32, #tpu.memory_space<vmem>>, vector<1024x128xf32>
    %slice3A = vector.extract_strided_slice %select_n3A {offsets = [0, 0], sizes = [1024, 1024], strides = [1, 1]} : vector<1024x2048xf32> to vector<1024x1024xf32>
    %slice3A_21 = vector.extract_strided_slice %select_n3A {offsets = [0, 1024], sizes = [1024, 1024], strides = [1, 1]} : vector<1024x2048xf32> to vector<1024x1024xf32>
    %max3A = arith.maximumf %slice3A, %slice3A_21 : vector<1024x1024xf32>
    %slice3A_22 = vector.extract_strided_slice %max3A {offsets = [0, 0], sizes = [1024, 512], strides = [1, 1]} : vector<1024x1024xf32> to vector<1024x512xf32>
    %slice3A_23 = vector.extract_strided_slice %max3A {offsets = [0, 512], sizes = [1024, 512], strides = [1, 1]} : vector<1024x1024xf32> to vector<1024x512xf32>
    %max3A_24 = arith.maximumf %slice3A_22, %slice3A_23 : vector<1024x512xf32>
    %slice3A_25 = vector.extract_strided_slice %max3A_24 {offsets = [0, 0], sizes = [1024, 256], strides = [1, 1]} : vector<1024x512xf32> to vector<1024x256xf32>
    %slice3A_26 = vector.extract_strided_slice %max3A_24 {offsets = [0, 256], sizes = [1024, 256], strides = [1, 1]} : vector<1024x512xf32> to vector<1024x256xf32>
    %max3A_27 = arith.maximumf %slice3A_25, %slice3A_26 : vector<1024x256xf32>
    %slice3A_28 = vector.extract_strided_slice %max3A_27 {offsets = [0, 0], sizes = [1024, 128], strides = [1, 1]} : vector<1024x256xf32> to vector<1024x128xf32>
    %slice3A_29 = vector.extract_strided_slice %max3A_27 {offsets = [0, 128], sizes = [1024, 128], strides = [1, 1]} : vector<1024x256xf32> to vector<1024x128xf32>
    %max3A_30 = arith.maximumf %slice3A_28, %slice3A_29 : vector<1024x128xf32>
    %max3A_31 = arith.maximumf %get3A_20, %max3A_30 : vector<1024x128xf32>
    %swap3A = arith.constant 0 : index
    %swap3A_32 = arith.constant 0 : index
    %swap3A_33 = vector.load %arg5[%swap3A, %swap3A_32] : memref<1024x128xf32, #tpu.memory_space<vmem>>, vector<1024x128xf32>
    tpu.vector_store %arg5[%swap3A, %swap3A_32], %max3A_31 {strides = array<i32>} : memref<1024x128xf32, #tpu.memory_space<vmem>>, vector<1024x128xf32>,
    %get3A_34 = arith.constant 0 : index
    %get3A_35 = arith.constant 0 : index
    %get3A_36 = vector.load %arg6[%get3A_34, %get3A_35] : memref<1024x128xf32, #tpu.memory_space<vmem>>, vector<1024x128xf32>
    %slice3A_37 = vector.extract_strided_slice %select_n3A_17 {offsets = [0, 0], sizes = [1024, 1024], strides = [1, 1]} : vector<1024x2048xf32> to vector<1024x1024xf32>
    %slice3A_38 = vector.extract_strided_slice %select_n3A_17 {offsets = [0, 1024], sizes = [1024, 1024], strides = [1, 1]} : vector<1024x2048xf32> to vector<1024x1024xf32>
    %max3A_39 = arith.maximumf %slice3A_37, %slice3A_38 : vector<1024x1024xf32>
    %slice3A_40 = vector.extract_strided_slice %max3A_39 {offsets = [0, 0], sizes = [1024, 512], strides = [1, 1]} : vector<1024x1024xf32> to vector<1024x512xf32>
    %slice3A_41 = vector.extract_strided_slice %max3A_39 {offsets = [0, 512], sizes = [1024, 512], strides = [1, 1]} : vector<1024x1024xf32> to vector<1024x512xf32>
    %max3A_42 = arith.maximumf %slice3A_40, %slice3A_41 : vector<1024x512xf32>
    %slice3A_43 = vector.extract_strided_slice %max3A_42 {offsets = [0, 0], sizes = [1024, 256], strides = [1, 1]} : vector<1024x512xf32> to vector<1024x256xf32>
    %slice3A_44 = vector.extract_strided_slice %max3A_42 {offsets = [0, 256], sizes = [1024, 256], strides = [1, 1]} : vector<1024x512xf32> to vector<1024x256xf32>
    %max3A_45 = arith.maximumf %slice3A_43, %slice3A_44 : vector<1024x256xf32>
    %slice3A_46 = vector.extract_strided_slice %max3A_45 {offsets = [0, 0], sizes = [1024, 128], strides = [1, 1]} : vector<1024x256xf32> to vector<1024x128xf32>
    %slice3A_47 = vector.extract_strided_slice %max3A_45 {offsets = [0, 128], sizes = [1024, 128], strides = [1, 1]} : vector<1024x256xf32> to vector<1024x128xf32>
    %max3A_48 = arith.maximumf %slice3A_46, %slice3A_47 : vector<1024x128xf32>
    %max3A_49 = arith.maximumf %get3A_36, %max3A_48 : vector<1024x128xf32>
    %swap3A_50 = arith.constant 0 : index
    %swap3A_51 = arith.constant 0 : index
    %swap3A_52 = vector.load %arg6[%swap3A_50, %swap3A_51] : memref<1024x128xf32, #tpu.memory_space<vmem>>, vector<1024x128xf32>
    tpu.vector_store %arg6[%swap3A_50, %swap3A_51], %max3A_49 {strides = array<i32>} : memref<1024x128xf32, #tpu.memory_space<vmem>>, vector<1024x128xf32>,
    %eq3A_53 = arith.constant 24 : i32
    %eq3A_54 = arith.cmpi eq, %arg0, %eq3A_53 : i32
    %convert_element_type3A_55 = arith.extui %eq3A_54 : i1 to i32
    %cond3A_56 = arith.constant 0 : i32
    %cond3A_57 = arith.cmpi ne, %convert_element_type3A_55, %cond3A_56 : i32
    scf.if %cond3A_57 {
      %get3A_58 = arith.constant 0 : index
      %get3A_59 = arith.constant 0 : index
      %get3A_60 = vector.load %arg5[%get3A_58, %get3A_59] : memref<1024x128xf32, #tpu.memory_space<vmem>>, vector<1024x128xf32>
      %reduce_max3A = arith.constant dense<0xFF800000> : vector<1024xf32>
      %reduce_max3A_61 = vector.multi_reduction <maximumf>, %get3A_60, %reduce_max3A [1] : vector<1024x128xf32> to vector<1024xf32>
      %broadcast_in_dim3A_62 = vector.shape_cast %reduce_max3A_61 : vector<1024xf32> to vector<1024x1xf32>
      %swap3A_63 = arith.constant 0 : index
      %swap3A_64 = arith.constant 0 : index
      %swap3A_65 = vector.load %arg3[%swap3A_63, %swap3A_64] : memref<1024x1xf32, #tpu.memory_space<vmem>>, vector<1024x1xf32>
      tpu.vector_store %arg3[%swap3A_63, %swap3A_64], %broadcast_in_dim3A_62 {strides = array<i32>} : memref<1024x1xf32, #tpu.memory_space<vmem>>, vector<1024x1xf32>,
      %get3A_66 = arith.constant 0 : index
      %get3A_67 = arith.constant 0 : index
      %get3A_68 = vector.load %arg6[%get3A_66, %get3A_67] : memref<1024x128xf32, #tpu.memory_space<vmem>>, vector<1024x128xf32>
      %reduce_max3A_69 = arith.constant dense<0xFF800000> : vector<1024xf32>
      %reduce_max3A_70 = vector.multi_reduction <maximumf>, %get3A_68, %reduce_max3A_69 [1] : vector<1024x128xf32> to vector<1024xf32>
      %broadcast_in_dim3A_71 = vector.shape_cast %reduce_max3A_70 : vector<1024xf32> to vector<1024x1xf32>
      %swap3A_72 = arith.constant 0 : index
      %swap3A_73 = arith.constant 0 : index
      %swap3A_74 = vector.load %arg4[%swap3A_72, %swap3A_73] : memref<1024x1xf32, #tpu.memory_space<vmem>>, vector<1024x1xf32>
      tpu.vector_store %arg4[%swap3A_72, %swap3A_73], %broadcast_in_dim3A_71 {strides = array<i32>} : memref<1024x1xf32, #tpu.memory_space<vmem>>, vector<1024x1xf32>,
    } else {
    }
    return
  }
  func.func @transform_0(%arg0: i32) -> (i32, i32) {
    %c0_i32 = arith.constant 0 : i32
    %c0_i32_0 = arith.constant 0 : i32
    %c0_i32_1 = arith.constant 0 : i32
    return %c0_i32, %c0_i32_0 : i32, i32
  }
  func.func @transform_1(%arg0: i32) -> (i32, i32) {
    %add3A = arith.constant 24 : i32
    %add3A_0 = arith.addi %arg0, %add3A : i32
    %c0_i32 = arith.constant 0 : i32
    %c0_i32_1 = arith.constant 0 : i32
    return %c0_i32, %add3A_0 : i32, i32
  }
  func.func @transform_2(%arg0: i32) -> (i32, i32) {
    %c0_i32 = arith.constant 0 : i32
    %c0_i32_0 = arith.constant 0 : i32
    %c0_i32_1 = arith.constant 0 : i32
    return %c0_i32, %c0_i32_0 : i32, i32
  }
  func.func @transform_3(%arg0: i32) -> (i32, i32) {
    %c0_i32 = arith.constant 0 : i32
    %c0_i32_0 = arith.constant 0 : i32
    %c0_i32_1 = arith.constant 0 : i32
    return %c0_i32, %c0_i32_0 : i32, i32
  }
}

module attributes {stable_mosaic.version = 14 : i64} {
  func.func @_combine_body(%arg0: memref<8x128xf32, #tpu.memory_space<vmem>>, %arg1: memref<8x128xf32, #tpu.memory_space<vmem>>, %arg2: memref<8x128xf32, #tpu.memory_space<vmem>>, %arg3: memref<8x128xf32, #tpu.memory_space<vmem>>, %arg4: memref<1x1xf32, #tpu.memory_space<smem>>) attributes {dimension_semantics = [], scalar_prefetch = 0 : i64, scratch_operands = 0 : i64, tpu.core_type = #tpu.core_type<tc>} {
    %get3A = arith.constant 0 : index
    %get3A_0 = arith.constant 0 : index
    %get3A_1 = vector.load %arg0[%get3A, %get3A_0] : memref<8x128xf32, #tpu.memory_space<vmem>>, vector<8x128xf32>
    %get3A_2 = arith.constant 0 : index
    %get3A_3 = arith.constant 0 : index
    %get3A_4 = vector.load %arg2[%get3A_2, %get3A_3] : memref<8x128xf32, #tpu.memory_space<vmem>>, vector<8x128xf32>
    %max3A = arith.maximumf %get3A_1, %get3A_4 : vector<8x128xf32>
    %get3A_5 = arith.constant 0 : index
    %get3A_6 = arith.constant 0 : index
    %get3A_7 = vector.load %arg1[%get3A_5, %get3A_6] : memref<8x128xf32, #tpu.memory_space<vmem>>, vector<8x128xf32>
    %get3A_8 = arith.constant 0 : index
    %get3A_9 = arith.constant 0 : index
    %get3A_10 = vector.load %arg3[%get3A_8, %get3A_9] : memref<8x128xf32, #tpu.memory_space<vmem>>, vector<8x128xf32>
    %max3A_11 = arith.maximumf %get3A_7, %get3A_10 : vector<8x128xf32>
    %sub3A = arith.constant 2.000000e+00 : f32
    %sub3A_12 = vector.broadcast %sub3A : f32 to vector<8x128xf32>
    %sub3A_13 = arith.subf %sub3A_12, %max3A_11 : vector<8x128xf32>
    %max3A_14 = arith.constant 0.000000e+00 : f32
    %max3A_15 = vector.broadcast %max3A_14 : f32 to vector<8x128xf32>
    %max3A_16 = arith.maximumf %sub3A_13, %max3A_15 : vector<8x128xf32>
    %add3A = arith.constant 1.000000e+00 : f32
    %add3A_17 = vector.broadcast %add3A : f32 to vector<8x128xf32>
    %add3A_18 = arith.addf %add3A_17, %max3A : vector<8x128xf32>
    %max3A_19 = arith.constant 0.000000e+00 : f32
    %max3A_20 = vector.broadcast %max3A_19 : f32 to vector<8x128xf32>
    %max3A_21 = arith.maximumf %add3A_18, %max3A_20 : vector<8x128xf32>
    %add3A_22 = arith.addf %max3A_16, %max3A_21 : vector<8x128xf32>
    %reduce_sum3A = vector.shape_cast %add3A_22 : vector<8x128xf32> to vector<1x8x128xf32>
    %reduce_sum3A_23 = arith.constant dense<0.000000e+00> : vector<1xf32>
    %reduce_sum3A_24 = vector.multi_reduction <add>, %reduce_sum3A, %reduce_sum3A_23 [1, 2] : vector<1x8x128xf32> to vector<1xf32>
    %reduce_sum3A_25 = vector.shape_cast %reduce_sum3A_24 : vector<1xf32> to vector<1x1x1xf32>
    %reduce_sum3A_26 = vector.extract %reduce_sum3A_25[0, 0, 0] : f32 from vector<1x1x1xf32>
    %div3A = arith.constant 1.024000e+03 : f32
    %div3A_27 = arith.divf %reduce_sum3A_26, %div3A : f32
    %swap3A = arith.constant 0 : index
    %swap3A_28 = arith.constant 0 : index
    %swap3A_29 = memref.load %arg4[%swap3A, %swap3A_28] : memref<1x1xf32, #tpu.memory_space<smem>>
    memref.store %div3A_27, %arg4[%swap3A, %swap3A_28] : memref<1x1xf32, #tpu.memory_space<smem>>
    return
  }
}

</mosaic_0001>

<sc_bundles>
// kernel: kernel.5.cloned.1.call-start
scs
__scs_entry_jumppad:
0x0: {  	(pc) =	sbr.rel $0x88, $3  }
0x1: {  	(tag) =	ssettag $0x0;
	lr =	simm.s32 $0x1  }
0x2: {  	[smem:$0x3F9F] =	sst lr;
	_ =	strace $0xD0000000  }
0x3: {  	_ = 	snop  }
0x4: {  	_ = 	snop  }
0x5: {  	_ = 	snop  }
0x6: {  	_ = 	snop  }
0x7: {  	_ = 	snop  }
__scs_overlays_trampoline_lowered:
0x8: {  	[smem:$0x3FAE] =	sst s0  }
0x9: {  	[smem:$0x3FAF] =	sst s1  }
0xa: {  	[smem:$0x3FB0] =	sst s2  }
0xb: {  	[smem:$0x3FB1] =	sst s3  }
0xc: {  	[smem:$0x3FB2] =	sst s4  }
0xd: {  	[smem:$0x3FB3] =	sst s5  }
0xe: {  	[smem:$0x3FB4] =	sst s6  }
0xf: {  	[smem:$0x3FB5] =	sst s7  }
0x10: {  	[smem:$0x3FB6] =	sst s8  }
0x11: {  	[smem:$0x3FB7] =	sst s9;
	s0 =	simm.s32 @!p0 $0x0  }
0x12: {  	s1 =	sld [smem:$0x3F9D];
	s0 =	simm.s32 @p0 $0x1  }
0x13: {  	[smem:$0x3FB8] =	sst s0;
	s0 =	simm.s32 @!p1 $0x0  }
0x14: {  	s2 =	sld [smem:$0x3F9C];
	s0 =	simm.s32 @p1 $0x1  }
0x15: {  	[smem:$0x3FB9] =	sst s0;
	s0 =	simm.s32 @!p2 $0x0  }
0x16: {  	s3 =	sld [smem:$0x3FDB];
	s0 =	simm.s32 @p2 $0x1  }
0x17: {  	s4 =	simm.s32 $0x1BF5;
	[smem:$0x3FBB] =	sst s0  }
0x18: {  	s0 =	sld [smem:$0x3F9E];
	_ =	swait.ge [sflag:s4], $0x0  }
0x19: {  	s7 =	sld [smem:$0x3F9F]  }
0x1a: {  	s8 =	sadd.s32 $0xFFFFE003, lr  }
0x1b: {  	s9 =	sadd.s32 $0xFFFFFEF7, lr;
	s5 =	simm.s32 $0xFFFFFFFF;
	p2 =	slt.u32 s8, $0xFFFFF086  }
0x1c: {  	p1 =	slt.u32 s9, $0xF7A;
	s5 =	simm.s32 @!p2 $0x0  }
0x1d: {  	s5 =	simm.s32 @p1 $0x1;
	p0 =	seq.s32 s7, s2  }
0x1e: {  	s7 =	smul.u32 @!p0 $0xF7A, s2;
	p2 =	seq.s32 @!p0 s5, $0x0  }
0x1f: {  	s9 =	smul.u32 $0xF7A, s1;
	s8 =	simm.s32 @!p0 $0x1BF5;
	p2 =	por !p2, p0  }
0x20: {  	[sflag:s8] =	ssyncset.s32 @!p0 $0xFFFFF086;
	s6 =	sadd.s32 @!p0 s3, s7;
	s7 =	simm.s32 @!p0 $0x108  }
0x21: {  	s3 =	sadd.s32 s3, s9;
	s6 =	sadd.s32 @!p0 $0x88, s6;
	s7 =	simm.s32 @p2 $0x1082  }
0x22: {  	[simem:s7], [sflag:s8] =	dma.local @!p0 [hbm:s6], $0xF7A  }
0x23: {  	s9 =	sor.u32 $0xD0000000, s2;
	s6 =	simm.s32 $0x108;
	_ =	swait.ge @!p0 [sflag:s8], $0x0  }
0x24: {  	s3 =	sadd.s32 $0x88, s3;
	s6 =	simm.s32 @!p1 $0x1082;
	[sflag:s4] =	ssyncset.s32 $0xFFFFF086  }
0x25: {  	[simem:s6], [sflag:s4] =	dma.local [hbm:s3], $0xF7A  }
0x26: {  	[smem:$0x3F9F] =	sst s1;
	(tag) =	ssettag s2;
	_ =	strace s9  }
0x27: {  	s1 =	sld [smem:$0x3FAF]  }
0x28: {  	s2 =	sld [smem:$0x3FB0]  }
0x29: {  	s4 =	sld [smem:$0x3FB2]  }
0x2a: {  	p0 =	seq.s32 s5, $0x0;
	s5 =	sld [smem:$0x3FB3]  }
0x2b: {  	s6 =	sld [smem:$0x3FB4]  }
0x2c: {  	s7 =	sld [smem:$0x3FB5]  }
0x2d: {  	s3 =	simm.s32 $0x108;
	s8 =	sld [smem:$0x3FB6]  }
0x2e: {  	s3 =	simm.s32 @!p0 $0x1082;
	s9 =	sld [smem:$0x3FB7]  }
0x2f: {  	lr =	sadd.s32 s0, s3;
	s0 =	sld [smem:$0x3FAE]  }
0x30: {  	s3 =	sld [smem:$0x3FB1]  }
0x31: {  	[smem:$0x3FBA] =	sst s10  }
0x32: {  	s10 =	sld [smem:$0x3FB8];
	_ =	sdelay $0x3  }
0x33: {  	p0 =	seq.s32 s10, $0x1;
	s10 =	sld [smem:$0x3FBA];
	_ =	sdelay $0x3  }
0x34: {  	[smem:$0x3FBA] =	sst s10  }
0x35: {  	s10 =	sld [smem:$0x3FB9];
	_ =	sdelay $0x3  }
0x36: {  	p1 =	seq.s32 s10, $0x1;
	s10 =	sld [smem:$0x3FBA];
	_ =	sdelay $0x3  }
0x37: {  	[smem:$0x3FBA] =	sst s10  }
0x38: {  	s10 =	sld [smem:$0x3FBB]  }
0x39: {  	_ = 	snop;
	(pc) =	sbr.ind lr, $3  }
0x3a: {  	_ = 	snop  }
0x3b: {  	_ = 	snop  }
0x3c: {  	p2 =	seq.s32 s10, $0x1;
	s10 =	sld [smem:$0x3FBA]  }
0x3d: {  	_ =	shalt  }
0x3e: {  	_ =	shalt  }
0x3f: {  	_ =	shalt  }
0x40: {  	_ =	shalt  }
0x41: {  	_ =	shalt  }
0x42: {  	_ =	shalt  }
0x43: {  	_ =	shalt  }
0x44: {  	_ =	shalt  }
0x45: {  	_ =	shalt  }
0x46: {  	_ =	shalt  }
0x47: {  	_ =	shalt  }
0x48: {  	_ =	shalt  }
0x49: {  	_ =	shalt  }
0x4a: {  	_ =	shalt  }
0x4b: {  	_ =	shalt  }
0x4c: {  	_ =	shalt  }
0x4d: {  	_ =	shalt  }
0x4e: {  	_ =	shalt  }
0x4f: {  	_ =	shalt  }
0x50: {  	_ =	shalt  }
0x51: {  	_ =	shalt  }
0x52: {  	_ =	shalt  }
0x53: {  	_ =	shalt  }
0x54: {  	_ =	shalt  }
0x55: {  	_ =	shalt  }
0x56: {  	_ =	shalt  }
0x57: {  	_ =	shalt  }
0x58: {  	_ =	shalt  }
0x59: {  	_ =	shalt  }
0x5a: {  	_ =	shalt  }
0x5b: {  	_ =	shalt  }
0x5c: {  	_ =	shalt  }
0x5d: {  	_ =	shalt  }
0x5e: {  	_ =	shalt  }
0x5f: {  	_ =	shalt  }
0x60: {  	_ =	shalt  }
0x61: {  	_ =	shalt  }
0x62: {  	_ =	shalt  }
0x63: {  	_ =	shalt  }
0x64: {  	_ =	shalt  }
0x65: {  	_ =	shalt  }
0x66: {  	_ =	shalt  }
0x67: {  	_ =	shalt  }
0x68: {  	_ =	shalt  }
0x69: {  	_ =	shalt  }
0x6a: {  	_ =	shalt  }
0x6b: {  	_ =	shalt  }
0x6c: {  	_ =	shalt  }
0x6d: {  	_ =	shalt  }
0x6e: {  	_ =	shalt  }
0x6f: {  	_ =	shalt  }
0x70: {  	_ =	shalt  }
0x71: {  	_ =	shalt  }
0x72: {  	_ =	shalt  }
0x73: {  	_ =	shalt  }
0x74: {  	_ =	shalt  }
0x75: {  	_ =	shalt  }
0x76: {  	_ =	shalt  }
0x77: {  	_ =	shalt  }
0x78: {  	_ =	shalt  }
0x79: {  	_ =	shalt  }
0x7a: {  	_ =	shalt  }
0x7b: {  	_ =	shalt  }
0x7c: {  	_ =	shalt  }
0x7d: {  	_ =	shalt  }
0x7e: {  	_ =	shalt  }
0x7f: {  	_ =	shalt  }
0x80: {  	_ =	shalt  }
0x81: {  	_ =	shalt  }
0x82: {  	_ =	shalt  }
0x83: {  	_ =	shalt  }
0x84: {  	_ =	shalt  }
0x85: {  	_ =	shalt  }
0x86: {  	_ =	shalt  }
0x87: {  	_ =	shalt  }
.Lfunc_end0:
.L_simem_size_0:
called_computation_lowered:
.L_overlay_start_0:
0x88: {  	s2 =	sld [smem:$0x3FD9]  }
0x89: {  	s3 =	sld [smem:$0x3FFE];
	_ =	sdelay $0x1  }
0x8a: {  	s1 =	srdreg.scid  }
0x8b: {  	s0 =	sand.u32 $0x1, s1  }
0x8c: {  	s17 =	sshll.u32 s0, $0xA;
	s2 =	sadd.s32 s3, s2  }
0x8d: {  	s2 =	sadd.s32 s2, s17  }
0x8e: {  	[smem:$0x3FC6] =	sst s2  }
0x8f: {  	_ = 	snop  }
0x90: {  	s2 =	sld [smem:$0x3FC8];
	(tm) =	ssettm $0x1  }
0x91: {  	s18 =	sld [smem:$0x3FFB];
	_ =	sdelay $0x3  }
0x92: {  	_ =	strace s18  }
0x93: {  	s3 =	sld [smem:$0x3FFC];
	_ =	sdelay $0x3  }
0x94: {  	_ =	strace s3  }
0x95: {  	s3 =	sld [smem:$0x3FFD];
	_ =	sdelay $0x3  }
0x96: {  	_ =	strace s3  }
0x97: {  	_ =	strace $0x8FFFFFFF  }
0x98: {  	s19 =	sld [smem:$0x3FDB];
	_ =	sdelay $0x1  }
0x99: {  	s4 =	simm.s32 $_scs_section_size  }
0x9a: {  	s5 =	simm.s32 $_size__tile_overlayer_lowered;
	s6 =	simm.s32 $_tile_overlayer_lowered  }
0x9b: {  	s22 =	simm.s32 $0x1BFF;
	s21 =	sshll.u32 s6, $0x1;
	s3 =	sadd.s32 s4, s19  }
0x9c: {  	s7 =	simm.s32 $0x0;
	s20 =	sshll.u32 s5, $0x1;
	s5 =	sadd.s32 s21, s3  }
0x9d: {  	[timem:s7], [sflag:s22] =	dma.local [hbm:s5], s20  }
0x9e: {  	_ =	swait.ge [sflag:s22], s20  }
0x9f: {  	s4 =	ssub.s32 $0x0, s20;
	[sflag:s22] =	ssyncset.done $0x0  }
0xa0: {  	[sflag:s22] =	ssyncadd.s32 s4;
	_ =	sdelay $0x1  }
0xa1: {  	s23 =	simm.s32 $0x1B8B  }
0xa2: {  	_ =	swait.ge [sflag:s23], $0x1  }
0xa3: {  	[sflag:s23] =	ssyncset.done $0x0  }
0xa4: {  	s25 =	simm.s32 $0x1B8E;
	s24 =	sld [smem:$0x3FFE];
	[sflag:s23] =	ssyncadd.s32 $0xFFFFFFFF  }
0xa5: {  	s26 =	simm.s32 $execute0_lowered;
	[smem:$0x3FD2] =	sst s25  }
0xa6: {  	s5 =	sshll.u32 s26, $0x1;
	_ =	strace $0x80000046;
	[dreg:$0x1] =	wrdreg $0xFFFFFFFF  }
0xa7: {  	s28 =	simm.s32 $_size_execute0_lowered;
	s3 =	sadd.s32 s3, s5;
	[dreg:$0x0] =	wrdreg $0x0  }
0xa8: {  	s5 =	sshll.u32 s28, $0x1;
	[dreg:$0x2] =	wrdreg s3  }
0xa9: {  	[dreg:$0x3] =	wrdreg s5  }
0xaa: {  	[dreg:$0x4] =	wrdreg $0xC0  }
0xab: {  	_ =	task [dreg:s7], $0x5FFFF  }
0xac: {  	[dreg:$0x1] =	wrdreg $0xFFFFFFFF  }
0xad: {  	[dreg:$0x0] =	wrdreg $0x60  }
0xae: {  	[dreg:$0x2] =	wrdreg s2  }
0xaf: {  	[dreg:$0x3] =	wrdreg s24  }
0xb0: {  	[dreg:$0x4] =	wrdreg $0x9  }
0xb1: {  	_ =	task.clear_ibuf [dreg:s7], $0x5FFFF;
	_ =	strace $0x90000046  }
0xb2: {  	s29 =	simm.s32 $0x9;
	_ =	strace $0x80000048  }
0xb3: {  	_ =	swait.ge [sflag:s29], $0x1  }
0xb4: {  	[sflag:s29] =	ssyncadd.s32 $0xFFFFFFFF  }
0xb5: {  	_ =	strace $0x90000048  }
0xb6: {  	_ =	sfence  }
0xb7: {  	s30 =	sld [smem:$0x0];
	_ =	sdelay $0x2  }
0xb8: {  	s31 =	sshll.u32 s1, $0xD;
	s1 =	sshrl.u32 s1, $0x2  }
0xb9: {  	s3 =	sand.u32 $0x4000, s31;
	s1 =	sadd.s32 s1, s30  }
0xba: {  	s0 =	sor.u32 s3, s0;
	s1 =	sshll.u32 s1, $0x11  }
0xbb: {  	s0 =	sor.u32 s1, s0  }
0xbc: {  	s0 =	sadd.s32 $0x8F2B, s0  }
0xbd: {  	[sflag:s0] =	ssyncadd.remote.s32 $0x1  }
0xbe: {  	_ =	sfence.sel $0xFFFF  }
0xbf: {  	[dreg:$0x0] =	wrdreg $0xFFFFFFFF;
	(pc) =	sbr.abs _section_cstart, $3  }
0xc0: {  	[dreg:$0x1] =	wrdreg $0xFFFFFFFF  }
0xc1: {  	_ =	task.clear_ibuf [dreg:s7], $0x2FFFF;
	_ =	strace $0x9FFFFFFF  }
0xc2: {  	(tm) =	ssettm $0x7FFFFFFF  }
0xc3: {  	_ =	shalt  }
tec
execute0_lowered:
.L_overlay_start_1:
0x0: {  	(tag) =	ssettag $0x1  }
0x1: {  	s0 =	rddreg [dreg:$0x0]  }
0x2: {  	s1 =	rddreg [dreg:$0x1];
	s3 =	srdreg.scid;
	s8 =	simm.s32 $0x0  }
0x3: {  	s2 =	stileid.u32;
	s4 =	sand.u32 $0x1, s3;
	[smem:$0x7FF] =	sst s8  }
0x4: {  	s25 =	sshll.u32 s2, $0x3;
	s5 =	sshll.u32 s4, $0x2;
	_ =	strace $0x80000047  }
0x5: {  	s26 =	ssub.s32 $0x2, s4;
	s4 =	sadd.s32 $0x600, s1;
	s3 =	sor.u32 s5, s25  }
0x6: {  	s6 =	sshrl.u32 s26, $0x1;
	s1 =	sadd.s32 s3, s1;
	s0 =	sadd.s32 s0, s3  }
0x7: {  	s7 =	smul.u32 $0x18700, s3;
	[dreg:$0x3] =	wrdreg s0;
	s29 =	sadd.s32 $0xC38600, s1  }
0x8: {  	s5 =	ssub.s32 s26, s6;
	s30 =	sadd.s32 $0xC38800, s1;
	[dreg:$0x5] =	wrdreg s29  }
0x9: {  	s13 =	simm.s32 $0x1;
	s31 =	smax.u32 s5, $0x1;
	[dreg:$0x6] =	wrdreg s30  }
0xa: {  	s14 =	simm.s32 $0x2;
	s28 =	sadd.s32 s4, s7;
	[dreg:$0x7] =	wrdreg s31  }
0xb: {  	v61 =	vlaneseq.u32;
	vm0 =	vmxor vm0, vm0;
	s2 =	simm.s32 $0x0;
	s1 =	simm.s32 $0x3;
	[dreg:$0x4] =	wrdreg s28  }
.LBB2_1:
0xc: {  	[dreg:$0x8] =	wrdreg s2  }
0xd: {  	s0 =	rddreg [dreg:$0x3];
	s31 =	simm.s32 $0x80;
	s29 =	simm.f32 $-3.399999950e+38  }
0xe: {  	s26 =	simm.f32 $-3.399999950e+38;
	s28 =	simm.f32 $-3.399999950e+38;
	s25 =	simm.f32 $-3.399999950e+38  }
0xf: {  	[tilespmem:s8], [sflag:$0x3] =	stream.linear.gather [hbm4b:s0+s8], $0x20, $0x38;
	[tilespmem:$0x10180] =	vst v63  }
0x10: {  	s24 =	simm.f32 $-3.399999950e+38;
	s22 =	simm.f32 $-3.399999950e+38;
	_ =	swait.ge [sflag:s1], $0x20  }
0x11: {  	v26 =	vimm.f32 $-3.399999950e+38;
	v34 =	vimm.f32 $-3.399999950e+38;
	s23 =	simm.f32 $-3.399999950e+38;
	s21 =	simm.f32 $-3.399999950e+38;
	[sflag:s1] =	ssyncset.done $0x0  }
0x12: {  	v35 =	vimm.f32 $-3.399999950e+38;
	v20 =	vimm.f32 $-3.399999950e+38;
	v21 =	vimm.f32 $-3.399999950e+38;
	s18 =	simm.s32 $0x0;
	s30 =	rddreg [dreg:$0x4];
	[sflag:s1] =	ssyncadd.s32 $0xFFFFFFE0  }
0x13: {  	v25 =	vimm.f32 $-3.399999950e+38;
	v1 =	vimm.f32 $-3.399999950e+38;
	v2 =	vimm.f32 $-3.399999950e+38;
	[tilespmem:s31], [sflag:$0x1] =	stream.linear.gather [hbm4b:s30+s8], $0x8000, $0x38;
	[tilespmem:$0x10180] =	vst v63  }
.LBB2_2:
0x14: {  	s0 =	sshllo.u32 s18, $0x1  }
0x15: {  	s1 =	sand.u32 $0xFF, s0  }
0x16: {  	s1 =	smul.u32 $0xAB, s1  }
0x17: {  	s5 =	smul.u32 $0xAB, s18  }
0x18: {  	s1 =	sshrl.u32 s1, $0xB  }
0x19: {  	s5 =	sshrl.u32 s5, $0xA;
	s1 =	smul.u32 $0xC, s1  }
0x1a: {  	s6 =	sand.u32 $0x3F, s5  }
0x1b: {  	s19 =	sadd.s32 s6, s3;
	s0 =	ssub.s32 s0, s1  }
0x1c: {  	s1 =	smul.u32 $0xC3800, s19;
	s20 =	sand.u32 $0xFF, s0  }
0x1d: {  	s7 =	simm.s32 $0x0;
	s2 =	sshll.u32 s20, $0xF  }
0x1e: {  	p0 =	slt.u32 s18, $0x6;
	s8 =	sand.u32 $0x1, s5;
	s0 =	sadd.s32 s1, s2  }
0x1f: {  	p2 =	sgt.u32 s18, $0xB;
	p1 =	seq.s32 s8, $0x1;
	s0 =	sshrl.u32 s0, $0x3  }
0x20: {  	p0 =	por !p0, !p1;
	s2 =	simm.s32 $0x8080;
	s0 =	sadd.s32 s4, s0  }
0x21: {  	[tilespmem:s2], [sflag:$0x2] =	stream.linear.gather [hbm4b:s0+s7], $0x8000, $0x38;
	[tilespmem:$0x10180] =	vst v63  }
0x22: {  	p0 =	por !p0, !p0;
	s1 =	simm.s32 $0x1;
	s0 =	simm.s32 $0x1  }
0x23: {  	s1 =	simm.s32 @!p0 $0x0;
	s0 =	simm.s32 @!p2 $0x0  }
0x24: {  	_ =	swait.ge [sflag:s13], $0x8000;
	s0 =	ssub.s32 s0, s1  }
0x25: {  	[sflag:s13] =	ssyncset.done $0x0;
	s0 =	sshll.u32 s0, $0x6  }
0x26: {  	[sflag:s13] =	ssyncadd.s32 $0xFFFF8000;
	s31 =	sshra.s32 s0, $0x2  }
0x27: {  	v0 =	vld [tilespmem:s31+$0x0];
	_ =	sdelay $0x2  }
0x28: {  	s19 =	sshll.u32 s6, $0x3  }
0x29: {  	s5 =	sand.u32 $0x8, s19  }
0x2a: {  	v3 =	vmov s5;
	v0 =	vcvt.s32.f32 v0  }
0x2b: {  	vm1 =	veq.s32 v3, v61  }
0x2c: {  	v0 =	vnsel vm1, $0xBF800000, v0  }
0x2d: {  	(xrf0) =	vmax.scan.msk.f32 $0xffff, v0;
	_ =	sdelay $0x5  }
0x2e: {  	v0, _, _ =	vpop (xrf0)  }
0x2f: {  	(v2sf) =	vpush v0, $0xF;
	_ =	sdelay $0x7  }
0x30: {  	s9 =	smul.u32 $0x156, s18;
	_ =	sdelay $0x1  }
0x31: {  	s0 =	sshrl.u32 s9, $0xB  }
0x32: {  	s0 =	sand.u32 $0x1F, s0  }
0x33: {  	s10 =	smul.u32 $0xC, s0  }
0x34: {  	s0 =	sshll.u32 s18, $0x1  }
0x35: {  	s30 =	ssub.s32 s0, s10  }
0x36: {  	s1 =	sand.u32 $0xFE, s30;
	s7 =	spop (v2sf)  }
0x37: {  	s6 =	sshll.u32 s1, $0xC;
	s8 =	scvt.f32.s32 s7  }
0x38: {  	s7 =	sor.u32 $0x1000, s6  }
0x39: {  	p3 =	sge.s32 s8, s6;
	p4 =	sgt.s32 s7, s8  }
0x3a: {  	p0 =	por !p3, !p4  }
0x3b: {  	s8 =	ssub.s32 s8, s6;
	p2 =	por !p0, !p0  }
0x3c: {  	s8 =	simm.s32 @!p2 $0x0  }
0x3d: {  	s9 =	sand.u32 $0xF, s8  }
0x3e: {  	s11 =	sshra.s32 s8, $0x1F;
	p5 =	slt.s32 s8, $0x1;
	p6 =	sne.s32 s9, $0x0  }
0x3f: {  	s11 =	sshrl.u32 s11, $0x1C;
	p0 =	por !p5, !p6  }
0x40: {  	s9 =	sadd.s32 s11, s8;
	s11 =	simm.s32 $0x1;
	p0 =	por !p0, !p0  }
0x41: {  	s9 =	sshra.s32 s9, $0x4;
	s11 =	simm.s32 @!p0 $0x0  }
0x42: {  	s9 =	ssub.s32 s9, s11  }
0x43: {  	s11 =	sshll.u32 s9, $0x4;
	s9 =	sshll.u32 s9, $0x7  }
0x44: {  	s15 =	sand.u32 $0x70, s11;
	s9 =	sand.u32 $0xFFFFFC00, s9  }
0x45: {  	s9 =	sor.u32 s15, s9  }
0x46: {  	v17 =	vld [tilespmem:s9+$0x80]  }
0x47: {  	v3 =	vimm.s32 $0x0;
	s8 =	ssub.s32 s8, s11  }
0x48: {  	v3 =	vsel vm1, $0xFFFFFFFF, v3;
	vm1 =	vmmov vm0;
	v0 =	vmov s8  }
0x49: {  	vm1 =	vmneg @p2 vm1;
	vm2 =	veq.s32 v0, v61  }
0x4a: {  	vm9 =	vmand vm1, vm2  }
0x4b: {  	v0 =	vsel vm9, $0xD01502F9, v17  }
0x4c: {  	[tilespmem:s9+$0x80] =	vst v0  }
0x4d: {  	v0 =	vld [tilespmem:s31+$0x0];
	_ =	sdelay $0x3  }
0x4e: {  	s12 =	sor.u32 $0x1, s5  }
0x4f: {  	[tilespmem:$0x1FFE0] =	vst v3;
	v3 =	vmov s12;
	v0 =	vcvt.s32.f32 v0  }
0x50: {  	vm1 =	veq.s32 v3, v61  }
0x51: {  	v0 =	vnsel vm1, $0xBF800000, v0  }
0x52: {  	(xrf0) =	vmax.scan.msk.f32 $0xffff, v0;
	_ =	sdelay $0x5  }
0x53: {  	v0, _, _ =	vpop (xrf0)  }
0x54: {  	(v2sf) =	vpush v0, $0xF;
	_ =	sdelay $0xe  }
0x55: {  	s15 =	spop (v2sf)  }
0x56: {  	s8 =	scvt.f32.s32 s15;
	_ =	sdelay $0x1  }
0x57: {  	p3 =	sge.s32 s8, s6;
	p4 =	sgt.s32 s7, s8  }
0x58: {  	s2 =	simm.s32 @!p2 $0x0;
	p0 =	por !p3, !p4  }
0x59: {  	s2 =	simm.s32 @p2 $0x1;
	s8 =	ssub.s32 s8, s6;
	p2 =	por !p0, !p0  }
0x5a: {  	s8 =	simm.s32 @!p2 $0x0  }
0x5b: {  	s16 =	sand.u32 $0xF, s8  }
0x5c: {  	s17 =	sshra.s32 s8, $0x1F;
	p5 =	slt.s32 s8, $0x1;
	p6 =	sne.s32 s16, $0x0  }
0x5d: {  	[smem:$0x7F6] =	sst s2;
	s2 =	sshrl.u32 s17, $0x1C;
	p0 =	por !p5, !p6  }
0x5e: {  	s11 =	simm.s32 $0x1;
	s9 =	sadd.s32 s2, s8;
	p0 =	por !p0, !p0  }
0x5f: {  	s9 =	sshra.s32 s9, $0x4;
	s11 =	simm.s32 @!p0 $0x0  }
0x60: {  	s9 =	ssub.s32 s9, s11  }
0x61: {  	s11 =	sshll.u32 s9, $0x4;
	s9 =	sshll.u32 s9, $0x7  }
0x62: {  	s10 =	sand.u32 $0x70, s11;
	s9 =	sand.u32 $0xFFFFFC00, s9  }
0x63: {  	s9 =	sor.u32 s10, s9  }
0x64: {  	v33 =	vld [tilespmem:s9+$0x100]  }
0x65: {  	v3 =	vimm.s32 $0x0;
	s8 =	ssub.s32 s8, s11  }
0x66: {  	v3 =	vsel vm1, $0xFFFFFFFF, v3;
	vm1 =	vmmov vm0;
	v0 =	vmov s8  }
0x67: {  	vm1 =	vmneg @p2 vm1;
	vm3 =	veq.s32 v0, v61  }
0x68: {  	vm10 =	vmand vm1, vm3  }
0x69: {  	v0 =	vsel vm10, $0xD01502F9, v33  }
0x6a: {  	[tilespmem:s9+$0x100] =	vst v0  }
0x6b: {  	v0 =	vld [tilespmem:s31+$0x0];
	_ =	sdelay $0x3  }
0x6c: {  	s12 =	sor.u32 $0x2, s5  }
0x6d: {  	[tilespmem:$0x1FFF0] =	vst v3;
	v3 =	vmov s12;
	v0 =	vcvt.s32.f32 v0  }
0x6e: {  	vm3 =	veq.s32 v3, v61  }
0x6f: {  	v0 =	vnsel vm3, $0xBF800000, v0  }
0x70: {  	(xrf0) =	vmax.scan.msk.f32 $0xffff, v0;
	_ =	sdelay $0x5  }
0x71: {  	v0, _, _ =	vpop (xrf0)  }
0x72: {  	(v2sf) =	vpush v0, $0xF;
	_ =	sdelay $0xe  }
0x73: {  	s15 =	spop (v2sf)  }
0x74: {  	s8 =	scvt.f32.s32 s15;
	_ =	sdelay $0x1  }
0x75: {  	p3 =	sge.s32 s8, s6;
	p4 =	sgt.s32 s7, s8  }
0x76: {  	s2 =	simm.s32 @!p2 $0x0;
	p0 =	por !p3, !p4  }
0x77: {  	s2 =	simm.s32 @p2 $0x1;
	s8 =	ssub.s32 s8, s6;
	p2 =	por !p0, !p0  }
0x78: {  	s8 =	simm.s32 @!p2 $0x0  }
0x79: {  	s16 =	sand.u32 $0xF, s8  }
0x7a: {  	s17 =	sshra.s32 s8, $0x1F;
	p5 =	slt.s32 s8, $0x1;
	p6 =	sne.s32 s16, $0x0  }
0x7b: {  	[smem:$0x7F7] =	sst s2;
	s2 =	sshrl.u32 s17, $0x1C;
	p0 =	por !p5, !p6  }
0x7c: {  	s11 =	simm.s32 $0x1;
	s9 =	sadd.s32 s2, s8;
	p0 =	por !p0, !p0  }
0x7d: {  	s9 =	sshra.s32 s9, $0x4;
	s11 =	simm.s32 @!p0 $0x0  }
0x7e: {  	s9 =	ssub.s32 s9, s11  }
0x7f: {  	s11 =	sshll.u32 s9, $0x4;
	s9 =	sshll.u32 s9, $0x7  }
0x80: {  	s10 =	sand.u32 $0x70, s11;
	s9 =	sand.u32 $0xFFFFFC00, s9  }
0x81: {  	s9 =	sor.u32 s10, s9  }
0x82: {  	v36 =	vld [tilespmem:s9+$0x180]  }
0x83: {  	s8 =	ssub.s32 s8, s11  }
0x84: {  	vm1 =	vmmov vm0;
	v0 =	vmov s8  }
0x85: {  	vm1 =	vmneg @p2 vm1;
	vm4 =	veq.s32 v0, v61  }
0x86: {  	vm11 =	vmand vm1, vm4  }
0x87: {  	v0 =	vsel vm11, $0xD01502F9, v36  }
0x88: {  	[tilespmem:s9+$0x180] =	vst v0  }
0x89: {  	v0 =	vld [tilespmem:s31+$0x0];
	_ =	sdelay $0x3  }
0x8a: {  	s12 =	sor.u32 $0x3, s5  }
0x8b: {  	v3 =	vmov s12;
	v0 =	vcvt.s32.f32 v0  }
0x8c: {  	vm4 =	veq.s32 v3, v61  }
0x8d: {  	v0 =	vnsel vm4, $0xBF800000, v0  }
0x8e: {  	(xrf0) =	vmax.scan.msk.f32 $0xffff, v0;
	_ =	sdelay $0x5  }
0x8f: {  	v0, _, _ =	vpop (xrf0)  }
0x90: {  	(v2sf) =	vpush v0, $0xF;
	_ =	sdelay $0xe  }
0x91: {  	s15 =	spop (v2sf)  }
0x92: {  	s8 =	scvt.f32.s32 s15;
	_ =	sdelay $0x1  }
0x93: {  	p3 =	sge.s32 s8, s6;
	p4 =	sgt.s32 s7, s8  }
0x94: {  	s2 =	simm.s32 @!p2 $0x0;
	p0 =	por !p3, !p4  }
0x95: {  	s2 =	simm.s32 @p2 $0x1;
	s8 =	ssub.s32 s8, s6;
	p2 =	por !p0, !p0  }
0x96: {  	s8 =	simm.s32 @!p2 $0x0  }
0x97: {  	s16 =	sand.u32 $0xF, s8  }
0x98: {  	s17 =	sshra.s32 s8, $0x1F;
	p5 =	slt.s32 s8, $0x1;
	p6 =	sne.s32 s16, $0x0  }
0x99: {  	[smem:$0x7F8] =	sst s2;
	s2 =	sshrl.u32 s17, $0x1C;
	p0 =	por !p5, !p6  }
0x9a: {  	s11 =	simm.s32 $0x1;
	s9 =	sadd.s32 s2, s8;
	p0 =	por !p0, !p0  }
0x9b: {  	s9 =	sshra.s32 s9, $0x4;
	s11 =	simm.s32 @!p0 $0x0  }
0x9c: {  	s9 =	ssub.s32 s9, s11  }
0x9d: {  	s11 =	sshll.u32 s9, $0x4;
	s9 =	sshll.u32 s9, $0x7  }
0x9e: {  	s10 =	sand.u32 $0x70, s11;
	s9 =	sand.u32 $0xFFFFFC00, s9  }
0x9f: {  	s9 =	sor.u32 s10, s9  }
0xa0: {  	v40 =	vld [tilespmem:s9+$0x200]  }
0xa1: {  	s8 =	ssub.s32 s8, s11  }
0xa2: {  	vm1 =	vmmov vm0;
	v0 =	vmov s8  }
0xa3: {  	vm1 =	vmneg @p2 vm1;
	vm5 =	veq.s32 v0, v61  }
0xa4: {  	vm12 =	vmand vm1, vm5  }
0xa5: {  	v0 =	vsel vm12, $0xD01502F9, v40  }
0xa6: {  	[tilespmem:s9+$0x200] =	vst v0  }
0xa7: {  	v0 =	vld [tilespmem:s31+$0x0];
	_ =	sdelay $0x3  }
0xa8: {  	s12 =	sor.u32 $0x4, s5  }
0xa9: {  	v3 =	vmov s12;
	v0 =	vcvt.s32.f32 v0  }
0xaa: {  	vm5 =	veq.s32 v3, v61  }
0xab: {  	v0 =	vnsel vm5, $0xBF800000, v0  }
0xac: {  	(xrf0) =	vmax.scan.msk.f32 $0xffff, v0;
	_ =	sdelay $0x5  }
0xad: {  	v0, _, _ =	vpop (xrf0)  }
0xae: {  	(v2sf) =	vpush v0, $0xF;
	_ =	sdelay $0xe  }
0xaf: {  	s15 =	spop (v2sf)  }
0xb0: {  	s8 =	scvt.f32.s32 s15;
	_ =	sdelay $0x1  }
0xb1: {  	p3 =	sge.s32 s8, s6;
	p4 =	sgt.s32 s7, s8  }
0xb2: {  	s2 =	simm.s32 @!p2 $0x0;
	p0 =	por !p3, !p4  }
0xb3: {  	s2 =	simm.s32 @p2 $0x1;
	s8 =	ssub.s32 s8, s6;
	p2 =	por !p0, !p0  }
0xb4: {  	s8 =	simm.s32 @!p2 $0x0  }
0xb5: {  	s16 =	sand.u32 $0xF, s8  }
0xb6: {  	s17 =	sshra.s32 s8, $0x1F;
	p5 =	slt.s32 s8, $0x1;
	p6 =	sne.s32 s16, $0x0  }
0xb7: {  	[smem:$0x7F9] =	sst s2;
	s2 =	sshrl.u32 s17, $0x1C;
	p0 =	por !p5, !p6  }
0xb8: {  	s11 =	simm.s32 $0x1;
	s9 =	sadd.s32 s2, s8;
	p0 =	por !p0, !p0  }
0xb9: {  	s9 =	sshra.s32 s9, $0x4;
	s11 =	simm.s32 @!p0 $0x0  }
0xba: {  	s9 =	ssub.s32 s9, s11  }
0xbb: {  	s11 =	sshll.u32 s9, $0x4;
	s9 =	sshll.u32 s9, $0x7  }
0xbc: {  	s10 =	sand.u32 $0x70, s11;
	s9 =	sand.u32 $0xFFFFFC00, s9  }
0xbd: {  	s9 =	sor.u32 s10, s9  }
0xbe: {  	v42 =	vld [tilespmem:s9+$0x280]  }
0xbf: {  	s8 =	ssub.s32 s8, s11  }
0xc0: {  	vm1 =	vmmov vm0;
	v0 =	vmov s8  }
0xc1: {  	vm1 =	vmneg @p2 vm1;
	vm6 =	veq.s32 v0, v61  }
0xc2: {  	vm13 =	vmand vm1, vm6  }
0xc3: {  	v0 =	vsel vm13, $0xD01502F9, v42  }
0xc4: {  	[tilespmem:s9+$0x280] =	vst v0  }
0xc5: {  	v0 =	vld [tilespmem:s31+$0x0];
	_ =	sdelay $0x3  }
0xc6: {  	s12 =	sor.u32 $0x5, s5  }
0xc7: {  	v3 =	vmov s12;
	v0 =	vcvt.s32.f32 v0  }
0xc8: {  	vm6 =	veq.s32 v3, v61  }
0xc9: {  	v0 =	vnsel vm6, $0xBF800000, v0  }
0xca: {  	(xrf0) =	vmax.scan.msk.f32 $0xffff, v0;
	_ =	sdelay $0x5  }
0xcb: {  	v0, _, _ =	vpop (xrf0)  }
0xcc: {  	(v2sf) =	vpush v0, $0xF;
	_ =	sdelay $0xe  }
0xcd: {  	s15 =	spop (v2sf)  }
0xce: {  	s8 =	scvt.f32.s32 s15;
	_ =	sdelay $0x1  }
0xcf: {  	p3 =	sge.s32 s8, s6;
	p4 =	sgt.s32 s7, s8  }
0xd0: {  	s2 =	simm.s32 @!p2 $0x0;
	p0 =	por !p3, !p4  }
0xd1: {  	s2 =	simm.s32 @p2 $0x1;
	s8 =	ssub.s32 s8, s6;
	p2 =	por !p0, !p0  }
0xd2: {  	s8 =	simm.s32 @!p2 $0x0  }
0xd3: {  	s16 =	sand.u32 $0xF, s8  }
0xd4: {  	s17 =	sshra.s32 s8, $0x1F;
	p5 =	slt.s32 s8, $0x1;
	p6 =	sne.s32 s16, $0x0  }
0xd5: {  	[smem:$0x7FA] =	sst s2;
	s2 =	sshrl.u32 s17, $0x1C;
	p0 =	por !p5, !p6  }
0xd6: {  	s11 =	simm.s32 $0x1;
	s9 =	sadd.s32 s2, s8;
	p0 =	por !p0, !p0  }
0xd7: {  	s9 =	sshra.s32 s9, $0x4;
	s11 =	simm.s32 @!p0 $0x0  }
0xd8: {  	s9 =	ssub.s32 s9, s11  }
0xd9: {  	s11 =	sshll.u32 s9, $0x4;
	s9 =	sshll.u32 s9, $0x7  }
0xda: {  	s10 =	sand.u32 $0x70, s11;
	s9 =	sand.u32 $0xFFFFFC00, s9  }
0xdb: {  	s9 =	sor.u32 s10, s9  }
0xdc: {  	v43 =	vld [tilespmem:s9+$0x300]  }
0xdd: {  	s8 =	ssub.s32 s8, s11  }
0xde: {  	vm1 =	vmmov vm0;
	v0 =	vmov s8  }
0xdf: {  	vm1 =	vmneg @p2 vm1;
	vm7 =	veq.s32 v0, v61  }
0xe0: {  	vm14 =	vmand vm1, vm7  }
0xe1: {  	v0 =	vsel vm14, $0xD01502F9, v43  }
0xe2: {  	[tilespmem:s9+$0x300] =	vst v0  }
0xe3: {  	v0 =	vld [tilespmem:s31+$0x0];
	_ =	sdelay $0x3  }
0xe4: {  	s12 =	sor.u32 $0x6, s5  }
0xe5: {  	v3 =	vmov s12;
	v0 =	vcvt.s32.f32 v0  }
0xe6: {  	vm7 =	veq.s32 v3, v61  }
0xe7: {  	v0 =	vnsel vm7, $0xBF800000, v0  }
0xe8: {  	(xrf0) =	vmax.scan.msk.f32 $0xffff, v0;
	_ =	sdelay $0x5  }
0xe9: {  	v0, _, _ =	vpop (xrf0)  }
0xea: {  	(v2sf) =	vpush v0, $0xF;
	_ =	sdelay $0xe  }
0xeb: {  	s15 =	spop (v2sf)  }
0xec: {  	s8 =	scvt.f32.s32 s15;
	_ =	sdelay $0x1  }
0xed: {  	p3 =	sge.s32 s8, s6;
	p4 =	sgt.s32 s7, s8  }
0xee: {  	s2 =	simm.s32 @!p2 $0x0;
	p0 =	por !p3, !p4  }
0xef: {  	s2 =	simm.s32 @p2 $0x1;
	s8 =	ssub.s32 s8, s6;
	p2 =	por !p0, !p0  }
0xf0: {  	s8 =	simm.s32 @!p2 $0x0  }
0xf1: {  	s16 =	sand.u32 $0xF, s8  }
0xf2: {  	s17 =	sshra.s32 s8, $0x1F;
	p5 =	slt.s32 s8, $0x1;
	p6 =	sne.s32 s16, $0x0  }
0xf3: {  	[smem:$0x7FB] =	sst s2;
	s2 =	sshrl.u32 s17, $0x1C;
	p0 =	por !p5, !p6  }
0xf4: {  	s11 =	simm.s32 $0x1;
	s9 =	sadd.s32 s2, s8;
	p0 =	por !p0, !p0  }
0xf5: {  	s9 =	sshra.s32 s9, $0x4;
	s11 =	simm.s32 @!p0 $0x0  }
0xf6: {  	s9 =	ssub.s32 s9, s11  }
0xf7: {  	s11 =	sshll.u32 s9, $0x4  }
0xf8: {  	s9 =	sshll.u32 s9, $0x7;
	s10 =	sand.u32 $0x70, s11  }
0xf9: {  	s9 =	sor.u32 s10, s9  }
0xfa: {  	s9 =	sor.u32 $0x380, s9  }
0xfb: {  	v44 =	vld [tilespmem:s9+$0x0]  }
0xfc: {  	s8 =	ssub.s32 s8, s11  }
0xfd: {  	vm1 =	vmmov vm0;
	v0 =	vmov s8  }
0xfe: {  	vm1 =	vmneg @p2 vm1;
	vm8 =	veq.s32 v0, v61  }
0xff: {  	vm15 =	vmand vm1, vm8  }
0x100: {  	v0 =	vsel vm15, $0xD01502F9, v44  }
0x101: {  	[tilespmem:s9+$0x0] =	vst v0  }
0x102: {  	v0 =	vld [tilespmem:s31+$0x0];
	_ =	sdelay $0x3  }
0x103: {  	s5 =	sor.u32 $0x7, s5  }
0x104: {  	v3 =	vmov s5;
	v0 =	vcvt.s32.f32 v0  }
0x105: {  	vm8 =	veq.s32 v3, v61  }
0x106: {  	v0 =	vnsel vm8, $0xBF800000, v0  }
0x107: {  	(xrf0) =	vmax.scan.msk.f32 $0xffff, v0;
	_ =	sdelay $0x5  }
0x108: {  	v0, _, _ =	vpop (xrf0)  }
0x109: {  	(v2sf) =	vpush v0, $0xF;
	_ =	sdelay $0xe  }
0x10a: {  	s11 =	spop (v2sf)  }
0x10b: {  	s5 =	scvt.f32.s32 s11  }
0x10c: {  	s2 =	simm.s32 @!p2 $0x0  }
0x10d: {  	s2 =	simm.s32 @p2 $0x1;
	p2 =	sge.s32 s5, s6;
	p3 =	sgt.s32 s7, s5  }
0x10e: {  	p0 =	por !p2, !p3  }
0x10f: {  	s5 =	ssub.s32 s5, s6;
	p2 =	por !p0, !p0  }
0x110: {  	s5 =	simm.s32 @!p2 $0x0  }
0x111: {  	s12 =	sand.u32 $0xF, s5  }
0x112: {  	s15 =	sshra.s32 s5, $0x1F;
	p4 =	slt.s32 s5, $0x1;
	p5 =	sne.s32 s12, $0x0  }
0x113: {  	s16 =	sshrl.u32 s15, $0x1C;
	p0 =	por !p4, !p5  }
0x114: {  	s7 =	simm.s32 $0x1;
	s6 =	sadd.s32 s16, s5;
	p0 =	por !p0, !p0  }
0x115: {  	s6 =	sshra.s32 s6, $0x4;
	s7 =	simm.s32 @!p0 $0x0  }
0x116: {  	s6 =	ssub.s32 s6, s7  }
0x117: {  	s7 =	sshll.u32 s6, $0x4  }
0x118: {  	s6 =	sshll.u32 s6, $0x7;
	s17 =	sand.u32 $0x70, s7  }
0x119: {  	s6 =	sor.u32 s6, s17  }
0x11a: {  	s6 =	sor.u32 $0x380, s6  }
0x11b: {  	v48 =	vld [tilespmem:s6+$0x80]  }
0x11c: {  	s5 =	ssub.s32 s5, s7  }
0x11d: {  	vm1 =	vmmov vm0;
	v0 =	vmov s5  }
0x11e: {  	vm1 =	vmneg @p2 vm1;
	vm2 =	veq.s32 v0, v61  }
0x11f: {  	vm1 =	vmand vm1, vm2  }
0x120: {  	v0 =	vsel vm1, $0xD01502F9, v48  }
0x121: {  	s5 =	simm.s32 $0x0;
	[tilespmem:s6+$0x80] =	vst v0  }
0x122: {  	v0 =	vld [tilespmem:s5+$0xF0]  }
0x123: {  	v37 =	vld [tilespmem:s5+$0x170]  }
0x124: {  	v7 =	vld [tilespmem:s5+$0x1F0]  }
0x125: {  	v10 =	vld [tilespmem:s5+$0x270]  }
0x126: {  	v11 =	vld [tilespmem:s5+$0x2F0]  }
0x127: {  	v4 =	vld [tilespmem:s5+$0x370]  }
0x128: {  	v3 =	vld [tilespmem:s5+$0x3F0]  }
0x129: {  	v38 =	vld [tilespmem:s5+$0xE0]  }
0x12a: {  	v39 =	vld [tilespmem:s5+$0x160]  }
0x12b: {  	v14 =	vld [tilespmem:s5+$0x1E0]  }
0x12c: {  	v15 =	vld [tilespmem:s5+$0x260]  }
0x12d: {  	v16 =	vld [tilespmem:s5+$0x2E0]  }
0x12e: {  	v6 =	vld [tilespmem:s5+$0x360]  }
0x12f: {  	v5 =	vld [tilespmem:s5+$0x3E0]  }
0x130: {  	v41 =	vld [tilespmem:s5+$0xD0]  }
0x131: {  	v45 =	vld [tilespmem:s5+$0x150]  }
0x132: {  	v22 =	vld [tilespmem:s5+$0x1D0]  }
0x133: {  	v23 =	vld [tilespmem:s5+$0x250]  }
0x134: {  	v24 =	vld [tilespmem:s5+$0x2D0]  }
0x135: {  	v9 =	vld [tilespmem:s5+$0x350]  }
0x136: {  	v8 =	vld [tilespmem:s5+$0x3D0]  }
0x137: {  	v46 =	vld [tilespmem:s5+$0xC0]  }
0x138: {  	v47 =	vld [tilespmem:s5+$0x140]  }
0x139: {  	v27 =	vld [tilespmem:s5+$0x1C0]  }
0x13a: {  	v28 =	vld [tilespmem:s5+$0x240]  }
0x13b: {  	v29 =	vld [tilespmem:s5+$0x2C0]  }
0x13c: {  	v13 =	vld [tilespmem:s5+$0x340]  }
0x13d: {  	v12 =	vld [tilespmem:s5+$0x3C0]  }
0x13e: {  	v49 =	vld [tilespmem:s5+$0xB0]  }
0x13f: {  	v50 =	vld [tilespmem:s5+$0x130]  }
0x140: {  	v30 =	vld [tilespmem:s5+$0x1B0]  }
0x141: {  	v31 =	vld [tilespmem:s5+$0x230]  }
0x142: {  	v32 =	vld [tilespmem:s5+$0x2B0]  }
0x143: {  	v19 =	vld [tilespmem:s5+$0x330]  }
0x144: {  	v18 =	vld [tilespmem:s5+$0x3B0]  }
0x145: {  	v51 =	vld [tilespmem:s5+$0xA0]  }
0x146: {  	v52 =	vld [tilespmem:s5+$0x120]  }
0x147: {  	v53 =	vld [tilespmem:s5+$0x1A0]  }
0x148: {  	v54 =	vld [tilespmem:s5+$0x90]  }
0x149: {  	v55 =	vld [tilespmem:s5+$0x80]  }
0x14a: {  	v56 =	vld [tilespmem:s5+$0x100]  }
0x14b: {  	v57 =	vld [tilespmem:s5+$0x110]  }
0x14c: {  	v58 =	vld [tilespmem:s5+$0x220]  }
0x14d: {  	p6 =	seq.s32 s1, $0x0;
	v59 =	vld [tilespmem:s5+$0x2A0]  }
0x14e: {  	v2 =	vpsel p6, $0xFF7FC99E, v2;
	v1 =	vpsel p6, $0xFF7FC99E, v1;
	v60 =	vld [tilespmem:s5+$0x190]  }
0x14f: {  	v63 =	vld [tilespmem:s5+$0x290];
	v2 =	vmax.f32 v2, v55;
	v1 =	vmax.f32 v1, v56  }
0x150: {  	v2 =	vmax.f32 v2, v54;
	v1 =	vmax.f32 v1, v57;
	v54 =	vld [tilespmem:s5+$0x180]  }
0x151: {  	v62 =	vpsel p6, $0xFF7FC99E, v20;
	v2 =	vmax.f32 v2, v51;
	v1 =	vmax.f32 v1, v52;
	v51 =	vld [tilespmem:s5+$0x200]  }
0x152: {  	v20 =	vpsel p6, $0xFF7FC99E, v35;
	v2 =	vmax.f32 v2, v49;
	v1 =	vmax.f32 v1, v50;
	v49 =	vld [tilespmem:s5+$0x280]  }
0x153: {  	v55 =	vld [tilespmem:s5+$0x210];
	v56 =	vpsel p6, $0xFF7FC99E, v25;
	v2 =	vmax.f32 v2, v46;
	v1 =	vmax.f32 v1, v47  }
0x154: {  	v35 =	vld [tilespmem:s5+$0x320];
	v52 =	vpsel p6, $0xFF7FC99E, v21;
	v2 =	vmax.f32 v2, v41;
	v1 =	vmax.f32 v1, v45  }
0x155: {  	v21 =	vpsel p6, $0xFF7FC99E, v34;
	v34 =	vld [tilespmem:s5+$0x3A0];
	v2 =	vmax.f32 v2, v38;
	v57 =	vmax.f32 v1, v39  }
0x156: {  	v25 =	vpsel p6, $0xFF7FC99E, v26;
	v41 =	vld [tilespmem:s5+$0x380];
	v1 =	vmax.f32 v2, v0;
	v2 =	vmax.f32 v57, v37  }
0x157: {  	[smem:$0x7FC] =	sst s2;
	s2 =	simm.s32 @!p2 $0x0;
	v38 =	vld [tilespmem:s5+$0x390];
	v0 =	vmax.f32 v56, v54;
	v26 =	vmax.f32 v52, v51;
	v62 =	vmax.f32 v62, v49  }
0x158: {  	s2 =	simm.s32 @p2 $0x1;
	v39 =	vld [tilespmem:s5+$0x300];
	v0 =	vmax.f32 v0, v60;
	v26 =	vmax.f32 v26, v55;
	v63 =	vmax.f32 v62, v63  }
0x159: {  	s1 =	simm.s32 $0x1000;
	[smem:$0x7FD] =	sst s2;
	v37 =	vld [tilespmem:s5+$0x310];
	v47 =	vmax.f32 v0, v53;
	v45 =	vmax.f32 v26, v58;
	v46 =	vmax.f32 v63, v59  }
.LBB2_3:
0x15a: {  	p0 =	sne.s32 s1, $0x1F000;
	v0 =	vmax.f32 v47, v30;
	v26 =	vmax.f32 v45, v31;
	v30 =	vmax.f32 v46, v32;
	v31 =	vld [tilespmem:s5+$0x400]  }
0x15b: {  	v0 =	vmax.f32 v0, v27;
	v26 =	vmax.f32 v26, v28;
	v27 =	vmax.f32 v30, v29;
	v28 =	vld [tilespmem:s5+$0x410]  }
0x15c: {  	v0 =	vmax.f32 v0, v22;
	v22 =	vmax.f32 v26, v23;
	v23 =	vmax.f32 v27, v24;
	v24 =	vld [tilespmem:s5+$0x420]  }
0x15d: {  	v0 =	vmax.f32 v0, v14;
	v14 =	vmax.f32 v22, v15;
	v15 =	vmax.f32 v23, v16;
	v16 =	vld [tilespmem:s5+$0x430]  }
0x15e: {  	v0 =	vmax.f32 v0, v7;
	v26 =	vmax.f32 v14, v10;
	v45 =	vmax.f32 v15, v11;
	v7 =	vld [tilespmem:s5+$0x440]  }
0x15f: {  	v10 =	vmax.f32 v20, v39;
	v11 =	vmax.f32 v21, v41;
	v14 =	vmax.f32 v25, v31;
	v15 =	vld [tilespmem:s5+$0x450]  }
0x160: {  	v10 =	vmax.f32 v10, v37;
	v11 =	vmax.f32 v11, v38;
	v14 =	vmax.f32 v14, v28;
	v20 =	vld [tilespmem:s5+$0x460]  }
0x161: {  	v10 =	vmax.f32 v10, v35;
	v11 =	vmax.f32 v11, v34;
	v14 =	vmax.f32 v14, v24;
	v22 =	vld [tilespmem:s5+$0x470];
	s5 =	sshra.s32 s1, $0x2  }
0x162: {  	v10 =	vmax.f32 v10, v19;
	v11 =	vmax.f32 v11, v18;
	v37 =	vld [tilespmem:s5+$0xF0];
	v14 =	vmax.f32 v14, v16  }
0x163: {  	v10 =	vmax.f32 v10, v13;
	v11 =	vmax.f32 v11, v12;
	v38 =	vld [tilespmem:s5+$0x170];
	v12 =	vmax.f32 v14, v7  }
0x164: {  	v9 =	vmax.f32 v10, v9;
	v8 =	vmax.f32 v11, v8;
	v7 =	vld [tilespmem:s5+$0x1F0];
	v11 =	vmax.f32 v12, v15  }
0x165: {  	v6 =	vmax.f32 v9, v6;
	v5 =	vmax.f32 v8, v5;
	v10 =	vld [tilespmem:s5+$0x270];
	v8 =	vmax.f32 v11, v20  }
0x166: {  	v20 =	vmax.f32 v6, v4;
	v21 =	vmax.f32 v5, v3;
	v11 =	vld [tilespmem:s5+$0x2F0];
	v25 =	vmax.f32 v8, v22  }
0x167: {  	v4 =	vld [tilespmem:s5+$0x370]  }
0x168: {  	v3 =	vld [tilespmem:s5+$0x3F0]  }
0x169: {  	v34 =	vld [tilespmem:s5+$0xE0]  }
0x16a: {  	v39 =	vld [tilespmem:s5+$0x160]  }
0x16b: {  	v14 =	vld [tilespmem:s5+$0x1E0]  }
0x16c: {  	v15 =	vld [tilespmem:s5+$0x260]  }
0x16d: {  	v16 =	vld [tilespmem:s5+$0x2E0]  }
0x16e: {  	v6 =	vld [tilespmem:s5+$0x360]  }
0x16f: {  	v5 =	vld [tilespmem:s5+$0x3E0]  }
0x170: {  	v35 =	vld [tilespmem:s5+$0xD0]  }
0x171: {  	v41 =	vld [tilespmem:s5+$0x150]  }
0x172: {  	v22 =	vld [tilespmem:s5+$0x1D0]  }
0x173: {  	v23 =	vld [tilespmem:s5+$0x250]  }
0x174: {  	v24 =	vld [tilespmem:s5+$0x2D0]  }
0x175: {  	v9 =	vld [tilespmem:s5+$0x350]  }
0x176: {  	v8 =	vld [tilespmem:s5+$0x3D0]  }
0x177: {  	v46 =	vld [tilespmem:s5+$0xC0]  }
0x178: {  	v47 =	vld [tilespmem:s5+$0x140]  }
0x179: {  	v27 =	vld [tilespmem:s5+$0x1C0]  }
0x17a: {  	v28 =	vld [tilespmem:s5+$0x240]  }
0x17b: {  	v29 =	vld [tilespmem:s5+$0x2C0]  }
0x17c: {  	v13 =	vld [tilespmem:s5+$0x340]  }
0x17d: {  	v12 =	vld [tilespmem:s5+$0x3C0]  }
0x17e: {  	v49 =	vld [tilespmem:s5+$0xB0]  }
0x17f: {  	v50 =	vld [tilespmem:s5+$0x130]  }
0x180: {  	v30 =	vld [tilespmem:s5+$0x1B0]  }
0x181: {  	v31 =	vld [tilespmem:s5+$0x230]  }
0x182: {  	v32 =	vld [tilespmem:s5+$0x2B0]  }
0x183: {  	v19 =	vld [tilespmem:s5+$0x330]  }
0x184: {  	v18 =	vld [tilespmem:s5+$0x3B0]  }
0x185: {  	v51 =	vld [tilespmem:s5+$0xA0]  }
0x186: {  	v52 =	vld [tilespmem:s5+$0x120]  }
0x187: {  	v53 =	vld [tilespmem:s5+$0x1A0]  }
0x188: {  	v54 =	vld [tilespmem:s5+$0x90]  }
0x189: {  	v55 =	vld [tilespmem:s5+$0x80]  }
0x18a: {  	v56 =	vld [tilespmem:s5+$0x100]  }
0x18b: {  	v57 =	vld [tilespmem:s5+$0x110]  }
0x18c: {  	v58 =	vld [tilespmem:s5+$0x220]  }
0x18d: {  	v59 =	vld [tilespmem:s5+$0x2A0]  }
0x18e: {  	v60 =	vld [tilespmem:s5+$0x190]  }
0x18f: {  	v1 =	vmax.f32 v1, v55;
	v2 =	vmax.f32 v2, v56;
	v55 =	vld [tilespmem:s5+$0x210]  }
0x190: {  	v1 =	vmax.f32 v1, v54;
	v2 =	vmax.f32 v2, v57;
	v54 =	vld [tilespmem:s5+$0x180]  }
0x191: {  	v1 =	vmax.f32 v1, v51;
	v2 =	vmax.f32 v2, v52;
	v51 =	vld [tilespmem:s5+$0x200]  }
0x192: {  	v1 =	vmax.f32 v1, v49;
	v2 =	vmax.f32 v2, v50;
	v49 =	vld [tilespmem:s5+$0x280]  }
0x193: {  	v1 =	vmax.f32 v1, v46;
	v2 =	vmax.f32 v2, v47;
	v46 =	vld [tilespmem:s5+$0x290]  }
0x194: {  	v1 =	vmax.f32 v1, v35;
	v2 =	vmax.f32 v2, v41;
	v35 =	vld [tilespmem:s5+$0x320]  }
.Ltmp0:
0x195: {  	v1 =	vmax.f32 v1, v34;
	v2 =	vmax.f32 v2, v39;
	v34 =	vld [tilespmem:s5+$0x3A0];
	(pc) =	sbr.rel @p0 .LBB2_3-.Ltmp0, $4  }
0x196: {  	v1 =	vmax.f32 v1, v37;
	v2 =	vmax.f32 v2, v38;
	v37 =	vld [tilespmem:s5+$0x310]  }
0x197: {  	v0 =	vmax.f32 v0, v54;
	v26 =	vmax.f32 v26, v51;
	v39 =	vmax.f32 v45, v49;
	v38 =	vld [tilespmem:s5+$0x390]  }
0x198: {  	v0 =	vmax.f32 v0, v60;
	v26 =	vmax.f32 v26, v55;
	v41 =	vmax.f32 v39, v46;
	v39 =	vld [tilespmem:s5+$0x300]  }
0x199: {  	s1 =	sadd.s32 $0x1000, s1;
	v47 =	vmax.f32 v0, v53;
	v45 =	vmax.f32 v26, v58;
	v46 =	vmax.f32 v41, v59;
	v41 =	vld [tilespmem:s5+$0x380]  }
0x19a: {  	v0 =	vnsel vm9, $0xFF7FC99E, v17  }
0x19b: {  	v17 =	vnsel vm10, $0xFF7FC99E, v33;
	(xrf0) =	vmax.scan.msk.f32 $0xffff, v0  }
0x19c: {  	v0 =	vnsel vm11, $0xFF7FC99E, v36;
	(xrf0) =	vmax.scan.msk.f32 $0xffff, v17  }
0x19d: {  	v17 =	vnsel vm12, $0xFF7FC99E, v40;
	(xrf0) =	vmax.scan.msk.f32 $0xffff, v0  }
0x19e: {  	v0 =	vnsel vm13, $0xFF7FC99E, v42;
	(xrf0) =	vmax.scan.msk.f32 $0xffff, v17;
	v17 =	vnsel vm14, $0xFF7FC99E, v43  }
0x19f: {  	(xrf0) =	vmax.scan.msk.f32 $0xffff, v0  }
0x1a0: {  	v0 =	vnsel vm15, $0xFF7FC99E, v44;
	(xrf0) =	vmax.scan.msk.f32 $0xffff, v17  }
0x1a1: {  	v17, _, _ =	vpop (xrf0);
	(xrf0) =	vmax.scan.msk.f32 $0xffff, v0;
	v0 =	vnsel vm1, $0xFF7FC99E, v48;
	_ =	sdelay $0x1  }
0x1a2: {  	(v2sf) =	vpush v17, $0xF;
	v17, _, _ =	vpop (xrf0);
	(xrf0) =	vmax.scan.msk.f32 $0xffff, v0  }
0x1a3: {  	(v2sf) =	vpush v17, $0xF;
	v0, _, _ =	vpop (xrf0)  }
0x1a4: {  	v17, _, _ =	vpop (xrf0);
	(v2sf) =	vpush v0, $0xF  }
0x1a5: {  	v0, _, _ =	vpop (xrf0);
	(v2sf) =	vpush v17, $0xF  }
0x1a6: {  	v17, _, _ =	vpop (xrf0);
	(v2sf) =	vpush v0, $0xF  }
0x1a7: {  	v0, _, _ =	vpop (xrf0);
	(v2sf) =	vpush v17, $0xF  }
0x1a8: {  	(v2sf) =	vpush v0, $0xF;
	v0, _, _ =	vpop (xrf0)  }
0x1a9: {  	(v2sf) =	vpush v0, $0xF;
	v0 =	vld [tilespmem:s5+$0x420];
	_ =	sdelay $0x4  }
0x1aa: {  	[tilespmem:$0x1FEF0] =	vst v0;
	v0 =	vld [tilespmem:s5+$0x430];
	_ =	sdelay $0x4  }
0x1ab: {  	[tilespmem:$0x1FF00] =	vst v0;
	v0 =	vld [tilespmem:s5+$0x440];
	_ =	sdelay $0x3  }
0x1ac: {  	p0 =	seq.s32 s18, $0x17  }
0x1ad: {  	s0 =	sadd.s32 @!p0 $0x2, s0;
	[tilespmem:$0x1FF10] =	vst v0;
	v0 =	vld [tilespmem:s5+$0x450]  }
0x1ae: {  	s1 =	smulhi.u32 @!p0 $0x2AAAAAAB, s0;
	_ =	sdelay $0x1  }
0x1af: {  	s1 =	sshrl.u32 @!p0 s1, $0x1  }
0x1b0: {  	s6 =	smul.u32 @!p0 $0xC, s1;
	v17 =	vld [tilespmem:s5+$0x400]  }
0x1b1: {  	s1 =	sadd.s32 @!p0 s3, s1;
	[tilespmem:$0x1FF20] =	vst v0;
	v0 =	vld [tilespmem:s5+$0x460]  }
0x1b2: {  	s1 =	smul.u32 @!p0 $0xC3800, s1;
	s0 =	ssub.s32 @!p0 s0, s6  }
0x1b3: {  	s0 =	sshll.u32 @!p0 s0, $0xF  }
0x1b4: {  	s0 =	sadd.s32 @!p0 s0, s1;
	s6 =	spop (v2sf)  }
0x1b5: {  	s1 =	simm.s32 @!p0 $0x0;
	s0 =	sshrl.u32 @!p0 s0, $0x3;
	[tilespmem:$0x1FED0] =	vst v17;
	v17 =	vld [tilespmem:s5+$0x410];
	s7 =	spop (v2sf)  }
0x1b6: {  	s0 =	sadd.s32 @!p0 s4, s0;
	s16 =	spop (v2sf);
	[tilespmem:$0x1FF40] =	vst v0;
	v0 =	vld [tilespmem:s5+$0x470];
	s5 =	simm.s32 @!p0 $0x80  }
0x1b7: {  	[tilespmem:s5], [sflag:$0x1] =	stream.linear.gather @!p0 [hbm4b:s0+s1], $0x8000, $0x38;
	[tilespmem:$0x10180] =	vst v63  }
0x1b8: {  	s5 =	spop (v2sf)  }
0x1b9: {  	s11 =	spop (v2sf)  }
0x1ba: {  	s15 =	spop (v2sf)  }
0x1bb: {  	[tilespmem:$0x1FEE0] =	vst v17;
	s0 =	spop (v2sf)  }
0x1bc: {  	[tilespmem:$0x1FFB0] =	vst v0;
	s1 =	spop (v2sf)  }
0x1bd: {  	_ =	swait.ge [sflag:s14], $0x8000  }
0x1be: {  	[sflag:s14] =	ssyncset.done $0x0  }
0x1bf: {  	[sflag:s14] =	ssyncadd.s32 $0xFFFF8000  }
0x1c0: {  	v0 =	vld [tilespmem:s31+$0x0]  }
0x1c1: {  	v17 =	vld [tilespmem:$0x1FFE0];
	_ =	sdelay $0x3  }
0x1c2: {  	v0 =	vcvt.s32.f32 v0  }
0x1c3: {  	vm1 =	vnez.u8 v17  }
0x1c4: {  	v0 =	vnsel vm1, $0xBF800000, v0  }
0x1c5: {  	(xrf0) =	vmax.scan.msk.f32 $0xffff, v0;
	_ =	sdelay $0x5  }
0x1c6: {  	v0, _, _ =	vpop (xrf0)  }
0x1c7: {  	(v2sf) =	vpush v0, $0xF;
	_ =	sdelay $0xe  }
0x1c8: {  	s9 =	spop (v2sf)  }
0x1c9: {  	s8 =	sshll.u32 s20, $0xC;
	s2 =	scvt.f32.s32 s9  }
0x1ca: {  	s9 =	sadd.s32 $0x1000, s8  }
0x1cb: {  	p4 =	sge.s32 s2, s8;
	p1 =	sgt.s32 s9, s2  }
0x1cc: {  	p0 =	por !p4, !p1  }
0x1cd: {  	s2 =	ssub.s32 s2, s8;
	p2 =	por !p0, !p0  }
0x1ce: {  	s2 =	simm.s32 @!p2 $0x0  }
0x1cf: {  	s10 =	sand.u32 $0xF, s2  }
0x1d0: {  	s17 =	sshra.s32 s2, $0x1F;
	p5 =	slt.s32 s2, $0x1;
	p6 =	sne.s32 s10, $0x0  }
0x1d1: {  	s17 =	sshrl.u32 s17, $0x1C;
	p0 =	por !p5, !p6  }
0x1d2: {  	s10 =	sadd.s32 s17, s2;
	s17 =	simm.s32 $0x1;
	p0 =	por !p0, !p0  }
0x1d3: {  	s10 =	sshra.s32 s10, $0x4;
	s17 =	simm.s32 @!p0 $0x0  }
0x1d4: {  	s10 =	ssub.s32 s10, s17  }
0x1d5: {  	s17 =	sshll.u32 s10, $0x4;
	s10 =	sshll.u32 s10, $0x7  }
0x1d6: {  	s12 =	sand.u32 $0x70, s17;
	s10 =	sand.u32 $0xFFFFFC00, s10  }
0x1d7: {  	s10 =	sor.u32 s12, s10  }
0x1d8: {  	v17 =	vld [tilespmem:s10+$0x8080]  }
0x1d9: {  	s2 =	ssub.s32 s2, s17  }
0x1da: {  	vm1 =	vmmov vm0;
	v0 =	vmov s2  }
0x1db: {  	vm1 =	vmneg @p2 vm1;
	vm2 =	veq.s32 v0, v61  }
0x1dc: {  	vm1 =	vmand vm1, vm2  }
0x1dd: {  	v0 =	vsel vm1, $0xD01502F9, v17  }
0x1de: {  	[tilespmem:s10+$0x8080] =	vst v0  }
0x1df: {  	v0 =	vld [tilespmem:s31+$0x0]  }
0x1e0: {  	[tilespmem:$0x1FE50] =	vst v17;
	v17 =	vld [tilespmem:$0x1FFF0];
	_ =	sdelay $0x3  }
0x1e1: {  	v0 =	vcvt.s32.f32 v0  }
0x1e2: {  	vm2 =	vnez.u8 v17  }
0x1e3: {  	v0 =	vnsel vm2, $0xBF800000, v0  }
0x1e4: {  	(xrf0) =	vmax.scan.msk.f32 $0xffff, v0;
	_ =	sdelay $0x5  }
0x1e5: {  	v0, _, _ =	vpop (xrf0)  }
0x1e6: {  	(v2sf) =	vpush v0, $0xF;
	_ =	sdelay $0xd  }
0x1e7: {  	s2 =	simm.s32 @!p2 $0x0  }
0x1e8: {  	s2 =	simm.s32 @p2 $0x1;
	s10 =	spop (v2sf)  }
0x1e9: {  	[smem:$0x7F3] =	sst s2;
	s2 =	scvt.f32.s32 s10  }
0x1ea: {  	_ = 	snop  }
0x1eb: {  	p3 =	sge.s32 s2, s8;
	p4 =	sgt.s32 s9, s2  }
0x1ec: {  	p0 =	por !p3, !p4  }
0x1ed: {  	s2 =	ssub.s32 s2, s8;
	p2 =	por !p0, !p0  }
0x1ee: {  	s2 =	simm.s32 @!p2 $0x0  }
0x1ef: {  	s12 =	sand.u32 $0xF, s2  }
0x1f0: {  	s17 =	sshra.s32 s2, $0x1F;
	p5 =	slt.s32 s2, $0x1;
	p6 =	sne.s32 s12, $0x0  }
0x1f1: {  	s17 =	sshrl.u32 s17, $0x1C;
	p0 =	por !p5, !p6  }
0x1f2: {  	s12 =	simm.s32 $0x1;
	s10 =	sadd.s32 s17, s2;
	p0 =	por !p0, !p0  }
0x1f3: {  	s10 =	sshra.s32 s10, $0x4;
	s12 =	simm.s32 @!p0 $0x0  }
0x1f4: {  	s10 =	ssub.s32 s10, s12  }
0x1f5: {  	s12 =	sshll.u32 s10, $0x4;
	s10 =	sshll.u32 s10, $0x7  }
0x1f6: {  	s17 =	sand.u32 $0x70, s12;
	s10 =	sand.u32 $0xFFFFFC00, s10  }
0x1f7: {  	s10 =	sor.u32 s17, s10  }
0x1f8: {  	v17 =	vld [tilespmem:s10+$0x8100]  }
0x1f9: {  	s2 =	ssub.s32 s2, s12  }
0x1fa: {  	vm2 =	vmmov vm0;
	v0 =	vmov s2  }
0x1fb: {  	vm2 =	vmneg @p2 vm2;
	vm9 =	veq.s32 v0, v61  }
0x1fc: {  	vm2 =	vmand vm2, vm9  }
0x1fd: {  	v0 =	vsel vm2, $0xD01502F9, v17  }
0x1fe: {  	[tilespmem:s10+$0x8100] =	vst v0  }
0x1ff: {  	v0 =	vld [tilespmem:s31+$0x0];
	_ =	sdelay $0x4  }
0x200: {  	v0 =	vcvt.s32.f32 v0;
	_ =	sdelay $0x1  }
0x201: {  	v0 =	vnsel vm3, $0xBF800000, v0  }
0x202: {  	(xrf0) =	vmax.scan.msk.f32 $0xffff, v0;
	_ =	sdelay $0x5  }
0x203: {  	v0, _, _ =	vpop (xrf0)  }
0x204: {  	(v2sf) =	vpush v0, $0xF;
	_ =	sdelay $0xd  }
0x205: {  	s2 =	simm.s32 @!p2 $0x0  }
0x206: {  	s2 =	simm.s32 @p2 $0x1;
	s10 =	spop (v2sf)  }
0x207: {  	[smem:$0x7F4] =	sst s2;
	s2 =	scvt.f32.s32 s10  }
0x208: {  	_ = 	snop  }
0x209: {  	p1 =	sge.s32 s2, s8;
	p2 =	sgt.s32 s9, s2  }
0x20a: {  	p0 =	por !p1, !p2  }
0x20b: {  	s2 =	ssub.s32 s2, s8;
	p2 =	por !p0, !p0  }
0x20c: {  	s2 =	simm.s32 @!p2 $0x0  }
0x20d: {  	s12 =	sand.u32 $0xF, s2  }
0x20e: {  	s17 =	sshra.s32 s2, $0x1F;
	p3 =	slt.s32 s2, $0x1;
	p4 =	sne.s32 s12, $0x0  }
0x20f: {  	s17 =	sshrl.u32 s17, $0x1C;
	p0 =	por !p3, !p4  }
0x210: {  	s12 =	simm.s32 $0x1;
	s10 =	sadd.s32 s17, s2;
	p0 =	por !p0, !p0  }
0x211: {  	s10 =	sshra.s32 s10, $0x4;
	s12 =	simm.s32 @!p0 $0x0  }
0x212: {  	s10 =	ssub.s32 s10, s12  }
0x213: {  	s12 =	sshll.u32 s10, $0x4;
	s10 =	sshll.u32 s10, $0x7  }
0x214: {  	s17 =	sand.u32 $0x70, s12;
	s10 =	sand.u32 $0xFFFFFC00, s10  }
0x215: {  	s10 =	sor.u32 s17, s10  }
0x216: {  	[tilespmem:$0x1FE60] =	vst v17;
	v17 =	vld [tilespmem:s10+$0x8180]  }
0x217: {  	s2 =	ssub.s32 s2, s12  }
0x218: {  	vm3 =	vmmov vm0;
	v0 =	vmov s2  }
0x219: {  	vm3 =	vmneg @p2 vm3;
	vm9 =	veq.s32 v0, v61  }
0x21a: {  	vm3 =	vmand vm3, vm9  }
0x21b: {  	v0 =	vsel vm3, $0xD01502F9, v17  }
0x21c: {  	[tilespmem:s10+$0x8180] =	vst v0  }
0x21d: {  	v0 =	vld [tilespmem:s31+$0x0];
	_ =	sdelay $0x4  }
0x21e: {  	v0 =	vcvt.s32.f32 v0;
	_ =	sdelay $0x1  }
0x21f: {  	v0 =	vnsel vm4, $0xBF800000, v0  }
0x220: {  	(xrf0) =	vmax.scan.msk.f32 $0xffff, v0;
	_ =	sdelay $0x5  }
0x221: {  	v0, _, _ =	vpop (xrf0)  }
0x222: {  	(v2sf) =	vpush v0, $0xF;
	_ =	sdelay $0xd  }
0x223: {  	s2 =	simm.s32 @!p2 $0x0  }
0x224: {  	s2 =	simm.s32 @p2 $0x1;
	s10 =	spop (v2sf)  }
0x225: {  	[smem:$0x7F5] =	sst s2;
	s2 =	scvt.f32.s32 s10  }
0x226: {  	_ = 	snop  }
0x227: {  	p5 =	sge.s32 s2, s8;
	p6 =	sgt.s32 s9, s2  }
0x228: {  	p0 =	por !p5, !p6  }
0x229: {  	s2 =	ssub.s32 s2, s8;
	p4 =	por !p0, !p0  }
0x22a: {  	s2 =	simm.s32 @!p4 $0x0  }
0x22b: {  	s12 =	sand.u32 $0xF, s2  }
0x22c: {  	s17 =	sshra.s32 s2, $0x1F;
	p2 =	slt.s32 s2, $0x1;
	p3 =	sne.s32 s12, $0x0  }
0x22d: {  	s17 =	sshrl.u32 s17, $0x1C;
	p0 =	por !p2, !p3  }
0x22e: {  	s12 =	simm.s32 $0x1;
	s10 =	sadd.s32 s17, s2;
	p0 =	por !p0, !p0  }
0x22f: {  	s10 =	sshra.s32 s10, $0x4;
	s12 =	simm.s32 @!p0 $0x0  }
0x230: {  	s10 =	ssub.s32 s10, s12  }
0x231: {  	s12 =	sshll.u32 s10, $0x4;
	s10 =	sshll.u32 s10, $0x7  }
0x232: {  	s17 =	sand.u32 $0x70, s12;
	s10 =	sand.u32 $0xFFFFFC00, s10  }
0x233: {  	s10 =	sor.u32 s17, s10  }
0x234: {  	[tilespmem:$0x1FE70] =	vst v17;
	v17 =	vld [tilespmem:s10+$0x8200]  }
0x235: {  	s2 =	ssub.s32 s2, s12  }
0x236: {  	vm4 =	vmmov vm0;
	v0 =	vmov s2  }
0x237: {  	vm4 =	vmneg @p4 vm4;
	vm9 =	veq.s32 v0, v61  }
0x238: {  	vm4 =	vmand vm4, vm9  }
0x239: {  	v0 =	vsel vm4, $0xD01502F9, v17  }
0x23a: {  	[tilespmem:s10+$0x8200] =	vst v0  }
0x23b: {  	v0 =	vld [tilespmem:s31+$0x0];
	_ =	sdelay $0x4  }
0x23c: {  	v0 =	vcvt.s32.f32 v0;
	_ =	sdelay $0x1  }
0x23d: {  	v0 =	vnsel vm5, $0xBF800000, v0  }
0x23e: {  	(xrf0) =	vmax.scan.msk.f32 $0xffff, v0;
	_ =	sdelay $0x5  }
0x23f: {  	v0, _, _ =	vpop (xrf0)  }
0x240: {  	(v2sf) =	vpush v0, $0xF;
	_ =	sdelay $0xe  }
0x241: {  	s10 =	spop (v2sf)  }
0x242: {  	s2 =	scvt.f32.s32 s10;
	_ =	sdelay $0x1  }
0x243: {  	p5 =	sge.s32 s2, s8;
	p6 =	sgt.s32 s9, s2  }
0x244: {  	p0 =	por !p5, !p6  }
0x245: {  	s2 =	ssub.s32 s2, s8;
	p5 =	por !p0, !p0  }
0x246: {  	s2 =	simm.s32 @!p5 $0x0  }
0x247: {  	s12 =	sand.u32 $0xF, s2  }
0x248: {  	s17 =	sshra.s32 s2, $0x1F;
	p1 =	slt.s32 s2, $0x1;
	p2 =	sne.s32 s12, $0x0  }
0x249: {  	s17 =	sshrl.u32 s17, $0x1C;
	p0 =	por !p1, !p2  }
0x24a: {  	s12 =	simm.s32 $0x1;
	s10 =	sadd.s32 s17, s2;
	p0 =	por !p0, !p0  }
0x24b: {  	s10 =	sshra.s32 s10, $0x4;
	s12 =	simm.s32 @!p0 $0x0  }
0x24c: {  	s10 =	ssub.s32 s10, s12  }
0x24d: {  	s12 =	sshll.u32 s10, $0x4;
	s10 =	sshll.u32 s10, $0x7  }
0x24e: {  	s17 =	sand.u32 $0x70, s12;
	s10 =	sand.u32 $0xFFFFFC00, s10  }
0x24f: {  	s10 =	sor.u32 s17, s10  }
0x250: {  	[tilespmem:$0x1FE80] =	vst v17;
	v17 =	vld [tilespmem:s10+$0x8280]  }
0x251: {  	s2 =	ssub.s32 s2, s12  }
0x252: {  	vm5 =	vmmov vm0;
	v0 =	vmov s2  }
0x253: {  	vm5 =	vmneg @p5 vm5;
	vm9 =	veq.s32 v0, v61  }
0x254: {  	vm5 =	vmand vm5, vm9  }
0x255: {  	v0 =	vsel vm5, $0xD01502F9, v17  }
0x256: {  	[tilespmem:s10+$0x8280] =	vst v0  }
0x257: {  	v0 =	vld [tilespmem:s31+$0x0];
	_ =	sdelay $0x4  }
0x258: {  	v0 =	vcvt.s32.f32 v0;
	_ =	sdelay $0x1  }
0x259: {  	v0 =	vnsel vm6, $0xBF800000, v0  }
0x25a: {  	(xrf0) =	vmax.scan.msk.f32 $0xffff, v0;
	_ =	sdelay $0x5  }
0x25b: {  	v0, _, _ =	vpop (xrf0)  }
0x25c: {  	(v2sf) =	vpush v0, $0xF;
	_ =	sdelay $0xe  }
0x25d: {  	s10 =	spop (v2sf)  }
0x25e: {  	s2 =	scvt.f32.s32 s10;
	_ =	sdelay $0x1  }
0x25f: {  	p3 =	sge.s32 s2, s8;
	p6 =	sgt.s32 s9, s2  }
0x260: {  	p0 =	por !p3, !p6  }
0x261: {  	s2 =	ssub.s32 s2, s8;
	p6 =	por !p0, !p0  }
0x262: {  	s2 =	simm.s32 @!p6 $0x0  }
0x263: {  	s12 =	sand.u32 $0xF, s2  }
0x264: {  	s17 =	sshra.s32 s2, $0x1F;
	p2 =	slt.s32 s2, $0x1;
	p3 =	sne.s32 s12, $0x0  }
0x265: {  	s17 =	sshrl.u32 s17, $0x1C;
	p0 =	por !p2, !p3  }
0x266: {  	s12 =	simm.s32 $0x1;
	s10 =	sadd.s32 s17, s2;
	p0 =	por !p0, !p0  }
0x267: {  	s10 =	sshra.s32 s10, $0x4;
	s12 =	simm.s32 @!p0 $0x0  }
0x268: {  	s10 =	ssub.s32 s10, s12  }
0x269: {  	s12 =	sshll.u32 s10, $0x4;
	s10 =	sshll.u32 s10, $0x7  }
0x26a: {  	s17 =	sand.u32 $0x70, s12;
	s10 =	sand.u32 $0xFFFFFC00, s10  }
0x26b: {  	s10 =	sor.u32 s17, s10  }
0x26c: {  	[tilespmem:$0x1FE90] =	vst v17;
	v17 =	vld [tilespmem:s10+$0x8300]  }
0x26d: {  	s2 =	ssub.s32 s2, s12  }
0x26e: {  	vm6 =	vmmov vm0;
	v0 =	vmov s2  }
0x26f: {  	vm6 =	vmneg @p6 vm6;
	vm9 =	veq.s32 v0, v61  }
0x270: {  	vm6 =	vmand vm6, vm9  }
0x271: {  	v0 =	vsel vm6, $0xD01502F9, v17  }
0x272: {  	[tilespmem:s10+$0x8300] =	vst v0  }
0x273: {  	v0 =	vld [tilespmem:s31+$0x0];
	_ =	sdelay $0x4  }
0x274: {  	v0 =	vcvt.s32.f32 v0;
	_ =	sdelay $0x1  }
0x275: {  	v0 =	vnsel vm7, $0xBF800000, v0  }
0x276: {  	(xrf0) =	vmax.scan.msk.f32 $0xffff, v0;
	_ =	sdelay $0x5  }
0x277: {  	v0, _, _ =	vpop (xrf0)  }
0x278: {  	(v2sf) =	vpush v0, $0xF;
	_ =	sdelay $0xe  }
0x279: {  	s10 =	spop (v2sf)  }
0x27a: {  	s2 =	scvt.f32.s32 s10;
	_ =	sdelay $0x1  }
0x27b: {  	p2 =	sge.s32 s2, s8;
	p3 =	sgt.s32 s9, s2  }
0x27c: {  	p0 =	por !p2, !p3  }
0x27d: {  	s2 =	ssub.s32 s2, s8;
	p0 =	por !p0, !p0  }
0x27e: {  	s2 =	simm.s32 @!p0 $0x0  }
0x27f: {  	s12 =	sand.u32 $0xF, s2  }
0x280: {  	s17 =	sshra.s32 s2, $0x1F;
	p2 =	slt.s32 s2, $0x1;
	p3 =	sne.s32 s12, $0x0  }
0x281: {  	s12 =	sshrl.u32 s17, $0x1C;
	p1 =	por !p2, !p3  }
0x282: {  	s10 =	sadd.s32 s12, s2;
	s12 =	simm.s32 $0x1;
	p1 =	por !p1, !p1  }
0x283: {  	s10 =	sshra.s32 s10, $0x4;
	s12 =	simm.s32 @!p1 $0x0  }
0x284: {  	s10 =	ssub.s32 s10, s12  }
0x285: {  	s12 =	sshll.u32 s10, $0x4;
	s10 =	sshll.u32 s10, $0x7  }
0x286: {  	s17 =	sand.u32 $0x70, s12;
	s10 =	sand.u32 $0xFFFFFC00, s10  }
0x287: {  	s10 =	sor.u32 s17, s10  }
0x288: {  	[tilespmem:$0x1FEA0] =	vst v17;
	v17 =	vld [tilespmem:s10+$0x8380]  }
0x289: {  	s2 =	ssub.s32 s2, s12  }
0x28a: {  	vm7 =	vmmov vm0;
	v0 =	vmov s2  }
0x28b: {  	vm7 =	vmneg @p0 vm7;
	vm9 =	veq.s32 v0, v61  }
0x28c: {  	vm7 =	vmand vm7, vm9  }
0x28d: {  	v0 =	vsel vm7, $0xD01502F9, v17  }
0x28e: {  	[tilespmem:s10+$0x8380] =	vst v0  }
0x28f: {  	v0 =	vld [tilespmem:s31+$0x0];
	_ =	sdelay $0x4  }
0x290: {  	v0 =	vcvt.s32.f32 v0;
	_ =	sdelay $0x1  }
0x291: {  	v0 =	vnsel vm8, $0xBF800000, v0  }
0x292: {  	(xrf0) =	vmax.scan.msk.f32 $0xffff, v0;
	_ =	sdelay $0x5  }
0x293: {  	v0, _, _ =	vpop (xrf0)  }
0x294: {  	(v2sf) =	vpush v0, $0xF;
	_ =	sdelay $0xe  }
0x295: {  	s17 =	spop (v2sf)  }
0x296: {  	s2 =	scvt.f32.s32 s17;
	_ =	sdelay $0x1  }
0x297: {  	p2 =	sge.s32 s2, s8;
	p3 =	sgt.s32 s9, s2  }
0x298: {  	p1 =	por !p2, !p3  }
0x299: {  	s2 =	ssub.s32 s2, s8;
	p1 =	por !p1, !p1  }
0x29a: {  	s2 =	simm.s32 @!p1 $0x0  }
0x29b: {  	s9 =	sand.u32 $0xF, s2  }
0x29c: {  	s10 =	sshra.s32 s2, $0x1F;
	p2 =	slt.s32 s2, $0x1;
	p3 =	sne.s32 s9, $0x0  }
0x29d: {  	s12 =	sshrl.u32 s10, $0x1C;
	p2 =	por !p2, !p3  }
0x29e: {  	s9 =	simm.s32 $0x1;
	s8 =	sadd.s32 s12, s2;
	p2 =	por !p2, !p2  }
0x29f: {  	s8 =	sshra.s32 s8, $0x4;
	s9 =	simm.s32 @!p2 $0x0  }
0x2a0: {  	s8 =	ssub.s32 s8, s9  }
0x2a1: {  	s9 =	sshll.u32 s8, $0x4  }
0x2a2: {  	s8 =	sshll.u32 s8, $0x7;
	s17 =	sand.u32 $0x70, s9  }
0x2a3: {  	s8 =	sor.u32 s8, s17  }
0x2a4: {  	s8 =	sor.u32 $0x380, s8  }
0x2a5: {  	v31 =	vmax.f32 v45, v31;
	[tilespmem:$0x1FEB0] =	vst v17;
	v17 =	vld [tilespmem:s8+$0x8080]  }
0x2a6: {  	v32 =	vmax.f32 v46, v32;
	v28 =	vmax.f32 v31, v28;
	s2 =	ssub.s32 s2, s9  }
0x2a7: {  	v29 =	vmax.f32 v32, v29;
	vm8 =	vmmov vm0;
	v0 =	vmov s2  }
0x2a8: {  	v23 =	vmax.f32 v28, v23;
	vm8 =	vmneg @p1 vm8;
	vm9 =	veq.s32 v0, v61  }
0x2a9: {  	v24 =	vmax.f32 v29, v24;
	v15 =	vmax.f32 v23, v15;
	vm8 =	vmand vm8, vm9  }
0x2aa: {  	v15 =	vmax.f32 v15, v10;
	v10 =	vmax.f32 v20, v39;
	v32 =	vld [tilespmem:$0x1FED0];
	v0 =	vsel vm8, $0xD01502F9, v17  }
0x2ab: {  	v16 =	vmax.f32 v24, v16;
	v10 =	vmax.f32 v10, v37;
	v24 =	vld [tilespmem:$0x1FEE0];
	s31 =	simm.s32 $0x0;
	[tilespmem:s8+$0x8080] =	vst v0  }
0x2ac: {  	v47 =	vmax.f32 v47, v30;
	v10 =	vmax.f32 v10, v35;
	v0 =	vld [tilespmem:s31+$0x80F0]  }
0x2ad: {  	v27 =	vmax.f32 v47, v27;
	v47 =	vmax.f32 v21, v41;
	v10 =	vmax.f32 v10, v19;
	v41 =	vld [tilespmem:$0x1FF00]  }
0x2ae: {  	v10 =	vmax.f32 v10, v13;
	v13 =	vld [tilespmem:$0x1FF10]  }
0x2af: {  	v9 =	vmax.f32 v10, v9;
	v10 =	vld [tilespmem:$0x1FF20]  }
0x2b0: {  	v21 =	vmax.f32 v25, v32;
	v25 =	vld [tilespmem:$0x1FEF0]  }
0x2b1: {  	[tilespmem:$0x1FFC0] =	vst v0;
	v0 =	vld [tilespmem:s31+$0x8170]  }
0x2b2: {  	v62 =	vld [tilespmem:s31+$0x81F0]  }
0x2b3: {  	v63 =	vld [tilespmem:s31+$0x8270]  }
0x2b4: {  	v42 =	vld [tilespmem:s31+$0x82F0]  }
0x2b5: {  	v50 =	vld [tilespmem:s31+$0x8370]  }
0x2b6: {  	[tilespmem:$0x1FFD0] =	vst v0;
	v0 =	vld [tilespmem:s31+$0x80E0]  }
0x2b7: {  	v49 =	vld [tilespmem:s31+$0x83F0]  }
0x2b8: {  	v51 =	vld [tilespmem:s31+$0x81E0]  }
0x2b9: {  	v52 =	vld [tilespmem:s31+$0x8260]  }
0x2ba: {  	[tilespmem:$0x1FEC0] =	vst v17;
	v17 =	vld [tilespmem:s31+$0x82E0]  }
0x2bb: {  	[tilespmem:$0x1FF90] =	vst v0;
	v0 =	vld [tilespmem:s31+$0x8160]  }
0x2bc: {  	v57 =	vld [tilespmem:s31+$0x8360]  }
0x2bd: {  	v58 =	vld [tilespmem:s31+$0x83E0]  }
0x2be: {  	v26 =	vld [tilespmem:s31+$0x81D0]  }
0x2bf: {  	v54 =	vld [tilespmem:s31+$0x8250]  }
0x2c0: {  	[tilespmem:$0x1FFA0] =	vst v0;
	v0 =	vld [tilespmem:s31+$0x80D0]  }
0x2c1: {  	v55 =	vld [tilespmem:s31+$0x82D0]  }
0x2c2: {  	v60 =	vld [tilespmem:s31+$0x8350]  }
0x2c3: {  	v61 =	vld [tilespmem:s31+$0x83D0]  }
0x2c4: {  	v40 =	vld [tilespmem:s31+$0x81C0]  }
0x2c5: {  	[tilespmem:$0x1FF70] =	vst v0;
	v0 =	vld [tilespmem:s31+$0x8150]  }
0x2c6: {  	v33 =	vld [tilespmem:s31+$0x8240]  }
0x2c7: {  	v36 =	vld [tilespmem:s31+$0x82C0]  }
0x2c8: {  	v44 =	vld [tilespmem:s31+$0x8340]  }
0x2c9: {  	v48 =	vld [tilespmem:s31+$0x83C0]  }
0x2ca: {  	[tilespmem:$0x1FF80] =	vst v0;
	v0 =	vld [tilespmem:s31+$0x80C0]  }
0x2cb: {  	v59 =	vld [tilespmem:s31+$0x80B0]  }
0x2cc: {  	v16 =	vmax.f32 v16, v11;
	v11 =	vld [tilespmem:s31+$0x8080]  }
0x2cd: {  	v43 =	vld [tilespmem:s31+$0x8230]  }
0x2ce: {  	v56 =	vld [tilespmem:s31+$0x82B0]  }
0x2cf: {  	v22 =	vmax.f32 v27, v22;
	[tilespmem:$0x1FF50] =	vst v0;
	v0 =	vld [tilespmem:s31+$0x8140]  }
0x2d0: {  	v14 =	vmax.f32 v22, v14;
	v45 =	vld [tilespmem:s31+$0x80A0]  }
0x2d1: {  	v20 =	vmax.f32 v47, v38;
	v21 =	vmax.f32 v21, v24;
	v1 =	vmax.f32 v1, v11;
	v11 =	vld [tilespmem:$0x1FF40]  }
0x2d2: {  	v7 =	vmax.f32 v14, v7;
	v20 =	vmax.f32 v20, v34;
	v21 =	vmax.f32 v21, v25;
	v14 =	vld [tilespmem:s31+$0x8090]  }
0x2d3: {  	v18 =	vmax.f32 v20, v18;
	v20 =	vmax.f32 v21, v41;
	v39 =	vld [tilespmem:s31+$0x8100]  }
0x2d4: {  	v13 =	vmax.f32 v20, v13;
	[tilespmem:$0x1FF60] =	vst v0;
	v0 =	vld [tilespmem:s31+$0x8130]  }
0x2d5: {  	v12 =	vmax.f32 v18, v12;
	v10 =	vmax.f32 v13, v10;
	v24 =	vld [tilespmem:s31+$0x8110]  }
0x2d6: {  	v8 =	vmax.f32 v12, v8;
	v6 =	vmax.f32 v9, v6;
	v11 =	vmax.f32 v10, v11;
	v10 =	vld [tilespmem:$0x1FF50]  }
0x2d7: {  	v5 =	vmax.f32 v8, v5;
	v4 =	vmax.f32 v6, v4;
	v6 =	vld [tilespmem:$0x1FF70]  }
0x2d8: {  	v3 =	vmax.f32 v5, v3;
	v1 =	vmax.f32 v1, v14;
	v5 =	vld [tilespmem:$0x1FF90]  }
0x2d9: {  	v27 =	vld [tilespmem:s31+$0x8120];
	v1 =	vmax.f32 v1, v45;
	[tilespmem:$0x1FF30] =	vst v0  }
0x2da: {  	v1 =	vmax.f32 v1, v59;
	v8 =	vld [tilespmem:$0x1FF30]  }
0x2db: {  	v1 =	vmax.f32 v1, v10;
	v10 =	vld [tilespmem:$0x1FF60]  }
0x2dc: {  	v2 =	vmax.f32 v2, v39;
	v1 =	vmax.f32 v1, v6;
	v6 =	vld [tilespmem:$0x1FF80]  }
0x2dd: {  	v2 =	vmax.f32 v2, v24;
	v1 =	vmax.f32 v1, v5;
	v5 =	vld [tilespmem:$0x1FFA0]  }
0x2de: {  	v53 =	vld [tilespmem:s31+$0x8330];
	v2 =	vmax.f32 v2, v27  }
0x2df: {  	v30 =	vld [tilespmem:s31+$0x83B0];
	v2 =	vmax.f32 v2, v8  }
0x2e0: {  	v22 =	vld [tilespmem:s31+$0x81A0];
	v2 =	vmax.f32 v2, v10  }
0x2e1: {  	v19 =	vld [tilespmem:s31+$0x8220];
	v2 =	vmax.f32 v2, v6  }
0x2e2: {  	v14 =	vmax.f32 v2, v5;
	v2 =	vld [tilespmem:$0x1FFB0]  }
0x2e3: {  	v46 =	vld [tilespmem:s31+$0x82A0]  }
0x2e4: {  	s10 =	sld [smem:$0x7FA];
	s12 =	sand.u32 $0xFF, s30;
	v18 =	vld [tilespmem:s31+$0x8190]  }
0x2e5: {  	s30 =	sld [smem:$0x7F7];
	p2 =	seq.s32 s12, $0x0;
	v47 =	vld [tilespmem:s31+$0x8210]  }
0x2e6: {  	s21 =	simm.s32 @p2 $0xFF7FC99E;
	s23 =	simm.s32 @p2 $0xFF7FC99E;
	s17 =	sld [smem:$0x7F6];
	v12 =	vld [tilespmem:s31+$0x8180]  }
0x2e7: {  	s22 =	simm.s32 @p2 $0xFF7FC99E;
	s24 =	simm.s32 @p2 $0xFF7FC99E;
	s25 =	simm.s32 @p2 $0xFF7FC99E;
	v5 =	vmax.f32 v11, v2;
	v2 =	vld [tilespmem:$0x1FFC0]  }
0x2e8: {  	s28 =	simm.s32 @p2 $0xFF7FC99E;
	s26 =	simm.s32 @p2 $0xFF7FC99E;
	s8 =	sld [smem:$0x7F8];
	v9 =	vld [tilespmem:s31+$0x8200]  }
0x2e9: {  	s29 =	simm.s32 @p2 $0xFF7FC99E;
	s9 =	sld [smem:$0x7F9];
	p2 =	seq.s32 s17, $0x1;
	v13 =	vld [tilespmem:s31+$0x8290]  }
0x2ea: {  	s12 =	sld [smem:$0x7FB];
	s6 =	simm.s32 @!p2 $0xFF7FC99E;
	p2 =	seq.s32 s30, $0x1;
	v8 =	vld [tilespmem:s31+$0x8280]  }
0x2eb: {  	s17 =	sld [smem:$0x7FC];
	s7 =	simm.s32 @!p2 $0xFF7FC99E;
	p2 =	seq.s32 s8, $0x1;
	v7 =	vmax.f32 v7, v12;
	v12 =	vld [tilespmem:s31+$0x8390]  }
0x2ec: {  	s30 =	sld [smem:$0x7FD];
	s16 =	simm.s32 @!p2 $0xFF7FC99E;
	p2 =	seq.s32 s9, $0x1;
	v2 =	vmax.f32 v1, v2;
	v1 =	vld [tilespmem:$0x1FFD0]  }
0x2ed: {  	s21 =	smax.f32 s21, s6;
	s5 =	simm.s32 @!p2 $0xFF7FC99E;
	p2 =	seq.s32 s10, $0x1;
	v0 =	vld [tilespmem:s31+$0x81B0]  }
0x2ee: {  	s23 =	smax.f32 s23, s7;
	s11 =	simm.s32 @!p2 $0xFF7FC99E;
	p2 =	seq.s32 s12, $0x1;
	v10 =	vld [tilespmem:s31+$0x83A0]  }
0x2ef: {  	s22 =	smax.f32 s22, s16;
	s15 =	simm.s32 @!p2 $0xFF7FC99E;
	p2 =	seq.s32 s17, $0x1;
	v6 =	vld [tilespmem:s31+$0x8320];
	v8 =	vmax.f32 v16, v8  }
0x2f0: {  	s16 =	smax.f32 s24, s5;
	v9 =	vmax.f32 v15, v9;
	s0 =	simm.s32 @!p2 $0xFF7FC99E;
	p2 =	seq.s32 s30, $0x1;
	v8 =	vmax.f32 v8, v13;
	v13 =	vld [tilespmem:s31+$0x8300]  }
0x2f1: {  	s7 =	smax.f32 s25, s11;
	v7 =	vmax.f32 v7, v18;
	s6 =	smax.f32 s28, s15;
	s1 =	simm.s32 @!p2 $0xFF7FC99E;
	v11 =	vld [tilespmem:s31+$0x8310];
	v1 =	vmax.f32 v14, v1;
	v14 =	vmax.f32 v9, v47  }
0x2f2: {  	s5 =	smax.f32 s26, s0;
	s0 =	smax.f32 s29, s1;
	s1 =	simm.s32 $0x1000;
	v8 =	vmax.f32 v8, v46;
	v9 =	vmax.f32 v7, v22;
	v7 =	vmax.f32 v14, v19;
	v14 =	vld [tilespmem:s31+$0x8380]  }
.LBB2_5:
0x2f3: {  	p2 =	sne.s32 s1, $0x1F000;
	v0 =	vmax.f32 v9, v0;
	v7 =	vmax.f32 v7, v43;
	v8 =	vmax.f32 v8, v56;
	v15 =	vld [tilespmem:s31+$0x8400]  }
0x2f4: {  	v0 =	vmax.f32 v0, v40;
	v7 =	vmax.f32 v7, v33;
	v8 =	vmax.f32 v8, v36;
	v16 =	vld [tilespmem:s31+$0x8410]  }
0x2f5: {  	v0 =	vmax.f32 v0, v26;
	v7 =	vmax.f32 v7, v54;
	v8 =	vmax.f32 v8, v55;
	v18 =	vld [tilespmem:s31+$0x8420]  }
0x2f6: {  	v0 =	vmax.f32 v0, v51;
	v9 =	vmax.f32 v7, v52;
	v17 =	vmax.f32 v8, v17;
	v19 =	vld [tilespmem:s31+$0x8430]  }
0x2f7: {  	v7 =	vmax.f32 v0, v62;
	v8 =	vmax.f32 v9, v63;
	v9 =	vmax.f32 v17, v42;
	v0 =	vld [tilespmem:s31+$0x8440]  }
0x2f8: {  	v4 =	vmax.f32 v4, v13;
	v3 =	vmax.f32 v3, v14;
	v5 =	vmax.f32 v5, v15;
	v13 =	vld [tilespmem:s31+$0x8450]  }
0x2f9: {  	v4 =	vmax.f32 v4, v11;
	v3 =	vmax.f32 v3, v12;
	v5 =	vmax.f32 v5, v16;
	v14 =	vld [tilespmem:s31+$0x8460]  }
0x2fa: {  	v4 =	vmax.f32 v4, v6;
	v3 =	vmax.f32 v3, v10;
	v5 =	vmax.f32 v5, v18;
	v6 =	vld [tilespmem:s31+$0x8470];
	s31 =	sshra.s32 s1, $0x2  }
0x2fb: {  	v4 =	vmax.f32 v4, v53;
	v3 =	vmax.f32 v3, v30;
	v11 =	vld [tilespmem:s31+$0x80F0];
	v5 =	vmax.f32 v5, v19  }
0x2fc: {  	v4 =	vmax.f32 v4, v44;
	v3 =	vmax.f32 v3, v48;
	v12 =	vld [tilespmem:s31+$0x8170];
	v0 =	vmax.f32 v5, v0  }
0x2fd: {  	v4 =	vmax.f32 v4, v60;
	v3 =	vmax.f32 v3, v61;
	v62 =	vld [tilespmem:s31+$0x81F0];
	v0 =	vmax.f32 v0, v13  }
0x2fe: {  	v4 =	vmax.f32 v4, v57;
	v3 =	vmax.f32 v3, v58;
	v63 =	vld [tilespmem:s31+$0x8270];
	v0 =	vmax.f32 v0, v14  }
0x2ff: {  	v4 =	vmax.f32 v4, v50;
	v3 =	vmax.f32 v3, v49;
	v42 =	vld [tilespmem:s31+$0x82F0];
	v5 =	vmax.f32 v0, v6  }
0x300: {  	v50 =	vld [tilespmem:s31+$0x8370]  }
0x301: {  	v49 =	vld [tilespmem:s31+$0x83F0]  }
0x302: {  	v10 =	vld [tilespmem:s31+$0x80E0]  }
0x303: {  	v13 =	vld [tilespmem:s31+$0x8160]  }
0x304: {  	v51 =	vld [tilespmem:s31+$0x81E0]  }
0x305: {  	v52 =	vld [tilespmem:s31+$0x8260]  }
0x306: {  	v17 =	vld [tilespmem:s31+$0x82E0]  }
0x307: {  	v57 =	vld [tilespmem:s31+$0x8360]  }
0x308: {  	v58 =	vld [tilespmem:s31+$0x83E0]  }
0x309: {  	v6 =	vld [tilespmem:s31+$0x80D0]  }
0x30a: {  	v14 =	vld [tilespmem:s31+$0x8150]  }
0x30b: {  	v26 =	vld [tilespmem:s31+$0x81D0]  }
0x30c: {  	v54 =	vld [tilespmem:s31+$0x8250]  }
0x30d: {  	v55 =	vld [tilespmem:s31+$0x82D0]  }
0x30e: {  	v60 =	vld [tilespmem:s31+$0x8350]  }
0x30f: {  	v61 =	vld [tilespmem:s31+$0x83D0]  }
0x310: {  	v15 =	vld [tilespmem:s31+$0x80C0]  }
0x311: {  	v16 =	vld [tilespmem:s31+$0x8140]  }
0x312: {  	v40 =	vld [tilespmem:s31+$0x81C0]  }
0x313: {  	v33 =	vld [tilespmem:s31+$0x8240]  }
0x314: {  	v36 =	vld [tilespmem:s31+$0x82C0]  }
0x315: {  	v44 =	vld [tilespmem:s31+$0x8340]  }
0x316: {  	v48 =	vld [tilespmem:s31+$0x83C0]  }
0x317: {  	v18 =	vld [tilespmem:s31+$0x80B0]  }
0x318: {  	v19 =	vld [tilespmem:s31+$0x8130]  }
0x319: {  	v0 =	vld [tilespmem:s31+$0x81B0]  }
0x31a: {  	v43 =	vld [tilespmem:s31+$0x8230]  }
0x31b: {  	v56 =	vld [tilespmem:s31+$0x82B0]  }
0x31c: {  	v53 =	vld [tilespmem:s31+$0x8330]  }
0x31d: {  	v30 =	vld [tilespmem:s31+$0x83B0]  }
0x31e: {  	v20 =	vld [tilespmem:s31+$0x80A0]  }
0x31f: {  	v21 =	vld [tilespmem:s31+$0x8120]  }
0x320: {  	v22 =	vld [tilespmem:s31+$0x81A0]  }
0x321: {  	v23 =	vld [tilespmem:s31+$0x8090]  }
0x322: {  	v24 =	vld [tilespmem:s31+$0x8080]  }
0x323: {  	v25 =	vld [tilespmem:s31+$0x8100]  }
0x324: {  	v27 =	vld [tilespmem:s31+$0x8110]  }
0x325: {  	v28 =	vld [tilespmem:s31+$0x8220]  }
0x326: {  	v29 =	vld [tilespmem:s31+$0x82A0]  }
0x327: {  	v31 =	vld [tilespmem:s31+$0x8190]  }
0x328: {  	v2 =	vmax.f32 v2, v24;
	v1 =	vmax.f32 v1, v25;
	v24 =	vld [tilespmem:s31+$0x8210]  }
0x329: {  	v2 =	vmax.f32 v2, v23;
	v1 =	vmax.f32 v1, v27;
	v23 =	vld [tilespmem:s31+$0x8180]  }
0x32a: {  	v2 =	vmax.f32 v2, v20;
	v1 =	vmax.f32 v1, v21;
	v20 =	vld [tilespmem:s31+$0x8200]  }
0x32b: {  	v2 =	vmax.f32 v2, v18;
	v1 =	vmax.f32 v1, v19;
	v18 =	vld [tilespmem:s31+$0x8280]  }
0x32c: {  	v2 =	vmax.f32 v2, v15;
	v1 =	vmax.f32 v1, v16;
	v15 =	vld [tilespmem:s31+$0x8290]  }
0x32d: {  	v2 =	vmax.f32 v2, v6;
	v1 =	vmax.f32 v1, v14;
	v6 =	vld [tilespmem:s31+$0x8320]  }
.Ltmp1:
0x32e: {  	v2 =	vmax.f32 v2, v10;
	v1 =	vmax.f32 v1, v13;
	v10 =	vld [tilespmem:s31+$0x83A0];
	(pc) =	sbr.rel @p2 .LBB2_5-.Ltmp1, $4  }
0x32f: {  	v2 =	vmax.f32 v2, v11;
	v1 =	vmax.f32 v1, v12;
	v11 =	vld [tilespmem:s31+$0x8310]  }
0x330: {  	v7 =	vmax.f32 v7, v23;
	v8 =	vmax.f32 v8, v20;
	v9 =	vmax.f32 v9, v18;
	v12 =	vld [tilespmem:s31+$0x8390]  }
0x331: {  	v7 =	vmax.f32 v7, v31;
	v8 =	vmax.f32 v8, v24;
	v14 =	vmax.f32 v9, v15;
	v13 =	vld [tilespmem:s31+$0x8300]  }
0x332: {  	s1 =	sadd.s32 $0x1000, s1;
	v9 =	vmax.f32 v7, v22;
	v7 =	vmax.f32 v8, v28;
	v8 =	vmax.f32 v14, v29;
	v14 =	vld [tilespmem:s31+$0x8380]  }
0x333: {  	v15 =	vld [tilespmem:$0x1FE50]  }
0x334: {  	v31 =	vld [tilespmem:$0x1FE60]  }
0x335: {  	v32 =	vld [tilespmem:$0x1FE70];
	_ =	sdelay $0x2  }
0x336: {  	v34 =	vld [tilespmem:$0x1FE80];
	v15 =	vnsel vm1, $0xFF7FC99E, v15  }
0x337: {  	v35 =	vld [tilespmem:$0x1FE90];
	(xrf0) =	vmax.scan.msk.f32 $0xffff, v15;
	v15 =	vnsel vm2, $0xFF7FC99E, v31  }
0x338: {  	v37 =	vld [tilespmem:$0x1FEA0];
	(xrf0) =	vmax.scan.msk.f32 $0xffff, v15;
	v15 =	vnsel vm3, $0xFF7FC99E, v32  }
0x339: {  	v39 =	vld [tilespmem:$0x1FEB0];
	(xrf0) =	vmax.scan.msk.f32 $0xffff, v15;
	_ =	sdelay $0x1  }
0x33a: {  	v15 =	vnsel vm4, $0xFF7FC99E, v34  }
0x33b: {  	(xrf0) =	vmax.scan.msk.f32 $0xffff, v15;
	v15 =	vnsel vm5, $0xFF7FC99E, v35  }
0x33c: {  	v16, _, _ =	vpop (xrf0);
	(xrf0) =	vmax.scan.msk.f32 $0xffff, v15;
	v15 =	vnsel vm6, $0xFF7FC99E, v37  }
0x33d: {  	v0 =	vmax.f32 v9, v0;
	v7 =	vmax.f32 v7, v43;
	v43 =	vld [tilespmem:$0x1FEC0];
	v38, _, _ =	vpop (xrf0);
	(xrf0) =	vmax.scan.msk.f32 $0xffff, v15;
	v15 =	vnsel vm7, $0xFF7FC99E, v39  }
0x33e: {  	v0 =	vmax.f32 v0, v40;
	(v2sf) =	vpush v16, $0xF;
	v41, _, _ =	vpop (xrf0);
	(xrf0) =	vmax.scan.msk.f32 $0xffff, v15  }
0x33f: {  	v8 =	vmax.f32 v8, v56;
	v0 =	vmax.f32 v0, v26  }
0x340: {  	v45 =	vld [tilespmem:s31+$0x8400];
	v7 =	vmax.f32 v7, v33;
	v0 =	vmax.f32 v0, v51;
	(v2sf) =	vpush v38, $0xF  }
0x341: {  	v47 =	vld [tilespmem:s31+$0x8410];
	v8 =	vmax.f32 v8, v36;
	v7 =	vmax.f32 v7, v54;
	(v2sf) =	vpush v41, $0xF;
	v46, _, _ =	vpop (xrf0)  }
0x342: {  	v54 =	vld [tilespmem:s31+$0x8420];
	v7 =	vmax.f32 v7, v52;
	v9 =	vnsel vm8, $0xFF7FC99E, v43;
	(v2sf) =	vpush v46, $0xF;
	v52, _, _ =	vpop (xrf0)  }
0x343: {  	v8 =	vmax.f32 v8, v55;
	v55 =	vld [tilespmem:s31+$0x8430];
	v25 =	vmax.f32 v0, v62;
	(xrf0) =	vmax.scan.msk.f32 $0xffff, v9;
	(v2sf) =	vpush v52, $0xF;
	v0, _, _ =	vpop (xrf0)  }
0x344: {  	v56 =	vld [tilespmem:s31+$0x8440];
	v8 =	vmax.f32 v8, v17;
	v4 =	vmax.f32 v4, v13;
	(v2sf) =	vpush v0, $0xF;
	v0, _, _ =	vpop (xrf0)  }
0x345: {  	p2 =	sne.s32 s20, $0xB;
	v21 =	vmax.f32 v7, v63;
	v5 =	vmax.f32 v5, v45;
	(v2sf) =	vpush v0, $0xF;
	v0 =	vld [tilespmem:s31+$0x8450]  }
0x346: {  	v20 =	vmax.f32 v8, v42;
	v3 =	vmax.f32 v3, v14;
	v62 =	vld [tilespmem:s31+$0x8460];
	v5 =	vmax.f32 v5, v47;
	(xrf0) =	vmax.scan.msk.f32 @!p2 $0xffff, v2  }
0x347: {  	v4 =	vmax.f32 v4, v11;
	v3 =	vmax.f32 v3, v12;
	v5 =	vmax.f32 v5, v54  }
0x348: {  	v4 =	vmax.f32 v4, v6;
	v3 =	vmax.f32 v3, v10;
	v5 =	vmax.f32 v5, v55;
	(xrf0) =	vmax.scan.msk.f32 @!p2 $0xffff, v1  }
0x349: {  	v63 =	vld [tilespmem:s31+$0x8470];
	v4 =	vmax.f32 v4, v53;
	v3 =	vmax.f32 v3, v30;
	v5 =	vmax.f32 v5, v56;
	(xrf0) =	vmax.scan.msk.f32 @!p2 $0xffff, v25;
	v59, _, _ =	vpop (xrf0)  }
0x34a: {  	s2 =	sld [smem:$0x7F3];
	v4 =	vmax.f32 v4, v44;
	(v2sf) =	vpush v59, $0xF;
	v0 =	vmax.f32 v5, v0  }
0x34b: {  	v3 =	vmax.f32 v3, v48;
	v4 =	vmax.f32 v4, v60;
	v0 =	vmax.f32 v0, v62  }
0x34c: {  	s8 =	sld [smem:$0x7F4];
	vm1 =	vmmov @!p2 $0x1;
	v3 =	vmax.f32 v3, v61;
	v4 =	vmax.f32 v4, v57;
	(xrf0) =	vmax.scan.msk.f32 @!p2 $0xffff, v21;
	v5, _, _ =	vpop @!p2 (xrf0)  }
0x34d: {  	p3 =	seq.s32 s2, $0x1;
	v3 =	vmax.f32 v3, v58;
	v35 =	vmax.f32 v4, v50;
	s31 =	sld [smem:$0x7F5];
	(xrf0) =	vmax.scan.msk.f32 @!p2 $0xffff, v20;
	v4 =	vbroadcast @!p2 v5, $0xF;
	s1 =	spop (v2sf)  }
0x34e: {  	vm2 =	vcmask @!p2 $0x320;
	v34 =	vmax.f32 v3, v49;
	v26 =	vmax.f32 v0, v63;
	s1 =	simm.s32 @!p3 $0xFF7FC99E;
	v0, _, _ =	vpop @!p2 (xrf0)  }
0x34f: {  	s2 =	spop (v2sf);
	v3 =	vnsel @!p2 vm1, $0xFF7FC99E, v4;
	v4 =	vlaneseq.u32 @!p2;
	p3 =	seq.s32 s8, $0x1;
	(xrf0) =	vmax.scan.msk.f32 @!p2 $0xffff, v35;
	s21 =	smax.f32 s21, s1;
	v0 =	vbroadcast @!p2 v0, $0xF;
	v5, _, _ =	vpop @!p2 (xrf0)  }
0x350: {  	s1 =	spop (v2sf);
	s2 =	simm.s32 @!p3 $0xFF7FC99E;
	p3 =	seq.s32 s31, $0x1;
	vm1 =	veq.s32 @!p2 v4, $0x0;
	v6 =	vmov @!p2 s21;
	v5 =	vbroadcast @!p2 v5, $0xF  }
0x351: {  	(xrf0) =	vmax.scan.msk.f32 @!p2 $0xffff, v34;
	s1 =	simm.s32 @!p3 $0xFF7FC99E;
	s23 =	smax.f32 s23, s2;
	v6 =	vnsel @!p2 vm1, $0xFF7FC99E, v6;
	vm1 =	veq.s32 @!p2 v4, $0x1;
	v0 =	vsel @!p2 vm2, v3, v0  }
0x352: {  	s2 =	spop (v2sf);
	(xrf0) =	vmax.scan.msk.f32 @!p2 $0xffff, v26;
	v7, _, _ =	vpop @!p2 (xrf0);
	s22 =	smax.f32 s22, s1;
	vm2 =	vcmask @!p2 $0x720;
	v6 =	vsel @!p2 vm1, s23, v6;
	vm1 =	veq.s32 @!p2 v4, $0x2  }
0x353: {  	s2 =	simm.s32 @!p4 $0xFF7FC99E;
	v3, _, _ =	vpop @!p2 (xrf0);
	v0 =	vsel @!p2 vm2, v0, v5;
	v5 =	vbroadcast @!p2 v7, $0xF;
	v6 =	vsel @!p2 vm1, s22, v6  }
0x354: {  	s24 =	smax.f32 s16, s2;
	s1 =	spop (v2sf);
	vm1 =	vcmask @!p2 $0xB20;
	vm2 =	veq.s32 @!p2 v4, $0x3;
	v3 =	vbroadcast @!p2 v3, $0xF  }
0x355: {  	s1 =	simm.s32 @!p5 $0xFF7FC99E;
	v7, _, _ =	vpop @!p2 (xrf0);
	v0 =	vsel @!p2 vm1, v0, v5;
	v5 =	vsel @!p2 vm2, s24, v6;
	vm1 =	vcmask @!p2 $0xF20  }
0x356: {  	s2 =	spop (v2sf);
	s25 =	smax.f32 s7, s1;
	v0 =	vsel @!p2 vm1, v0, v3;
	vm1 =	veq.s32 @!p2 v4, $0x4;
	v3 =	vbroadcast @!p2 v7, $0xF  }
0x357: {  	s18 =	sadd.s32 $0x1, s18;
	s1 =	spop (v2sf);
	s2 =	simm.s32 @!p6 $0xFF7FC99E;
	v6, _, _ =	vpop @!p2 (xrf0);
	v7 =	vadd.s32 @!p2 s19, v4;
	v5 =	vsel @!p2 vm1, s25, v5;
	vm1 =	vcmask @!p2 $0x1320  }
0x358: {  	s1 =	simm.s32 @!p0 $0xFF7FC99E;
	s28 =	smax.f32 s6, s2;
	p0 =	sne.s32 s18, $0x18;
	v6 =	vbroadcast @!p2 v6, $0xF;
	v8, _, _ =	vpop @!p2 (xrf0);
	v0 =	vsel @!p2 vm1, v0, v3;
	vm1 =	veq.s32 @!p2 v4, $0x5  }
.Ltmp2:
0x359: {  	vm2 =	vcmask @!p2 $0x1720;
	s2 =	spop (v2sf);
	v3 =	vbroadcast @!p2 v8, $0xF;
	v5 =	vsel @!p2 vm1, s28, v5;
	(pc) =	sbr.rel @p0 .LBB2_2-.Ltmp2, $4  }
0x35a: {  	s26 =	smax.f32 s5, s1;
	s2 =	simm.s32 @!p1 $0xFF7FC99E;
	v0 =	vsel @!p2 vm2, v0, v6;
	vm1 =	veq.s32 @!p2 v4, $0x6;
	vm2 =	vcmask @!p2 $0x1B20  }
0x35b: {  	s29 =	smax.f32 s0, s2;
	s0 =	simm.s32 @!p2 $0x10080;
	v5 =	vsel @!p2 vm1, s26, v5;
	v0 =	vsel @!p2 vm2, v0, v3;
	vm1 =	veq.s32 @!p2 v4, $0x7  }
0x35c: {  	v3 =	vsel @!p2 vm1, s29, v5;
	[tilespmem:v7+s0+$0x0] =	vst.idx.msk @!p2 $0xff, v0;
	s0 =	simm.s32 @!p2 $0x10100  }
0x35d: {  	v61 =	vlaneseq.u32;
	[tilespmem:v7+s0+$0x0] =	vst.idx.msk @!p2 $0xff, v3  }
0x35e: {  	s8 =	simm.s32 $0x0;
	s0 =	rddreg [dreg:$0x5];
	s1 =	simm.s32 $0x10080  }
0x35f: {  	[hbm4b:s0+s8] =	stream.linear.scatter [tilespmem:s1], [sflag:$0x3], $0x20, $0x38;
	[tilespmem:$0x10180] =	vst v63  }
0x360: {  	s1 =	simm.s32 $0x3  }
0x361: {  	_ =	swait.ge [sflag:s1], $0x20  }
0x362: {  	[sflag:s1] =	ssyncset.done $0x0  }
0x363: {  	s2 =	simm.s32 $0x10100;
	s29 =	rddreg [dreg:$0x6];
	[sflag:s1] =	ssyncadd.s32 $0xFFFFFFE0  }
0x364: {  	[hbm4b:s29+s8] =	stream.linear.scatter [tilespmem:s2], [sflag:$0x3], $0x20, $0x38;
	[tilespmem:$0x10180] =	vst v63  }
0x365: {  	_ =	swait.ge [sflag:s1], $0x20  }
0x366: {  	s30 =	rddreg [dreg:$0x8]  }
0x367: {  	s31 =	rddreg [dreg:$0x7];
	s2 =	sadd.s32 $0x1, s30  }
0x368: {  	p0 =	sne.s32 s2, s31  }
.Ltmp3:
0x369: {  	_ = 	snop;
	(pc) =	sbr.rel @p0 .LBB2_1-.Ltmp3, $3  }
0x36a: {  	_ =	sdelay $0x1  }
0x36b: {  	[sflag:s1] =	ssyncset.done $0x0  }
0x36c: {  	[sflag:s1] =	ssyncadd.s32 $0xFFFFFFE0  }
0x36d: {  	_ =	sfence.sel $0x180000  }
0x36e: {  	[bflag:$0x0] =	sbarrier.arrive $0xFFFF  }
0x36f: {  	_ =	strace $0x90000047  }
0x370: {  	s0 =	stileid.u32;
	[bflag:$0x2] =	sbarrier.arrive $0xFFFF  }
0x371: {  	p0 =	sne.s32 s0, $0x0;
	s0 =	rddreg [dreg:$0x2]  }
0x372: {  	s0 =	sadd.s32 @!p0 $0x100000, s0  }
0x373: {  	[sflag:s0] =	ssyncadd.tile.s32 @!p0 $0x1;
	_ =	shalt  }
.Lfunc_end2:
_tile_overlayer_lowered:
.L_overlay_start_2:
0x374: {  	(tag) =	ssettag $0x2  }
0x375: {  	s0 =	rddreg [dreg:$0x0];
	s2 =	stileid.u32  }
0x376: {  	s1 =	rddreg [dreg:$0x1];
	p0 =	sne.s32 s2, $0x0  }
0x377: {  	s3 =	rddreg [dreg:$0x2];
	[bflag:$0x3] =	sbarrier.arrive $0xFFFF;
	s2 =	simm.s32 @!p0 $0x1C03  }
0x378: {  	[timem:s3], [sflag:s2] =	dma.local @!p0 [hbm:s0], s1  }
0x379: {  	s0 =	simm.s32 @!p0 $0x3  }
0x37a: {  	_ =	swait.ge @!p0 [sflag:s0], s1  }
0x37b: {  	s1 =	ssub.s32 @!p0 $0x0, s1;
	[sflag:s0] =	ssyncset.done @!p0 $0x0  }
0x37c: {  	[sflag:s0] =	ssyncadd.s32 @!p0 s1  }
0x37d: {  	[bflag:$0x3] =	sbarrier.arrive $0xFFFF  }
0x37e: {  	_ =	shalt  }

</sc_bundles>
